<compile_context>
chip_gen: v7x
topology: tpu7x:2x2x1
jax: 0.10.2.dev20260603
libtpu: 0.0.44.dev20260713+nightly
codegen_flags: <defaults>
</compile_context>

<pallas_src>
import functools
import math

import jax
import jax.numpy as jnp
from jax import lax
from jax.experimental import pallas as pl
from jax.experimental.pallas import tpu as pltpu
from jax.experimental.pallas import tpu_sc as plsc

N = 10000
E = 320000
D = 128
NC = 4
ECH = E // NC
EB = 3200
SCB = 128
CBLK = ECH // SCB
NCORE = 2
NSUB = 16
NWORK = NCORE * NSUB
NPAD = 10240
ROWS_PER_TEC = NPAD // NSUB
INV_SQRT_AVG = 1.0 / math.sqrt(32.0)


def _silu(x):
    return x * jax.nn.sigmoid(x)


def _node_prep_body(nf_ref, sp_ref, wup_ref, wskip_ref, h_ref, sc_ref):
    nf = nf_ref[:]
    h_ref[:] = jnp.dot(nf, wup_ref[:], preferred_element_type=jnp.float32)
    sp = sp_ref[:]
    acc = jnp.zeros_like(nf)
    for k in range(5):
        masked = jnp.where(sp == k, nf, 0.0)
        acc = acc + jnp.dot(masked, wskip_ref[k], preferred_element_type=jnp.float32)
    sc_ref[:] = acc


def _node_prep(node_feats, node_specie2d, W_up, W_skip):
    return pl.pallas_call(
        _node_prep_body,
        out_shape=[
            jax.ShapeDtypeStruct((N, D), jnp.float32),
            jax.ShapeDtypeStruct((N, D), jnp.float32),
        ],
    )(node_feats, node_specie2d, W_up, W_skip)


@functools.cache
def _make_sc_gather():
    mesh = plsc.VectorSubcoreMesh(core_axis_name="c", subcore_axis_name="s",
                                  num_cores=NCORE, num_subcores=NSUB)
    return functools.partial(
        pl.kernel,
        mesh=mesh,
        out_type=jax.ShapeDtypeStruct((ECH, D), jnp.float32),
        scratch_types=[
            [pltpu.VMEM((SCB,), jnp.int32) for _ in range(2)],
            [pltpu.VMEM((SCB, D), jnp.float32) for _ in range(2)],
            [pltpu.SemaphoreType.DMA for _ in range(2)],
        ],
    )(_sc_gather_body)


def _sc_gather_body(h_hbm, snd_hbm, out_hbm, sidx, rows, gsem):
    c = lax.axis_index("c")
    t = lax.axis_index("s")
    w = t * NCORE + c

    def _start(b, p):
        pltpu.sync_copy(snd_hbm.at[pl.ds(b * SCB, SCB)], sidx[p])
        pltpu.async_copy(h_hbm.at[sidx[p]], rows[p], gsem[p])

    _start(w, 0)

    def _pair(g, carry):
        for p in range(2):
            b = w + (2 * g + p) * NWORK
            nb = b + NWORK

            @pl.when(nb < CBLK)
            def _():
                _start(nb, 1 - p)

            @pl.when(b < CBLK)
            def _():
                pltpu.make_async_copy(
                    h_hbm.at[pl.ds(0, SCB)], rows[p], gsem[p]).wait()
                pltpu.sync_copy(rows[p], out_hbm.at[pl.ds(b * SCB, SCB)])

        return carry

    lax.fori_loop(0, (CBLK + 2 * NWORK - 1) // (2 * NWORK), _pair, 0)


_SH_COEF = [
    math.sqrt(3.0), math.sqrt(3.0), math.sqrt(3.0),
    math.sqrt(15.0), math.sqrt(15.0), math.sqrt(5.0) / 2.0,
    math.sqrt(15.0), math.sqrt(15.0) / 2.0,
    math.sqrt(35.0 / 8.0), math.sqrt(105.0), math.sqrt(21.0 / 8.0),
    math.sqrt(7.0) / 2.0, math.sqrt(21.0 / 8.0), math.sqrt(105.0) / 2.0,
    math.sqrt(35.0 / 8.0),
]


def _edge_tc_body(vt_ref, msgs_ref, wsh_ref, q1_ref, w2_ref, w3_ref, wd_ref,
                  y_ref):
    x = vt_ref[0:1]
    y = vt_ref[1:2]
    z = vt_ref[2:3]
    x2 = x * x + y * y + z * z
    l = jnp.sqrt(jnp.where(x2 == 0.0, 1.0, x2))
    invl = 1.0 / l
    ns = (lax.broadcasted_iota(jnp.int32, (8, 1), 0) + 1).astype(jnp.float32)
    l2 = l * l
    l5 = l2 * l2 * l
    env = 1.0 - 21.0 * l5 + 35.0 * l5 * l - 15.0 * l5 * l2
    cutoff = jnp.where(l < 1.0, env, 0.0)
    radT = (jnp.sqrt(2.0) * jnp.sin(ns * (jnp.pi * l))) * (cutoff * invl)
    ux, uy, uz = x * invl, y * invl, z * invl
    comps = [
        ux, uy, uz,
        ux * uy, uy * uz, 3.0 * uz * uz - 1.0, ux * uz, ux * ux - uy * uy,
        uy * (3.0 * ux * ux - uy * uy), ux * uy * uz,
        uy * (5.0 * uz * uz - 1.0), uz * (5.0 * uz * uz - 3.0),
        ux * (5.0 * uz * uz - 1.0), uz * (ux * ux - uy * uy),
        ux * (ux * ux - 3.0 * uy * uy),
    ]
    s = jnp.zeros_like(x)
    for k in range(15):
        s = s + (wsh_ref[0:1, k:k + 1] * _SH_COEF[k]) * comps[k]
    p = jnp.concatenate([radT, s], axis=0)
    r = lax.dot_general(p, q1_ref[:], (((0,), (0,)), ((), ())),
                        preferred_element_type=jnp.float32)
    m = _silu(r[:, :64])
    scol = r[:, 64:65]
    m = _silu(jnp.dot(m, w2_ref[:], preferred_element_type=jnp.float32))
    m = jnp.dot(m, w3_ref[:], preferred_element_type=jnp.float32)
    m = m * INV_SQRT_AVG
    msgs = msgs_ref[:]
    wd = wd_ref[:]
    y_ref[:] = (
        jnp.dot(msgs * m[:, :D], wd[:D], preferred_element_type=jnp.float32)
        + jnp.dot(msgs * (m[:, D:] * scol), wd[D:],
                  preferred_element_type=jnp.float32))


def _edge_tc(vectors_t, msgs, w_sh2d, Q1, W2, W3, W_down):
    grid = (ECH // EB,)
    return pl.pallas_call(
        _edge_tc_body,
        grid=grid,
        in_specs=[
            pl.BlockSpec((3, EB), lambda i: (0, i)),
            pl.BlockSpec((EB, D), lambda i: (i, 0)),
            pl.BlockSpec((1, 15), lambda i: (0, 0)),
            pl.BlockSpec((9, 128), lambda i: (0, 0)),
            pl.BlockSpec((64, 64), lambda i: (0, 0)),
            pl.BlockSpec((64, 2 * D), lambda i: (0, 0)),
            pl.BlockSpec((2 * D, D), lambda i: (0, 0)),
        ],
        out_specs=pl.BlockSpec((EB, D), lambda i: (i, 0)),
        out_shape=jax.ShapeDtypeStruct((ECH, D), jnp.float32),
    )(vectors_t, msgs, w_sh2d, Q1, W2, W3, W_down)


@functools.cache
def _make_sc_scatter():
    mesh = plsc.VectorSubcoreMesh(core_axis_name="c", subcore_axis_name="s",
                                  num_cores=NCORE, num_subcores=NSUB)
    return functools.partial(
        pl.kernel,
        mesh=mesh,
        out_type=jax.ShapeDtypeStruct((NCORE, NPAD, D), jnp.float32),
        scratch_types=[
            [pltpu.VMEM((SCB,), jnp.int32) for _ in range(2)],
            [pltpu.VMEM((SCB, D), jnp.float32) for _ in range(2)],
            [pltpu.SemaphoreType.DMA for _ in range(2)],
            [pltpu.SemaphoreType.DMA for _ in range(2)],
            pltpu.VMEM_SHARED((NPAD, D), jnp.float32),
        ],
    )(_sc_scatter_body)


def _sc_scatter_body(ya_hbm, yb_hbm, rcva_hbm, rcvb_hbm, out_hbm,
                     ridx, rows, isem, ysem, aggsh):
    c = lax.axis_index("c")
    t = lax.axis_index("s")

    def _zero_row(r, carry):
        for cc in range(D // 16):
            rows[0][r, pl.ds(cc * 16, 16)] = jnp.zeros((16,), jnp.float32)
        return carry

    lax.fori_loop(0, SCB, _zero_row, 0)
    base = t * ROWS_PER_TEC
    for j in range(ROWS_PER_TEC // SCB):
        pltpu.sync_copy(rows[0], aggsh.at[pl.ds(base + j * SCB, SCB)])
    plsc.subcore_barrier()

    def _start(j, p):
        off = j * SCB

        @pl.when(c == 0)
        def _():
            pltpu.async_copy(rcva_hbm.at[pl.ds(off, SCB)], ridx[p], isem[p])
            pltpu.async_copy(ya_hbm.at[pl.ds(off, SCB)], rows[p], ysem[p])

        @pl.when(c == 1)
        def _():
            pltpu.async_copy(rcvb_hbm.at[pl.ds(off, SCB)], ridx[p], isem[p])
            pltpu.async_copy(yb_hbm.at[pl.ds(off, SCB)], rows[p], ysem[p])

    _start(t, 0)

    def _pair(g, carry):
        for p in range(2):
            j = t + (2 * g + p) * NSUB
            nj = j + NSUB

            @pl.when(nj < CBLK)
            def _():
                _start(nj, 1 - p)

            @pl.when(j < CBLK)
            def _():
                pltpu.make_async_copy(
                    rcva_hbm.at[pl.ds(0, SCB)], ridx[p], isem[p]).wait()
                pltpu.make_async_copy(
                    ya_hbm.at[pl.ds(0, SCB)], rows[p], ysem[p]).wait()
                pltpu.sync_copy(rows[p], aggsh.at[ridx[p]], add=True)

        return carry

    lax.fori_loop(0, (CBLK + 2 * NSUB - 1) // (2 * NSUB), _pair, 0)
    plsc.subcore_barrier()
    pltpu.sync_copy(aggsh.at[pl.ds(base, ROWS_PER_TEC)],
                    out_hbm.at[c, pl.ds(base, ROWS_PER_TEC)])


def _final_body(agg0_ref, agg1_ref, sc_ref, out_ref):
    tot = (agg0_ref[0, :N] + agg0_ref[1, :N]
           + agg1_ref[0, :N] + agg1_ref[1, :N])
    out_ref[:] = _silu(tot) + sc_ref[:]


def _final(agg0, agg1, sc):
    return pl.pallas_call(
        _final_body,
        out_shape=jax.ShapeDtypeStruct((N, D), jnp.float32),
    )(agg0, agg1, sc)


def kernel(vectors, node_feats, node_specie, senders, receivers,
           W_up, w_sh, W1, W2, W3, W_down, W_skip):
    h, sc = _node_prep(node_feats,
                       node_specie.reshape(N, 1).astype(jnp.int32),
                       W_up, W_skip)
    snd = senders.astype(jnp.int32)
    rcv = receivers.astype(jnp.int32)
    vt = vectors.T
    Q1 = jnp.zeros((9, 128), jnp.float32)
    Q1 = Q1.at[:8, :64].set(W1).at[8, 64].set(1.0)
    w_sh2d = w_sh.reshape(1, 15)

    gather = _make_sc_gather()
    ys = []
    for ci in range(NC):
        lo = ci * ECH
        msgs = gather(h, lax.slice(snd, (lo,), (lo + ECH,)))
        ys.append(_edge_tc(lax.slice(vt, (0, lo), (3, lo + ECH)),
                           msgs, w_sh2d, Q1, W2, W3, W_down))

    scatter = _make_sc_scatter()
    rchunk = [lax.slice(rcv, (ci * ECH,), ((ci + 1) * ECH,))
              for ci in range(NC)]
    agg0 = scatter(ys[0], ys[1], rchunk[0], rchunk[1])
    agg1 = scatter(ys[2], ys[3], rchunk[2], rchunk[3])
    return _final(agg0, agg1, sc)

# --- scband reference (transcript-rebuilt; emitter-appended) ---
"""Pipeline reference for scband-nequiplayer-18674517803183 (READ-ONLY COPY).

The authoritative reference and input builder live on the scoring server;
editing this copy changes nothing except your own understanding.
"""

import jax, jax.numpy as jnp
import numpy as np


def safe_norm(x, axis=None, keepdims=False):
    x2 = jnp.sum(x ** 2, axis=axis, keepdims=keepdims)
    return jnp.where(x2 == 0, 1.0, x2) ** 0.5


def bessel(x, n, c=1.0):
    x = x[:, None]
    ns = jnp.arange(1, n + 1, dtype=x.dtype)[None, :]
    safe_x = jnp.where(x == 0, 1.0, x)
    return jnp.sqrt(2.0 / c) * jnp.sin(ns * jnp.pi * x / c) / safe_x


def poly_envelope(x, p=5):
    env = (1.0 - (p + 1) * (p + 2) / 2.0 * x ** p
           + p * (p + 2) * x ** (p + 1)
           - p * (p + 1) / 2.0 * x ** (p + 2))
    return jnp.where(x < 1.0, env, 0.0)


def spherical_harmonics(u):
    # real spherical harmonics l=1..3, component normalization
    x, y, z = u[:, 0], u[:, 1], u[:, 2]
    sh1 = jnp.stack([jnp.sqrt(3.0) * x, jnp.sqrt(3.0) * y, jnp.sqrt(3.0) * z], axis=-1)
    sh2 = jnp.stack([
        jnp.sqrt(15.0) * x * y,
        jnp.sqrt(15.0) * y * z,
        jnp.sqrt(5.0) / 2.0 * (3 * z ** 2 - 1),
        jnp.sqrt(15.0) * x * z,
        jnp.sqrt(15.0) / 2.0 * (x ** 2 - y ** 2)], axis=-1)
    sh3 = jnp.stack([
        jnp.sqrt(35.0 / 8.0) * y * (3 * x ** 2 - y ** 2),
        jnp.sqrt(105.0) * x * y * z,
        jnp.sqrt(21.0 / 8.0) * y * (5 * z ** 2 - 1),
        jnp.sqrt(7.0) / 2.0 * z * (5 * z ** 2 - 3),
        jnp.sqrt(21.0 / 8.0) * x * (5 * z ** 2 - 1),
        jnp.sqrt(105.0) / 2.0 * z * (x ** 2 - y ** 2),
        jnp.sqrt(35.0 / 8.0) * x * (x ** 2 - 3 * y ** 2)], axis=-1)
    return jnp.concatenate([sh1, sh2, sh3], axis=-1)  # [E, 15]


def setup_inputs(seed: int = 0):
    key = jax.random.key(seed)
    N, E, D = 10000, 320000, 128
    ks = jax.random.split(key, 12)
    vectors = 0.25 * jax.random.normal(ks[0], (E, 3), jnp.float32)
    node_feats = jax.random.normal(ks[1], (N, D), jnp.float32)
    node_specie = jax.random.randint(ks[2], (N,), 0, 5)
    senders = jax.random.randint(ks[3], (E,), 0, N)
    receivers = jax.random.randint(ks[4], (E,), 0, N)
    W_up = jax.random.normal(ks[5], (D, D), jnp.float32) / jnp.sqrt(float(D))
    w_sh = jax.random.normal(ks[6], (15,), jnp.float32) / jnp.sqrt(15.0)
    W1 = jax.random.normal(ks[7], (8, 64), jnp.float32) / jnp.sqrt(8.0)
    W2 = jax.random.normal(ks[8], (64, 64), jnp.float32) / 8.0
    W3 = jax.random.normal(ks[9], (64, 2 * D), jnp.float32) / 8.0
    W_down = jax.random.normal(ks[10], (2 * D, D), jnp.float32) / jnp.sqrt(2.0 * D)
    W_skip = jax.random.normal(ks[11], (5, D, D), jnp.float32) / jnp.sqrt(float(D))
    return {"vectors": vectors, "node_feats": node_feats, "node_specie": node_specie,
            "senders": senders, "receivers": receivers, "W_up": W_up, "w_sh": w_sh,
            "W1": W1, "W2": W2, "W3": W3, "W_down": W_down, "W_skip": W_skip}


def reference(vectors, node_feats, node_specie, senders, receivers,
              W_up, w_sh, W1, W2, W3, W_down, W_skip):
    avg_num_neighbors = 32.0
    act = jax.nn.silu
    # radial embedding: bessel basis * smooth polynomial cutoff envelope
    lengths = safe_norm(vectors, axis=-1)
    basis = bessel(lengths, 8)
    cutoff = poly_envelope(lengths)
    radial = basis * cutoff[:, None]                 # [E, 8] (scalar 0e edge attrs)
    u = vectors / lengths[:, None]
    sh = spherical_harmonics(u)                      # [E, 15] (non-scalar edge attrs)
    # species-indexed skip connection (skip_tp)
    sc = jnp.einsum('nd,ndk->nk', node_feats, W_skip[node_specie])
    # linear_up
    h = node_feats @ W_up
    # message passing convolution
    msgs = h[senders]                                # gather [E, D]
    tp = msgs * (sh @ w_sh)[:, None]                 # tensor product with non-scalar edge attrs
    messages = jnp.concatenate([msgs, tp], axis=-1)  # [E, 2D]
    # MLP on scalar edge attrs -> per-irrep mixing weights
    mix = act(radial @ W1)
    mix = act(mix @ W2)
    mix = mix @ W3                                   # [E, 2D], no output activation
    messages = messages * mix
    agg = jnp.zeros((node_feats.shape[0], messages.shape[1]), messages.dtype).at[receivers].add(messages)
    agg = agg / jnp.sqrt(avg_num_neighbors)
    # linear_down + gate
    out = agg @ W_down
    out = act(out)
    return out + sc

if __name__ == "__main__":
    import jax
    _d = setup_inputs()
    print(jax.jit(kernel)(*tuple(_d.values())))

</pallas_src>

<mosaic_0001>
#map = affine_map<(d0, d1) -> (0, 0)>
#map1 = affine_map<(d0, d1) -> (0)>
module attributes {stable_mosaic.version = 14 : i64} {
  func.func @_sc_gather_body(%arg0: i32, %arg1: i32, %arg2: memref<10000x128xf32, #tpu.memory_space<hbm>>, %arg3: memref<80000xi32, #tpu.memory_space<hbm>>, %arg4: memref<80000x128xf32, #tpu.memory_space<hbm>>, %arg5: memref<128xi32, #tpu.memory_space<vmem>>, %arg6: memref<128xi32, #tpu.memory_space<vmem>>, %arg7: memref<128x128xf32, #tpu.memory_space<vmem>>, %arg8: memref<128x128xf32, #tpu.memory_space<vmem>>, %arg9: memref<!tpu.dma_semaphore, #tpu.memory_space<semaphore_mem>>, %arg10: memref<!tpu.dma_semaphore, #tpu.memory_space<semaphore_mem>>) attributes {dimension_semantics = [#tpu.dimension_semantics<core_parallel>, #tpu.dimension_semantics<subcore_parallel>], iteration_bounds = array<i64: 2, 16>, scalar_prefetch = 0 : i64, scratch_operands = 6 : i64, tpu.core_type = #tpu.core_type<sc_vector_subcore>, window_params = [{transform_indices = #map}, {transform_indices = #map1}, {transform_indices = #map}]} {
    %mul3A = arith.constant 2 : i32
    %mul3A_0 = arith.muli %arg1, %mul3A : i32
    %add3A = arith.addi %mul3A_0, %arg0 : i32
    %mul3A_1 = arith.constant 128 : i32
    %mul3A_2 = arith.muli %add3A, %mul3A_1 : i32
    "tpu.region"() ({
      %run_scoped3A = tpu.sem_alloc : memref<!tpu.dma_semaphore, #tpu.memory_space<semaphore_mem>>
      %dma_start3A_10 = tpu.memref_slice %arg3[%mul3A_2] : memref<80000xi32, #tpu.memory_space<hbm>> -> memref<128xi32, #tpu.memory_space<hbm>>
      %dma_start3A_11 = tpu.memref_slice %arg3[%mul3A_2] : memref<80000xi32, #tpu.memory_space<hbm>> -> memref<128xi32, #tpu.memory_space<hbm>>
      tpu.enqueue_dma source(%dma_start3A_11 : memref<128xi32, #tpu.memory_space<hbm>>) target(%arg5 : memref<128xi32, #tpu.memory_space<vmem>>) target_semaphore(%run_scoped3A : memref<!tpu.dma_semaphore, #tpu.memory_space<semaphore_mem>>)
      %dma_wait3A = tpu.memref_slice %arg3[%mul3A_2] : memref<80000xi32, #tpu.memory_space<hbm>> -> memref<128xi32, #tpu.memory_space<hbm>>
      %dma_wait3A_12 = tpu.memref_slice %arg3[%mul3A_2] : memref<80000xi32, #tpu.memory_space<hbm>> -> memref<128xi32, #tpu.memory_space<hbm>>
      tpu.wait_dma2 semaphore(%run_scoped3A : memref<!tpu.dma_semaphore, #tpu.memory_space<semaphore_mem>>) src(%dma_wait3A_12 : memref<128xi32, #tpu.memory_space<hbm>>) dst(%arg5 : memref<128xi32, #tpu.memory_space<vmem>>)
      tpu.yield
    }) : () -> ()
    %dma_start3A = arith.constant 0 : i32
    %dma_start3A_3 = arith.constant 0 : i32
    %dma_start3A_4 = tpu.memref_slice %arg2[%dma_start3A, %dma_start3A_3] : memref<10000x128xf32, #tpu.memory_space<hbm>> -> memref<10000x128xf32, #tpu.memory_space<hbm>>
    tpu.enqueue_indirect_dma source(%dma_start3A_4 : memref<10000x128xf32, #tpu.memory_space<hbm>>) target(%arg7 : memref<128x128xf32, #tpu.memory_space<vmem>>) offsets(%arg5 : memref<128xi32, #tpu.memory_space<vmem>>) semaphore(%arg9 : memref<!tpu.dma_semaphore, #tpu.memory_space<semaphore_mem>>)
    %scan3A = arith.constant 0 : i32
    %scan3A_5 = arith.constant 0 : i32
    %scan3A_6 = arith.constant 10 : i32
    %scan3A_7 = arith.addi %scan3A_5, %scan3A_6 : i32
    %scan3A_8 = arith.constant 1 : i32
    scf.for %scan3A_10 = %scan3A_5 to %scan3A_7 step %scan3A_8  : i32 {
      %mul3A_11 = arith.constant 2 : i32
      %mul3A_12 = arith.muli %mul3A_11, %scan3A_10 : i32
      %add3A_13 = arith.constant 0 : i32
      %add3A_14 = arith.addi %mul3A_12, %add3A_13 : i32
      %mul3A_15 = arith.constant 32 : i32
      %mul3A_16 = arith.muli %add3A_14, %mul3A_15 : i32
      %add3A_17 = arith.addi %add3A, %mul3A_16 : i32
      %add3A_18 = arith.constant 32 : i32
      %add3A_19 = arith.addi %add3A_17, %add3A_18 : i32
      %lt3A = arith.constant 625 : i32
      %lt3A_20 = arith.cmpi slt, %add3A_19, %lt3A : i32
      %convert_element_type3A = arith.extui %lt3A_20 : i1 to i32
      %cond3A = arith.constant 0 : i32
      %cond3A_21 = arith.cmpi ne, %convert_element_type3A, %cond3A : i32
      scf.if %cond3A_21 {
        %mul3A_46 = arith.constant 128 : i32
        %mul3A_47 = arith.muli %add3A_19, %mul3A_46 : i32
        "tpu.region"() ({
          %run_scoped3A = tpu.sem_alloc : memref<!tpu.dma_semaphore, #tpu.memory_space<semaphore_mem>>
          %dma_start3A_51 = tpu.memref_slice %arg3[%mul3A_47] : memref<80000xi32, #tpu.memory_space<hbm>> -> memref<128xi32, #tpu.memory_space<hbm>>
          %dma_start3A_52 = tpu.memref_slice %arg3[%mul3A_47] : memref<80000xi32, #tpu.memory_space<hbm>> -> memref<128xi32, #tpu.memory_space<hbm>>
          tpu.enqueue_dma source(%dma_start3A_52 : memref<128xi32, #tpu.memory_space<hbm>>) target(%arg6 : memref<128xi32, #tpu.memory_space<vmem>>) target_semaphore(%run_scoped3A : memref<!tpu.dma_semaphore, #tpu.memory_space<semaphore_mem>>)
          %dma_wait3A = tpu.memref_slice %arg3[%mul3A_47] : memref<80000xi32, #tpu.memory_space<hbm>> -> memref<128xi32, #tpu.memory_space<hbm>>
          %dma_wait3A_53 = tpu.memref_slice %arg3[%mul3A_47] : memref<80000xi32, #tpu.memory_space<hbm>> -> memref<128xi32, #tpu.memory_space<hbm>>
          tpu.wait_dma2 semaphore(%run_scoped3A : memref<!tpu.dma_semaphore, #tpu.memory_space<semaphore_mem>>) src(%dma_wait3A_53 : memref<128xi32, #tpu.memory_space<hbm>>) dst(%arg6 : memref<128xi32, #tpu.memory_space<vmem>>)
          tpu.yield
        }) : () -> ()
        %dma_start3A_48 = arith.constant 0 : i32
        %dma_start3A_49 = arith.constant 0 : i32
        %dma_start3A_50 = tpu.memref_slice %arg2[%dma_start3A_48, %dma_start3A_49] : memref<10000x128xf32, #tpu.memory_space<hbm>> -> memref<10000x128xf32, #tpu.memory_space<hbm>>
        tpu.enqueue_indirect_dma source(%dma_start3A_50 : memref<10000x128xf32, #tpu.memory_space<hbm>>) target(%arg8 : memref<128x128xf32, #tpu.memory_space<vmem>>) offsets(%arg6 : memref<128xi32, #tpu.memory_space<vmem>>) semaphore(%arg10 : memref<!tpu.dma_semaphore, #tpu.memory_space<semaphore_mem>>)
      } else {
      }
      %lt3A_22 = arith.constant 625 : i32
      %lt3A_23 = arith.cmpi slt, %add3A_17, %lt3A_22 : i32
      %convert_element_type3A_24 = arith.extui %lt3A_23 : i1 to i32
      %cond3A_25 = arith.constant 0 : i32
      %cond3A_26 = arith.cmpi ne, %convert_element_type3A_24, %cond3A_25 : i32
      scf.if %cond3A_26 {
        %dma_wait3A = arith.constant 0 : i32
        %dma_wait3A_46 = arith.constant 0 : i32
        %dma_wait3A_47 = tpu.memref_slice %arg2[%dma_wait3A, %dma_wait3A_46] : memref<10000x128xf32, #tpu.memory_space<hbm>> -> memref<128x128xf32, #tpu.memory_space<hbm>>
        %dma_wait3A_48 = arith.constant 0 : i32
        %dma_wait3A_49 = arith.constant 0 : i32
        %dma_wait3A_50 = tpu.memref_slice %arg2[%dma_wait3A_48, %dma_wait3A_49] : memref<10000x128xf32, #tpu.memory_space<hbm>> -> memref<128x128xf32, #tpu.memory_space<hbm>>
        tpu.wait_dma2 semaphore(%arg9 : memref<!tpu.dma_semaphore, #tpu.memory_space<semaphore_mem>>) src(%dma_wait3A_50 : memref<128x128xf32, #tpu.memory_space<hbm>>) dst(%arg7 : memref<128x128xf32, #tpu.memory_space<vmem>>)
        %mul3A_51 = arith.constant 128 : i32
        %mul3A_52 = arith.muli %add3A_17, %mul3A_51 : i32
        "tpu.region"() ({
          %run_scoped3A = tpu.sem_alloc : memref<!tpu.dma_semaphore, #tpu.memory_space<semaphore_mem>>
          %dma_start3A_53 = arith.constant 0 : i32
          %dma_start3A_54 = tpu.memref_slice %arg4[%mul3A_52, %dma_start3A_53] : memref<80000x128xf32, #tpu.memory_space<hbm>> -> memref<128x128xf32, #tpu.memory_space<hbm>>
          %dma_start3A_55 = arith.constant 0 : i32
          %dma_start3A_56 = tpu.memref_slice %arg4[%mul3A_52, %dma_start3A_55] : memref<80000x128xf32, #tpu.memory_space<hbm>> -> memref<128x128xf32, #tpu.memory_space<hbm>>
          tpu.enqueue_dma source(%arg7 : memref<128x128xf32, #tpu.memory_space<vmem>>) target(%dma_start3A_56 : memref<128x128xf32, #tpu.memory_space<hbm>>) target_semaphore(%run_scoped3A : memref<!tpu.dma_semaphore, #tpu.memory_space<semaphore_mem>>)
          %dma_wait3A_57 = arith.constant 0 : i32
          %dma_wait3A_58 = tpu.memref_slice %arg4[%mul3A_52, %dma_wait3A_57] : memref<80000x128xf32, #tpu.memory_space<hbm>> -> memref<128x128xf32, #tpu.memory_space<hbm>>
          %dma_wait3A_59 = arith.constant 0 : i32
          %dma_wait3A_60 = tpu.memref_slice %arg4[%mul3A_52, %dma_wait3A_59] : memref<80000x128xf32, #tpu.memory_space<hbm>> -> memref<128x128xf32, #tpu.memory_space<hbm>>
          tpu.wait_dma2 semaphore(%run_scoped3A : memref<!tpu.dma_semaphore, #tpu.memory_space<semaphore_mem>>) src(%arg7 : memref<128x128xf32, #tpu.memory_space<vmem>>) dst(%dma_wait3A_60 : memref<128x128xf32, #tpu.memory_space<hbm>>)
          tpu.yield
        }) : () -> ()
      } else {
      }
      %mul3A_27 = arith.constant 2 : i32
      %mul3A_28 = arith.muli %mul3A_27, %scan3A_10 : i32
      %add3A_29 = arith.constant 1 : i32
      %add3A_30 = arith.addi %mul3A_28, %add3A_29 : i32
      %mul3A_31 = arith.constant 32 : i32
      %mul3A_32 = arith.muli %add3A_30, %mul3A_31 : i32
      %add3A_33 = arith.addi %add3A, %mul3A_32 : i32
      %add3A_34 = arith.constant 32 : i32
      %add3A_35 = arith.addi %add3A_33, %add3A_34 : i32
      %lt3A_36 = arith.constant 625 : i32
      %lt3A_37 = arith.cmpi slt, %add3A_35, %lt3A_36 : i32
      %convert_element_type3A_38 = arith.extui %lt3A_37 : i1 to i32
      %cond3A_39 = arith.constant 0 : i32
      %cond3A_40 = arith.cmpi ne, %convert_element_type3A_38, %cond3A_39 : i32
      scf.if %cond3A_40 {
        %mul3A_46 = arith.constant 128 : i32
        %mul3A_47 = arith.muli %add3A_35, %mul3A_46 : i32
        "tpu.region"() ({
          %run_scoped3A = tpu.sem_alloc : memref<!tpu.dma_semaphore, #tpu.memory_space<semaphore_mem>>
          %dma_start3A_51 = tpu.memref_slice %arg3[%mul3A_47] : memref<80000xi32, #tpu.memory_space<hbm>> -> memref<128xi32, #tpu.memory_space<hbm>>
          %dma_start3A_52 = tpu.memref_slice %arg3[%mul3A_47] : memref<80000xi32, #tpu.memory_space<hbm>> -> memref<128xi32, #tpu.memory_space<hbm>>
          tpu.enqueue_dma source(%dma_start3A_52 : memref<128xi32, #tpu.memory_space<hbm>>) target(%arg5 : memref<128xi32, #tpu.memory_space<vmem>>) target_semaphore(%run_scoped3A : memref<!tpu.dma_semaphore, #tpu.memory_space<semaphore_mem>>)
          %dma_wait3A = tpu.memref_slice %arg3[%mul3A_47] : memref<80000xi32, #tpu.memory_space<hbm>> -> memref<128xi32, #tpu.memory_space<hbm>>
          %dma_wait3A_53 = tpu.memref_slice %arg3[%mul3A_47] : memref<80000xi32, #tpu.memory_space<hbm>> -> memref<128xi32, #tpu.memory_space<hbm>>
          tpu.wait_dma2 semaphore(%run_scoped3A : memref<!tpu.dma_semaphore, #tpu.memory_space<semaphore_mem>>) src(%dma_wait3A_53 : memref<128xi32, #tpu.memory_space<hbm>>) dst(%arg5 : memref<128xi32, #tpu.memory_space<vmem>>)
          tpu.yield
        }) : () -> ()
        %dma_start3A_48 = arith.constant 0 : i32
        %dma_start3A_49 = arith.constant 0 : i32
        %dma_start3A_50 = tpu.memref_slice %arg2[%dma_start3A_48, %dma_start3A_49] : memref<10000x128xf32, #tpu.memory_space<hbm>> -> memref<10000x128xf32, #tpu.memory_space<hbm>>
        tpu.enqueue_indirect_dma source(%dma_start3A_50 : memref<10000x128xf32, #tpu.memory_space<hbm>>) target(%arg7 : memref<128x128xf32, #tpu.memory_space<vmem>>) offsets(%arg5 : memref<128xi32, #tpu.memory_space<vmem>>) semaphore(%arg9 : memref<!tpu.dma_semaphore, #tpu.memory_space<semaphore_mem>>)
      } else {
      }
      %lt3A_41 = arith.constant 625 : i32
      %lt3A_42 = arith.cmpi slt, %add3A_33, %lt3A_41 : i32
      %convert_element_type3A_43 = arith.extui %lt3A_42 : i1 to i32
      %cond3A_44 = arith.constant 0 : i32
      %cond3A_45 = arith.cmpi ne, %convert_element_type3A_43, %cond3A_44 : i32
      scf.if %cond3A_45 {
        %dma_wait3A = arith.constant 0 : i32
        %dma_wait3A_46 = arith.constant 0 : i32
        %dma_wait3A_47 = tpu.memref_slice %arg2[%dma_wait3A, %dma_wait3A_46] : memref<10000x128xf32, #tpu.memory_space<hbm>> -> memref<128x128xf32, #tpu.memory_space<hbm>>
        %dma_wait3A_48 = arith.constant 0 : i32
        %dma_wait3A_49 = arith.constant 0 : i32
        %dma_wait3A_50 = tpu.memref_slice %arg2[%dma_wait3A_48, %dma_wait3A_49] : memref<10000x128xf32, #tpu.memory_space<hbm>> -> memref<128x128xf32, #tpu.memory_space<hbm>>
        tpu.wait_dma2 semaphore(%arg10 : memref<!tpu.dma_semaphore, #tpu.memory_space<semaphore_mem>>) src(%dma_wait3A_50 : memref<128x128xf32, #tpu.memory_space<hbm>>) dst(%arg8 : memref<128x128xf32, #tpu.memory_space<vmem>>)
        %mul3A_51 = arith.constant 128 : i32
        %mul3A_52 = arith.muli %add3A_33, %mul3A_51 : i32
        "tpu.region"() ({
          %run_scoped3A = tpu.sem_alloc : memref<!tpu.dma_semaphore, #tpu.memory_space<semaphore_mem>>
          %dma_start3A_53 = arith.constant 0 : i32
          %dma_start3A_54 = tpu.memref_slice %arg4[%mul3A_52, %dma_start3A_53] : memref<80000x128xf32, #tpu.memory_space<hbm>> -> memref<128x128xf32, #tpu.memory_space<hbm>>
          %dma_start3A_55 = arith.constant 0 : i32
          %dma_start3A_56 = tpu.memref_slice %arg4[%mul3A_52, %dma_start3A_55] : memref<80000x128xf32, #tpu.memory_space<hbm>> -> memref<128x128xf32, #tpu.memory_space<hbm>>
          tpu.enqueue_dma source(%arg8 : memref<128x128xf32, #tpu.memory_space<vmem>>) target(%dma_start3A_56 : memref<128x128xf32, #tpu.memory_space<hbm>>) target_semaphore(%run_scoped3A : memref<!tpu.dma_semaphore, #tpu.memory_space<semaphore_mem>>)
          %dma_wait3A_57 = arith.constant 0 : i32
          %dma_wait3A_58 = tpu.memref_slice %arg4[%mul3A_52, %dma_wait3A_57] : memref<80000x128xf32, #tpu.memory_space<hbm>> -> memref<128x128xf32, #tpu.memory_space<hbm>>
          %dma_wait3A_59 = arith.constant 0 : i32
          %dma_wait3A_60 = tpu.memref_slice %arg4[%mul3A_52, %dma_wait3A_59] : memref<80000x128xf32, #tpu.memory_space<hbm>> -> memref<128x128xf32, #tpu.memory_space<hbm>>
          tpu.wait_dma2 semaphore(%run_scoped3A : memref<!tpu.dma_semaphore, #tpu.memory_space<semaphore_mem>>) src(%arg8 : memref<128x128xf32, #tpu.memory_space<vmem>>) dst(%dma_wait3A_60 : memref<128x128xf32, #tpu.memory_space<hbm>>)
          tpu.yield
        }) : () -> ()
      } else {
      }
    }
    %scan3A_9 = arith.constant 10 : i32
    return
  }
}

#map = affine_map<(d0, d1) -> (0, 0)>
#map1 = affine_map<(d0, d1) -> (0)>
module attributes {stable_mosaic.version = 14 : i64} {
  func.func @_sc_gather_body(%arg0: i32, %arg1: i32, %arg2: memref<10000x128xf32, #tpu.memory_space<hbm>>, %arg3: memref<80000xi32, #tpu.memory_space<hbm>>, %arg4: memref<80000x128xf32, #tpu.memory_space<hbm>>, %arg5: memref<128xi32, #tpu.memory_space<vmem>>, %arg6: memref<128xi32, #tpu.memory_space<vmem>>, %arg7: memref<128x128xf32, #tpu.memory_space<vmem>>, %arg8: memref<128x128xf32, #tpu.memory_space<vmem>>, %arg9: memref<!tpu.dma_semaphore, #tpu.memory_space<semaphore_mem>>, %arg10: memref<!tpu.dma_semaphore, #tpu.memory_space<semaphore_mem>>) attributes {dimension_semantics = [#tpu.dimension_semantics<core_parallel>, #tpu.dimension_semantics<subcore_parallel>], iteration_bounds = array<i64: 2, 16>, scalar_prefetch = 0 : i64, scratch_operands = 6 : i64, tpu.core_type = #tpu.core_type<sc_vector_subcore>, window_params = [{transform_indices = #map}, {transform_indices = #map1}, {transform_indices = #map}]} {
    %mul3A = arith.constant 2 : i32
    %mul3A_0 = arith.muli %arg1, %mul3A : i32
    %add3A = arith.addi %mul3A_0, %arg0 : i32
    %mul3A_1 = arith.constant 128 : i32
    %mul3A_2 = arith.muli %add3A, %mul3A_1 : i32
    "tpu.region"() ({
      %run_scoped3A = tpu.sem_alloc : memref<!tpu.dma_semaphore, #tpu.memory_space<semaphore_mem>>
      %dma_start3A_10 = tpu.memref_slice %arg3[%mul3A_2] : memref<80000xi32, #tpu.memory_space<hbm>> -> memref<128xi32, #tpu.memory_space<hbm>>
      %dma_start3A_11 = tpu.memref_slice %arg3[%mul3A_2] : memref<80000xi32, #tpu.memory_space<hbm>> -> memref<128xi32, #tpu.memory_space<hbm>>
      tpu.enqueue_dma source(%dma_start3A_11 : memref<128xi32, #tpu.memory_space<hbm>>) target(%arg5 : memref<128xi32, #tpu.memory_space<vmem>>) target_semaphore(%run_scoped3A : memref<!tpu.dma_semaphore, #tpu.memory_space<semaphore_mem>>)
      %dma_wait3A = tpu.memref_slice %arg3[%mul3A_2] : memref<80000xi32, #tpu.memory_space<hbm>> -> memref<128xi32, #tpu.memory_space<hbm>>
      %dma_wait3A_12 = tpu.memref_slice %arg3[%mul3A_2] : memref<80000xi32, #tpu.memory_space<hbm>> -> memref<128xi32, #tpu.memory_space<hbm>>
      tpu.wait_dma2 semaphore(%run_scoped3A : memref<!tpu.dma_semaphore, #tpu.memory_space<semaphore_mem>>) src(%dma_wait3A_12 : memref<128xi32, #tpu.memory_space<hbm>>) dst(%arg5 : memref<128xi32, #tpu.memory_space<vmem>>)
      tpu.yield
    }) : () -> ()
    %dma_start3A = arith.constant 0 : i32
    %dma_start3A_3 = arith.constant 0 : i32
    %dma_start3A_4 = tpu.memref_slice %arg2[%dma_start3A, %dma_start3A_3] : memref<10000x128xf32, #tpu.memory_space<hbm>> -> memref<10000x128xf32, #tpu.memory_space<hbm>>
    tpu.enqueue_indirect_dma source(%dma_start3A_4 : memref<10000x128xf32, #tpu.memory_space<hbm>>) target(%arg7 : memref<128x128xf32, #tpu.memory_space<vmem>>) offsets(%arg5 : memref<128xi32, #tpu.memory_space<vmem>>) semaphore(%arg9 : memref<!tpu.dma_semaphore, #tpu.memory_space<semaphore_mem>>)
    %scan3A = arith.constant 0 : i32
    %scan3A_5 = arith.constant 0 : i32
    %scan3A_6 = arith.constant 10 : i32
    %scan3A_7 = arith.addi %scan3A_5, %scan3A_6 : i32
    %scan3A_8 = arith.constant 1 : i32
    scf.for %scan3A_10 = %scan3A_5 to %scan3A_7 step %scan3A_8  : i32 {
      %mul3A_11 = arith.constant 2 : i32
      %mul3A_12 = arith.muli %mul3A_11, %scan3A_10 : i32
      %add3A_13 = arith.constant 0 : i32
      %add3A_14 = arith.addi %mul3A_12, %add3A_13 : i32
      %mul3A_15 = arith.constant 32 : i32
      %mul3A_16 = arith.muli %add3A_14, %mul3A_15 : i32
      %add3A_17 = arith.addi %add3A, %mul3A_16 : i32
      %add3A_18 = arith.constant 32 : i32
      %add3A_19 = arith.addi %add3A_17, %add3A_18 : i32
      %lt3A = arith.constant 625 : i32
      %lt3A_20 = arith.cmpi slt, %add3A_19, %lt3A : i32
      %convert_element_type3A = arith.extui %lt3A_20 : i1 to i32
      %cond3A = arith.constant 0 : i32
      %cond3A_21 = arith.cmpi ne, %convert_element_type3A, %cond3A : i32
      scf.if %cond3A_21 {
        %mul3A_46 = arith.constant 128 : i32
        %mul3A_47 = arith.muli %add3A_19, %mul3A_46 : i32
        "tpu.region"() ({
          %run_scoped3A = tpu.sem_alloc : memref<!tpu.dma_semaphore, #tpu.memory_space<semaphore_mem>>
          %dma_start3A_51 = tpu.memref_slice %arg3[%mul3A_47] : memref<80000xi32, #tpu.memory_space<hbm>> -> memref<128xi32, #tpu.memory_space<hbm>>
          %dma_start3A_52 = tpu.memref_slice %arg3[%mul3A_47] : memref<80000xi32, #tpu.memory_space<hbm>> -> memref<128xi32, #tpu.memory_space<hbm>>
          tpu.enqueue_dma source(%dma_start3A_52 : memref<128xi32, #tpu.memory_space<hbm>>) target(%arg6 : memref<128xi32, #tpu.memory_space<vmem>>) target_semaphore(%run_scoped3A : memref<!tpu.dma_semaphore, #tpu.memory_space<semaphore_mem>>)
          %dma_wait3A = tpu.memref_slice %arg3[%mul3A_47] : memref<80000xi32, #tpu.memory_space<hbm>> -> memref<128xi32, #tpu.memory_space<hbm>>
          %dma_wait3A_53 = tpu.memref_slice %arg3[%mul3A_47] : memref<80000xi32, #tpu.memory_space<hbm>> -> memref<128xi32, #tpu.memory_space<hbm>>
          tpu.wait_dma2 semaphore(%run_scoped3A : memref<!tpu.dma_semaphore, #tpu.memory_space<semaphore_mem>>) src(%dma_wait3A_53 : memref<128xi32, #tpu.memory_space<hbm>>) dst(%arg6 : memref<128xi32, #tpu.memory_space<vmem>>)
          tpu.yield
        }) : () -> ()
        %dma_start3A_48 = arith.constant 0 : i32
        %dma_start3A_49 = arith.constant 0 : i32
        %dma_start3A_50 = tpu.memref_slice %arg2[%dma_start3A_48, %dma_start3A_49] : memref<10000x128xf32, #tpu.memory_space<hbm>> -> memref<10000x128xf32, #tpu.memory_space<hbm>>
        tpu.enqueue_indirect_dma source(%dma_start3A_50 : memref<10000x128xf32, #tpu.memory_space<hbm>>) target(%arg8 : memref<128x128xf32, #tpu.memory_space<vmem>>) offsets(%arg6 : memref<128xi32, #tpu.memory_space<vmem>>) semaphore(%arg10 : memref<!tpu.dma_semaphore, #tpu.memory_space<semaphore_mem>>)
      } else {
      }
      %lt3A_22 = arith.constant 625 : i32
      %lt3A_23 = arith.cmpi slt, %add3A_17, %lt3A_22 : i32
      %convert_element_type3A_24 = arith.extui %lt3A_23 : i1 to i32
      %cond3A_25 = arith.constant 0 : i32
      %cond3A_26 = arith.cmpi ne, %convert_element_type3A_24, %cond3A_25 : i32
      scf.if %cond3A_26 {
        %dma_wait3A = arith.constant 0 : i32
        %dma_wait3A_46 = arith.constant 0 : i32
        %dma_wait3A_47 = tpu.memref_slice %arg2[%dma_wait3A, %dma_wait3A_46] : memref<10000x128xf32, #tpu.memory_space<hbm>> -> memref<128x128xf32, #tpu.memory_space<hbm>>
        %dma_wait3A_48 = arith.constant 0 : i32
        %dma_wait3A_49 = arith.constant 0 : i32
        %dma_wait3A_50 = tpu.memref_slice %arg2[%dma_wait3A_48, %dma_wait3A_49] : memref<10000x128xf32, #tpu.memory_space<hbm>> -> memref<128x128xf32, #tpu.memory_space<hbm>>
        tpu.wait_dma2 semaphore(%arg9 : memref<!tpu.dma_semaphore, #tpu.memory_space<semaphore_mem>>) src(%dma_wait3A_50 : memref<128x128xf32, #tpu.memory_space<hbm>>) dst(%arg7 : memref<128x128xf32, #tpu.memory_space<vmem>>)
        %mul3A_51 = arith.constant 128 : i32
        %mul3A_52 = arith.muli %add3A_17, %mul3A_51 : i32
        "tpu.region"() ({
          %run_scoped3A = tpu.sem_alloc : memref<!tpu.dma_semaphore, #tpu.memory_space<semaphore_mem>>
          %dma_start3A_53 = arith.constant 0 : i32
          %dma_start3A_54 = tpu.memref_slice %arg4[%mul3A_52, %dma_start3A_53] : memref<80000x128xf32, #tpu.memory_space<hbm>> -> memref<128x128xf32, #tpu.memory_space<hbm>>
          %dma_start3A_55 = arith.constant 0 : i32
          %dma_start3A_56 = tpu.memref_slice %arg4[%mul3A_52, %dma_start3A_55] : memref<80000x128xf32, #tpu.memory_space<hbm>> -> memref<128x128xf32, #tpu.memory_space<hbm>>
          tpu.enqueue_dma source(%arg7 : memref<128x128xf32, #tpu.memory_space<vmem>>) target(%dma_start3A_56 : memref<128x128xf32, #tpu.memory_space<hbm>>) target_semaphore(%run_scoped3A : memref<!tpu.dma_semaphore, #tpu.memory_space<semaphore_mem>>)
          %dma_wait3A_57 = arith.constant 0 : i32
          %dma_wait3A_58 = tpu.memref_slice %arg4[%mul3A_52, %dma_wait3A_57] : memref<80000x128xf32, #tpu.memory_space<hbm>> -> memref<128x128xf32, #tpu.memory_space<hbm>>
          %dma_wait3A_59 = arith.constant 0 : i32
          %dma_wait3A_60 = tpu.memref_slice %arg4[%mul3A_52, %dma_wait3A_59] : memref<80000x128xf32, #tpu.memory_space<hbm>> -> memref<128x128xf32, #tpu.memory_space<hbm>>
          tpu.wait_dma2 semaphore(%run_scoped3A : memref<!tpu.dma_semaphore, #tpu.memory_space<semaphore_mem>>) src(%arg7 : memref<128x128xf32, #tpu.memory_space<vmem>>) dst(%dma_wait3A_60 : memref<128x128xf32, #tpu.memory_space<hbm>>)
          tpu.yield
        }) : () -> ()
      } else {
      }
      %mul3A_27 = arith.constant 2 : i32
      %mul3A_28 = arith.muli %mul3A_27, %scan3A_10 : i32
      %add3A_29 = arith.constant 1 : i32
      %add3A_30 = arith.addi %mul3A_28, %add3A_29 : i32
      %mul3A_31 = arith.constant 32 : i32
      %mul3A_32 = arith.muli %add3A_30, %mul3A_31 : i32
      %add3A_33 = arith.addi %add3A, %mul3A_32 : i32
      %add3A_34 = arith.constant 32 : i32
      %add3A_35 = arith.addi %add3A_33, %add3A_34 : i32
      %lt3A_36 = arith.constant 625 : i32
      %lt3A_37 = arith.cmpi slt, %add3A_35, %lt3A_36 : i32
      %convert_element_type3A_38 = arith.extui %lt3A_37 : i1 to i32
      %cond3A_39 = arith.constant 0 : i32
      %cond3A_40 = arith.cmpi ne, %convert_element_type3A_38, %cond3A_39 : i32
      scf.if %cond3A_40 {
        %mul3A_46 = arith.constant 128 : i32
        %mul3A_47 = arith.muli %add3A_35, %mul3A_46 : i32
        "tpu.region"() ({
          %run_scoped3A = tpu.sem_alloc : memref<!tpu.dma_semaphore, #tpu.memory_space<semaphore_mem>>
          %dma_start3A_51 = tpu.memref_slice %arg3[%mul3A_47] : memref<80000xi32, #tpu.memory_space<hbm>> -> memref<128xi32, #tpu.memory_space<hbm>>
          %dma_start3A_52 = tpu.memref_slice %arg3[%mul3A_47] : memref<80000xi32, #tpu.memory_space<hbm>> -> memref<128xi32, #tpu.memory_space<hbm>>
          tpu.enqueue_dma source(%dma_start3A_52 : memref<128xi32, #tpu.memory_space<hbm>>) target(%arg5 : memref<128xi32, #tpu.memory_space<vmem>>) target_semaphore(%run_scoped3A : memref<!tpu.dma_semaphore, #tpu.memory_space<semaphore_mem>>)
          %dma_wait3A = tpu.memref_slice %arg3[%mul3A_47] : memref<80000xi32, #tpu.memory_space<hbm>> -> memref<128xi32, #tpu.memory_space<hbm>>
          %dma_wait3A_53 = tpu.memref_slice %arg3[%mul3A_47] : memref<80000xi32, #tpu.memory_space<hbm>> -> memref<128xi32, #tpu.memory_space<hbm>>
          tpu.wait_dma2 semaphore(%run_scoped3A : memref<!tpu.dma_semaphore, #tpu.memory_space<semaphore_mem>>) src(%dma_wait3A_53 : memref<128xi32, #tpu.memory_space<hbm>>) dst(%arg5 : memref<128xi32, #tpu.memory_space<vmem>>)
          tpu.yield
        }) : () -> ()
        %dma_start3A_48 = arith.constant 0 : i32
        %dma_start3A_49 = arith.constant 0 : i32
        %dma_start3A_50 = tpu.memref_slice %arg2[%dma_start3A_48, %dma_start3A_49] : memref<10000x128xf32, #tpu.memory_space<hbm>> -> memref<10000x128xf32, #tpu.memory_space<hbm>>
        tpu.enqueue_indirect_dma source(%dma_start3A_50 : memref<10000x128xf32, #tpu.memory_space<hbm>>) target(%arg7 : memref<128x128xf32, #tpu.memory_space<vmem>>) offsets(%arg5 : memref<128xi32, #tpu.memory_space<vmem>>) semaphore(%arg9 : memref<!tpu.dma_semaphore, #tpu.memory_space<semaphore_mem>>)
      } else {
      }
      %lt3A_41 = arith.constant 625 : i32
      %lt3A_42 = arith.cmpi slt, %add3A_33, %lt3A_41 : i32
      %convert_element_type3A_43 = arith.extui %lt3A_42 : i1 to i32
      %cond3A_44 = arith.constant 0 : i32
      %cond3A_45 = arith.cmpi ne, %convert_element_type3A_43, %cond3A_44 : i32
      scf.if %cond3A_45 {
        %dma_wait3A = arith.constant 0 : i32
        %dma_wait3A_46 = arith.constant 0 : i32
        %dma_wait3A_47 = tpu.memref_slice %arg2[%dma_wait3A, %dma_wait3A_46] : memref<10000x128xf32, #tpu.memory_space<hbm>> -> memref<128x128xf32, #tpu.memory_space<hbm>>
        %dma_wait3A_48 = arith.constant 0 : i32
        %dma_wait3A_49 = arith.constant 0 : i32
        %dma_wait3A_50 = tpu.memref_slice %arg2[%dma_wait3A_48, %dma_wait3A_49] : memref<10000x128xf32, #tpu.memory_space<hbm>> -> memref<128x128xf32, #tpu.memory_space<hbm>>
        tpu.wait_dma2 semaphore(%arg10 : memref<!tpu.dma_semaphore, #tpu.memory_space<semaphore_mem>>) src(%dma_wait3A_50 : memref<128x128xf32, #tpu.memory_space<hbm>>) dst(%arg8 : memref<128x128xf32, #tpu.memory_space<vmem>>)
        %mul3A_51 = arith.constant 128 : i32
        %mul3A_52 = arith.muli %add3A_33, %mul3A_51 : i32
        "tpu.region"() ({
          %run_scoped3A = tpu.sem_alloc : memref<!tpu.dma_semaphore, #tpu.memory_space<semaphore_mem>>
          %dma_start3A_53 = arith.constant 0 : i32
          %dma_start3A_54 = tpu.memref_slice %arg4[%mul3A_52, %dma_start3A_53] : memref<80000x128xf32, #tpu.memory_space<hbm>> -> memref<128x128xf32, #tpu.memory_space<hbm>>
          %dma_start3A_55 = arith.constant 0 : i32
          %dma_start3A_56 = tpu.memref_slice %arg4[%mul3A_52, %dma_start3A_55] : memref<80000x128xf32, #tpu.memory_space<hbm>> -> memref<128x128xf32, #tpu.memory_space<hbm>>
          tpu.enqueue_dma source(%arg8 : memref<128x128xf32, #tpu.memory_space<vmem>>) target(%dma_start3A_56 : memref<128x128xf32, #tpu.memory_space<hbm>>) target_semaphore(%run_scoped3A : memref<!tpu.dma_semaphore, #tpu.memory_space<semaphore_mem>>)
          %dma_wait3A_57 = arith.constant 0 : i32
          %dma_wait3A_58 = tpu.memref_slice %arg4[%mul3A_52, %dma_wait3A_57] : memref<80000x128xf32, #tpu.memory_space<hbm>> -> memref<128x128xf32, #tpu.memory_space<hbm>>
          %dma_wait3A_59 = arith.constant 0 : i32
          %dma_wait3A_60 = tpu.memref_slice %arg4[%mul3A_52, %dma_wait3A_59] : memref<80000x128xf32, #tpu.memory_space<hbm>> -> memref<128x128xf32, #tpu.memory_space<hbm>>
          tpu.wait_dma2 semaphore(%run_scoped3A : memref<!tpu.dma_semaphore, #tpu.memory_space<semaphore_mem>>) src(%arg8 : memref<128x128xf32, #tpu.memory_space<vmem>>) dst(%dma_wait3A_60 : memref<128x128xf32, #tpu.memory_space<hbm>>)
          tpu.yield
        }) : () -> ()
      } else {
      }
    }
    %scan3A_9 = arith.constant 10 : i32
    return
  }
}

#map = affine_map<(d0, d1) -> (0, 0)>
#map1 = affine_map<(d0, d1) -> (0)>
module attributes {stable_mosaic.version = 14 : i64} {
  func.func @_sc_gather_body(%arg0: i32, %arg1: i32, %arg2: memref<10000x128xf32, #tpu.memory_space<hbm>>, %arg3: memref<80000xi32, #tpu.memory_space<hbm>>, %arg4: memref<80000x128xf32, #tpu.memory_space<hbm>>, %arg5: memref<128xi32, #tpu.memory_space<vmem>>, %arg6: memref<128xi32, #tpu.memory_space<vmem>>, %arg7: memref<128x128xf32, #tpu.memory_space<vmem>>, %arg8: memref<128x128xf32, #tpu.memory_space<vmem>>, %arg9: memref<!tpu.dma_semaphore, #tpu.memory_space<semaphore_mem>>, %arg10: memref<!tpu.dma_semaphore, #tpu.memory_space<semaphore_mem>>) attributes {dimension_semantics = [#tpu.dimension_semantics<core_parallel>, #tpu.dimension_semantics<subcore_parallel>], iteration_bounds = array<i64: 2, 16>, scalar_prefetch = 0 : i64, scratch_operands = 6 : i64, tpu.core_type = #tpu.core_type<sc_vector_subcore>, window_params = [{transform_indices = #map}, {transform_indices = #map1}, {transform_indices = #map}]} {
    %mul3A = arith.constant 2 : i32
    %mul3A_0 = arith.muli %arg1, %mul3A : i32
    %add3A = arith.addi %mul3A_0, %arg0 : i32
    %mul3A_1 = arith.constant 128 : i32
    %mul3A_2 = arith.muli %add3A, %mul3A_1 : i32
    "tpu.region"() ({
      %run_scoped3A = tpu.sem_alloc : memref<!tpu.dma_semaphore, #tpu.memory_space<semaphore_mem>>
      %dma_start3A_10 = tpu.memref_slice %arg3[%mul3A_2] : memref<80000xi32, #tpu.memory_space<hbm>> -> memref<128xi32, #tpu.memory_space<hbm>>
      %dma_start3A_11 = tpu.memref_slice %arg3[%mul3A_2] : memref<80000xi32, #tpu.memory_space<hbm>> -> memref<128xi32, #tpu.memory_space<hbm>>
      tpu.enqueue_dma source(%dma_start3A_11 : memref<128xi32, #tpu.memory_space<hbm>>) target(%arg5 : memref<128xi32, #tpu.memory_space<vmem>>) target_semaphore(%run_scoped3A : memref<!tpu.dma_semaphore, #tpu.memory_space<semaphore_mem>>)
      %dma_wait3A = tpu.memref_slice %arg3[%mul3A_2] : memref<80000xi32, #tpu.memory_space<hbm>> -> memref<128xi32, #tpu.memory_space<hbm>>
      %dma_wait3A_12 = tpu.memref_slice %arg3[%mul3A_2] : memref<80000xi32, #tpu.memory_space<hbm>> -> memref<128xi32, #tpu.memory_space<hbm>>
      tpu.wait_dma2 semaphore(%run_scoped3A : memref<!tpu.dma_semaphore, #tpu.memory_space<semaphore_mem>>) src(%dma_wait3A_12 : memref<128xi32, #tpu.memory_space<hbm>>) dst(%arg5 : memref<128xi32, #tpu.memory_space<vmem>>)
      tpu.yield
    }) : () -> ()
    %dma_start3A = arith.constant 0 : i32
    %dma_start3A_3 = arith.constant 0 : i32
    %dma_start3A_4 = tpu.memref_slice %arg2[%dma_start3A, %dma_start3A_3] : memref<10000x128xf32, #tpu.memory_space<hbm>> -> memref<10000x128xf32, #tpu.memory_space<hbm>>
    tpu.enqueue_indirect_dma source(%dma_start3A_4 : memref<10000x128xf32, #tpu.memory_space<hbm>>) target(%arg7 : memref<128x128xf32, #tpu.memory_space<vmem>>) offsets(%arg5 : memref<128xi32, #tpu.memory_space<vmem>>) semaphore(%arg9 : memref<!tpu.dma_semaphore, #tpu.memory_space<semaphore_mem>>)
    %scan3A = arith.constant 0 : i32
    %scan3A_5 = arith.constant 0 : i32
    %scan3A_6 = arith.constant 10 : i32
    %scan3A_7 = arith.addi %scan3A_5, %scan3A_6 : i32
    %scan3A_8 = arith.constant 1 : i32
    scf.for %scan3A_10 = %scan3A_5 to %scan3A_7 step %scan3A_8  : i32 {
      %mul3A_11 = arith.constant 2 : i32
      %mul3A_12 = arith.muli %mul3A_11, %scan3A_10 : i32
      %add3A_13 = arith.constant 0 : i32
      %add3A_14 = arith.addi %mul3A_12, %add3A_13 : i32
      %mul3A_15 = arith.constant 32 : i32
      %mul3A_16 = arith.muli %add3A_14, %mul3A_15 : i32
      %add3A_17 = arith.addi %add3A, %mul3A_16 : i32
      %add3A_18 = arith.constant 32 : i32
      %add3A_19 = arith.addi %add3A_17, %add3A_18 : i32
      %lt3A = arith.constant 625 : i32
      %lt3A_20 = arith.cmpi slt, %add3A_19, %lt3A : i32
      %convert_element_type3A = arith.extui %lt3A_20 : i1 to i32
      %cond3A = arith.constant 0 : i32
      %cond3A_21 = arith.cmpi ne, %convert_element_type3A, %cond3A : i32
      scf.if %cond3A_21 {
        %mul3A_46 = arith.constant 128 : i32
        %mul3A_47 = arith.muli %add3A_19, %mul3A_46 : i32
        "tpu.region"() ({
          %run_scoped3A = tpu.sem_alloc : memref<!tpu.dma_semaphore, #tpu.memory_space<semaphore_mem>>
          %dma_start3A_51 = tpu.memref_slice %arg3[%mul3A_47] : memref<80000xi32, #tpu.memory_space<hbm>> -> memref<128xi32, #tpu.memory_space<hbm>>
          %dma_start3A_52 = tpu.memref_slice %arg3[%mul3A_47] : memref<80000xi32, #tpu.memory_space<hbm>> -> memref<128xi32, #tpu.memory_space<hbm>>
          tpu.enqueue_dma source(%dma_start3A_52 : memref<128xi32, #tpu.memory_space<hbm>>) target(%arg6 : memref<128xi32, #tpu.memory_space<vmem>>) target_semaphore(%run_scoped3A : memref<!tpu.dma_semaphore, #tpu.memory_space<semaphore_mem>>)
          %dma_wait3A = tpu.memref_slice %arg3[%mul3A_47] : memref<80000xi32, #tpu.memory_space<hbm>> -> memref<128xi32, #tpu.memory_space<hbm>>
          %dma_wait3A_53 = tpu.memref_slice %arg3[%mul3A_47] : memref<80000xi32, #tpu.memory_space<hbm>> -> memref<128xi32, #tpu.memory_space<hbm>>
          tpu.wait_dma2 semaphore(%run_scoped3A : memref<!tpu.dma_semaphore, #tpu.memory_space<semaphore_mem>>) src(%dma_wait3A_53 : memref<128xi32, #tpu.memory_space<hbm>>) dst(%arg6 : memref<128xi32, #tpu.memory_space<vmem>>)
          tpu.yield
        }) : () -> ()
        %dma_start3A_48 = arith.constant 0 : i32
        %dma_start3A_49 = arith.constant 0 : i32
        %dma_start3A_50 = tpu.memref_slice %arg2[%dma_start3A_48, %dma_start3A_49] : memref<10000x128xf32, #tpu.memory_space<hbm>> -> memref<10000x128xf32, #tpu.memory_space<hbm>>
        tpu.enqueue_indirect_dma source(%dma_start3A_50 : memref<10000x128xf32, #tpu.memory_space<hbm>>) target(%arg8 : memref<128x128xf32, #tpu.memory_space<vmem>>) offsets(%arg6 : memref<128xi32, #tpu.memory_space<vmem>>) semaphore(%arg10 : memref<!tpu.dma_semaphore, #tpu.memory_space<semaphore_mem>>)
      } else {
      }
      %lt3A_22 = arith.constant 625 : i32
      %lt3A_23 = arith.cmpi slt, %add3A_17, %lt3A_22 : i32
      %convert_element_type3A_24 = arith.extui %lt3A_23 : i1 to i32
      %cond3A_25 = arith.constant 0 : i32
      %cond3A_26 = arith.cmpi ne, %convert_element_type3A_24, %cond3A_25 : i32
      scf.if %cond3A_26 {
        %dma_wait3A = arith.constant 0 : i32
        %dma_wait3A_46 = arith.constant 0 : i32
        %dma_wait3A_47 = tpu.memref_slice %arg2[%dma_wait3A, %dma_wait3A_46] : memref<10000x128xf32, #tpu.memory_space<hbm>> -> memref<128x128xf32, #tpu.memory_space<hbm>>
        %dma_wait3A_48 = arith.constant 0 : i32
        %dma_wait3A_49 = arith.constant 0 : i32
        %dma_wait3A_50 = tpu.memref_slice %arg2[%dma_wait3A_48, %dma_wait3A_49] : memref<10000x128xf32, #tpu.memory_space<hbm>> -> memref<128x128xf32, #tpu.memory_space<hbm>>
        tpu.wait_dma2 semaphore(%arg9 : memref<!tpu.dma_semaphore, #tpu.memory_space<semaphore_mem>>) src(%dma_wait3A_50 : memref<128x128xf32, #tpu.memory_space<hbm>>) dst(%arg7 : memref<128x128xf32, #tpu.memory_space<vmem>>)
        %mul3A_51 = arith.constant 128 : i32
        %mul3A_52 = arith.muli %add3A_17, %mul3A_51 : i32
        "tpu.region"() ({
          %run_scoped3A = tpu.sem_alloc : memref<!tpu.dma_semaphore, #tpu.memory_space<semaphore_mem>>
          %dma_start3A_53 = arith.constant 0 : i32
          %dma_start3A_54 = tpu.memref_slice %arg4[%mul3A_52, %dma_start3A_53] : memref<80000x128xf32, #tpu.memory_space<hbm>> -> memref<128x128xf32, #tpu.memory_space<hbm>>
          %dma_start3A_55 = arith.constant 0 : i32
          %dma_start3A_56 = tpu.memref_slice %arg4[%mul3A_52, %dma_start3A_55] : memref<80000x128xf32, #tpu.memory_space<hbm>> -> memref<128x128xf32, #tpu.memory_space<hbm>>
          tpu.enqueue_dma source(%arg7 : memref<128x128xf32, #tpu.memory_space<vmem>>) target(%dma_start3A_56 : memref<128x128xf32, #tpu.memory_space<hbm>>) target_semaphore(%run_scoped3A : memref<!tpu.dma_semaphore, #tpu.memory_space<semaphore_mem>>)
          %dma_wait3A_57 = arith.constant 0 : i32
          %dma_wait3A_58 = tpu.memref_slice %arg4[%mul3A_52, %dma_wait3A_57] : memref<80000x128xf32, #tpu.memory_space<hbm>> -> memref<128x128xf32, #tpu.memory_space<hbm>>
          %dma_wait3A_59 = arith.constant 0 : i32
          %dma_wait3A_60 = tpu.memref_slice %arg4[%mul3A_52, %dma_wait3A_59] : memref<80000x128xf32, #tpu.memory_space<hbm>> -> memref<128x128xf32, #tpu.memory_space<hbm>>
          tpu.wait_dma2 semaphore(%run_scoped3A : memref<!tpu.dma_semaphore, #tpu.memory_space<semaphore_mem>>) src(%arg7 : memref<128x128xf32, #tpu.memory_space<vmem>>) dst(%dma_wait3A_60 : memref<128x128xf32, #tpu.memory_space<hbm>>)
          tpu.yield
        }) : () -> ()
      } else {
      }
      %mul3A_27 = arith.constant 2 : i32
      %mul3A_28 = arith.muli %mul3A_27, %scan3A_10 : i32
      %add3A_29 = arith.constant 1 : i32
      %add3A_30 = arith.addi %mul3A_28, %add3A_29 : i32
      %mul3A_31 = arith.constant 32 : i32
      %mul3A_32 = arith.muli %add3A_30, %mul3A_31 : i32
      %add3A_33 = arith.addi %add3A, %mul3A_32 : i32
      %add3A_34 = arith.constant 32 : i32
      %add3A_35 = arith.addi %add3A_33, %add3A_34 : i32
      %lt3A_36 = arith.constant 625 : i32
      %lt3A_37 = arith.cmpi slt, %add3A_35, %lt3A_36 : i32
      %convert_element_type3A_38 = arith.extui %lt3A_37 : i1 to i32
      %cond3A_39 = arith.constant 0 : i32
      %cond3A_40 = arith.cmpi ne, %convert_element_type3A_38, %cond3A_39 : i32
      scf.if %cond3A_40 {
        %mul3A_46 = arith.constant 128 : i32
        %mul3A_47 = arith.muli %add3A_35, %mul3A_46 : i32
        "tpu.region"() ({
          %run_scoped3A = tpu.sem_alloc : memref<!tpu.dma_semaphore, #tpu.memory_space<semaphore_mem>>
          %dma_start3A_51 = tpu.memref_slice %arg3[%mul3A_47] : memref<80000xi32, #tpu.memory_space<hbm>> -> memref<128xi32, #tpu.memory_space<hbm>>
          %dma_start3A_52 = tpu.memref_slice %arg3[%mul3A_47] : memref<80000xi32, #tpu.memory_space<hbm>> -> memref<128xi32, #tpu.memory_space<hbm>>
          tpu.enqueue_dma source(%dma_start3A_52 : memref<128xi32, #tpu.memory_space<hbm>>) target(%arg5 : memref<128xi32, #tpu.memory_space<vmem>>) target_semaphore(%run_scoped3A : memref<!tpu.dma_semaphore, #tpu.memory_space<semaphore_mem>>)
          %dma_wait3A = tpu.memref_slice %arg3[%mul3A_47] : memref<80000xi32, #tpu.memory_space<hbm>> -> memref<128xi32, #tpu.memory_space<hbm>>
          %dma_wait3A_53 = tpu.memref_slice %arg3[%mul3A_47] : memref<80000xi32, #tpu.memory_space<hbm>> -> memref<128xi32, #tpu.memory_space<hbm>>
          tpu.wait_dma2 semaphore(%run_scoped3A : memref<!tpu.dma_semaphore, #tpu.memory_space<semaphore_mem>>) src(%dma_wait3A_53 : memref<128xi32, #tpu.memory_space<hbm>>) dst(%arg5 : memref<128xi32, #tpu.memory_space<vmem>>)
          tpu.yield
        }) : () -> ()
        %dma_start3A_48 = arith.constant 0 : i32
        %dma_start3A_49 = arith.constant 0 : i32
        %dma_start3A_50 = tpu.memref_slice %arg2[%dma_start3A_48, %dma_start3A_49] : memref<10000x128xf32, #tpu.memory_space<hbm>> -> memref<10000x128xf32, #tpu.memory_space<hbm>>
        tpu.enqueue_indirect_dma source(%dma_start3A_50 : memref<10000x128xf32, #tpu.memory_space<hbm>>) target(%arg7 : memref<128x128xf32, #tpu.memory_space<vmem>>) offsets(%arg5 : memref<128xi32, #tpu.memory_space<vmem>>) semaphore(%arg9 : memref<!tpu.dma_semaphore, #tpu.memory_space<semaphore_mem>>)
      } else {
      }
      %lt3A_41 = arith.constant 625 : i32
      %lt3A_42 = arith.cmpi slt, %add3A_33, %lt3A_41 : i32
      %convert_element_type3A_43 = arith.extui %lt3A_42 : i1 to i32
      %cond3A_44 = arith.constant 0 : i32
      %cond3A_45 = arith.cmpi ne, %convert_element_type3A_43, %cond3A_44 : i32
      scf.if %cond3A_45 {
        %dma_wait3A = arith.constant 0 : i32
        %dma_wait3A_46 = arith.constant 0 : i32
        %dma_wait3A_47 = tpu.memref_slice %arg2[%dma_wait3A, %dma_wait3A_46] : memref<10000x128xf32, #tpu.memory_space<hbm>> -> memref<128x128xf32, #tpu.memory_space<hbm>>
        %dma_wait3A_48 = arith.constant 0 : i32
        %dma_wait3A_49 = arith.constant 0 : i32
        %dma_wait3A_50 = tpu.memref_slice %arg2[%dma_wait3A_48, %dma_wait3A_49] : memref<10000x128xf32, #tpu.memory_space<hbm>> -> memref<128x128xf32, #tpu.memory_space<hbm>>
        tpu.wait_dma2 semaphore(%arg10 : memref<!tpu.dma_semaphore, #tpu.memory_space<semaphore_mem>>) src(%dma_wait3A_50 : memref<128x128xf32, #tpu.memory_space<hbm>>) dst(%arg8 : memref<128x128xf32, #tpu.memory_space<vmem>>)
        %mul3A_51 = arith.constant 128 : i32
        %mul3A_52 = arith.muli %add3A_33, %mul3A_51 : i32
        "tpu.region"() ({
          %run_scoped3A = tpu.sem_alloc : memref<!tpu.dma_semaphore, #tpu.memory_space<semaphore_mem>>
          %dma_start3A_53 = arith.constant 0 : i32
          %dma_start3A_54 = tpu.memref_slice %arg4[%mul3A_52, %dma_start3A_53] : memref<80000x128xf32, #tpu.memory_space<hbm>> -> memref<128x128xf32, #tpu.memory_space<hbm>>
          %dma_start3A_55 = arith.constant 0 : i32
          %dma_start3A_56 = tpu.memref_slice %arg4[%mul3A_52, %dma_start3A_55] : memref<80000x128xf32, #tpu.memory_space<hbm>> -> memref<128x128xf32, #tpu.memory_space<hbm>>
          tpu.enqueue_dma source(%arg8 : memref<128x128xf32, #tpu.memory_space<vmem>>) target(%dma_start3A_56 : memref<128x128xf32, #tpu.memory_space<hbm>>) target_semaphore(%run_scoped3A : memref<!tpu.dma_semaphore, #tpu.memory_space<semaphore_mem>>)
          %dma_wait3A_57 = arith.constant 0 : i32
          %dma_wait3A_58 = tpu.memref_slice %arg4[%mul3A_52, %dma_wait3A_57] : memref<80000x128xf32, #tpu.memory_space<hbm>> -> memref<128x128xf32, #tpu.memory_space<hbm>>
          %dma_wait3A_59 = arith.constant 0 : i32
          %dma_wait3A_60 = tpu.memref_slice %arg4[%mul3A_52, %dma_wait3A_59] : memref<80000x128xf32, #tpu.memory_space<hbm>> -> memref<128x128xf32, #tpu.memory_space<hbm>>
          tpu.wait_dma2 semaphore(%run_scoped3A : memref<!tpu.dma_semaphore, #tpu.memory_space<semaphore_mem>>) src(%arg8 : memref<128x128xf32, #tpu.memory_space<vmem>>) dst(%dma_wait3A_60 : memref<128x128xf32, #tpu.memory_space<hbm>>)
          tpu.yield
        }) : () -> ()
      } else {
      }
    }
    %scan3A_9 = arith.constant 10 : i32
    return
  }
}

#map = affine_map<(d0, d1) -> (0, 0)>
#map1 = affine_map<(d0, d1) -> (0)>
module attributes {stable_mosaic.version = 14 : i64} {
  func.func @_sc_gather_body(%arg0: i32, %arg1: i32, %arg2: memref<10000x128xf32, #tpu.memory_space<hbm>>, %arg3: memref<80000xi32, #tpu.memory_space<hbm>>, %arg4: memref<80000x128xf32, #tpu.memory_space<hbm>>, %arg5: memref<128xi32, #tpu.memory_space<vmem>>, %arg6: memref<128xi32, #tpu.memory_space<vmem>>, %arg7: memref<128x128xf32, #tpu.memory_space<vmem>>, %arg8: memref<128x128xf32, #tpu.memory_space<vmem>>, %arg9: memref<!tpu.dma_semaphore, #tpu.memory_space<semaphore_mem>>, %arg10: memref<!tpu.dma_semaphore, #tpu.memory_space<semaphore_mem>>) attributes {dimension_semantics = [#tpu.dimension_semantics<core_parallel>, #tpu.dimension_semantics<subcore_parallel>], iteration_bounds = array<i64: 2, 16>, scalar_prefetch = 0 : i64, scratch_operands = 6 : i64, tpu.core_type = #tpu.core_type<sc_vector_subcore>, window_params = [{transform_indices = #map}, {transform_indices = #map1}, {transform_indices = #map}]} {
    %mul3A = arith.constant 2 : i32
    %mul3A_0 = arith.muli %arg1, %mul3A : i32
    %add3A = arith.addi %mul3A_0, %arg0 : i32
    %mul3A_1 = arith.constant 128 : i32
    %mul3A_2 = arith.muli %add3A, %mul3A_1 : i32
    "tpu.region"() ({
      %run_scoped3A = tpu.sem_alloc : memref<!tpu.dma_semaphore, #tpu.memory_space<semaphore_mem>>
      %dma_start3A_10 = tpu.memref_slice %arg3[%mul3A_2] : memref<80000xi32, #tpu.memory_space<hbm>> -> memref<128xi32, #tpu.memory_space<hbm>>
      %dma_start3A_11 = tpu.memref_slice %arg3[%mul3A_2] : memref<80000xi32, #tpu.memory_space<hbm>> -> memref<128xi32, #tpu.memory_space<hbm>>
      tpu.enqueue_dma source(%dma_start3A_11 : memref<128xi32, #tpu.memory_space<hbm>>) target(%arg5 : memref<128xi32, #tpu.memory_space<vmem>>) target_semaphore(%run_scoped3A : memref<!tpu.dma_semaphore, #tpu.memory_space<semaphore_mem>>)
      %dma_wait3A = tpu.memref_slice %arg3[%mul3A_2] : memref<80000xi32, #tpu.memory_space<hbm>> -> memref<128xi32, #tpu.memory_space<hbm>>
      %dma_wait3A_12 = tpu.memref_slice %arg3[%mul3A_2] : memref<80000xi32, #tpu.memory_space<hbm>> -> memref<128xi32, #tpu.memory_space<hbm>>
      tpu.wait_dma2 semaphore(%run_scoped3A : memref<!tpu.dma_semaphore, #tpu.memory_space<semaphore_mem>>) src(%dma_wait3A_12 : memref<128xi32, #tpu.memory_space<hbm>>) dst(%arg5 : memref<128xi32, #tpu.memory_space<vmem>>)
      tpu.yield
    }) : () -> ()
    %dma_start3A = arith.constant 0 : i32
    %dma_start3A_3 = arith.constant 0 : i32
    %dma_start3A_4 = tpu.memref_slice %arg2[%dma_start3A, %dma_start3A_3] : memref<10000x128xf32, #tpu.memory_space<hbm>> -> memref<10000x128xf32, #tpu.memory_space<hbm>>
    tpu.enqueue_indirect_dma source(%dma_start3A_4 : memref<10000x128xf32, #tpu.memory_space<hbm>>) target(%arg7 : memref<128x128xf32, #tpu.memory_space<vmem>>) offsets(%arg5 : memref<128xi32, #tpu.memory_space<vmem>>) semaphore(%arg9 : memref<!tpu.dma_semaphore, #tpu.memory_space<semaphore_mem>>)
    %scan3A = arith.constant 0 : i32
    %scan3A_5 = arith.constant 0 : i32
    %scan3A_6 = arith.constant 10 : i32
    %scan3A_7 = arith.addi %scan3A_5, %scan3A_6 : i32
    %scan3A_8 = arith.constant 1 : i32
    scf.for %scan3A_10 = %scan3A_5 to %scan3A_7 step %scan3A_8  : i32 {
      %mul3A_11 = arith.constant 2 : i32
      %mul3A_12 = arith.muli %mul3A_11, %scan3A_10 : i32
      %add3A_13 = arith.constant 0 : i32
      %add3A_14 = arith.addi %mul3A_12, %add3A_13 : i32
      %mul3A_15 = arith.constant 32 : i32
      %mul3A_16 = arith.muli %add3A_14, %mul3A_15 : i32
      %add3A_17 = arith.addi %add3A, %mul3A_16 : i32
      %add3A_18 = arith.constant 32 : i32
      %add3A_19 = arith.addi %add3A_17, %add3A_18 : i32
      %lt3A = arith.constant 625 : i32
      %lt3A_20 = arith.cmpi slt, %add3A_19, %lt3A : i32
      %convert_element_type3A = arith.extui %lt3A_20 : i1 to i32
      %cond3A = arith.constant 0 : i32
      %cond3A_21 = arith.cmpi ne, %convert_element_type3A, %cond3A : i32
      scf.if %cond3A_21 {
        %mul3A_46 = arith.constant 128 : i32
        %mul3A_47 = arith.muli %add3A_19, %mul3A_46 : i32
        "tpu.region"() ({
          %run_scoped3A = tpu.sem_alloc : memref<!tpu.dma_semaphore, #tpu.memory_space<semaphore_mem>>
          %dma_start3A_51 = tpu.memref_slice %arg3[%mul3A_47] : memref<80000xi32, #tpu.memory_space<hbm>> -> memref<128xi32, #tpu.memory_space<hbm>>
          %dma_start3A_52 = tpu.memref_slice %arg3[%mul3A_47] : memref<80000xi32, #tpu.memory_space<hbm>> -> memref<128xi32, #tpu.memory_space<hbm>>
          tpu.enqueue_dma source(%dma_start3A_52 : memref<128xi32, #tpu.memory_space<hbm>>) target(%arg6 : memref<128xi32, #tpu.memory_space<vmem>>) target_semaphore(%run_scoped3A : memref<!tpu.dma_semaphore, #tpu.memory_space<semaphore_mem>>)
          %dma_wait3A = tpu.memref_slice %arg3[%mul3A_47] : memref<80000xi32, #tpu.memory_space<hbm>> -> memref<128xi32, #tpu.memory_space<hbm>>
          %dma_wait3A_53 = tpu.memref_slice %arg3[%mul3A_47] : memref<80000xi32, #tpu.memory_space<hbm>> -> memref<128xi32, #tpu.memory_space<hbm>>
          tpu.wait_dma2 semaphore(%run_scoped3A : memref<!tpu.dma_semaphore, #tpu.memory_space<semaphore_mem>>) src(%dma_wait3A_53 : memref<128xi32, #tpu.memory_space<hbm>>) dst(%arg6 : memref<128xi32, #tpu.memory_space<vmem>>)
          tpu.yield
        }) : () -> ()
        %dma_start3A_48 = arith.constant 0 : i32
        %dma_start3A_49 = arith.constant 0 : i32
        %dma_start3A_50 = tpu.memref_slice %arg2[%dma_start3A_48, %dma_start3A_49] : memref<10000x128xf32, #tpu.memory_space<hbm>> -> memref<10000x128xf32, #tpu.memory_space<hbm>>
        tpu.enqueue_indirect_dma source(%dma_start3A_50 : memref<10000x128xf32, #tpu.memory_space<hbm>>) target(%arg8 : memref<128x128xf32, #tpu.memory_space<vmem>>) offsets(%arg6 : memref<128xi32, #tpu.memory_space<vmem>>) semaphore(%arg10 : memref<!tpu.dma_semaphore, #tpu.memory_space<semaphore_mem>>)
      } else {
      }
      %lt3A_22 = arith.constant 625 : i32
      %lt3A_23 = arith.cmpi slt, %add3A_17, %lt3A_22 : i32
      %convert_element_type3A_24 = arith.extui %lt3A_23 : i1 to i32
      %cond3A_25 = arith.constant 0 : i32
      %cond3A_26 = arith.cmpi ne, %convert_element_type3A_24, %cond3A_25 : i32
      scf.if %cond3A_26 {
        %dma_wait3A = arith.constant 0 : i32
        %dma_wait3A_46 = arith.constant 0 : i32
        %dma_wait3A_47 = tpu.memref_slice %arg2[%dma_wait3A, %dma_wait3A_46] : memref<10000x128xf32, #tpu.memory_space<hbm>> -> memref<128x128xf32, #tpu.memory_space<hbm>>
        %dma_wait3A_48 = arith.constant 0 : i32
        %dma_wait3A_49 = arith.constant 0 : i32
        %dma_wait3A_50 = tpu.memref_slice %arg2[%dma_wait3A_48, %dma_wait3A_49] : memref<10000x128xf32, #tpu.memory_space<hbm>> -> memref<128x128xf32, #tpu.memory_space<hbm>>
        tpu.wait_dma2 semaphore(%arg9 : memref<!tpu.dma_semaphore, #tpu.memory_space<semaphore_mem>>) src(%dma_wait3A_50 : memref<128x128xf32, #tpu.memory_space<hbm>>) dst(%arg7 : memref<128x128xf32, #tpu.memory_space<vmem>>)
        %mul3A_51 = arith.constant 128 : i32
        %mul3A_52 = arith.muli %add3A_17, %mul3A_51 : i32
        "tpu.region"() ({
          %run_scoped3A = tpu.sem_alloc : memref<!tpu.dma_semaphore, #tpu.memory_space<semaphore_mem>>
          %dma_start3A_53 = arith.constant 0 : i32
          %dma_start3A_54 = tpu.memref_slice %arg4[%mul3A_52, %dma_start3A_53] : memref<80000x128xf32, #tpu.memory_space<hbm>> -> memref<128x128xf32, #tpu.memory_space<hbm>>
          %dma_start3A_55 = arith.constant 0 : i32
          %dma_start3A_56 = tpu.memref_slice %arg4[%mul3A_52, %dma_start3A_55] : memref<80000x128xf32, #tpu.memory_space<hbm>> -> memref<128x128xf32, #tpu.memory_space<hbm>>
          tpu.enqueue_dma source(%arg7 : memref<128x128xf32, #tpu.memory_space<vmem>>) target(%dma_start3A_56 : memref<128x128xf32, #tpu.memory_space<hbm>>) target_semaphore(%run_scoped3A : memref<!tpu.dma_semaphore, #tpu.memory_space<semaphore_mem>>)
          %dma_wait3A_57 = arith.constant 0 : i32
          %dma_wait3A_58 = tpu.memref_slice %arg4[%mul3A_52, %dma_wait3A_57] : memref<80000x128xf32, #tpu.memory_space<hbm>> -> memref<128x128xf32, #tpu.memory_space<hbm>>
          %dma_wait3A_59 = arith.constant 0 : i32
          %dma_wait3A_60 = tpu.memref_slice %arg4[%mul3A_52, %dma_wait3A_59] : memref<80000x128xf32, #tpu.memory_space<hbm>> -> memref<128x128xf32, #tpu.memory_space<hbm>>
          tpu.wait_dma2 semaphore(%run_scoped3A : memref<!tpu.dma_semaphore, #tpu.memory_space<semaphore_mem>>) src(%arg7 : memref<128x128xf32, #tpu.memory_space<vmem>>) dst(%dma_wait3A_60 : memref<128x128xf32, #tpu.memory_space<hbm>>)
          tpu.yield
        }) : () -> ()
      } else {
      }
      %mul3A_27 = arith.constant 2 : i32
      %mul3A_28 = arith.muli %mul3A_27, %scan3A_10 : i32
      %add3A_29 = arith.constant 1 : i32
      %add3A_30 = arith.addi %mul3A_28, %add3A_29 : i32
      %mul3A_31 = arith.constant 32 : i32
      %mul3A_32 = arith.muli %add3A_30, %mul3A_31 : i32
      %add3A_33 = arith.addi %add3A, %mul3A_32 : i32
      %add3A_34 = arith.constant 32 : i32
      %add3A_35 = arith.addi %add3A_33, %add3A_34 : i32
      %lt3A_36 = arith.constant 625 : i32
      %lt3A_37 = arith.cmpi slt, %add3A_35, %lt3A_36 : i32
      %convert_element_type3A_38 = arith.extui %lt3A_37 : i1 to i32
      %cond3A_39 = arith.constant 0 : i32
      %cond3A_40 = arith.cmpi ne, %convert_element_type3A_38, %cond3A_39 : i32
      scf.if %cond3A_40 {
        %mul3A_46 = arith.constant 128 : i32
        %mul3A_47 = arith.muli %add3A_35, %mul3A_46 : i32
        "tpu.region"() ({
          %run_scoped3A = tpu.sem_alloc : memref<!tpu.dma_semaphore, #tpu.memory_space<semaphore_mem>>
          %dma_start3A_51 = tpu.memref_slice %arg3[%mul3A_47] : memref<80000xi32, #tpu.memory_space<hbm>> -> memref<128xi32, #tpu.memory_space<hbm>>
          %dma_start3A_52 = tpu.memref_slice %arg3[%mul3A_47] : memref<80000xi32, #tpu.memory_space<hbm>> -> memref<128xi32, #tpu.memory_space<hbm>>
          tpu.enqueue_dma source(%dma_start3A_52 : memref<128xi32, #tpu.memory_space<hbm>>) target(%arg5 : memref<128xi32, #tpu.memory_space<vmem>>) target_semaphore(%run_scoped3A : memref<!tpu.dma_semaphore, #tpu.memory_space<semaphore_mem>>)
          %dma_wait3A = tpu.memref_slice %arg3[%mul3A_47] : memref<80000xi32, #tpu.memory_space<hbm>> -> memref<128xi32, #tpu.memory_space<hbm>>
          %dma_wait3A_53 = tpu.memref_slice %arg3[%mul3A_47] : memref<80000xi32, #tpu.memory_space<hbm>> -> memref<128xi32, #tpu.memory_space<hbm>>
          tpu.wait_dma2 semaphore(%run_scoped3A : memref<!tpu.dma_semaphore, #tpu.memory_space<semaphore_mem>>) src(%dma_wait3A_53 : memref<128xi32, #tpu.memory_space<hbm>>) dst(%arg5 : memref<128xi32, #tpu.memory_space<vmem>>)
          tpu.yield
        }) : () -> ()
        %dma_start3A_48 = arith.constant 0 : i32
        %dma_start3A_49 = arith.constant 0 : i32
        %dma_start3A_50 = tpu.memref_slice %arg2[%dma_start3A_48, %dma_start3A_49] : memref<10000x128xf32, #tpu.memory_space<hbm>> -> memref<10000x128xf32, #tpu.memory_space<hbm>>
        tpu.enqueue_indirect_dma source(%dma_start3A_50 : memref<10000x128xf32, #tpu.memory_space<hbm>>) target(%arg7 : memref<128x128xf32, #tpu.memory_space<vmem>>) offsets(%arg5 : memref<128xi32, #tpu.memory_space<vmem>>) semaphore(%arg9 : memref<!tpu.dma_semaphore, #tpu.memory_space<semaphore_mem>>)
      } else {
      }
      %lt3A_41 = arith.constant 625 : i32
      %lt3A_42 = arith.cmpi slt, %add3A_33, %lt3A_41 : i32
      %convert_element_type3A_43 = arith.extui %lt3A_42 : i1 to i32
      %cond3A_44 = arith.constant 0 : i32
      %cond3A_45 = arith.cmpi ne, %convert_element_type3A_43, %cond3A_44 : i32
      scf.if %cond3A_45 {
        %dma_wait3A = arith.constant 0 : i32
        %dma_wait3A_46 = arith.constant 0 : i32
        %dma_wait3A_47 = tpu.memref_slice %arg2[%dma_wait3A, %dma_wait3A_46] : memref<10000x128xf32, #tpu.memory_space<hbm>> -> memref<128x128xf32, #tpu.memory_space<hbm>>
        %dma_wait3A_48 = arith.constant 0 : i32
        %dma_wait3A_49 = arith.constant 0 : i32
        %dma_wait3A_50 = tpu.memref_slice %arg2[%dma_wait3A_48, %dma_wait3A_49] : memref<10000x128xf32, #tpu.memory_space<hbm>> -> memref<128x128xf32, #tpu.memory_space<hbm>>
        tpu.wait_dma2 semaphore(%arg10 : memref<!tpu.dma_semaphore, #tpu.memory_space<semaphore_mem>>) src(%dma_wait3A_50 : memref<128x128xf32, #tpu.memory_space<hbm>>) dst(%arg8 : memref<128x128xf32, #tpu.memory_space<vmem>>)
        %mul3A_51 = arith.constant 128 : i32
        %mul3A_52 = arith.muli %add3A_33, %mul3A_51 : i32
        "tpu.region"() ({
          %run_scoped3A = tpu.sem_alloc : memref<!tpu.dma_semaphore, #tpu.memory_space<semaphore_mem>>
          %dma_start3A_53 = arith.constant 0 : i32
          %dma_start3A_54 = tpu.memref_slice %arg4[%mul3A_52, %dma_start3A_53] : memref<80000x128xf32, #tpu.memory_space<hbm>> -> memref<128x128xf32, #tpu.memory_space<hbm>>
          %dma_start3A_55 = arith.constant 0 : i32
          %dma_start3A_56 = tpu.memref_slice %arg4[%mul3A_52, %dma_start3A_55] : memref<80000x128xf32, #tpu.memory_space<hbm>> -> memref<128x128xf32, #tpu.memory_space<hbm>>
          tpu.enqueue_dma source(%arg8 : memref<128x128xf32, #tpu.memory_space<vmem>>) target(%dma_start3A_56 : memref<128x128xf32, #tpu.memory_space<hbm>>) target_semaphore(%run_scoped3A : memref<!tpu.dma_semaphore, #tpu.memory_space<semaphore_mem>>)
          %dma_wait3A_57 = arith.constant 0 : i32
          %dma_wait3A_58 = tpu.memref_slice %arg4[%mul3A_52, %dma_wait3A_57] : memref<80000x128xf32, #tpu.memory_space<hbm>> -> memref<128x128xf32, #tpu.memory_space<hbm>>
          %dma_wait3A_59 = arith.constant 0 : i32
          %dma_wait3A_60 = tpu.memref_slice %arg4[%mul3A_52, %dma_wait3A_59] : memref<80000x128xf32, #tpu.memory_space<hbm>> -> memref<128x128xf32, #tpu.memory_space<hbm>>
          tpu.wait_dma2 semaphore(%run_scoped3A : memref<!tpu.dma_semaphore, #tpu.memory_space<semaphore_mem>>) src(%arg8 : memref<128x128xf32, #tpu.memory_space<vmem>>) dst(%dma_wait3A_60 : memref<128x128xf32, #tpu.memory_space<hbm>>)
          tpu.yield
        }) : () -> ()
      } else {
      }
    }
    %scan3A_9 = arith.constant 10 : i32
    return
  }
}

#map = affine_map<(d0, d1) -> (0, 0)>
#map1 = affine_map<(d0, d1) -> (0)>
#map2 = affine_map<(d0, d1) -> (0, 0, 0)>
module attributes {stable_mosaic.version = 14 : i64} {
  func.func @_sc_scatter_body(%arg0: i32, %arg1: i32, %arg2: memref<80000x128xf32, #tpu.memory_space<hbm>>, %arg3: memref<80000x128xf32, #tpu.memory_space<hbm>>, %arg4: memref<80000xi32, #tpu.memory_space<hbm>>, %arg5: memref<80000xi32, #tpu.memory_space<hbm>>, %arg6: memref<2x10240x128xf32, #tpu.memory_space<hbm>>, %arg7: memref<128xi32, #tpu.memory_space<vmem>>, %arg8: memref<128xi32, #tpu.memory_space<vmem>>, %arg9: memref<128x128xf32, #tpu.memory_space<vmem>>, %arg10: memref<128x128xf32, #tpu.memory_space<vmem>>, %arg11: memref<!tpu.dma_semaphore, #tpu.memory_space<semaphore_mem>>, %arg12: memref<!tpu.dma_semaphore, #tpu.memory_space<semaphore_mem>>, %arg13: memref<!tpu.dma_semaphore, #tpu.memory_space<semaphore_mem>>, %arg14: memref<!tpu.dma_semaphore, #tpu.memory_space<semaphore_mem>>, %arg15: memref<10240x128xf32, #tpu.memory_space<vmem_shared>>) attributes {dimension_semantics = [#tpu.dimension_semantics<core_parallel>, #tpu.dimension_semantics<subcore_parallel>], iteration_bounds = array<i64: 2, 16>, scalar_prefetch = 0 : i64, scratch_operands = 9 : i64, tpu.core_type = #tpu.core_type<sc_vector_subcore>, window_params = [{transform_indices = #map}, {transform_indices = #map}, {transform_indices = #map1}, {transform_indices = #map1}, {transform_indices = #map2}]} {
    %scan3A = arith.constant 0 : i32
    %scan3A_0 = arith.constant 0 : i32
    %scan3A_1 = arith.constant 128 : i32
    %scan3A_2 = arith.addi %scan3A_0, %scan3A_1 : i32
    %scan3A_3 = arith.constant 1 : i32
    scf.for %scan3A_31 = %scan3A_0 to %scan3A_2 step %scan3A_3  : i32 {
      %broadcast_in_dim3A = arith.constant 0.000000e+00 : f32
      %broadcast_in_dim3A_32 = vector.broadcast %broadcast_in_dim3A : f32 to vector<16xf32>
      %swap3A = arith.index_cast %scan3A_31 : i32 to index
      %swap3A_33 = arith.constant 0 : index
      %swap3A_34 = tpu.vector_load %arg9[%swap3A, %swap3A_33] {strides = array<i32>} : memref<128x128xf32, #tpu.memory_space<vmem>>, vector<1x16xf32>,
      %swap3A_35 = vector.shape_cast %swap3A_34 : vector<1x16xf32> to vector<16xf32>
      %swap3A_36 = vector.shape_cast %broadcast_in_dim3A_32 : vector<16xf32> to vector<1x16xf32>
      tpu.vector_store %arg9[%swap3A, %swap3A_33], %swap3A_36 {strides = array<i32>} : memref<128x128xf32, #tpu.memory_space<vmem>>, vector<1x16xf32>,
      %broadcast_in_dim3A_37 = arith.constant 0.000000e+00 : f32
      %broadcast_in_dim3A_38 = vector.broadcast %broadcast_in_dim3A_37 : f32 to vector<16xf32>
      %swap3A_39 = arith.index_cast %scan3A_31 : i32 to index
      %swap3A_40 = arith.constant 16 : index
      %swap3A_41 = tpu.vector_load %arg9[%swap3A_39, %swap3A_40] {strides = array<i32>} : memref<128x128xf32, #tpu.memory_space<vmem>>, vector<1x16xf32>,
      %swap3A_42 = vector.shape_cast %swap3A_41 : vector<1x16xf32> to vector<16xf32>
      %swap3A_43 = vector.shape_cast %broadcast_in_dim3A_38 : vector<16xf32> to vector<1x16xf32>
      tpu.vector_store %arg9[%swap3A_39, %swap3A_40], %swap3A_43 {strides = array<i32>} : memref<128x128xf32, #tpu.memory_space<vmem>>, vector<1x16xf32>,
      %broadcast_in_dim3A_44 = arith.constant 0.000000e+00 : f32
      %broadcast_in_dim3A_45 = vector.broadcast %broadcast_in_dim3A_44 : f32 to vector<16xf32>
      %swap3A_46 = arith.index_cast %scan3A_31 : i32 to index
      %swap3A_47 = arith.constant 32 : index
      %swap3A_48 = tpu.vector_load %arg9[%swap3A_46, %swap3A_47] {strides = array<i32>} : memref<128x128xf32, #tpu.memory_space<vmem>>, vector<1x16xf32>,
      %swap3A_49 = vector.shape_cast %swap3A_48 : vector<1x16xf32> to vector<16xf32>
      %swap3A_50 = vector.shape_cast %broadcast_in_dim3A_45 : vector<16xf32> to vector<1x16xf32>
      tpu.vector_store %arg9[%swap3A_46, %swap3A_47], %swap3A_50 {strides = array<i32>} : memref<128x128xf32, #tpu.memory_space<vmem>>, vector<1x16xf32>,
      %broadcast_in_dim3A_51 = arith.constant 0.000000e+00 : f32
      %broadcast_in_dim3A_52 = vector.broadcast %broadcast_in_dim3A_51 : f32 to vector<16xf32>
      %swap3A_53 = arith.index_cast %scan3A_31 : i32 to index
      %swap3A_54 = arith.constant 48 : index
      %swap3A_55 = tpu.vector_load %arg9[%swap3A_53, %swap3A_54] {strides = array<i32>} : memref<128x128xf32, #tpu.memory_space<vmem>>, vector<1x16xf32>,
      %swap3A_56 = vector.shape_cast %swap3A_55 : vector<1x16xf32> to vector<16xf32>
      %swap3A_57 = vector.shape_cast %broadcast_in_dim3A_52 : vector<16xf32> to vector<1x16xf32>
      tpu.vector_store %arg9[%swap3A_53, %swap3A_54], %swap3A_57 {strides = array<i32>} : memref<128x128xf32, #tpu.memory_space<vmem>>, vector<1x16xf32>,
      %broadcast_in_dim3A_58 = arith.constant 0.000000e+00 : f32
      %broadcast_in_dim3A_59 = vector.broadcast %broadcast_in_dim3A_58 : f32 to vector<16xf32>
      %swap3A_60 = arith.index_cast %scan3A_31 : i32 to index
      %swap3A_61 = arith.constant 64 : index
      %swap3A_62 = tpu.vector_load %arg9[%swap3A_60, %swap3A_61] {strides = array<i32>} : memref<128x128xf32, #tpu.memory_space<vmem>>, vector<1x16xf32>,
      %swap3A_63 = vector.shape_cast %swap3A_62 : vector<1x16xf32> to vector<16xf32>
      %swap3A_64 = vector.shape_cast %broadcast_in_dim3A_59 : vector<16xf32> to vector<1x16xf32>
      tpu.vector_store %arg9[%swap3A_60, %swap3A_61], %swap3A_64 {strides = array<i32>} : memref<128x128xf32, #tpu.memory_space<vmem>>, vector<1x16xf32>,
      %broadcast_in_dim3A_65 = arith.constant 0.000000e+00 : f32
      %broadcast_in_dim3A_66 = vector.broadcast %broadcast_in_dim3A_65 : f32 to vector<16xf32>
      %swap3A_67 = arith.index_cast %scan3A_31 : i32 to index
      %swap3A_68 = arith.constant 80 : index
      %swap3A_69 = tpu.vector_load %arg9[%swap3A_67, %swap3A_68] {strides = array<i32>} : memref<128x128xf32, #tpu.memory_space<vmem>>, vector<1x16xf32>,
      %swap3A_70 = vector.shape_cast %swap3A_69 : vector<1x16xf32> to vector<16xf32>
      %swap3A_71 = vector.shape_cast %broadcast_in_dim3A_66 : vector<16xf32> to vector<1x16xf32>
      tpu.vector_store %arg9[%swap3A_67, %swap3A_68], %swap3A_71 {strides = array<i32>} : memref<128x128xf32, #tpu.memory_space<vmem>>, vector<1x16xf32>,
      %broadcast_in_dim3A_72 = arith.constant 0.000000e+00 : f32
      %broadcast_in_dim3A_73 = vector.broadcast %broadcast_in_dim3A_72 : f32 to vector<16xf32>
      %swap3A_74 = arith.index_cast %scan3A_31 : i32 to index
      %swap3A_75 = arith.constant 96 : index
      %swap3A_76 = tpu.vector_load %arg9[%swap3A_74, %swap3A_75] {strides = array<i32>} : memref<128x128xf32, #tpu.memory_space<vmem>>, vector<1x16xf32>,
      %swap3A_77 = vector.shape_cast %swap3A_76 : vector<1x16xf32> to vector<16xf32>
      %swap3A_78 = vector.shape_cast %broadcast_in_dim3A_73 : vector<16xf32> to vector<1x16xf32>
      tpu.vector_store %arg9[%swap3A_74, %swap3A_75], %swap3A_78 {strides = array<i32>} : memref<128x128xf32, #tpu.memory_space<vmem>>, vector<1x16xf32>,
      %broadcast_in_dim3A_79 = arith.constant 0.000000e+00 : f32
      %broadcast_in_dim3A_80 = vector.broadcast %broadcast_in_dim3A_79 : f32 to vector<16xf32>
      %swap3A_81 = arith.index_cast %scan3A_31 : i32 to index
      %swap3A_82 = arith.constant 112 : index
      %swap3A_83 = tpu.vector_load %arg9[%swap3A_81, %swap3A_82] {strides = array<i32>} : memref<128x128xf32, #tpu.memory_space<vmem>>, vector<1x16xf32>,
      %swap3A_84 = vector.shape_cast %swap3A_83 : vector<1x16xf32> to vector<16xf32>
      %swap3A_85 = vector.shape_cast %broadcast_in_dim3A_80 : vector<16xf32> to vector<1x16xf32>
      tpu.vector_store %arg9[%swap3A_81, %swap3A_82], %swap3A_85 {strides = array<i32>} : memref<128x128xf32, #tpu.memory_space<vmem>>, vector<1x16xf32>,
    }
    %scan3A_4 = arith.constant 128 : i32
    %mul3A = arith.constant 640 : i32
    %mul3A_5 = arith.muli %arg1, %mul3A : i32
    %add3A = arith.constant 0 : i32
    %add3A_6 = arith.addi %mul3A_5, %add3A : i32
    "tpu.region"() ({
      %run_scoped3A = tpu.sem_alloc : memref<!tpu.dma_semaphore, #tpu.memory_space<semaphore_mem>>
      %dma_start3A = arith.constant 0 : i32
      %dma_start3A_31 = tpu.memref_slice %arg15[%add3A_6, %dma_start3A] : memref<10240x128xf32, #tpu.memory_space<vmem_shared>> -> memref<128x128xf32, #tpu.memory_space<vmem_shared>>
      %dma_start3A_32 = arith.constant 0 : i32
      %dma_start3A_33 = tpu.memref_slice %arg15[%add3A_6, %dma_start3A_32] : memref<10240x128xf32, #tpu.memory_space<vmem_shared>> -> memref<128x128xf32, #tpu.memory_space<vmem_shared>>
      tpu.enqueue_dma source(%arg9 : memref<128x128xf32, #tpu.memory_space<vmem>>) target(%dma_start3A_33 : memref<128x128xf32, #tpu.memory_space<vmem_shared>>) target_semaphore(%run_scoped3A : memref<!tpu.dma_semaphore, #tpu.memory_space<semaphore_mem>>)
      %dma_wait3A = arith.constant 0 : i32
      %dma_wait3A_34 = tpu.memref_slice %arg15[%add3A_6, %dma_wait3A] : memref<10240x128xf32, #tpu.memory_space<vmem_shared>> -> memref<128x128xf32, #tpu.memory_space<vmem_shared>>
      %dma_wait3A_35 = arith.constant 0 : i32
      %dma_wait3A_36 = tpu.memref_slice %arg15[%add3A_6, %dma_wait3A_35] : memref<10240x128xf32, #tpu.memory_space<vmem_shared>> -> memref<128x128xf32, #tpu.memory_space<vmem_shared>>
      tpu.wait_dma2 semaphore(%run_scoped3A : memref<!tpu.dma_semaphore, #tpu.memory_space<semaphore_mem>>) src(%arg9 : memref<128x128xf32, #tpu.memory_space<vmem>>) dst(%dma_wait3A_36 : memref<128x128xf32, #tpu.memory_space<vmem_shared>>)
      tpu.yield
    }) : () -> ()
    %add3A_7 = arith.constant 128 : i32
    %add3A_8 = arith.addi %mul3A_5, %add3A_7 : i32
    "tpu.region"() ({
      %run_scoped3A = tpu.sem_alloc : memref<!tpu.dma_semaphore, #tpu.memory_space<semaphore_mem>>
      %dma_start3A = arith.constant 0 : i32
      %dma_start3A_31 = tpu.memref_slice %arg15[%add3A_8, %dma_start3A] : memref<10240x128xf32, #tpu.memory_space<vmem_shared>> -> memref<128x128xf32, #tpu.memory_space<vmem_shared>>
      %dma_start3A_32 = arith.constant 0 : i32
      %dma_start3A_33 = tpu.memref_slice %arg15[%add3A_8, %dma_start3A_32] : memref<10240x128xf32, #tpu.memory_space<vmem_shared>> -> memref<128x128xf32, #tpu.memory_space<vmem_shared>>
      tpu.enqueue_dma source(%arg9 : memref<128x128xf32, #tpu.memory_space<vmem>>) target(%dma_start3A_33 : memref<128x128xf32, #tpu.memory_space<vmem_shared>>) target_semaphore(%run_scoped3A : memref<!tpu.dma_semaphore, #tpu.memory_space<semaphore_mem>>)
      %dma_wait3A = arith.constant 0 : i32
      %dma_wait3A_34 = tpu.memref_slice %arg15[%add3A_8, %dma_wait3A] : memref<10240x128xf32, #tpu.memory_space<vmem_shared>> -> memref<128x128xf32, #tpu.memory_space<vmem_shared>>
      %dma_wait3A_35 = arith.constant 0 : i32
      %dma_wait3A_36 = tpu.memref_slice %arg15[%add3A_8, %dma_wait3A_35] : memref<10240x128xf32, #tpu.memory_space<vmem_shared>> -> memref<128x128xf32, #tpu.memory_space<vmem_shared>>
      tpu.wait_dma2 semaphore(%run_scoped3A : memref<!tpu.dma_semaphore, #tpu.memory_space<semaphore_mem>>) src(%arg9 : memref<128x128xf32, #tpu.memory_space<vmem>>) dst(%dma_wait3A_36 : memref<128x128xf32, #tpu.memory_space<vmem_shared>>)
      tpu.yield
    }) : () -> ()
    %add3A_9 = arith.constant 256 : i32
    %add3A_10 = arith.addi %mul3A_5, %add3A_9 : i32
    "tpu.region"() ({
      %run_scoped3A = tpu.sem_alloc : memref<!tpu.dma_semaphore, #tpu.memory_space<semaphore_mem>>
      %dma_start3A = arith.constant 0 : i32
      %dma_start3A_31 = tpu.memref_slice %arg15[%add3A_10, %dma_start3A] : memref<10240x128xf32, #tpu.memory_space<vmem_shared>> -> memref<128x128xf32, #tpu.memory_space<vmem_shared>>
      %dma_start3A_32 = arith.constant 0 : i32
      %dma_start3A_33 = tpu.memref_slice %arg15[%add3A_10, %dma_start3A_32] : memref<10240x128xf32, #tpu.memory_space<vmem_shared>> -> memref<128x128xf32, #tpu.memory_space<vmem_shared>>
      tpu.enqueue_dma source(%arg9 : memref<128x128xf32, #tpu.memory_space<vmem>>) target(%dma_start3A_33 : memref<128x128xf32, #tpu.memory_space<vmem_shared>>) target_semaphore(%run_scoped3A : memref<!tpu.dma_semaphore, #tpu.memory_space<semaphore_mem>>)
      %dma_wait3A = arith.constant 0 : i32
      %dma_wait3A_34 = tpu.memref_slice %arg15[%add3A_10, %dma_wait3A] : memref<10240x128xf32, #tpu.memory_space<vmem_shared>> -> memref<128x128xf32, #tpu.memory_space<vmem_shared>>
      %dma_wait3A_35 = arith.constant 0 : i32
      %dma_wait3A_36 = tpu.memref_slice %arg15[%add3A_10, %dma_wait3A_35] : memref<10240x128xf32, #tpu.memory_space<vmem_shared>> -> memref<128x128xf32, #tpu.memory_space<vmem_shared>>
      tpu.wait_dma2 semaphore(%run_scoped3A : memref<!tpu.dma_semaphore, #tpu.memory_space<semaphore_mem>>) src(%arg9 : memref<128x128xf32, #tpu.memory_space<vmem>>) dst(%dma_wait3A_36 : memref<128x128xf32, #tpu.memory_space<vmem_shared>>)
      tpu.yield
    }) : () -> ()
    %add3A_11 = arith.constant 384 : i32
    %add3A_12 = arith.addi %mul3A_5, %add3A_11 : i32
    "tpu.region"() ({
      %run_scoped3A = tpu.sem_alloc : memref<!tpu.dma_semaphore, #tpu.memory_space<semaphore_mem>>
      %dma_start3A = arith.constant 0 : i32
      %dma_start3A_31 = tpu.memref_slice %arg15[%add3A_12, %dma_start3A] : memref<10240x128xf32, #tpu.memory_space<vmem_shared>> -> memref<128x128xf32, #tpu.memory_space<vmem_shared>>
      %dma_start3A_32 = arith.constant 0 : i32
      %dma_start3A_33 = tpu.memref_slice %arg15[%add3A_12, %dma_start3A_32] : memref<10240x128xf32, #tpu.memory_space<vmem_shared>> -> memref<128x128xf32, #tpu.memory_space<vmem_shared>>
      tpu.enqueue_dma source(%arg9 : memref<128x128xf32, #tpu.memory_space<vmem>>) target(%dma_start3A_33 : memref<128x128xf32, #tpu.memory_space<vmem_shared>>) target_semaphore(%run_scoped3A : memref<!tpu.dma_semaphore, #tpu.memory_space<semaphore_mem>>)
      %dma_wait3A = arith.constant 0 : i32
      %dma_wait3A_34 = tpu.memref_slice %arg15[%add3A_12, %dma_wait3A] : memref<10240x128xf32, #tpu.memory_space<vmem_shared>> -> memref<128x128xf32, #tpu.memory_space<vmem_shared>>
      %dma_wait3A_35 = arith.constant 0 : i32
      %dma_wait3A_36 = tpu.memref_slice %arg15[%add3A_12, %dma_wait3A_35] : memref<10240x128xf32, #tpu.memory_space<vmem_shared>> -> memref<128x128xf32, #tpu.memory_space<vmem_shared>>
      tpu.wait_dma2 semaphore(%run_scoped3A : memref<!tpu.dma_semaphore, #tpu.memory_space<semaphore_mem>>) src(%arg9 : memref<128x128xf32, #tpu.memory_space<vmem>>) dst(%dma_wait3A_36 : memref<128x128xf32, #tpu.memory_space<vmem_shared>>)
      tpu.yield
    }) : () -> ()
    %add3A_13 = arith.constant 512 : i32
    %add3A_14 = arith.addi %mul3A_5, %add3A_13 : i32
    "tpu.region"() ({
      %run_scoped3A = tpu.sem_alloc : memref<!tpu.dma_semaphore, #tpu.memory_space<semaphore_mem>>
      %dma_start3A = arith.constant 0 : i32
      %dma_start3A_31 = tpu.memref_slice %arg15[%add3A_14, %dma_start3A] : memref<10240x128xf32, #tpu.memory_space<vmem_shared>> -> memref<128x128xf32, #tpu.memory_space<vmem_shared>>
      %dma_start3A_32 = arith.constant 0 : i32
      %dma_start3A_33 = tpu.memref_slice %arg15[%add3A_14, %dma_start3A_32] : memref<10240x128xf32, #tpu.memory_space<vmem_shared>> -> memref<128x128xf32, #tpu.memory_space<vmem_shared>>
      tpu.enqueue_dma source(%arg9 : memref<128x128xf32, #tpu.memory_space<vmem>>) target(%dma_start3A_33 : memref<128x128xf32, #tpu.memory_space<vmem_shared>>) target_semaphore(%run_scoped3A : memref<!tpu.dma_semaphore, #tpu.memory_space<semaphore_mem>>)
      %dma_wait3A = arith.constant 0 : i32
      %dma_wait3A_34 = tpu.memref_slice %arg15[%add3A_14, %dma_wait3A] : memref<10240x128xf32, #tpu.memory_space<vmem_shared>> -> memref<128x128xf32, #tpu.memory_space<vmem_shared>>
      %dma_wait3A_35 = arith.constant 0 : i32
      %dma_wait3A_36 = tpu.memref_slice %arg15[%add3A_14, %dma_wait3A_35] : memref<10240x128xf32, #tpu.memory_space<vmem_shared>> -> memref<128x128xf32, #tpu.memory_space<vmem_shared>>
      tpu.wait_dma2 semaphore(%run_scoped3A : memref<!tpu.dma_semaphore, #tpu.memory_space<semaphore_mem>>) src(%arg9 : memref<128x128xf32, #tpu.memory_space<vmem>>) dst(%dma_wait3A_36 : memref<128x128xf32, #tpu.memory_space<vmem_shared>>)
      tpu.yield
    }) : () -> ()
    %barrier3A = arith.constant 0 : index
    tpu.barrier barrier_id(%barrier3A)
    %mul3A_15 = arith.constant 128 : i32
    %mul3A_16 = arith.muli %arg1, %mul3A_15 : i32
    %eq3A = arith.constant 0 : i32
    %eq3A_17 = arith.cmpi eq, %arg0, %eq3A : i32
    %convert_element_type3A = arith.extui %eq3A_17 : i1 to i32
    %cond3A = arith.constant 0 : i32
    %cond3A_18 = arith.cmpi ne, %convert_element_type3A, %cond3A : i32
    scf.if %cond3A_18 {
      %dma_start3A = tpu.memref_slice %arg4[%mul3A_16] : memref<80000xi32, #tpu.memory_space<hbm>> -> memref<128xi32, #tpu.memory_space<hbm>>
      %dma_start3A_31 = tpu.memref_slice %arg4[%mul3A_16] : memref<80000xi32, #tpu.memory_space<hbm>> -> memref<128xi32, #tpu.memory_space<hbm>>
      tpu.enqueue_dma source(%dma_start3A_31 : memref<128xi32, #tpu.memory_space<hbm>>) target(%arg7 : memref<128xi32, #tpu.memory_space<vmem>>) target_semaphore(%arg11 : memref<!tpu.dma_semaphore, #tpu.memory_space<semaphore_mem>>)
      %dma_start3A_32 = arith.constant 0 : i32
      %dma_start3A_33 = tpu.memref_slice %arg2[%mul3A_16, %dma_start3A_32] : memref<80000x128xf32, #tpu.memory_space<hbm>> -> memref<128x128xf32, #tpu.memory_space<hbm>>
      %dma_start3A_34 = arith.constant 0 : i32
      %dma_start3A_35 = tpu.memref_slice %arg2[%mul3A_16, %dma_start3A_34] : memref<80000x128xf32, #tpu.memory_space<hbm>> -> memref<128x128xf32, #tpu.memory_space<hbm>>
      tpu.enqueue_dma source(%dma_start3A_35 : memref<128x128xf32, #tpu.memory_space<hbm>>) target(%arg9 : memref<128x128xf32, #tpu.memory_space<vmem>>) target_semaphore(%arg13 : memref<!tpu.dma_semaphore, #tpu.memory_space<semaphore_mem>>)
    } else {
    }
    %eq3A_19 = arith.constant 1 : i32
    %eq3A_20 = arith.cmpi eq, %arg0, %eq3A_19 : i32
    %convert_element_type3A_21 = arith.extui %eq3A_20 : i1 to i32
    %cond3A_22 = arith.constant 0 : i32
    %cond3A_23 = arith.cmpi ne, %convert_element_type3A_21, %cond3A_22 : i32
    scf.if %cond3A_23 {
      %dma_start3A = tpu.memref_slice %arg5[%mul3A_16] : memref<80000xi32, #tpu.memory_space<hbm>> -> memref<128xi32, #tpu.memory_space<hbm>>
      %dma_start3A_31 = tpu.memref_slice %arg5[%mul3A_16] : memref<80000xi32, #tpu.memory_space<hbm>> -> memref<128xi32, #tpu.memory_space<hbm>>
      tpu.enqueue_dma source(%dma_start3A_31 : memref<128xi32, #tpu.memory_space<hbm>>) target(%arg7 : memref<128xi32, #tpu.memory_space<vmem>>) target_semaphore(%arg11 : memref<!tpu.dma_semaphore, #tpu.memory_space<semaphore_mem>>)
      %dma_start3A_32 = arith.constant 0 : i32
      %dma_start3A_33 = tpu.memref_slice %arg3[%mul3A_16, %dma_start3A_32] : memref<80000x128xf32, #tpu.memory_space<hbm>> -> memref<128x128xf32, #tpu.memory_space<hbm>>
      %dma_start3A_34 = arith.constant 0 : i32
      %dma_start3A_35 = tpu.memref_slice %arg3[%mul3A_16, %dma_start3A_34] : memref<80000x128xf32, #tpu.memory_space<hbm>> -> memref<128x128xf32, #tpu.memory_space<hbm>>
      tpu.enqueue_dma source(%dma_start3A_35 : memref<128x128xf32, #tpu.memory_space<hbm>>) target(%arg9 : memref<128x128xf32, #tpu.memory_space<vmem>>) target_semaphore(%arg13 : memref<!tpu.dma_semaphore, #tpu.memory_space<semaphore_mem>>)
    } else {
    }
    %scan3A_24 = arith.constant 0 : i32
    %scan3A_25 = arith.constant 0 : i32
    %scan3A_26 = arith.constant 20 : i32
    %scan3A_27 = arith.addi %scan3A_25, %scan3A_26 : i32
    %scan3A_28 = arith.constant 1 : i32
    scf.for %scan3A_31 = %scan3A_25 to %scan3A_27 step %scan3A_28  : i32 {
      %mul3A_32 = arith.constant 2 : i32
      %mul3A_33 = arith.muli %mul3A_32, %scan3A_31 : i32
      %add3A_34 = arith.constant 0 : i32
      %add3A_35 = arith.addi %mul3A_33, %add3A_34 : i32
      %mul3A_36 = arith.constant 16 : i32
      %mul3A_37 = arith.muli %add3A_35, %mul3A_36 : i32
      %add3A_38 = arith.addi %arg1, %mul3A_37 : i32
      %add3A_39 = arith.constant 16 : i32
      %add3A_40 = arith.addi %add3A_38, %add3A_39 : i32
      %lt3A = arith.constant 625 : i32
      %lt3A_41 = arith.cmpi slt, %add3A_40, %lt3A : i32
      %convert_element_type3A_42 = arith.extui %lt3A_41 : i1 to i32
      %cond3A_43 = arith.constant 0 : i32
      %cond3A_44 = arith.cmpi ne, %convert_element_type3A_42, %cond3A_43 : i32
      scf.if %cond3A_44 {
        %mul3A_69 = arith.constant 128 : i32
        %mul3A_70 = arith.muli %add3A_40, %mul3A_69 : i32
        %eq3A_71 = arith.constant 0 : i32
        %eq3A_72 = arith.cmpi eq, %arg0, %eq3A_71 : i32
        %convert_element_type3A_73 = arith.extui %eq3A_72 : i1 to i32
        %cond3A_74 = arith.constant 0 : i32
        %cond3A_75 = arith.cmpi ne, %convert_element_type3A_73, %cond3A_74 : i32
        scf.if %cond3A_75 {
          %dma_start3A = tpu.memref_slice %arg4[%mul3A_70] : memref<80000xi32, #tpu.memory_space<hbm>> -> memref<128xi32, #tpu.memory_space<hbm>>
          %dma_start3A_81 = tpu.memref_slice %arg4[%mul3A_70] : memref<80000xi32, #tpu.memory_space<hbm>> -> memref<128xi32, #tpu.memory_space<hbm>>
          tpu.enqueue_dma source(%dma_start3A_81 : memref<128xi32, #tpu.memory_space<hbm>>) target(%arg8 : memref<128xi32, #tpu.memory_space<vmem>>) target_semaphore(%arg12 : memref<!tpu.dma_semaphore, #tpu.memory_space<semaphore_mem>>)
          %dma_start3A_82 = arith.constant 0 : i32
          %dma_start3A_83 = tpu.memref_slice %arg2[%mul3A_70, %dma_start3A_82] : memref<80000x128xf32, #tpu.memory_space<hbm>> -> memref<128x128xf32, #tpu.memory_space<hbm>>
          %dma_start3A_84 = arith.constant 0 : i32
          %dma_start3A_85 = tpu.memref_slice %arg2[%mul3A_70, %dma_start3A_84] : memref<80000x128xf32, #tpu.memory_space<hbm>> -> memref<128x128xf32, #tpu.memory_space<hbm>>
          tpu.enqueue_dma source(%dma_start3A_85 : memref<128x128xf32, #tpu.memory_space<hbm>>) target(%arg10 : memref<128x128xf32, #tpu.memory_space<vmem>>) target_semaphore(%arg14 : memref<!tpu.dma_semaphore, #tpu.memory_space<semaphore_mem>>)
        } else {
        }
        %eq3A_76 = arith.constant 1 : i32
        %eq3A_77 = arith.cmpi eq, %arg0, %eq3A_76 : i32
        %convert_element_type3A_78 = arith.extui %eq3A_77 : i1 to i32
        %cond3A_79 = arith.constant 0 : i32
        %cond3A_80 = arith.cmpi ne, %convert_element_type3A_78, %cond3A_79 : i32
        scf.if %cond3A_80 {
          %dma_start3A = tpu.memref_slice %arg5[%mul3A_70] : memref<80000xi32, #tpu.memory_space<hbm>> -> memref<128xi32, #tpu.memory_space<hbm>>
          %dma_start3A_81 = tpu.memref_slice %arg5[%mul3A_70] : memref<80000xi32, #tpu.memory_space<hbm>> -> memref<128xi32, #tpu.memory_space<hbm>>
          tpu.enqueue_dma source(%dma_start3A_81 : memref<128xi32, #tpu.memory_space<hbm>>) target(%arg8 : memref<128xi32, #tpu.memory_space<vmem>>) target_semaphore(%arg12 : memref<!tpu.dma_semaphore, #tpu.memory_space<semaphore_mem>>)
          %dma_start3A_82 = arith.constant 0 : i32
          %dma_start3A_83 = tpu.memref_slice %arg3[%mul3A_70, %dma_start3A_82] : memref<80000x128xf32, #tpu.memory_space<hbm>> -> memref<128x128xf32, #tpu.memory_space<hbm>>
          %dma_start3A_84 = arith.constant 0 : i32
          %dma_start3A_85 = tpu.memref_slice %arg3[%mul3A_70, %dma_start3A_84] : memref<80000x128xf32, #tpu.memory_space<hbm>> -> memref<128x128xf32, #tpu.memory_space<hbm>>
          tpu.enqueue_dma source(%dma_start3A_85 : memref<128x128xf32, #tpu.memory_space<hbm>>) target(%arg10 : memref<128x128xf32, #tpu.memory_space<vmem>>) target_semaphore(%arg14 : memref<!tpu.dma_semaphore, #tpu.memory_space<semaphore_mem>>)
        } else {
        }
      } else {
      }
      %lt3A_45 = arith.constant 625 : i32
      %lt3A_46 = arith.cmpi slt, %add3A_38, %lt3A_45 : i32
      %convert_element_type3A_47 = arith.extui %lt3A_46 : i1 to i32
      %cond3A_48 = arith.constant 0 : i32
      %cond3A_49 = arith.cmpi ne, %convert_element_type3A_47, %cond3A_48 : i32
      scf.if %cond3A_49 {
        %dma_wait3A = arith.constant 0 : i32
        %dma_wait3A_69 = tpu.memref_slice %arg4[%dma_wait3A] : memref<80000xi32, #tpu.memory_space<hbm>> -> memref<128xi32, #tpu.memory_space<hbm>>
        %dma_wait3A_70 = arith.constant 0 : i32
        %dma_wait3A_71 = tpu.memref_slice %arg4[%dma_wait3A_70] : memref<80000xi32, #tpu.memory_space<hbm>> -> memref<128xi32, #tpu.memory_space<hbm>>
        tpu.wait_dma2 semaphore(%arg11 : memref<!tpu.dma_semaphore, #tpu.memory_space<semaphore_mem>>) src(%dma_wait3A_71 : memref<128xi32, #tpu.memory_space<hbm>>) dst(%arg7 : memref<128xi32, #tpu.memory_space<vmem>>)
        %dma_wait3A_72 = arith.constant 0 : i32
        %dma_wait3A_73 = arith.constant 0 : i32
        %dma_wait3A_74 = tpu.memref_slice %arg2[%dma_wait3A_72, %dma_wait3A_73] : memref<80000x128xf32, #tpu.memory_space<hbm>> -> memref<128x128xf32, #tpu.memory_space<hbm>>
        %dma_wait3A_75 = arith.constant 0 : i32
        %dma_wait3A_76 = arith.constant 0 : i32
        %dma_wait3A_77 = tpu.memref_slice %arg2[%dma_wait3A_75, %dma_wait3A_76] : memref<80000x128xf32, #tpu.memory_space<hbm>> -> memref<128x128xf32, #tpu.memory_space<hbm>>
        tpu.wait_dma2 semaphore(%arg13 : memref<!tpu.dma_semaphore, #tpu.memory_space<semaphore_mem>>) src(%dma_wait3A_77 : memref<128x128xf32, #tpu.memory_space<hbm>>) dst(%arg9 : memref<128x128xf32, #tpu.memory_space<vmem>>)
        "tpu.region"() ({
          %run_scoped3A = tpu.sem_alloc : memref<!tpu.dma_semaphore, #tpu.memory_space<semaphore_mem>>
          %dma_start3A = arith.constant 0 : i32
          %dma_start3A_78 = arith.constant 0 : i32
          %dma_start3A_79 = tpu.memref_slice %arg15[%dma_start3A, %dma_start3A_78] : memref<10240x128xf32, #tpu.memory_space<vmem_shared>> -> memref<10240x128xf32, #tpu.memory_space<vmem_shared>>
          tpu.enqueue_indirect_dma source(%arg9 : memref<128x128xf32, #tpu.memory_space<vmem>>) target(%dma_start3A_79 : memref<10240x128xf32, #tpu.memory_space<vmem_shared>>) offsets(%arg7 : memref<128xi32, #tpu.memory_space<vmem>>) semaphore(%run_scoped3A : memref<!tpu.dma_semaphore, #tpu.memory_space<semaphore_mem>>) {add = true}
          %dma_wait3A_80 = arith.constant 0 : i32
          %dma_wait3A_81 = arith.constant 0 : i32
          %dma_wait3A_82 = tpu.memref_slice %arg15[%dma_wait3A_80, %dma_wait3A_81] : memref<10240x128xf32, #tpu.memory_space<vmem_shared>> -> memref<10240x128xf32, #tpu.memory_space<vmem_shared>>
          tpu.wait_indirect_dma semaphore(%run_scoped3A : memref<!tpu.dma_semaphore, #tpu.memory_space<semaphore_mem>>) src(%arg9 : memref<128x128xf32, #tpu.memory_space<vmem>>) dst(%dma_wait3A_82 : memref<10240x128xf32, #tpu.memory_space<vmem_shared>>)
          tpu.yield
        }) : () -> ()
      } else {
      }
      %mul3A_50 = arith.constant 2 : i32
      %mul3A_51 = arith.muli %mul3A_50, %scan3A_31 : i32
      %add3A_52 = arith.constant 1 : i32
      %add3A_53 = arith.addi %mul3A_51, %add3A_52 : i32
      %mul3A_54 = arith.constant 16 : i32
      %mul3A_55 = arith.muli %add3A_53, %mul3A_54 : i32
      %add3A_56 = arith.addi %arg1, %mul3A_55 : i32
      %add3A_57 = arith.constant 16 : i32
      %add3A_58 = arith.addi %add3A_56, %add3A_57 : i32
      %lt3A_59 = arith.constant 625 : i32
      %lt3A_60 = arith.cmpi slt, %add3A_58, %lt3A_59 : i32
      %convert_element_type3A_61 = arith.extui %lt3A_60 : i1 to i32
      %cond3A_62 = arith.constant 0 : i32
      %cond3A_63 = arith.cmpi ne, %convert_element_type3A_61, %cond3A_62 : i32
      scf.if %cond3A_63 {
        %mul3A_69 = arith.constant 128 : i32
        %mul3A_70 = arith.muli %add3A_58, %mul3A_69 : i32
        %eq3A_71 = arith.constant 0 : i32
        %eq3A_72 = arith.cmpi eq, %arg0, %eq3A_71 : i32
        %convert_element_type3A_73 = arith.extui %eq3A_72 : i1 to i32
        %cond3A_74 = arith.constant 0 : i32
        %cond3A_75 = arith.cmpi ne, %convert_element_type3A_73, %cond3A_74 : i32
        scf.if %cond3A_75 {
          %dma_start3A = tpu.memref_slice %arg4[%mul3A_70] : memref<80000xi32, #tpu.memory_space<hbm>> -> memref<128xi32, #tpu.memory_space<hbm>>
          %dma_start3A_81 = tpu.memref_slice %arg4[%mul3A_70] : memref<80000xi32, #tpu.memory_space<hbm>> -> memref<128xi32, #tpu.memory_space<hbm>>
          tpu.enqueue_dma source(%dma_start3A_81 : memref<128xi32, #tpu.memory_space<hbm>>) target(%arg7 : memref<128xi32, #tpu.memory_space<vmem>>) target_semaphore(%arg11 : memref<!tpu.dma_semaphore, #tpu.memory_space<semaphore_mem>>)
          %dma_start3A_82 = arith.constant 0 : i32
          %dma_start3A_83 = tpu.memref_slice %arg2[%mul3A_70, %dma_start3A_82] : memref<80000x128xf32, #tpu.memory_space<hbm>> -> memref<128x128xf32, #tpu.memory_space<hbm>>
          %dma_start3A_84 = arith.constant 0 : i32
          %dma_start3A_85 = tpu.memref_slice %arg2[%mul3A_70, %dma_start3A_84] : memref<80000x128xf32, #tpu.memory_space<hbm>> -> memref<128x128xf32, #tpu.memory_space<hbm>>
          tpu.enqueue_dma source(%dma_start3A_85 : memref<128x128xf32, #tpu.memory_space<hbm>>) target(%arg9 : memref<128x128xf32, #tpu.memory_space<vmem>>) target_semaphore(%arg13 : memref<!tpu.dma_semaphore, #tpu.memory_space<semaphore_mem>>)
        } else {
        }
        %eq3A_76 = arith.constant 1 : i32
        %eq3A_77 = arith.cmpi eq, %arg0, %eq3A_76 : i32
        %convert_element_type3A_78 = arith.extui %eq3A_77 : i1 to i32
        %cond3A_79 = arith.constant 0 : i32
        %cond3A_80 = arith.cmpi ne, %convert_element_type3A_78, %cond3A_79 : i32
        scf.if %cond3A_80 {
          %dma_start3A = tpu.memref_slice %arg5[%mul3A_70] : memref<80000xi32, #tpu.memory_space<hbm>> -> memref<128xi32, #tpu.memory_space<hbm>>
          %dma_start3A_81 = tpu.memref_slice %arg5[%mul3A_70] : memref<80000xi32, #tpu.memory_space<hbm>> -> memref<128xi32, #tpu.memory_space<hbm>>
          tpu.enqueue_dma source(%dma_start3A_81 : memref<128xi32, #tpu.memory_space<hbm>>) target(%arg7 : memref<128xi32, #tpu.memory_space<vmem>>) target_semaphore(%arg11 : memref<!tpu.dma_semaphore, #tpu.memory_space<semaphore_mem>>)
          %dma_start3A_82 = arith.constant 0 : i32
          %dma_start3A_83 = tpu.memref_slice %arg3[%mul3A_70, %dma_start3A_82] : memref<80000x128xf32, #tpu.memory_space<hbm>> -> memref<128x128xf32, #tpu.memory_space<hbm>>
          %dma_start3A_84 = arith.constant 0 : i32
          %dma_start3A_85 = tpu.memref_slice %arg3[%mul3A_70, %dma_start3A_84] : memref<80000x128xf32, #tpu.memory_space<hbm>> -> memref<128x128xf32, #tpu.memory_space<hbm>>
          tpu.enqueue_dma source(%dma_start3A_85 : memref<128x128xf32, #tpu.memory_space<hbm>>) target(%arg9 : memref<128x128xf32, #tpu.memory_space<vmem>>) target_semaphore(%arg13 : memref<!tpu.dma_semaphore, #tpu.memory_space<semaphore_mem>>)
        } else {
        }
      } else {
      }
      %lt3A_64 = arith.constant 625 : i32
      %lt3A_65 = arith.cmpi slt, %add3A_56, %lt3A_64 : i32
      %convert_element_type3A_66 = arith.extui %lt3A_65 : i1 to i32
      %cond3A_67 = arith.constant 0 : i32
      %cond3A_68 = arith.cmpi ne, %convert_element_type3A_66, %cond3A_67 : i32
      scf.if %cond3A_68 {
        %dma_wait3A = arith.constant 0 : i32
        %dma_wait3A_69 = tpu.memref_slice %arg4[%dma_wait3A] : memref<80000xi32, #tpu.memory_space<hbm>> -> memref<128xi32, #tpu.memory_space<hbm>>
        %dma_wait3A_70 = arith.constant 0 : i32
        %dma_wait3A_71 = tpu.memref_slice %arg4[%dma_wait3A_70] : memref<80000xi32, #tpu.memory_space<hbm>> -> memref<128xi32, #tpu.memory_space<hbm>>
        tpu.wait_dma2 semaphore(%arg12 : memref<!tpu.dma_semaphore, #tpu.memory_space<semaphore_mem>>) src(%dma_wait3A_71 : memref<128xi32, #tpu.memory_space<hbm>>) dst(%arg8 : memref<128xi32, #tpu.memory_space<vmem>>)
        %dma_wait3A_72 = arith.constant 0 : i32
        %dma_wait3A_73 = arith.constant 0 : i32
        %dma_wait3A_74 = tpu.memref_slice %arg2[%dma_wait3A_72, %dma_wait3A_73] : memref<80000x128xf32, #tpu.memory_space<hbm>> -> memref<128x128xf32, #tpu.memory_space<hbm>>
        %dma_wait3A_75 = arith.constant 0 : i32
        %dma_wait3A_76 = arith.constant 0 : i32
        %dma_wait3A_77 = tpu.memref_slice %arg2[%dma_wait3A_75, %dma_wait3A_76] : memref<80000x128xf32, #tpu.memory_space<hbm>> -> memref<128x128xf32, #tpu.memory_space<hbm>>
        tpu.wait_dma2 semaphore(%arg14 : memref<!tpu.dma_semaphore, #tpu.memory_space<semaphore_mem>>) src(%dma_wait3A_77 : memref<128x128xf32, #tpu.memory_space<hbm>>) dst(%arg10 : memref<128x128xf32, #tpu.memory_space<vmem>>)
        "tpu.region"() ({
          %run_scoped3A = tpu.sem_alloc : memref<!tpu.dma_semaphore, #tpu.memory_space<semaphore_mem>>
          %dma_start3A = arith.constant 0 : i32
          %dma_start3A_78 = arith.constant 0 : i32
          %dma_start3A_79 = tpu.memref_slice %arg15[%dma_start3A, %dma_start3A_78] : memref<10240x128xf32, #tpu.memory_space<vmem_shared>> -> memref<10240x128xf32, #tpu.memory_space<vmem_shared>>
          tpu.enqueue_indirect_dma source(%arg10 : memref<128x128xf32, #tpu.memory_space<vmem>>) target(%dma_start3A_79 : memref<10240x128xf32, #tpu.memory_space<vmem_shared>>) offsets(%arg8 : memref<128xi32, #tpu.memory_space<vmem>>) semaphore(%run_scoped3A : memref<!tpu.dma_semaphore, #tpu.memory_space<semaphore_mem>>) {add = true}
          %dma_wait3A_80 = arith.constant 0 : i32
          %dma_wait3A_81 = arith.constant 0 : i32
          %dma_wait3A_82 = tpu.memref_slice %arg15[%dma_wait3A_80, %dma_wait3A_81] : memref<10240x128xf32, #tpu.memory_space<vmem_shared>> -> memref<10240x128xf32, #tpu.memory_space<vmem_shared>>
          tpu.wait_indirect_dma semaphore(%run_scoped3A : memref<!tpu.dma_semaphore, #tpu.memory_space<semaphore_mem>>) src(%arg10 : memref<128x128xf32, #tpu.memory_space<vmem>>) dst(%dma_wait3A_82 : memref<10240x128xf32, #tpu.memory_space<vmem_shared>>)
          tpu.yield
        }) : () -> ()
      } else {
      }
    }
    %scan3A_29 = arith.constant 20 : i32
    %barrier3A_30 = arith.constant 0 : index
    tpu.barrier barrier_id(%barrier3A_30)
    "tpu.region"() ({
      %run_scoped3A = tpu.sem_alloc : memref<!tpu.dma_semaphore, #tpu.memory_space<semaphore_mem>>
      %dma_start3A = arith.constant 0 : i32
      %dma_start3A_31 = tpu.memref_slice %arg6[%arg0, %mul3A_5, %dma_start3A] : memref<2x10240x128xf32, #tpu.memory_space<hbm>> -> memref<1x640x128xf32, #tpu.memory_space<hbm>>
      %dma_start3A_32 = tpu.memref_squeeze %dma_start3A_31 : memref<1x640x128xf32, #tpu.memory_space<hbm>> -> memref<640x128xf32, #tpu.memory_space<hbm>>
      %dma_start3A_33 = arith.constant 0 : i32
      %dma_start3A_34 = tpu.memref_slice %arg15[%mul3A_5, %dma_start3A_33] : memref<10240x128xf32, #tpu.memory_space<vmem_shared>> -> memref<640x128xf32, #tpu.memory_space<vmem_shared>>
      tpu.enqueue_dma source(%dma_start3A_34 : memref<640x128xf32, #tpu.memory_space<vmem_shared>>) target(%dma_start3A_32 : memref<640x128xf32, #tpu.memory_space<hbm>>) target_semaphore(%run_scoped3A : memref<!tpu.dma_semaphore, #tpu.memory_space<semaphore_mem>>)
      %dma_wait3A = arith.constant 0 : i32
      %dma_wait3A_35 = tpu.memref_slice %arg6[%arg0, %mul3A_5, %dma_wait3A] : memref<2x10240x128xf32, #tpu.memory_space<hbm>> -> memref<1x640x128xf32, #tpu.memory_space<hbm>>
      %dma_wait3A_36 = tpu.memref_squeeze %dma_wait3A_35 : memref<1x640x128xf32, #tpu.memory_space<hbm>> -> memref<640x128xf32, #tpu.memory_space<hbm>>
      %dma_wait3A_37 = arith.constant 0 : i32
      %dma_wait3A_38 = tpu.memref_slice %arg15[%mul3A_5, %dma_wait3A_37] : memref<10240x128xf32, #tpu.memory_space<vmem_shared>> -> memref<640x128xf32, #tpu.memory_space<vmem_shared>>
      tpu.wait_dma2 semaphore(%run_scoped3A : memref<!tpu.dma_semaphore, #tpu.memory_space<semaphore_mem>>) src(%dma_wait3A_38 : memref<640x128xf32, #tpu.memory_space<vmem_shared>>) dst(%dma_wait3A_36 : memref<640x128xf32, #tpu.memory_space<hbm>>)
      tpu.yield
    }) : () -> ()
    return
  }
}

#map = affine_map<(d0, d1) -> (0, 0)>
#map1 = affine_map<(d0, d1) -> (0)>
#map2 = affine_map<(d0, d1) -> (0, 0, 0)>
module attributes {stable_mosaic.version = 14 : i64} {
  func.func @_sc_scatter_body(%arg0: i32, %arg1: i32, %arg2: memref<80000x128xf32, #tpu.memory_space<hbm>>, %arg3: memref<80000x128xf32, #tpu.memory_space<hbm>>, %arg4: memref<80000xi32, #tpu.memory_space<hbm>>, %arg5: memref<80000xi32, #tpu.memory_space<hbm>>, %arg6: memref<2x10240x128xf32, #tpu.memory_space<hbm>>, %arg7: memref<128xi32, #tpu.memory_space<vmem>>, %arg8: memref<128xi32, #tpu.memory_space<vmem>>, %arg9: memref<128x128xf32, #tpu.memory_space<vmem>>, %arg10: memref<128x128xf32, #tpu.memory_space<vmem>>, %arg11: memref<!tpu.dma_semaphore, #tpu.memory_space<semaphore_mem>>, %arg12: memref<!tpu.dma_semaphore, #tpu.memory_space<semaphore_mem>>, %arg13: memref<!tpu.dma_semaphore, #tpu.memory_space<semaphore_mem>>, %arg14: memref<!tpu.dma_semaphore, #tpu.memory_space<semaphore_mem>>, %arg15: memref<10240x128xf32, #tpu.memory_space<vmem_shared>>) attributes {dimension_semantics = [#tpu.dimension_semantics<core_parallel>, #tpu.dimension_semantics<subcore_parallel>], iteration_bounds = array<i64: 2, 16>, scalar_prefetch = 0 : i64, scratch_operands = 9 : i64, tpu.core_type = #tpu.core_type<sc_vector_subcore>, window_params = [{transform_indices = #map}, {transform_indices = #map}, {transform_indices = #map1}, {transform_indices = #map1}, {transform_indices = #map2}]} {
    %scan3A = arith.constant 0 : i32
    %scan3A_0 = arith.constant 0 : i32
    %scan3A_1 = arith.constant 128 : i32
    %scan3A_2 = arith.addi %scan3A_0, %scan3A_1 : i32
    %scan3A_3 = arith.constant 1 : i32
    scf.for %scan3A_31 = %scan3A_0 to %scan3A_2 step %scan3A_3  : i32 {
      %broadcast_in_dim3A = arith.constant 0.000000e+00 : f32
      %broadcast_in_dim3A_32 = vector.broadcast %broadcast_in_dim3A : f32 to vector<16xf32>
      %swap3A = arith.index_cast %scan3A_31 : i32 to index
      %swap3A_33 = arith.constant 0 : index
      %swap3A_34 = tpu.vector_load %arg9[%swap3A, %swap3A_33] {strides = array<i32>} : memref<128x128xf32, #tpu.memory_space<vmem>>, vector<1x16xf32>,
      %swap3A_35 = vector.shape_cast %swap3A_34 : vector<1x16xf32> to vector<16xf32>
      %swap3A_36 = vector.shape_cast %broadcast_in_dim3A_32 : vector<16xf32> to vector<1x16xf32>
      tpu.vector_store %arg9[%swap3A, %swap3A_33], %swap3A_36 {strides = array<i32>} : memref<128x128xf32, #tpu.memory_space<vmem>>, vector<1x16xf32>,
      %broadcast_in_dim3A_37 = arith.constant 0.000000e+00 : f32
      %broadcast_in_dim3A_38 = vector.broadcast %broadcast_in_dim3A_37 : f32 to vector<16xf32>
      %swap3A_39 = arith.index_cast %scan3A_31 : i32 to index
      %swap3A_40 = arith.constant 16 : index
      %swap3A_41 = tpu.vector_load %arg9[%swap3A_39, %swap3A_40] {strides = array<i32>} : memref<128x128xf32, #tpu.memory_space<vmem>>, vector<1x16xf32>,
      %swap3A_42 = vector.shape_cast %swap3A_41 : vector<1x16xf32> to vector<16xf32>
      %swap3A_43 = vector.shape_cast %broadcast_in_dim3A_38 : vector<16xf32> to vector<1x16xf32>
      tpu.vector_store %arg9[%swap3A_39, %swap3A_40], %swap3A_43 {strides = array<i32>} : memref<128x128xf32, #tpu.memory_space<vmem>>, vector<1x16xf32>,
      %broadcast_in_dim3A_44 = arith.constant 0.000000e+00 : f32
      %broadcast_in_dim3A_45 = vector.broadcast %broadcast_in_dim3A_44 : f32 to vector<16xf32>
      %swap3A_46 = arith.index_cast %scan3A_31 : i32 to index
      %swap3A_47 = arith.constant 32 : index
      %swap3A_48 = tpu.vector_load %arg9[%swap3A_46, %swap3A_47] {strides = array<i32>} : memref<128x128xf32, #tpu.memory_space<vmem>>, vector<1x16xf32>,
      %swap3A_49 = vector.shape_cast %swap3A_48 : vector<1x16xf32> to vector<16xf32>
      %swap3A_50 = vector.shape_cast %broadcast_in_dim3A_45 : vector<16xf32> to vector<1x16xf32>
      tpu.vector_store %arg9[%swap3A_46, %swap3A_47], %swap3A_50 {strides = array<i32>} : memref<128x128xf32, #tpu.memory_space<vmem>>, vector<1x16xf32>,
      %broadcast_in_dim3A_51 = arith.constant 0.000000e+00 : f32
      %broadcast_in_dim3A_52 = vector.broadcast %broadcast_in_dim3A_51 : f32 to vector<16xf32>
      %swap3A_53 = arith.index_cast %scan3A_31 : i32 to index
      %swap3A_54 = arith.constant 48 : index
      %swap3A_55 = tpu.vector_load %arg9[%swap3A_53, %swap3A_54] {strides = array<i32>} : memref<128x128xf32, #tpu.memory_space<vmem>>, vector<1x16xf32>,
      %swap3A_56 = vector.shape_cast %swap3A_55 : vector<1x16xf32> to vector<16xf32>
      %swap3A_57 = vector.shape_cast %broadcast_in_dim3A_52 : vector<16xf32> to vector<1x16xf32>
      tpu.vector_store %arg9[%swap3A_53, %swap3A_54], %swap3A_57 {strides = array<i32>} : memref<128x128xf32, #tpu.memory_space<vmem>>, vector<1x16xf32>,
      %broadcast_in_dim3A_58 = arith.constant 0.000000e+00 : f32
      %broadcast_in_dim3A_59 = vector.broadcast %broadcast_in_dim3A_58 : f32 to vector<16xf32>
      %swap3A_60 = arith.index_cast %scan3A_31 : i32 to index
      %swap3A_61 = arith.constant 64 : index
      %swap3A_62 = tpu.vector_load %arg9[%swap3A_60, %swap3A_61] {strides = array<i32>} : memref<128x128xf32, #tpu.memory_space<vmem>>, vector<1x16xf32>,
      %swap3A_63 = vector.shape_cast %swap3A_62 : vector<1x16xf32> to vector<16xf32>
      %swap3A_64 = vector.shape_cast %broadcast_in_dim3A_59 : vector<16xf32> to vector<1x16xf32>
      tpu.vector_store %arg9[%swap3A_60, %swap3A_61], %swap3A_64 {strides = array<i32>} : memref<128x128xf32, #tpu.memory_space<vmem>>, vector<1x16xf32>,
      %broadcast_in_dim3A_65 = arith.constant 0.000000e+00 : f32
      %broadcast_in_dim3A_66 = vector.broadcast %broadcast_in_dim3A_65 : f32 to vector<16xf32>
      %swap3A_67 = arith.index_cast %scan3A_31 : i32 to index
      %swap3A_68 = arith.constant 80 : index
      %swap3A_69 = tpu.vector_load %arg9[%swap3A_67, %swap3A_68] {strides = array<i32>} : memref<128x128xf32, #tpu.memory_space<vmem>>, vector<1x16xf32>,
      %swap3A_70 = vector.shape_cast %swap3A_69 : vector<1x16xf32> to vector<16xf32>
      %swap3A_71 = vector.shape_cast %broadcast_in_dim3A_66 : vector<16xf32> to vector<1x16xf32>
      tpu.vector_store %arg9[%swap3A_67, %swap3A_68], %swap3A_71 {strides = array<i32>} : memref<128x128xf32, #tpu.memory_space<vmem>>, vector<1x16xf32>,
      %broadcast_in_dim3A_72 = arith.constant 0.000000e+00 : f32
      %broadcast_in_dim3A_73 = vector.broadcast %broadcast_in_dim3A_72 : f32 to vector<16xf32>
      %swap3A_74 = arith.index_cast %scan3A_31 : i32 to index
      %swap3A_75 = arith.constant 96 : index
      %swap3A_76 = tpu.vector_load %arg9[%swap3A_74, %swap3A_75] {strides = array<i32>} : memref<128x128xf32, #tpu.memory_space<vmem>>, vector<1x16xf32>,
      %swap3A_77 = vector.shape_cast %swap3A_76 : vector<1x16xf32> to vector<16xf32>
      %swap3A_78 = vector.shape_cast %broadcast_in_dim3A_73 : vector<16xf32> to vector<1x16xf32>
      tpu.vector_store %arg9[%swap3A_74, %swap3A_75], %swap3A_78 {strides = array<i32>} : memref<128x128xf32, #tpu.memory_space<vmem>>, vector<1x16xf32>,
      %broadcast_in_dim3A_79 = arith.constant 0.000000e+00 : f32
      %broadcast_in_dim3A_80 = vector.broadcast %broadcast_in_dim3A_79 : f32 to vector<16xf32>
      %swap3A_81 = arith.index_cast %scan3A_31 : i32 to index
      %swap3A_82 = arith.constant 112 : index
      %swap3A_83 = tpu.vector_load %arg9[%swap3A_81, %swap3A_82] {strides = array<i32>} : memref<128x128xf32, #tpu.memory_space<vmem>>, vector<1x16xf32>,
      %swap3A_84 = vector.shape_cast %swap3A_83 : vector<1x16xf32> to vector<16xf32>
      %swap3A_85 = vector.shape_cast %broadcast_in_dim3A_80 : vector<16xf32> to vector<1x16xf32>
      tpu.vector_store %arg9[%swap3A_81, %swap3A_82], %swap3A_85 {strides = array<i32>} : memref<128x128xf32, #tpu.memory_space<vmem>>, vector<1x16xf32>,
    }
    %scan3A_4 = arith.constant 128 : i32
    %mul3A = arith.constant 640 : i32
    %mul3A_5 = arith.muli %arg1, %mul3A : i32
    %add3A = arith.constant 0 : i32
    %add3A_6 = arith.addi %mul3A_5, %add3A : i32
    "tpu.region"() ({
      %run_scoped3A = tpu.sem_alloc : memref<!tpu.dma_semaphore, #tpu.memory_space<semaphore_mem>>
      %dma_start3A = arith.constant 0 : i32
      %dma_start3A_31 = tpu.memref_slice %arg15[%add3A_6, %dma_start3A] : memref<10240x128xf32, #tpu.memory_space<vmem_shared>> -> memref<128x128xf32, #tpu.memory_space<vmem_shared>>
      %dma_start3A_32 = arith.constant 0 : i32
      %dma_start3A_33 = tpu.memref_slice %arg15[%add3A_6, %dma_start3A_32] : memref<10240x128xf32, #tpu.memory_space<vmem_shared>> -> memref<128x128xf32, #tpu.memory_space<vmem_shared>>
      tpu.enqueue_dma source(%arg9 : memref<128x128xf32, #tpu.memory_space<vmem>>) target(%dma_start3A_33 : memref<128x128xf32, #tpu.memory_space<vmem_shared>>) target_semaphore(%run_scoped3A : memref<!tpu.dma_semaphore, #tpu.memory_space<semaphore_mem>>)
      %dma_wait3A = arith.constant 0 : i32
      %dma_wait3A_34 = tpu.memref_slice %arg15[%add3A_6, %dma_wait3A] : memref<10240x128xf32, #tpu.memory_space<vmem_shared>> -> memref<128x128xf32, #tpu.memory_space<vmem_shared>>
      %dma_wait3A_35 = arith.constant 0 : i32
      %dma_wait3A_36 = tpu.memref_slice %arg15[%add3A_6, %dma_wait3A_35] : memref<10240x128xf32, #tpu.memory_space<vmem_shared>> -> memref<128x128xf32, #tpu.memory_space<vmem_shared>>
      tpu.wait_dma2 semaphore(%run_scoped3A : memref<!tpu.dma_semaphore, #tpu.memory_space<semaphore_mem>>) src(%arg9 : memref<128x128xf32, #tpu.memory_space<vmem>>) dst(%dma_wait3A_36 : memref<128x128xf32, #tpu.memory_space<vmem_shared>>)
      tpu.yield
    }) : () -> ()
    %add3A_7 = arith.constant 128 : i32
    %add3A_8 = arith.addi %mul3A_5, %add3A_7 : i32
    "tpu.region"() ({
      %run_scoped3A = tpu.sem_alloc : memref<!tpu.dma_semaphore, #tpu.memory_space<semaphore_mem>>
      %dma_start3A = arith.constant 0 : i32
      %dma_start3A_31 = tpu.memref_slice %arg15[%add3A_8, %dma_start3A] : memref<10240x128xf32, #tpu.memory_space<vmem_shared>> -> memref<128x128xf32, #tpu.memory_space<vmem_shared>>
      %dma_start3A_32 = arith.constant 0 : i32
      %dma_start3A_33 = tpu.memref_slice %arg15[%add3A_8, %dma_start3A_32] : memref<10240x128xf32, #tpu.memory_space<vmem_shared>> -> memref<128x128xf32, #tpu.memory_space<vmem_shared>>
      tpu.enqueue_dma source(%arg9 : memref<128x128xf32, #tpu.memory_space<vmem>>) target(%dma_start3A_33 : memref<128x128xf32, #tpu.memory_space<vmem_shared>>) target_semaphore(%run_scoped3A : memref<!tpu.dma_semaphore, #tpu.memory_space<semaphore_mem>>)
      %dma_wait3A = arith.constant 0 : i32
      %dma_wait3A_34 = tpu.memref_slice %arg15[%add3A_8, %dma_wait3A] : memref<10240x128xf32, #tpu.memory_space<vmem_shared>> -> memref<128x128xf32, #tpu.memory_space<vmem_shared>>
      %dma_wait3A_35 = arith.constant 0 : i32
      %dma_wait3A_36 = tpu.memref_slice %arg15[%add3A_8, %dma_wait3A_35] : memref<10240x128xf32, #tpu.memory_space<vmem_shared>> -> memref<128x128xf32, #tpu.memory_space<vmem_shared>>
      tpu.wait_dma2 semaphore(%run_scoped3A : memref<!tpu.dma_semaphore, #tpu.memory_space<semaphore_mem>>) src(%arg9 : memref<128x128xf32, #tpu.memory_space<vmem>>) dst(%dma_wait3A_36 : memref<128x128xf32, #tpu.memory_space<vmem_shared>>)
      tpu.yield
    }) : () -> ()
    %add3A_9 = arith.constant 256 : i32
    %add3A_10 = arith.addi %mul3A_5, %add3A_9 : i32
    "tpu.region"() ({
      %run_scoped3A = tpu.sem_alloc : memref<!tpu.dma_semaphore, #tpu.memory_space<semaphore_mem>>
      %dma_start3A = arith.constant 0 : i32
      %dma_start3A_31 = tpu.memref_slice %arg15[%add3A_10, %dma_start3A] : memref<10240x128xf32, #tpu.memory_space<vmem_shared>> -> memref<128x128xf32, #tpu.memory_space<vmem_shared>>
      %dma_start3A_32 = arith.constant 0 : i32
      %dma_start3A_33 = tpu.memref_slice %arg15[%add3A_10, %dma_start3A_32] : memref<10240x128xf32, #tpu.memory_space<vmem_shared>> -> memref<128x128xf32, #tpu.memory_space<vmem_shared>>
      tpu.enqueue_dma source(%arg9 : memref<128x128xf32, #tpu.memory_space<vmem>>) target(%dma_start3A_33 : memref<128x128xf32, #tpu.memory_space<vmem_shared>>) target_semaphore(%run_scoped3A : memref<!tpu.dma_semaphore, #tpu.memory_space<semaphore_mem>>)
      %dma_wait3A = arith.constant 0 : i32
      %dma_wait3A_34 = tpu.memref_slice %arg15[%add3A_10, %dma_wait3A] : memref<10240x128xf32, #tpu.memory_space<vmem_shared>> -> memref<128x128xf32, #tpu.memory_space<vmem_shared>>
      %dma_wait3A_35 = arith.constant 0 : i32
      %dma_wait3A_36 = tpu.memref_slice %arg15[%add3A_10, %dma_wait3A_35] : memref<10240x128xf32, #tpu.memory_space<vmem_shared>> -> memref<128x128xf32, #tpu.memory_space<vmem_shared>>
      tpu.wait_dma2 semaphore(%run_scoped3A : memref<!tpu.dma_semaphore, #tpu.memory_space<semaphore_mem>>) src(%arg9 : memref<128x128xf32, #tpu.memory_space<vmem>>) dst(%dma_wait3A_36 : memref<128x128xf32, #tpu.memory_space<vmem_shared>>)
      tpu.yield
    }) : () -> ()
    %add3A_11 = arith.constant 384 : i32
    %add3A_12 = arith.addi %mul3A_5, %add3A_11 : i32
    "tpu.region"() ({
      %run_scoped3A = tpu.sem_alloc : memref<!tpu.dma_semaphore, #tpu.memory_space<semaphore_mem>>
      %dma_start3A = arith.constant 0 : i32
      %dma_start3A_31 = tpu.memref_slice %arg15[%add3A_12, %dma_start3A] : memref<10240x128xf32, #tpu.memory_space<vmem_shared>> -> memref<128x128xf32, #tpu.memory_space<vmem_shared>>
      %dma_start3A_32 = arith.constant 0 : i32
      %dma_start3A_33 = tpu.memref_slice %arg15[%add3A_12, %dma_start3A_32] : memref<10240x128xf32, #tpu.memory_space<vmem_shared>> -> memref<128x128xf32, #tpu.memory_space<vmem_shared>>
      tpu.enqueue_dma source(%arg9 : memref<128x128xf32, #tpu.memory_space<vmem>>) target(%dma_start3A_33 : memref<128x128xf32, #tpu.memory_space<vmem_shared>>) target_semaphore(%run_scoped3A : memref<!tpu.dma_semaphore, #tpu.memory_space<semaphore_mem>>)
      %dma_wait3A = arith.constant 0 : i32
      %dma_wait3A_34 = tpu.memref_slice %arg15[%add3A_12, %dma_wait3A] : memref<10240x128xf32, #tpu.memory_space<vmem_shared>> -> memref<128x128xf32, #tpu.memory_space<vmem_shared>>
      %dma_wait3A_35 = arith.constant 0 : i32
      %dma_wait3A_36 = tpu.memref_slice %arg15[%add3A_12, %dma_wait3A_35] : memref<10240x128xf32, #tpu.memory_space<vmem_shared>> -> memref<128x128xf32, #tpu.memory_space<vmem_shared>>
      tpu.wait_dma2 semaphore(%run_scoped3A : memref<!tpu.dma_semaphore, #tpu.memory_space<semaphore_mem>>) src(%arg9 : memref<128x128xf32, #tpu.memory_space<vmem>>) dst(%dma_wait3A_36 : memref<128x128xf32, #tpu.memory_space<vmem_shared>>)
      tpu.yield
    }) : () -> ()
    %add3A_13 = arith.constant 512 : i32
    %add3A_14 = arith.addi %mul3A_5, %add3A_13 : i32
    "tpu.region"() ({
      %run_scoped3A = tpu.sem_alloc : memref<!tpu.dma_semaphore, #tpu.memory_space<semaphore_mem>>
      %dma_start3A = arith.constant 0 : i32
      %dma_start3A_31 = tpu.memref_slice %arg15[%add3A_14, %dma_start3A] : memref<10240x128xf32, #tpu.memory_space<vmem_shared>> -> memref<128x128xf32, #tpu.memory_space<vmem_shared>>
      %dma_start3A_32 = arith.constant 0 : i32
      %dma_start3A_33 = tpu.memref_slice %arg15[%add3A_14, %dma_start3A_32] : memref<10240x128xf32, #tpu.memory_space<vmem_shared>> -> memref<128x128xf32, #tpu.memory_space<vmem_shared>>
      tpu.enqueue_dma source(%arg9 : memref<128x128xf32, #tpu.memory_space<vmem>>) target(%dma_start3A_33 : memref<128x128xf32, #tpu.memory_space<vmem_shared>>) target_semaphore(%run_scoped3A : memref<!tpu.dma_semaphore, #tpu.memory_space<semaphore_mem>>)
      %dma_wait3A = arith.constant 0 : i32
      %dma_wait3A_34 = tpu.memref_slice %arg15[%add3A_14, %dma_wait3A] : memref<10240x128xf32, #tpu.memory_space<vmem_shared>> -> memref<128x128xf32, #tpu.memory_space<vmem_shared>>
      %dma_wait3A_35 = arith.constant 0 : i32
      %dma_wait3A_36 = tpu.memref_slice %arg15[%add3A_14, %dma_wait3A_35] : memref<10240x128xf32, #tpu.memory_space<vmem_shared>> -> memref<128x128xf32, #tpu.memory_space<vmem_shared>>
      tpu.wait_dma2 semaphore(%run_scoped3A : memref<!tpu.dma_semaphore, #tpu.memory_space<semaphore_mem>>) src(%arg9 : memref<128x128xf32, #tpu.memory_space<vmem>>) dst(%dma_wait3A_36 : memref<128x128xf32, #tpu.memory_space<vmem_shared>>)
      tpu.yield
    }) : () -> ()
    %barrier3A = arith.constant 0 : index
    tpu.barrier barrier_id(%barrier3A)
    %mul3A_15 = arith.constant 128 : i32
    %mul3A_16 = arith.muli %arg1, %mul3A_15 : i32
    %eq3A = arith.constant 0 : i32
    %eq3A_17 = arith.cmpi eq, %arg0, %eq3A : i32
    %convert_element_type3A = arith.extui %eq3A_17 : i1 to i32
    %cond3A = arith.constant 0 : i32
    %cond3A_18 = arith.cmpi ne, %convert_element_type3A, %cond3A : i32
    scf.if %cond3A_18 {
      %dma_start3A = tpu.memref_slice %arg4[%mul3A_16] : memref<80000xi32, #tpu.memory_space<hbm>> -> memref<128xi32, #tpu.memory_space<hbm>>
      %dma_start3A_31 = tpu.memref_slice %arg4[%mul3A_16] : memref<80000xi32, #tpu.memory_space<hbm>> -> memref<128xi32, #tpu.memory_space<hbm>>
      tpu.enqueue_dma source(%dma_start3A_31 : memref<128xi32, #tpu.memory_space<hbm>>) target(%arg7 : memref<128xi32, #tpu.memory_space<vmem>>) target_semaphore(%arg11 : memref<!tpu.dma_semaphore, #tpu.memory_space<semaphore_mem>>)
      %dma_start3A_32 = arith.constant 0 : i32
      %dma_start3A_33 = tpu.memref_slice %arg2[%mul3A_16, %dma_start3A_32] : memref<80000x128xf32, #tpu.memory_space<hbm>> -> memref<128x128xf32, #tpu.memory_space<hbm>>
      %dma_start3A_34 = arith.constant 0 : i32
      %dma_start3A_35 = tpu.memref_slice %arg2[%mul3A_16, %dma_start3A_34] : memref<80000x128xf32, #tpu.memory_space<hbm>> -> memref<128x128xf32, #tpu.memory_space<hbm>>
      tpu.enqueue_dma source(%dma_start3A_35 : memref<128x128xf32, #tpu.memory_space<hbm>>) target(%arg9 : memref<128x128xf32, #tpu.memory_space<vmem>>) target_semaphore(%arg13 : memref<!tpu.dma_semaphore, #tpu.memory_space<semaphore_mem>>)
    } else {
    }
    %eq3A_19 = arith.constant 1 : i32
    %eq3A_20 = arith.cmpi eq, %arg0, %eq3A_19 : i32
    %convert_element_type3A_21 = arith.extui %eq3A_20 : i1 to i32
    %cond3A_22 = arith.constant 0 : i32
    %cond3A_23 = arith.cmpi ne, %convert_element_type3A_21, %cond3A_22 : i32
    scf.if %cond3A_23 {
      %dma_start3A = tpu.memref_slice %arg5[%mul3A_16] : memref<80000xi32, #tpu.memory_space<hbm>> -> memref<128xi32, #tpu.memory_space<hbm>>
      %dma_start3A_31 = tpu.memref_slice %arg5[%mul3A_16] : memref<80000xi32, #tpu.memory_space<hbm>> -> memref<128xi32, #tpu.memory_space<hbm>>
      tpu.enqueue_dma source(%dma_start3A_31 : memref<128xi32, #tpu.memory_space<hbm>>) target(%arg7 : memref<128xi32, #tpu.memory_space<vmem>>) target_semaphore(%arg11 : memref<!tpu.dma_semaphore, #tpu.memory_space<semaphore_mem>>)
      %dma_start3A_32 = arith.constant 0 : i32
      %dma_start3A_33 = tpu.memref_slice %arg3[%mul3A_16, %dma_start3A_32] : memref<80000x128xf32, #tpu.memory_space<hbm>> -> memref<128x128xf32, #tpu.memory_space<hbm>>
      %dma_start3A_34 = arith.constant 0 : i32
      %dma_start3A_35 = tpu.memref_slice %arg3[%mul3A_16, %dma_start3A_34] : memref<80000x128xf32, #tpu.memory_space<hbm>> -> memref<128x128xf32, #tpu.memory_space<hbm>>
      tpu.enqueue_dma source(%dma_start3A_35 : memref<128x128xf32, #tpu.memory_space<hbm>>) target(%arg9 : memref<128x128xf32, #tpu.memory_space<vmem>>) target_semaphore(%arg13 : memref<!tpu.dma_semaphore, #tpu.memory_space<semaphore_mem>>)
    } else {
    }
    %scan3A_24 = arith.constant 0 : i32
    %scan3A_25 = arith.constant 0 : i32
    %scan3A_26 = arith.constant 20 : i32
    %scan3A_27 = arith.addi %scan3A_25, %scan3A_26 : i32
    %scan3A_28 = arith.constant 1 : i32
    scf.for %scan3A_31 = %scan3A_25 to %scan3A_27 step %scan3A_28  : i32 {
      %mul3A_32 = arith.constant 2 : i32
      %mul3A_33 = arith.muli %mul3A_32, %scan3A_31 : i32
      %add3A_34 = arith.constant 0 : i32
      %add3A_35 = arith.addi %mul3A_33, %add3A_34 : i32
      %mul3A_36 = arith.constant 16 : i32
      %mul3A_37 = arith.muli %add3A_35, %mul3A_36 : i32
      %add3A_38 = arith.addi %arg1, %mul3A_37 : i32
      %add3A_39 = arith.constant 16 : i32
      %add3A_40 = arith.addi %add3A_38, %add3A_39 : i32
      %lt3A = arith.constant 625 : i32
      %lt3A_41 = arith.cmpi slt, %add3A_40, %lt3A : i32
      %convert_element_type3A_42 = arith.extui %lt3A_41 : i1 to i32
      %cond3A_43 = arith.constant 0 : i32
      %cond3A_44 = arith.cmpi ne, %convert_element_type3A_42, %cond3A_43 : i32
      scf.if %cond3A_44 {
        %mul3A_69 = arith.constant 128 : i32
        %mul3A_70 = arith.muli %add3A_40, %mul3A_69 : i32
        %eq3A_71 = arith.constant 0 : i32
        %eq3A_72 = arith.cmpi eq, %arg0, %eq3A_71 : i32
        %convert_element_type3A_73 = arith.extui %eq3A_72 : i1 to i32
        %cond3A_74 = arith.constant 0 : i32
        %cond3A_75 = arith.cmpi ne, %convert_element_type3A_73, %cond3A_74 : i32
        scf.if %cond3A_75 {
          %dma_start3A = tpu.memref_slice %arg4[%mul3A_70] : memref<80000xi32, #tpu.memory_space<hbm>> -> memref<128xi32, #tpu.memory_space<hbm>>
          %dma_start3A_81 = tpu.memref_slice %arg4[%mul3A_70] : memref<80000xi32, #tpu.memory_space<hbm>> -> memref<128xi32, #tpu.memory_space<hbm>>
          tpu.enqueue_dma source(%dma_start3A_81 : memref<128xi32, #tpu.memory_space<hbm>>) target(%arg8 : memref<128xi32, #tpu.memory_space<vmem>>) target_semaphore(%arg12 : memref<!tpu.dma_semaphore, #tpu.memory_space<semaphore_mem>>)
          %dma_start3A_82 = arith.constant 0 : i32
          %dma_start3A_83 = tpu.memref_slice %arg2[%mul3A_70, %dma_start3A_82] : memref<80000x128xf32, #tpu.memory_space<hbm>> -> memref<128x128xf32, #tpu.memory_space<hbm>>
          %dma_start3A_84 = arith.constant 0 : i32
          %dma_start3A_85 = tpu.memref_slice %arg2[%mul3A_70, %dma_start3A_84] : memref<80000x128xf32, #tpu.memory_space<hbm>> -> memref<128x128xf32, #tpu.memory_space<hbm>>
          tpu.enqueue_dma source(%dma_start3A_85 : memref<128x128xf32, #tpu.memory_space<hbm>>) target(%arg10 : memref<128x128xf32, #tpu.memory_space<vmem>>) target_semaphore(%arg14 : memref<!tpu.dma_semaphore, #tpu.memory_space<semaphore_mem>>)
        } else {
        }
        %eq3A_76 = arith.constant 1 : i32
        %eq3A_77 = arith.cmpi eq, %arg0, %eq3A_76 : i32
        %convert_element_type3A_78 = arith.extui %eq3A_77 : i1 to i32
        %cond3A_79 = arith.constant 0 : i32
        %cond3A_80 = arith.cmpi ne, %convert_element_type3A_78, %cond3A_79 : i32
        scf.if %cond3A_80 {
          %dma_start3A = tpu.memref_slice %arg5[%mul3A_70] : memref<80000xi32, #tpu.memory_space<hbm>> -> memref<128xi32, #tpu.memory_space<hbm>>
          %dma_start3A_81 = tpu.memref_slice %arg5[%mul3A_70] : memref<80000xi32, #tpu.memory_space<hbm>> -> memref<128xi32, #tpu.memory_space<hbm>>
          tpu.enqueue_dma source(%dma_start3A_81 : memref<128xi32, #tpu.memory_space<hbm>>) target(%arg8 : memref<128xi32, #tpu.memory_space<vmem>>) target_semaphore(%arg12 : memref<!tpu.dma_semaphore, #tpu.memory_space<semaphore_mem>>)
          %dma_start3A_82 = arith.constant 0 : i32
          %dma_start3A_83 = tpu.memref_slice %arg3[%mul3A_70, %dma_start3A_82] : memref<80000x128xf32, #tpu.memory_space<hbm>> -> memref<128x128xf32, #tpu.memory_space<hbm>>
          %dma_start3A_84 = arith.constant 0 : i32
          %dma_start3A_85 = tpu.memref_slice %arg3[%mul3A_70, %dma_start3A_84] : memref<80000x128xf32, #tpu.memory_space<hbm>> -> memref<128x128xf32, #tpu.memory_space<hbm>>
          tpu.enqueue_dma source(%dma_start3A_85 : memref<128x128xf32, #tpu.memory_space<hbm>>) target(%arg10 : memref<128x128xf32, #tpu.memory_space<vmem>>) target_semaphore(%arg14 : memref<!tpu.dma_semaphore, #tpu.memory_space<semaphore_mem>>)
        } else {
        }
      } else {
      }
      %lt3A_45 = arith.constant 625 : i32
      %lt3A_46 = arith.cmpi slt, %add3A_38, %lt3A_45 : i32
      %convert_element_type3A_47 = arith.extui %lt3A_46 : i1 to i32
      %cond3A_48 = arith.constant 0 : i32
      %cond3A_49 = arith.cmpi ne, %convert_element_type3A_47, %cond3A_48 : i32
      scf.if %cond3A_49 {
        %dma_wait3A = arith.constant 0 : i32
        %dma_wait3A_69 = tpu.memref_slice %arg4[%dma_wait3A] : memref<80000xi32, #tpu.memory_space<hbm>> -> memref<128xi32, #tpu.memory_space<hbm>>
        %dma_wait3A_70 = arith.constant 0 : i32
        %dma_wait3A_71 = tpu.memref_slice %arg4[%dma_wait3A_70] : memref<80000xi32, #tpu.memory_space<hbm>> -> memref<128xi32, #tpu.memory_space<hbm>>
        tpu.wait_dma2 semaphore(%arg11 : memref<!tpu.dma_semaphore, #tpu.memory_space<semaphore_mem>>) src(%dma_wait3A_71 : memref<128xi32, #tpu.memory_space<hbm>>) dst(%arg7 : memref<128xi32, #tpu.memory_space<vmem>>)
        %dma_wait3A_72 = arith.constant 0 : i32
        %dma_wait3A_73 = arith.constant 0 : i32
        %dma_wait3A_74 = tpu.memref_slice %arg2[%dma_wait3A_72, %dma_wait3A_73] : memref<80000x128xf32, #tpu.memory_space<hbm>> -> memref<128x128xf32, #tpu.memory_space<hbm>>
        %dma_wait3A_75 = arith.constant 0 : i32
        %dma_wait3A_76 = arith.constant 0 : i32
        %dma_wait3A_77 = tpu.memref_slice %arg2[%dma_wait3A_75, %dma_wait3A_76] : memref<80000x128xf32, #tpu.memory_space<hbm>> -> memref<128x128xf32, #tpu.memory_space<hbm>>
        tpu.wait_dma2 semaphore(%arg13 : memref<!tpu.dma_semaphore, #tpu.memory_space<semaphore_mem>>) src(%dma_wait3A_77 : memref<128x128xf32, #tpu.memory_space<hbm>>) dst(%arg9 : memref<128x128xf32, #tpu.memory_space<vmem>>)
        "tpu.region"() ({
          %run_scoped3A = tpu.sem_alloc : memref<!tpu.dma_semaphore, #tpu.memory_space<semaphore_mem>>
          %dma_start3A = arith.constant 0 : i32
          %dma_start3A_78 = arith.constant 0 : i32
          %dma_start3A_79 = tpu.memref_slice %arg15[%dma_start3A, %dma_start3A_78] : memref<10240x128xf32, #tpu.memory_space<vmem_shared>> -> memref<10240x128xf32, #tpu.memory_space<vmem_shared>>
          tpu.enqueue_indirect_dma source(%arg9 : memref<128x128xf32, #tpu.memory_space<vmem>>) target(%dma_start3A_79 : memref<10240x128xf32, #tpu.memory_space<vmem_shared>>) offsets(%arg7 : memref<128xi32, #tpu.memory_space<vmem>>) semaphore(%run_scoped3A : memref<!tpu.dma_semaphore, #tpu.memory_space<semaphore_mem>>) {add = true}
          %dma_wait3A_80 = arith.constant 0 : i32
          %dma_wait3A_81 = arith.constant 0 : i32
          %dma_wait3A_82 = tpu.memref_slice %arg15[%dma_wait3A_80, %dma_wait3A_81] : memref<10240x128xf32, #tpu.memory_space<vmem_shared>> -> memref<10240x128xf32, #tpu.memory_space<vmem_shared>>
          tpu.wait_indirect_dma semaphore(%run_scoped3A : memref<!tpu.dma_semaphore, #tpu.memory_space<semaphore_mem>>) src(%arg9 : memref<128x128xf32, #tpu.memory_space<vmem>>) dst(%dma_wait3A_82 : memref<10240x128xf32, #tpu.memory_space<vmem_shared>>)
          tpu.yield
        }) : () -> ()
      } else {
      }
      %mul3A_50 = arith.constant 2 : i32
      %mul3A_51 = arith.muli %mul3A_50, %scan3A_31 : i32
      %add3A_52 = arith.constant 1 : i32
      %add3A_53 = arith.addi %mul3A_51, %add3A_52 : i32
      %mul3A_54 = arith.constant 16 : i32
      %mul3A_55 = arith.muli %add3A_53, %mul3A_54 : i32
      %add3A_56 = arith.addi %arg1, %mul3A_55 : i32
      %add3A_57 = arith.constant 16 : i32
      %add3A_58 = arith.addi %add3A_56, %add3A_57 : i32
      %lt3A_59 = arith.constant 625 : i32
      %lt3A_60 = arith.cmpi slt, %add3A_58, %lt3A_59 : i32
      %convert_element_type3A_61 = arith.extui %lt3A_60 : i1 to i32
      %cond3A_62 = arith.constant 0 : i32
      %cond3A_63 = arith.cmpi ne, %convert_element_type3A_61, %cond3A_62 : i32
      scf.if %cond3A_63 {
        %mul3A_69 = arith.constant 128 : i32
        %mul3A_70 = arith.muli %add3A_58, %mul3A_69 : i32
        %eq3A_71 = arith.constant 0 : i32
        %eq3A_72 = arith.cmpi eq, %arg0, %eq3A_71 : i32
        %convert_element_type3A_73 = arith.extui %eq3A_72 : i1 to i32
        %cond3A_74 = arith.constant 0 : i32
        %cond3A_75 = arith.cmpi ne, %convert_element_type3A_73, %cond3A_74 : i32
        scf.if %cond3A_75 {
          %dma_start3A = tpu.memref_slice %arg4[%mul3A_70] : memref<80000xi32, #tpu.memory_space<hbm>> -> memref<128xi32, #tpu.memory_space<hbm>>
          %dma_start3A_81 = tpu.memref_slice %arg4[%mul3A_70] : memref<80000xi32, #tpu.memory_space<hbm>> -> memref<128xi32, #tpu.memory_space<hbm>>
          tpu.enqueue_dma source(%dma_start3A_81 : memref<128xi32, #tpu.memory_space<hbm>>) target(%arg7 : memref<128xi32, #tpu.memory_space<vmem>>) target_semaphore(%arg11 : memref<!tpu.dma_semaphore, #tpu.memory_space<semaphore_mem>>)
          %dma_start3A_82 = arith.constant 0 : i32
          %dma_start3A_83 = tpu.memref_slice %arg2[%mul3A_70, %dma_start3A_82] : memref<80000x128xf32, #tpu.memory_space<hbm>> -> memref<128x128xf32, #tpu.memory_space<hbm>>
          %dma_start3A_84 = arith.constant 0 : i32
          %dma_start3A_85 = tpu.memref_slice %arg2[%mul3A_70, %dma_start3A_84] : memref<80000x128xf32, #tpu.memory_space<hbm>> -> memref<128x128xf32, #tpu.memory_space<hbm>>
          tpu.enqueue_dma source(%dma_start3A_85 : memref<128x128xf32, #tpu.memory_space<hbm>>) target(%arg9 : memref<128x128xf32, #tpu.memory_space<vmem>>) target_semaphore(%arg13 : memref<!tpu.dma_semaphore, #tpu.memory_space<semaphore_mem>>)
        } else {
        }
        %eq3A_76 = arith.constant 1 : i32
        %eq3A_77 = arith.cmpi eq, %arg0, %eq3A_76 : i32
        %convert_element_type3A_78 = arith.extui %eq3A_77 : i1 to i32
        %cond3A_79 = arith.constant 0 : i32
        %cond3A_80 = arith.cmpi ne, %convert_element_type3A_78, %cond3A_79 : i32
        scf.if %cond3A_80 {
          %dma_start3A = tpu.memref_slice %arg5[%mul3A_70] : memref<80000xi32, #tpu.memory_space<hbm>> -> memref<128xi32, #tpu.memory_space<hbm>>
          %dma_start3A_81 = tpu.memref_slice %arg5[%mul3A_70] : memref<80000xi32, #tpu.memory_space<hbm>> -> memref<128xi32, #tpu.memory_space<hbm>>
          tpu.enqueue_dma source(%dma_start3A_81 : memref<128xi32, #tpu.memory_space<hbm>>) target(%arg7 : memref<128xi32, #tpu.memory_space<vmem>>) target_semaphore(%arg11 : memref<!tpu.dma_semaphore, #tpu.memory_space<semaphore_mem>>)
          %dma_start3A_82 = arith.constant 0 : i32
          %dma_start3A_83 = tpu.memref_slice %arg3[%mul3A_70, %dma_start3A_82] : memref<80000x128xf32, #tpu.memory_space<hbm>> -> memref<128x128xf32, #tpu.memory_space<hbm>>
          %dma_start3A_84 = arith.constant 0 : i32
          %dma_start3A_85 = tpu.memref_slice %arg3[%mul3A_70, %dma_start3A_84] : memref<80000x128xf32, #tpu.memory_space<hbm>> -> memref<128x128xf32, #tpu.memory_space<hbm>>
          tpu.enqueue_dma source(%dma_start3A_85 : memref<128x128xf32, #tpu.memory_space<hbm>>) target(%arg9 : memref<128x128xf32, #tpu.memory_space<vmem>>) target_semaphore(%arg13 : memref<!tpu.dma_semaphore, #tpu.memory_space<semaphore_mem>>)
        } else {
        }
      } else {
      }
      %lt3A_64 = arith.constant 625 : i32
      %lt3A_65 = arith.cmpi slt, %add3A_56, %lt3A_64 : i32
      %convert_element_type3A_66 = arith.extui %lt3A_65 : i1 to i32
      %cond3A_67 = arith.constant 0 : i32
      %cond3A_68 = arith.cmpi ne, %convert_element_type3A_66, %cond3A_67 : i32
      scf.if %cond3A_68 {
        %dma_wait3A = arith.constant 0 : i32
        %dma_wait3A_69 = tpu.memref_slice %arg4[%dma_wait3A] : memref<80000xi32, #tpu.memory_space<hbm>> -> memref<128xi32, #tpu.memory_space<hbm>>
        %dma_wait3A_70 = arith.constant 0 : i32
        %dma_wait3A_71 = tpu.memref_slice %arg4[%dma_wait3A_70] : memref<80000xi32, #tpu.memory_space<hbm>> -> memref<128xi32, #tpu.memory_space<hbm>>
        tpu.wait_dma2 semaphore(%arg12 : memref<!tpu.dma_semaphore, #tpu.memory_space<semaphore_mem>>) src(%dma_wait3A_71 : memref<128xi32, #tpu.memory_space<hbm>>) dst(%arg8 : memref<128xi32, #tpu.memory_space<vmem>>)
        %dma_wait3A_72 = arith.constant 0 : i32
        %dma_wait3A_73 = arith.constant 0 : i32
        %dma_wait3A_74 = tpu.memref_slice %arg2[%dma_wait3A_72, %dma_wait3A_73] : memref<80000x128xf32, #tpu.memory_space<hbm>> -> memref<128x128xf32, #tpu.memory_space<hbm>>
        %dma_wait3A_75 = arith.constant 0 : i32
        %dma_wait3A_76 = arith.constant 0 : i32
        %dma_wait3A_77 = tpu.memref_slice %arg2[%dma_wait3A_75, %dma_wait3A_76] : memref<80000x128xf32, #tpu.memory_space<hbm>> -> memref<128x128xf32, #tpu.memory_space<hbm>>
        tpu.wait_dma2 semaphore(%arg14 : memref<!tpu.dma_semaphore, #tpu.memory_space<semaphore_mem>>) src(%dma_wait3A_77 : memref<128x128xf32, #tpu.memory_space<hbm>>) dst(%arg10 : memref<128x128xf32, #tpu.memory_space<vmem>>)
        "tpu.region"() ({
          %run_scoped3A = tpu.sem_alloc : memref<!tpu.dma_semaphore, #tpu.memory_space<semaphore_mem>>
          %dma_start3A = arith.constant 0 : i32
          %dma_start3A_78 = arith.constant 0 : i32
          %dma_start3A_79 = tpu.memref_slice %arg15[%dma_start3A, %dma_start3A_78] : memref<10240x128xf32, #tpu.memory_space<vmem_shared>> -> memref<10240x128xf32, #tpu.memory_space<vmem_shared>>
          tpu.enqueue_indirect_dma source(%arg10 : memref<128x128xf32, #tpu.memory_space<vmem>>) target(%dma_start3A_79 : memref<10240x128xf32, #tpu.memory_space<vmem_shared>>) offsets(%arg8 : memref<128xi32, #tpu.memory_space<vmem>>) semaphore(%run_scoped3A : memref<!tpu.dma_semaphore, #tpu.memory_space<semaphore_mem>>) {add = true}
          %dma_wait3A_80 = arith.constant 0 : i32
          %dma_wait3A_81 = arith.constant 0 : i32
          %dma_wait3A_82 = tpu.memref_slice %arg15[%dma_wait3A_80, %dma_wait3A_81] : memref<10240x128xf32, #tpu.memory_space<vmem_shared>> -> memref<10240x128xf32, #tpu.memory_space<vmem_shared>>
          tpu.wait_indirect_dma semaphore(%run_scoped3A : memref<!tpu.dma_semaphore, #tpu.memory_space<semaphore_mem>>) src(%arg10 : memref<128x128xf32, #tpu.memory_space<vmem>>) dst(%dma_wait3A_82 : memref<10240x128xf32, #tpu.memory_space<vmem_shared>>)
          tpu.yield
        }) : () -> ()
      } else {
      }
    }
    %scan3A_29 = arith.constant 20 : i32
    %barrier3A_30 = arith.constant 0 : index
    tpu.barrier barrier_id(%barrier3A_30)
    "tpu.region"() ({
      %run_scoped3A = tpu.sem_alloc : memref<!tpu.dma_semaphore, #tpu.memory_space<semaphore_mem>>
      %dma_start3A = arith.constant 0 : i32
      %dma_start3A_31 = tpu.memref_slice %arg6[%arg0, %mul3A_5, %dma_start3A] : memref<2x10240x128xf32, #tpu.memory_space<hbm>> -> memref<1x640x128xf32, #tpu.memory_space<hbm>>
      %dma_start3A_32 = tpu.memref_squeeze %dma_start3A_31 : memref<1x640x128xf32, #tpu.memory_space<hbm>> -> memref<640x128xf32, #tpu.memory_space<hbm>>
      %dma_start3A_33 = arith.constant 0 : i32
      %dma_start3A_34 = tpu.memref_slice %arg15[%mul3A_5, %dma_start3A_33] : memref<10240x128xf32, #tpu.memory_space<vmem_shared>> -> memref<640x128xf32, #tpu.memory_space<vmem_shared>>
      tpu.enqueue_dma source(%dma_start3A_34 : memref<640x128xf32, #tpu.memory_space<vmem_shared>>) target(%dma_start3A_32 : memref<640x128xf32, #tpu.memory_space<hbm>>) target_semaphore(%run_scoped3A : memref<!tpu.dma_semaphore, #tpu.memory_space<semaphore_mem>>)
      %dma_wait3A = arith.constant 0 : i32
      %dma_wait3A_35 = tpu.memref_slice %arg6[%arg0, %mul3A_5, %dma_wait3A] : memref<2x10240x128xf32, #tpu.memory_space<hbm>> -> memref<1x640x128xf32, #tpu.memory_space<hbm>>
      %dma_wait3A_36 = tpu.memref_squeeze %dma_wait3A_35 : memref<1x640x128xf32, #tpu.memory_space<hbm>> -> memref<640x128xf32, #tpu.memory_space<hbm>>
      %dma_wait3A_37 = arith.constant 0 : i32
      %dma_wait3A_38 = tpu.memref_slice %arg15[%mul3A_5, %dma_wait3A_37] : memref<10240x128xf32, #tpu.memory_space<vmem_shared>> -> memref<640x128xf32, #tpu.memory_space<vmem_shared>>
      tpu.wait_dma2 semaphore(%run_scoped3A : memref<!tpu.dma_semaphore, #tpu.memory_space<semaphore_mem>>) src(%dma_wait3A_38 : memref<640x128xf32, #tpu.memory_space<vmem_shared>>) dst(%dma_wait3A_36 : memref<640x128xf32, #tpu.memory_space<hbm>>)
      tpu.yield
    }) : () -> ()
    return
  }
}

module attributes {stable_mosaic.version = 14 : i64} {
  func.func @_node_prep_body(%arg0: memref<10000x128xf32, #tpu.memory_space<vmem>>, %arg1: memref<10000x1xi32, #tpu.memory_space<vmem>>, %arg2: memref<128x128xf32, #tpu.memory_space<vmem>>, %arg3: memref<5x128x128xf32, #tpu.memory_space<vmem>>, %arg4: memref<10000x128xf32, #tpu.memory_space<vmem>>, %arg5: memref<10000x128xf32, #tpu.memory_space<vmem>>) attributes {dimension_semantics = [], scalar_prefetch = 0 : i64, scratch_operands = 0 : i64, tpu.core_type = #tpu.core_type<tc>} {
    %get3A = arith.constant 0 : index
    %get3A_0 = arith.constant 0 : index
    %get3A_1 = vector.load %arg0[%get3A, %get3A_0] : memref<10000x128xf32, #tpu.memory_space<vmem>>, vector<10000x128xf32>
    %get3A_2 = arith.constant 0 : index
    %get3A_3 = arith.constant 0 : index
    %get3A_4 = vector.load %arg2[%get3A_2, %get3A_3] : memref<128x128xf32, #tpu.memory_space<vmem>>, vector<128x128xf32>
    %dot_general3A = arith.constant dense<0.000000e+00> : vector<10000x128xf32>
    %dot_general3A_5 = tpu.matmul %get3A_1, %get3A_4, %dot_general3A {dimension_numbers = #tpu.dot_dimension_numbers<[1], [0], [0], [1], [0, 0, 1, 1], [], []>, transpose_lhs_hint = false} : vector<10000x128xf32>, vector<128x128xf32>, vector<10000x128xf32> -> vector<10000x128xf32>
    %swap3A = arith.constant 0 : index
    %swap3A_6 = arith.constant 0 : index
    %swap3A_7 = vector.load %arg4[%swap3A, %swap3A_6] : memref<10000x128xf32, #tpu.memory_space<vmem>>, vector<10000x128xf32>
    tpu.vector_store %arg4[%swap3A, %swap3A_6], %dot_general3A_5 {strides = array<i32>} : memref<10000x128xf32, #tpu.memory_space<vmem>>, vector<10000x128xf32>,
    %get3A_8 = arith.constant 0 : index
    %get3A_9 = arith.constant 0 : index
    %get3A_10 = vector.load %arg1[%get3A_8, %get3A_9] : memref<10000x1xi32, #tpu.memory_space<vmem>>, vector<10000x1xi32>
    %broadcast_in_dim3A = arith.constant 0.000000e+00 : f32
    %broadcast_in_dim3A_11 = vector.broadcast %broadcast_in_dim3A : f32 to vector<10000x128xf32>
    %eq3A = arith.constant 0 : i32
    %eq3A_12 = vector.broadcast %eq3A : i32 to vector<10000x1xi32>
    %eq3A_13 = arith.cmpi eq, %get3A_10, %eq3A_12 : vector<10000x1xi32>
    %jit3A = arith.constant 0.000000e+00 : f32
    %broadcast_in_dim3A_14 = vector.shape_cast %eq3A_13 : vector<10000x1xi1> to vector<10000x1xi1>
    %broadcast_in_dim3A_15 = vector.broadcast %broadcast_in_dim3A_14 : vector<10000x1xi1> to vector<10000x128xi1>
    %broadcast_in_dim3A_16 = vector.broadcast %jit3A : f32 to vector<10000x128xf32>
    %select_n3A = arith.select %broadcast_in_dim3A_15, %get3A_1, %broadcast_in_dim3A_16 : vector<10000x128xi1>, vector<10000x128xf32>
    %get3A_17 = arith.constant 0 : index
    %get3A_18 = arith.constant 0 : index
    %get3A_19 = arith.constant 0 : index
    %get3A_20 = vector.load %arg3[%get3A_17, %get3A_18, %get3A_19] : memref<5x128x128xf32, #tpu.memory_space<vmem>>, vector<1x128x128xf32>
    %get3A_21 = vector.shape_cast %get3A_20 : vector<1x128x128xf32> to vector<128x128xf32>
    %dot_general3A_22 = arith.constant dense<0.000000e+00> : vector<10000x128xf32>
    %dot_general3A_23 = tpu.matmul %select_n3A, %get3A_21, %dot_general3A_22 {dimension_numbers = #tpu.dot_dimension_numbers<[1], [0], [0], [1], [0, 0, 1, 1], [], []>, transpose_lhs_hint = false} : vector<10000x128xf32>, vector<128x128xf32>, vector<10000x128xf32> -> vector<10000x128xf32>
    %add3A = arith.addf %broadcast_in_dim3A_11, %dot_general3A_23 : vector<10000x128xf32>
    %eq3A_24 = arith.constant 1 : i32
    %eq3A_25 = vector.broadcast %eq3A_24 : i32 to vector<10000x1xi32>
    %eq3A_26 = arith.cmpi eq, %get3A_10, %eq3A_25 : vector<10000x1xi32>
    %jit3A_27 = arith.constant 0.000000e+00 : f32
    %broadcast_in_dim3A_28 = vector.shape_cast %eq3A_26 : vector<10000x1xi1> to vector<10000x1xi1>
    %broadcast_in_dim3A_29 = vector.broadcast %broadcast_in_dim3A_28 : vector<10000x1xi1> to vector<10000x128xi1>
    %broadcast_in_dim3A_30 = vector.broadcast %jit3A_27 : f32 to vector<10000x128xf32>
    %select_n3A_31 = arith.select %broadcast_in_dim3A_29, %get3A_1, %broadcast_in_dim3A_30 : vector<10000x128xi1>, vector<10000x128xf32>
    %get3A_32 = arith.constant 1 : index
    %get3A_33 = arith.constant 0 : index
    %get3A_34 = arith.constant 0 : index
    %get3A_35 = vector.load %arg3[%get3A_32, %get3A_33, %get3A_34] : memref<5x128x128xf32, #tpu.memory_space<vmem>>, vector<1x128x128xf32>
    %get3A_36 = vector.shape_cast %get3A_35 : vector<1x128x128xf32> to vector<128x128xf32>
    %dot_general3A_37 = arith.constant dense<0.000000e+00> : vector<10000x128xf32>
    %dot_general3A_38 = tpu.matmul %select_n3A_31, %get3A_36, %dot_general3A_37 {dimension_numbers = #tpu.dot_dimension_numbers<[1], [0], [0], [1], [0, 0, 1, 1], [], []>, transpose_lhs_hint = false} : vector<10000x128xf32>, vector<128x128xf32>, vector<10000x128xf32> -> vector<10000x128xf32>
    %add3A_39 = arith.addf %add3A, %dot_general3A_38 : vector<10000x128xf32>
    %eq3A_40 = arith.constant 2 : i32
    %eq3A_41 = vector.broadcast %eq3A_40 : i32 to vector<10000x1xi32>
    %eq3A_42 = arith.cmpi eq, %get3A_10, %eq3A_41 : vector<10000x1xi32>
    %jit3A_43 = arith.constant 0.000000e+00 : f32
    %broadcast_in_dim3A_44 = vector.shape_cast %eq3A_42 : vector<10000x1xi1> to vector<10000x1xi1>
    %broadcast_in_dim3A_45 = vector.broadcast %broadcast_in_dim3A_44 : vector<10000x1xi1> to vector<10000x128xi1>
    %broadcast_in_dim3A_46 = vector.broadcast %jit3A_43 : f32 to vector<10000x128xf32>
    %select_n3A_47 = arith.select %broadcast_in_dim3A_45, %get3A_1, %broadcast_in_dim3A_46 : vector<10000x128xi1>, vector<10000x128xf32>
    %get3A_48 = arith.constant 2 : index
    %get3A_49 = arith.constant 0 : index
    %get3A_50 = arith.constant 0 : index
    %get3A_51 = vector.load %arg3[%get3A_48, %get3A_49, %get3A_50] : memref<5x128x128xf32, #tpu.memory_space<vmem>>, vector<1x128x128xf32>
    %get3A_52 = vector.shape_cast %get3A_51 : vector<1x128x128xf32> to vector<128x128xf32>
    %dot_general3A_53 = arith.constant dense<0.000000e+00> : vector<10000x128xf32>
    %dot_general3A_54 = tpu.matmul %select_n3A_47, %get3A_52, %dot_general3A_53 {dimension_numbers = #tpu.dot_dimension_numbers<[1], [0], [0], [1], [0, 0, 1, 1], [], []>, transpose_lhs_hint = false} : vector<10000x128xf32>, vector<128x128xf32>, vector<10000x128xf32> -> vector<10000x128xf32>
    %add3A_55 = arith.addf %add3A_39, %dot_general3A_54 : vector<10000x128xf32>
    %eq3A_56 = arith.constant 3 : i32
    %eq3A_57 = vector.broadcast %eq3A_56 : i32 to vector<10000x1xi32>
    %eq3A_58 = arith.cmpi eq, %get3A_10, %eq3A_57 : vector<10000x1xi32>
    %jit3A_59 = arith.constant 0.000000e+00 : f32
    %broadcast_in_dim3A_60 = vector.shape_cast %eq3A_58 : vector<10000x1xi1> to vector<10000x1xi1>
    %broadcast_in_dim3A_61 = vector.broadcast %broadcast_in_dim3A_60 : vector<10000x1xi1> to vector<10000x128xi1>
    %broadcast_in_dim3A_62 = vector.broadcast %jit3A_59 : f32 to vector<10000x128xf32>
    %select_n3A_63 = arith.select %broadcast_in_dim3A_61, %get3A_1, %broadcast_in_dim3A_62 : vector<10000x128xi1>, vector<10000x128xf32>
    %get3A_64 = arith.constant 3 : index
    %get3A_65 = arith.constant 0 : index
    %get3A_66 = arith.constant 0 : index
    %get3A_67 = vector.load %arg3[%get3A_64, %get3A_65, %get3A_66] : memref<5x128x128xf32, #tpu.memory_space<vmem>>, vector<1x128x128xf32>
    %get3A_68 = vector.shape_cast %get3A_67 : vector<1x128x128xf32> to vector<128x128xf32>
    %dot_general3A_69 = arith.constant dense<0.000000e+00> : vector<10000x128xf32>
    %dot_general3A_70 = tpu.matmul %select_n3A_63, %get3A_68, %dot_general3A_69 {dimension_numbers = #tpu.dot_dimension_numbers<[1], [0], [0], [1], [0, 0, 1, 1], [], []>, transpose_lhs_hint = false} : vector<10000x128xf32>, vector<128x128xf32>, vector<10000x128xf32> -> vector<10000x128xf32>
    %add3A_71 = arith.addf %add3A_55, %dot_general3A_70 : vector<10000x128xf32>
    %eq3A_72 = arith.constant 4 : i32
    %eq3A_73 = vector.broadcast %eq3A_72 : i32 to vector<10000x1xi32>
    %eq3A_74 = arith.cmpi eq, %get3A_10, %eq3A_73 : vector<10000x1xi32>
    %jit3A_75 = arith.constant 0.000000e+00 : f32
    %broadcast_in_dim3A_76 = vector.shape_cast %eq3A_74 : vector<10000x1xi1> to vector<10000x1xi1>
    %broadcast_in_dim3A_77 = vector.broadcast %broadcast_in_dim3A_76 : vector<10000x1xi1> to vector<10000x128xi1>
    %broadcast_in_dim3A_78 = vector.broadcast %jit3A_75 : f32 to vector<10000x128xf32>
    %select_n3A_79 = arith.select %broadcast_in_dim3A_77, %get3A_1, %broadcast_in_dim3A_78 : vector<10000x128xi1>, vector<10000x128xf32>
    %get3A_80 = arith.constant 4 : index
    %get3A_81 = arith.constant 0 : index
    %get3A_82 = arith.constant 0 : index
    %get3A_83 = vector.load %arg3[%get3A_80, %get3A_81, %get3A_82] : memref<5x128x128xf32, #tpu.memory_space<vmem>>, vector<1x128x128xf32>
    %get3A_84 = vector.shape_cast %get3A_83 : vector<1x128x128xf32> to vector<128x128xf32>
    %dot_general3A_85 = arith.constant dense<0.000000e+00> : vector<10000x128xf32>
    %dot_general3A_86 = tpu.matmul %select_n3A_79, %get3A_84, %dot_general3A_85 {dimension_numbers = #tpu.dot_dimension_numbers<[1], [0], [0], [1], [0, 0, 1, 1], [], []>, transpose_lhs_hint = false} : vector<10000x128xf32>, vector<128x128xf32>, vector<10000x128xf32> -> vector<10000x128xf32>
    %add3A_87 = arith.addf %add3A_71, %dot_general3A_86 : vector<10000x128xf32>
    %swap3A_88 = arith.constant 0 : index
    %swap3A_89 = arith.constant 0 : index
    %swap3A_90 = vector.load %arg5[%swap3A_88, %swap3A_89] : memref<10000x128xf32, #tpu.memory_space<vmem>>, vector<10000x128xf32>
    tpu.vector_store %arg5[%swap3A_88, %swap3A_89], %add3A_87 {strides = array<i32>} : memref<10000x128xf32, #tpu.memory_space<vmem>>, vector<10000x128xf32>,
    return
  }
}

module attributes {stable_mosaic.version = 14 : i64} {
  func.func @_edge_tc_body(%arg0: i32, %arg1: memref<3x3200xf32, #tpu.memory_space<vmem>>, %arg2: memref<3200x128xf32, #tpu.memory_space<vmem>>, %arg3: memref<1x15xf32, #tpu.memory_space<vmem>>, %arg4: memref<9x128xf32, #tpu.memory_space<vmem>>, %arg5: memref<64x64xf32, #tpu.memory_space<vmem>>, %arg6: memref<64x256xf32, #tpu.memory_space<vmem>>, %arg7: memref<256x128xf32, #tpu.memory_space<vmem>>, %arg8: memref<3200x128xf32, #tpu.memory_space<vmem>>) attributes {dimension_semantics = [#tpu.dimension_semantics<arbitrary>], iteration_bounds = array<i64: 25>, scalar_prefetch = 0 : i64, scratch_operands = 0 : i64, tpu.core_type = #tpu.core_type<tc>, window_params = [{transform_indices = @transform_0, window_bounds = array<i64: 3, 3200>}, {transform_indices = @transform_1, window_bounds = array<i64: 3200, 128>}, {pipeline_mode = #tpu.pipeline_mode<synchronous>, transform_indices = @transform_2, window_bounds = array<i64: 1, 15>}, {pipeline_mode = #tpu.pipeline_mode<synchronous>, transform_indices = @transform_3, window_bounds = array<i64: 9, 128>}, {pipeline_mode = #tpu.pipeline_mode<synchronous>, transform_indices = @transform_4, window_bounds = array<i64: 64, 64>}, {pipeline_mode = #tpu.pipeline_mode<synchronous>, transform_indices = @transform_5, window_bounds = array<i64: 64, 256>}, {pipeline_mode = #tpu.pipeline_mode<synchronous>, transform_indices = @transform_6, window_bounds = array<i64: 256, 128>}, {transform_indices = @transform_7, window_bounds = array<i64: 3200, 128>}]} {
    %get3A = arith.constant 0 : index
    %get3A_0 = arith.constant 0 : index
    %get3A_1 = vector.load %arg1[%get3A, %get3A_0] : memref<3x3200xf32, #tpu.memory_space<vmem>>, vector<1x3200xf32>
    %get3A_2 = arith.constant 1 : index
    %get3A_3 = arith.constant 0 : index
    %get3A_4 = vector.load %arg1[%get3A_2, %get3A_3] : memref<3x3200xf32, #tpu.memory_space<vmem>>, vector<1x3200xf32>
    %get3A_5 = arith.constant 2 : index
    %get3A_6 = arith.constant 0 : index
    %get3A_7 = vector.load %arg1[%get3A_5, %get3A_6] : memref<3x3200xf32, #tpu.memory_space<vmem>>, vector<1x3200xf32>
    %mul3A = arith.mulf %get3A_1, %get3A_1 : vector<1x3200xf32>
    %mul3A_8 = arith.mulf %get3A_4, %get3A_4 : vector<1x3200xf32>
    %add3A = arith.addf %mul3A, %mul3A_8 : vector<1x3200xf32>
    %mul3A_9 = arith.mulf %get3A_7, %get3A_7 : vector<1x3200xf32>
    %add3A_10 = arith.addf %add3A, %mul3A_9 : vector<1x3200xf32>
    %eq3A = arith.constant 0.000000e+00 : f32
    %eq3A_11 = vector.broadcast %eq3A : f32 to vector<1x3200xf32>
    %eq3A_12 = arith.cmpf oeq, %add3A_10, %eq3A_11 : vector<1x3200xf32>
    %jit3A = arith.constant 1.000000e+00 : f32
    %broadcast_in_dim3A = vector.broadcast %jit3A : f32 to vector<1x3200xf32>
    %select_n3A = arith.select %eq3A_12, %broadcast_in_dim3A, %add3A_10 : vector<1x3200xi1>, vector<1x3200xf32>
    %sqrt3A = math.sqrt %select_n3A : vector<1x3200xf32>
    %div3A = arith.constant 1.000000e+00 : f32
    %div3A_13 = vector.broadcast %div3A : f32 to vector<1x3200xf32>
    %div3A_14 = arith.divf %div3A_13, %sqrt3A : vector<1x3200xf32>
    %iota3A = tpu.iota {dimensions = array<i32: 0>} : vector<8x1xi32>
    %add3A_15 = arith.constant 1 : i32
    %add3A_16 = vector.broadcast %add3A_15 : i32 to vector<8x1xi32>
    %add3A_17 = arith.addi %iota3A, %add3A_16 : vector<8x1xi32>
    %convert_element_type3A = arith.sitofp %add3A_17 : vector<8x1xi32> to vector<8x1xf32>
    %mul3A_18 = arith.mulf %sqrt3A, %sqrt3A : vector<1x3200xf32>
    %mul3A_19 = arith.mulf %mul3A_18, %mul3A_18 : vector<1x3200xf32>
    %mul3A_20 = arith.mulf %mul3A_19, %sqrt3A : vector<1x3200xf32>
    %mul3A_21 = arith.constant 2.100000e+01 : f32
    %mul3A_22 = vector.broadcast %mul3A_21 : f32 to vector<1x3200xf32>
    %mul3A_23 = arith.mulf %mul3A_22, %mul3A_20 : vector<1x3200xf32>
    %sub3A = arith.constant 1.000000e+00 : f32
    %sub3A_24 = vector.broadcast %sub3A : f32 to vector<1x3200xf32>
    %sub3A_25 = arith.subf %sub3A_24, %mul3A_23 : vector<1x3200xf32>
    %mul3A_26 = arith.constant 3.500000e+01 : f32
    %mul3A_27 = vector.broadcast %mul3A_26 : f32 to vector<1x3200xf32>
    %mul3A_28 = arith.mulf %mul3A_27, %mul3A_20 : vector<1x3200xf32>
    %mul3A_29 = arith.mulf %mul3A_28, %sqrt3A : vector<1x3200xf32>
    %add3A_30 = arith.addf %sub3A_25, %mul3A_29 : vector<1x3200xf32>
    %mul3A_31 = arith.constant 1.500000e+01 : f32
    %mul3A_32 = vector.broadcast %mul3A_31 : f32 to vector<1x3200xf32>
    %mul3A_33 = arith.mulf %mul3A_32, %mul3A_20 : vector<1x3200xf32>
    %mul3A_34 = arith.mulf %mul3A_33, %mul3A_18 : vector<1x3200xf32>
    %sub3A_35 = arith.subf %add3A_30, %mul3A_34 : vector<1x3200xf32>
    %lt3A = arith.constant 1.000000e+00 : f32
    %lt3A_36 = vector.broadcast %lt3A : f32 to vector<1x3200xf32>
    %lt3A_37 = arith.cmpf olt, %sqrt3A, %lt3A_36 : vector<1x3200xf32>
    %jit3A_38 = arith.constant 0.000000e+00 : f32
    %broadcast_in_dim3A_39 = vector.broadcast %jit3A_38 : f32 to vector<1x3200xf32>
    %select_n3A_40 = arith.select %lt3A_37, %sub3A_35, %broadcast_in_dim3A_39 : vector<1x3200xi1>, vector<1x3200xf32>
    %sqrt3A_41 = arith.constant 2.000000e+00 : f32
    %sqrt3A_42 = math.sqrt %sqrt3A_41 : f32
    %mul3A_43 = arith.constant 3.14159274 : f32
    %mul3A_44 = vector.broadcast %mul3A_43 : f32 to vector<1x3200xf32>
    %mul3A_45 = arith.mulf %mul3A_44, %sqrt3A : vector<1x3200xf32>
    %mul3A_46 = vector.broadcast %convert_element_type3A : vector<8x1xf32> to vector<8x3200xf32>
    %mul3A_47 = vector.broadcast %mul3A_45 : vector<1x3200xf32> to vector<8x3200xf32>
    %mul3A_48 = arith.mulf %mul3A_46, %mul3A_47 : vector<8x3200xf32>
    %sin3A = math.sin %mul3A_48 : vector<8x3200xf32>
    %mul3A_49 = vector.broadcast %sqrt3A_42 : f32 to vector<8x3200xf32>
    %mul3A_50 = arith.mulf %mul3A_49, %sin3A : vector<8x3200xf32>
    %mul3A_51 = arith.mulf %select_n3A_40, %div3A_14 : vector<1x3200xf32>
    %mul3A_52 = vector.broadcast %mul3A_51 : vector<1x3200xf32> to vector<8x3200xf32>
    %mul3A_53 = arith.mulf %mul3A_50, %mul3A_52 : vector<8x3200xf32>
    %mul3A_54 = arith.mulf %get3A_1, %div3A_14 : vector<1x3200xf32>
    %mul3A_55 = arith.mulf %get3A_4, %div3A_14 : vector<1x3200xf32>
    %mul3A_56 = arith.mulf %get3A_7, %div3A_14 : vector<1x3200xf32>
    %mul3A_57 = arith.mulf %mul3A_54, %mul3A_55 : vector<1x3200xf32>
    %mul3A_58 = arith.mulf %mul3A_55, %mul3A_56 : vector<1x3200xf32>
    %mul3A_59 = arith.constant 3.000000e+00 : f32
    %mul3A_60 = vector.broadcast %mul3A_59 : f32 to vector<1x3200xf32>
    %mul3A_61 = arith.mulf %mul3A_60, %mul3A_56 : vector<1x3200xf32>
    %mul3A_62 = arith.mulf %mul3A_61, %mul3A_56 : vector<1x3200xf32>
    %sub3A_63 = arith.constant 1.000000e+00 : f32
    %sub3A_64 = vector.broadcast %sub3A_63 : f32 to vector<1x3200xf32>
    %sub3A_65 = arith.subf %mul3A_62, %sub3A_64 : vector<1x3200xf32>
    %mul3A_66 = arith.mulf %mul3A_54, %mul3A_56 : vector<1x3200xf32>
    %mul3A_67 = arith.mulf %mul3A_54, %mul3A_54 : vector<1x3200xf32>
    %mul3A_68 = arith.mulf %mul3A_55, %mul3A_55 : vector<1x3200xf32>
    %sub3A_69 = arith.subf %mul3A_67, %mul3A_68 : vector<1x3200xf32>
    %mul3A_70 = arith.constant 3.000000e+00 : f32
    %mul3A_71 = vector.broadcast %mul3A_70 : f32 to vector<1x3200xf32>
    %mul3A_72 = arith.mulf %mul3A_71, %mul3A_54 : vector<1x3200xf32>
    %mul3A_73 = arith.mulf %mul3A_72, %mul3A_54 : vector<1x3200xf32>
    %mul3A_74 = arith.mulf %mul3A_55, %mul3A_55 : vector<1x3200xf32>
    %sub3A_75 = arith.subf %mul3A_73, %mul3A_74 : vector<1x3200xf32>
    %mul3A_76 = arith.mulf %mul3A_55, %sub3A_75 : vector<1x3200xf32>
    %mul3A_77 = arith.mulf %mul3A_54, %mul3A_55 : vector<1x3200xf32>
    %mul3A_78 = arith.mulf %mul3A_77, %mul3A_56 : vector<1x3200xf32>
    %mul3A_79 = arith.constant 5.000000e+00 : f32
    %mul3A_80 = vector.broadcast %mul3A_79 : f32 to vector<1x3200xf32>
    %mul3A_81 = arith.mulf %mul3A_80, %mul3A_56 : vector<1x3200xf32>
    %mul3A_82 = arith.mulf %mul3A_81, %mul3A_56 : vector<1x3200xf32>
    %sub3A_83 = arith.constant 1.000000e+00 : f32
    %sub3A_84 = vector.broadcast %sub3A_83 : f32 to vector<1x3200xf32>
    %sub3A_85 = arith.subf %mul3A_82, %sub3A_84 : vector<1x3200xf32>
    %mul3A_86 = arith.mulf %mul3A_55, %sub3A_85 : vector<1x3200xf32>
    %mul3A_87 = arith.constant 5.000000e+00 : f32
    %mul3A_88 = vector.broadcast %mul3A_87 : f32 to vector<1x3200xf32>
    %mul3A_89 = arith.mulf %mul3A_88, %mul3A_56 : vector<1x3200xf32>
    %mul3A_90 = arith.mulf %mul3A_89, %mul3A_56 : vector<1x3200xf32>
    %sub3A_91 = arith.constant 3.000000e+00 : f32
    %sub3A_92 = vector.broadcast %sub3A_91 : f32 to vector<1x3200xf32>
    %sub3A_93 = arith.subf %mul3A_90, %sub3A_92 : vector<1x3200xf32>
    %mul3A_94 = arith.mulf %mul3A_56, %sub3A_93 : vector<1x3200xf32>
    %mul3A_95 = arith.constant 5.000000e+00 : f32
    %mul3A_96 = vector.broadcast %mul3A_95 : f32 to vector<1x3200xf32>
    %mul3A_97 = arith.mulf %mul3A_96, %mul3A_56 : vector<1x3200xf32>
    %mul3A_98 = arith.mulf %mul3A_97, %mul3A_56 : vector<1x3200xf32>
    %sub3A_99 = arith.constant 1.000000e+00 : f32
    %sub3A_100 = vector.broadcast %sub3A_99 : f32 to vector<1x3200xf32>
    %sub3A_101 = arith.subf %mul3A_98, %sub3A_100 : vector<1x3200xf32>
    %mul3A_102 = arith.mulf %mul3A_54, %sub3A_101 : vector<1x3200xf32>
    %mul3A_103 = arith.mulf %mul3A_54, %mul3A_54 : vector<1x3200xf32>
    %mul3A_104 = arith.mulf %mul3A_55, %mul3A_55 : vector<1x3200xf32>
    %sub3A_105 = arith.subf %mul3A_103, %mul3A_104 : vector<1x3200xf32>
    %mul3A_106 = arith.mulf %mul3A_56, %sub3A_105 : vector<1x3200xf32>
    %mul3A_107 = arith.mulf %mul3A_54, %mul3A_54 : vector<1x3200xf32>
    %mul3A_108 = arith.constant 3.000000e+00 : f32
    %mul3A_109 = vector.broadcast %mul3A_108 : f32 to vector<1x3200xf32>
    %mul3A_110 = arith.mulf %mul3A_109, %mul3A_55 : vector<1x3200xf32>
    %mul3A_111 = arith.mulf %mul3A_110, %mul3A_55 : vector<1x3200xf32>
    %sub3A_112 = arith.subf %mul3A_107, %mul3A_111 : vector<1x3200xf32>
    %mul3A_113 = arith.mulf %mul3A_54, %sub3A_112 : vector<1x3200xf32>
    %broadcast_in_dim3A_114 = arith.constant 0.000000e+00 : f32
    %broadcast_in_dim3A_115 = vector.broadcast %broadcast_in_dim3A_114 : f32 to vector<1x3200xf32>
    %get3A_116 = arith.constant 0 : index
    %get3A_117 = arith.constant 0 : index
    %get3A_118 = vector.load %arg3[%get3A_116, %get3A_117] : memref<1x15xf32, #tpu.memory_space<vmem>>, vector<1x1xf32>
    %mul3A_119 = arith.constant 1.73205078 : f32
    %mul3A_120 = vector.broadcast %mul3A_119 : f32 to vector<1x1xf32>
    %mul3A_121 = arith.mulf %get3A_118, %mul3A_120 : vector<1x1xf32>
    %mul3A_122 = vector.broadcast %mul3A_121 : vector<1x1xf32> to vector<1x3200xf32>
    %mul3A_123 = arith.mulf %mul3A_122, %mul3A_54 : vector<1x3200xf32>
    %add3A_124 = arith.addf %broadcast_in_dim3A_115, %mul3A_123 : vector<1x3200xf32>
    %get3A_125 = arith.constant 0 : index
    %get3A_126 = arith.constant 1 : index
    %get3A_127 = vector.load %arg3[%get3A_125, %get3A_126] : memref<1x15xf32, #tpu.memory_space<vmem>>, vector<1x1xf32>
    %mul3A_128 = arith.constant 1.73205078 : f32
    %mul3A_129 = vector.broadcast %mul3A_128 : f32 to vector<1x1xf32>
    %mul3A_130 = arith.mulf %get3A_127, %mul3A_129 : vector<1x1xf32>
    %mul3A_131 = vector.broadcast %mul3A_130 : vector<1x1xf32> to vector<1x3200xf32>
    %mul3A_132 = arith.mulf %mul3A_131, %mul3A_55 : vector<1x3200xf32>
    %add3A_133 = arith.addf %add3A_124, %mul3A_132 : vector<1x3200xf32>
    %get3A_134 = arith.constant 0 : index
    %get3A_135 = arith.constant 2 : index
    %get3A_136 = vector.load %arg3[%get3A_134, %get3A_135] : memref<1x15xf32, #tpu.memory_space<vmem>>, vector<1x1xf32>
    %mul3A_137 = arith.constant 1.73205078 : f32
    %mul3A_138 = vector.broadcast %mul3A_137 : f32 to vector<1x1xf32>
    %mul3A_139 = arith.mulf %get3A_136, %mul3A_138 : vector<1x1xf32>
    %mul3A_140 = vector.broadcast %mul3A_139 : vector<1x1xf32> to vector<1x3200xf32>
    %mul3A_141 = arith.mulf %mul3A_140, %mul3A_56 : vector<1x3200xf32>
    %add3A_142 = arith.addf %add3A_133, %mul3A_141 : vector<1x3200xf32>
    %get3A_143 = arith.constant 0 : index
    %get3A_144 = arith.constant 3 : index
    %get3A_145 = vector.load %arg3[%get3A_143, %get3A_144] : memref<1x15xf32, #tpu.memory_space<vmem>>, vector<1x1xf32>
    %mul3A_146 = arith.constant 3.87298346 : f32
    %mul3A_147 = vector.broadcast %mul3A_146 : f32 to vector<1x1xf32>
    %mul3A_148 = arith.mulf %get3A_145, %mul3A_147 : vector<1x1xf32>
    %mul3A_149 = vector.broadcast %mul3A_148 : vector<1x1xf32> to vector<1x3200xf32>
    %mul3A_150 = arith.mulf %mul3A_149, %mul3A_57 : vector<1x3200xf32>
    %add3A_151 = arith.addf %add3A_142, %mul3A_150 : vector<1x3200xf32>
    %get3A_152 = arith.constant 0 : index
    %get3A_153 = arith.constant 4 : index
    %get3A_154 = vector.load %arg3[%get3A_152, %get3A_153] : memref<1x15xf32, #tpu.memory_space<vmem>>, vector<1x1xf32>
    %mul3A_155 = arith.constant 3.87298346 : f32
    %mul3A_156 = vector.broadcast %mul3A_155 : f32 to vector<1x1xf32>
    %mul3A_157 = arith.mulf %get3A_154, %mul3A_156 : vector<1x1xf32>
    %mul3A_158 = vector.broadcast %mul3A_157 : vector<1x1xf32> to vector<1x3200xf32>
    %mul3A_159 = arith.mulf %mul3A_158, %mul3A_58 : vector<1x3200xf32>
    %add3A_160 = arith.addf %add3A_151, %mul3A_159 : vector<1x3200xf32>
    %get3A_161 = arith.constant 0 : index
    %get3A_162 = arith.constant 5 : index
    %get3A_163 = vector.load %arg3[%get3A_161, %get3A_162] : memref<1x15xf32, #tpu.memory_space<vmem>>, vector<1x1xf32>
    %mul3A_164 = arith.constant 1.11803401 : f32
    %mul3A_165 = vector.broadcast %mul3A_164 : f32 to vector<1x1xf32>
    %mul3A_166 = arith.mulf %get3A_163, %mul3A_165 : vector<1x1xf32>
    %mul3A_167 = vector.broadcast %mul3A_166 : vector<1x1xf32> to vector<1x3200xf32>
    %mul3A_168 = arith.mulf %mul3A_167, %sub3A_65 : vector<1x3200xf32>
    %add3A_169 = arith.addf %add3A_160, %mul3A_168 : vector<1x3200xf32>
    %get3A_170 = arith.constant 0 : index
    %get3A_171 = arith.constant 6 : index
    %get3A_172 = vector.load %arg3[%get3A_170, %get3A_171] : memref<1x15xf32, #tpu.memory_space<vmem>>, vector<1x1xf32>
    %mul3A_173 = arith.constant 3.87298346 : f32
    %mul3A_174 = vector.broadcast %mul3A_173 : f32 to vector<1x1xf32>
    %mul3A_175 = arith.mulf %get3A_172, %mul3A_174 : vector<1x1xf32>
    %mul3A_176 = vector.broadcast %mul3A_175 : vector<1x1xf32> to vector<1x3200xf32>
    %mul3A_177 = arith.mulf %mul3A_176, %mul3A_66 : vector<1x3200xf32>
    %add3A_178 = arith.addf %add3A_169, %mul3A_177 : vector<1x3200xf32>
    %get3A_179 = arith.constant 0 : index
    %get3A_180 = arith.constant 7 : index
    %get3A_181 = vector.load %arg3[%get3A_179, %get3A_180] : memref<1x15xf32, #tpu.memory_space<vmem>>, vector<1x1xf32>
    %mul3A_182 = arith.constant 1.93649173 : f32
    %mul3A_183 = vector.broadcast %mul3A_182 : f32 to vector<1x1xf32>
    %mul3A_184 = arith.mulf %get3A_181, %mul3A_183 : vector<1x1xf32>
    %mul3A_185 = vector.broadcast %mul3A_184 : vector<1x1xf32> to vector<1x3200xf32>
    %mul3A_186 = arith.mulf %mul3A_185, %sub3A_69 : vector<1x3200xf32>
    %add3A_187 = arith.addf %add3A_178, %mul3A_186 : vector<1x3200xf32>
    %get3A_188 = arith.constant 0 : index
    %get3A_189 = arith.constant 8 : index
    %get3A_190 = vector.load %arg3[%get3A_188, %get3A_189] : memref<1x15xf32, #tpu.memory_space<vmem>>, vector<1x1xf32>
    %mul3A_191 = arith.constant 2.091650e+00 : f32
    %mul3A_192 = vector.broadcast %mul3A_191 : f32 to vector<1x1xf32>
    %mul3A_193 = arith.mulf %get3A_190, %mul3A_192 : vector<1x1xf32>
    %mul3A_194 = vector.broadcast %mul3A_193 : vector<1x1xf32> to vector<1x3200xf32>
    %mul3A_195 = arith.mulf %mul3A_194, %mul3A_76 : vector<1x3200xf32>
    %add3A_196 = arith.addf %add3A_187, %mul3A_195 : vector<1x3200xf32>
    %get3A_197 = arith.constant 0 : index
    %get3A_198 = arith.constant 9 : index
    %get3A_199 = vector.load %arg3[%get3A_197, %get3A_198] : memref<1x15xf32, #tpu.memory_space<vmem>>, vector<1x1xf32>
    %mul3A_200 = arith.constant 10.2469511 : f32
    %mul3A_201 = vector.broadcast %mul3A_200 : f32 to vector<1x1xf32>
    %mul3A_202 = arith.mulf %get3A_199, %mul3A_201 : vector<1x1xf32>
    %mul3A_203 = vector.broadcast %mul3A_202 : vector<1x1xf32> to vector<1x3200xf32>
    %mul3A_204 = arith.mulf %mul3A_203, %mul3A_78 : vector<1x3200xf32>
    %add3A_205 = arith.addf %add3A_196, %mul3A_204 : vector<1x3200xf32>
    %get3A_206 = arith.constant 0 : index
    %get3A_207 = arith.constant 10 : index
    %get3A_208 = vector.load %arg3[%get3A_206, %get3A_207] : memref<1x15xf32, #tpu.memory_space<vmem>>, vector<1x1xf32>
    %mul3A_209 = arith.constant 1.62018514 : f32
    %mul3A_210 = vector.broadcast %mul3A_209 : f32 to vector<1x1xf32>
    %mul3A_211 = arith.mulf %get3A_208, %mul3A_210 : vector<1x1xf32>
    %mul3A_212 = vector.broadcast %mul3A_211 : vector<1x1xf32> to vector<1x3200xf32>
    %mul3A_213 = arith.mulf %mul3A_212, %mul3A_86 : vector<1x3200xf32>
    %add3A_214 = arith.addf %add3A_205, %mul3A_213 : vector<1x3200xf32>
    %get3A_215 = arith.constant 0 : index
    %get3A_216 = arith.constant 11 : index
    %get3A_217 = vector.load %arg3[%get3A_215, %get3A_216] : memref<1x15xf32, #tpu.memory_space<vmem>>, vector<1x1xf32>
    %mul3A_218 = arith.constant 1.32287562 : f32
    %mul3A_219 = vector.broadcast %mul3A_218 : f32 to vector<1x1xf32>
    %mul3A_220 = arith.mulf %get3A_217, %mul3A_219 : vector<1x1xf32>
    %mul3A_221 = vector.broadcast %mul3A_220 : vector<1x1xf32> to vector<1x3200xf32>
    %mul3A_222 = arith.mulf %mul3A_221, %mul3A_94 : vector<1x3200xf32>
    %add3A_223 = arith.addf %add3A_214, %mul3A_222 : vector<1x3200xf32>
    %get3A_224 = arith.constant 0 : index
    %get3A_225 = arith.constant 12 : index
    %get3A_226 = vector.load %arg3[%get3A_224, %get3A_225] : memref<1x15xf32, #tpu.memory_space<vmem>>, vector<1x1xf32>
    %mul3A_227 = arith.constant 1.62018514 : f32
    %mul3A_228 = vector.broadcast %mul3A_227 : f32 to vector<1x1xf32>
    %mul3A_229 = arith.mulf %get3A_226, %mul3A_228 : vector<1x1xf32>
    %mul3A_230 = vector.broadcast %mul3A_229 : vector<1x1xf32> to vector<1x3200xf32>
    %mul3A_231 = arith.mulf %mul3A_230, %mul3A_102 : vector<1x3200xf32>
    %add3A_232 = arith.addf %add3A_223, %mul3A_231 : vector<1x3200xf32>
    %get3A_233 = arith.constant 0 : index
    %get3A_234 = arith.constant 13 : index
    %get3A_235 = vector.load %arg3[%get3A_233, %get3A_234] : memref<1x15xf32, #tpu.memory_space<vmem>>, vector<1x1xf32>
    %mul3A_236 = arith.constant 5.12347555 : f32
    %mul3A_237 = vector.broadcast %mul3A_236 : f32 to vector<1x1xf32>
    %mul3A_238 = arith.mulf %get3A_235, %mul3A_237 : vector<1x1xf32>
    %mul3A_239 = vector.broadcast %mul3A_238 : vector<1x1xf32> to vector<1x3200xf32>
    %mul3A_240 = arith.mulf %mul3A_239, %mul3A_106 : vector<1x3200xf32>
    %add3A_241 = arith.addf %add3A_232, %mul3A_240 : vector<1x3200xf32>
    %get3A_242 = arith.constant 0 : index
    %get3A_243 = arith.constant 14 : index
    %get3A_244 = vector.load %arg3[%get3A_242, %get3A_243] : memref<1x15xf32, #tpu.memory_space<vmem>>, vector<1x1xf32>
    %mul3A_245 = arith.constant 2.091650e+00 : f32
    %mul3A_246 = vector.broadcast %mul3A_245 : f32 to vector<1x1xf32>
    %mul3A_247 = arith.mulf %get3A_244, %mul3A_246 : vector<1x1xf32>
    %mul3A_248 = vector.broadcast %mul3A_247 : vector<1x1xf32> to vector<1x3200xf32>
    %mul3A_249 = arith.mulf %mul3A_248, %mul3A_113 : vector<1x3200xf32>
    %add3A_250 = arith.addf %add3A_241, %mul3A_249 : vector<1x3200xf32>
    %concatenate3A = tpu.concatenate %mul3A_53, %add3A_250 in 0 : vector<8x3200xf32>, vector<1x3200xf32> -> vector<9x3200xf32>
    %get3A_251 = arith.constant 0 : index
    %get3A_252 = arith.constant 0 : index
    %get3A_253 = vector.load %arg4[%get3A_251, %get3A_252] : memref<9x128xf32, #tpu.memory_space<vmem>>, vector<9x128xf32>
    %dot_general3A = arith.constant dense<0.000000e+00> : vector<3200x128xf32>
    %dot_general3A_254 = tpu.matmul %concatenate3A, %get3A_253, %dot_general3A {dimension_numbers = #tpu.dot_dimension_numbers<[0], [0], [1], [1], [0, 1, 1, 1], [], []>, transpose_lhs_hint = false} : vector<9x3200xf32>, vector<9x128xf32>, vector<3200x128xf32> -> vector<3200x128xf32>
    %slice3A = vector.extract_strided_slice %dot_general3A_254 {offsets = [0, 0], sizes = [3200, 64], strides = [1, 1]} : vector<3200x128xf32> to vector<3200x64xf32>
    %logistic3A = arith.negf %slice3A : vector<3200x64xf32>
    %logistic3A_255 = math.exp %logistic3A : vector<3200x64xf32>
    %logistic3A_256 = arith.constant 1.000000e+00 : f32
    %logistic3A_257 = vector.broadcast %logistic3A_256 : f32 to vector<3200x64xf32>
    %logistic3A_258 = arith.addf %logistic3A_257, %logistic3A_255 : vector<3200x64xf32>
    %logistic3A_259 = arith.divf %logistic3A_257, %logistic3A_258 : vector<3200x64xf32>
    %mul3A_260 = arith.mulf %slice3A, %logistic3A_259 : vector<3200x64xf32>
    %slice3A_261 = vector.extract_strided_slice %dot_general3A_254 {offsets = [0, 64], sizes = [3200, 1], strides = [1, 1]} : vector<3200x128xf32> to vector<3200x1xf32>
    %get3A_262 = arith.constant 0 : index
    %get3A_263 = arith.constant 0 : index
    %get3A_264 = vector.load %arg5[%get3A_262, %get3A_263] : memref<64x64xf32, #tpu.memory_space<vmem>>, vector<64x64xf32>
    %dot_general3A_265 = arith.constant dense<0.000000e+00> : vector<3200x64xf32>
    %dot_general3A_266 = tpu.matmul %mul3A_260, %get3A_264, %dot_general3A_265 {dimension_numbers = #tpu.dot_dimension_numbers<[1], [0], [0], [1], [0, 0, 1, 1], [], []>, transpose_lhs_hint = false} : vector<3200x64xf32>, vector<64x64xf32>, vector<3200x64xf32> -> vector<3200x64xf32>
    %logistic3A_267 = arith.negf %dot_general3A_266 : vector<3200x64xf32>
    %logistic3A_268 = math.exp %logistic3A_267 : vector<3200x64xf32>
    %logistic3A_269 = arith.constant 1.000000e+00 : f32
    %logistic3A_270 = vector.broadcast %logistic3A_269 : f32 to vector<3200x64xf32>
    %logistic3A_271 = arith.addf %logistic3A_270, %logistic3A_268 : vector<3200x64xf32>
    %logistic3A_272 = arith.divf %logistic3A_270, %logistic3A_271 : vector<3200x64xf32>
    %mul3A_273 = arith.mulf %dot_general3A_266, %logistic3A_272 : vector<3200x64xf32>
    %get3A_274 = arith.constant 0 : index
    %get3A_275 = arith.constant 0 : index
    %get3A_276 = vector.load %arg6[%get3A_274, %get3A_275] : memref<64x256xf32, #tpu.memory_space<vmem>>, vector<64x256xf32>
    %dot_general3A_277 = arith.constant dense<0.000000e+00> : vector<3200x256xf32>
    %dot_general3A_278 = tpu.matmul %mul3A_273, %get3A_276, %dot_general3A_277 {dimension_numbers = #tpu.dot_dimension_numbers<[1], [0], [0], [1], [0, 0, 1, 1], [], []>, transpose_lhs_hint = false} : vector<3200x64xf32>, vector<64x256xf32>, vector<3200x256xf32> -> vector<3200x256xf32>
    %mul3A_279 = arith.constant 0.176776692 : f32
    %mul3A_280 = vector.broadcast %mul3A_279 : f32 to vector<3200x256xf32>
    %mul3A_281 = arith.mulf %dot_general3A_278, %mul3A_280 : vector<3200x256xf32>
    %get3A_282 = arith.constant 0 : index
    %get3A_283 = arith.constant 0 : index
    %get3A_284 = vector.load %arg2[%get3A_282, %get3A_283] : memref<3200x128xf32, #tpu.memory_space<vmem>>, vector<3200x128xf32>
    %get3A_285 = arith.constant 0 : index
    %get3A_286 = arith.constant 0 : index
    %get3A_287 = vector.load %arg7[%get3A_285, %get3A_286] : memref<256x128xf32, #tpu.memory_space<vmem>>, vector<256x128xf32>
    %slice3A_288 = vector.extract_strided_slice %mul3A_281 {offsets = [0, 0], sizes = [3200, 128], strides = [1, 1]} : vector<3200x256xf32> to vector<3200x128xf32>
    %mul3A_289 = arith.mulf %get3A_284, %slice3A_288 : vector<3200x128xf32>
    %slice3A_290 = vector.extract_strided_slice %get3A_287 {offsets = [0, 0], sizes = [128, 128], strides = [1, 1]} : vector<256x128xf32> to vector<128x128xf32>
    %dot_general3A_291 = arith.constant dense<0.000000e+00> : vector<3200x128xf32>
    %dot_general3A_292 = tpu.matmul %mul3A_289, %slice3A_290, %dot_general3A_291 {dimension_numbers = #tpu.dot_dimension_numbers<[1], [0], [0], [1], [0, 0, 1, 1], [], []>, transpose_lhs_hint = false} : vector<3200x128xf32>, vector<128x128xf32>, vector<3200x128xf32> -> vector<3200x128xf32>
    %slice3A_293 = vector.extract_strided_slice %mul3A_281 {offsets = [0, 128], sizes = [3200, 128], strides = [1, 1]} : vector<3200x256xf32> to vector<3200x128xf32>
    %mul3A_294 = vector.broadcast %slice3A_261 : vector<3200x1xf32> to vector<3200x128xf32>
    %mul3A_295 = arith.mulf %slice3A_293, %mul3A_294 : vector<3200x128xf32>
    %mul3A_296 = arith.mulf %get3A_284, %mul3A_295 : vector<3200x128xf32>
    %slice3A_297 = vector.extract_strided_slice %get3A_287 {offsets = [128, 0], sizes = [128, 128], strides = [1, 1]} : vector<256x128xf32> to vector<128x128xf32>
    %dot_general3A_298 = arith.constant dense<0.000000e+00> : vector<3200x128xf32>
    %dot_general3A_299 = tpu.matmul %mul3A_296, %slice3A_297, %dot_general3A_298 {dimension_numbers = #tpu.dot_dimension_numbers<[1], [0], [0], [1], [0, 0, 1, 1], [], []>, transpose_lhs_hint = false} : vector<3200x128xf32>, vector<128x128xf32>, vector<3200x128xf32> -> vector<3200x128xf32>
    %add3A_300 = arith.addf %dot_general3A_292, %dot_general3A_299 : vector<3200x128xf32>
    %swap3A = arith.constant 0 : index
    %swap3A_301 = arith.constant 0 : index
    %swap3A_302 = vector.load %arg8[%swap3A, %swap3A_301] : memref<3200x128xf32, #tpu.memory_space<vmem>>, vector<3200x128xf32>
    tpu.vector_store %arg8[%swap3A, %swap3A_301], %add3A_300 {strides = array<i32>} : memref<3200x128xf32, #tpu.memory_space<vmem>>, vector<3200x128xf32>,
    return
  }
  func.func @transform_0(%arg0: i32) -> (i32, i32) {
    %c0_i32 = arith.constant 0 : i32
    %c0_i32_0 = arith.constant 0 : i32
    return %c0_i32, %arg0 : i32, i32
  }
  func.func @transform_1(%arg0: i32) -> (i32, i32) {
    %c0_i32 = arith.constant 0 : i32
    %c0_i32_0 = arith.constant 0 : i32
    return %arg0, %c0_i32 : i32, i32
  }
  func.func @transform_2(%arg0: i32) -> (i32, i32) {
    %c0_i32 = arith.constant 0 : i32
    %c0_i32_0 = arith.constant 0 : i32
    %c0_i32_1 = arith.constant 0 : i32
    return %c0_i32, %c0_i32_0 : i32, i32
  }
  func.func @transform_3(%arg0: i32) -> (i32, i32) {
    %c0_i32 = arith.constant 0 : i32
    %c0_i32_0 = arith.constant 0 : i32
    %c0_i32_1 = arith.constant 0 : i32
    return %c0_i32, %c0_i32_0 : i32, i32
  }
  func.func @transform_4(%arg0: i32) -> (i32, i32) {
    %c0_i32 = arith.constant 0 : i32
    %c0_i32_0 = arith.constant 0 : i32
    %c0_i32_1 = arith.constant 0 : i32
    return %c0_i32, %c0_i32_0 : i32, i32
  }
  func.func @transform_5(%arg0: i32) -> (i32, i32) {
    %c0_i32 = arith.constant 0 : i32
    %c0_i32_0 = arith.constant 0 : i32
    %c0_i32_1 = arith.constant 0 : i32
    return %c0_i32, %c0_i32_0 : i32, i32
  }
  func.func @transform_6(%arg0: i32) -> (i32, i32) {
    %c0_i32 = arith.constant 0 : i32
    %c0_i32_0 = arith.constant 0 : i32
    %c0_i32_1 = arith.constant 0 : i32
    return %c0_i32, %c0_i32_0 : i32, i32
  }
  func.func @transform_7(%arg0: i32) -> (i32, i32) {
    %c0_i32 = arith.constant 0 : i32
    %c0_i32_0 = arith.constant 0 : i32
    return %arg0, %c0_i32 : i32, i32
  }
}

module attributes {stable_mosaic.version = 14 : i64} {
  func.func @_final_body(%arg0: memref<2x10240x128xf32, #tpu.memory_space<vmem>>, %arg1: memref<2x10240x128xf32, #tpu.memory_space<vmem>>, %arg2: memref<10000x128xf32, #tpu.memory_space<vmem>>, %arg3: memref<10000x128xf32, #tpu.memory_space<vmem>>) attributes {dimension_semantics = [], scalar_prefetch = 0 : i64, scratch_operands = 0 : i64, tpu.core_type = #tpu.core_type<tc>} {
    %get3A = arith.constant 0 : index
    %get3A_0 = arith.constant 0 : index
    %get3A_1 = arith.constant 0 : index
    %get3A_2 = vector.load %arg0[%get3A, %get3A_0, %get3A_1] : memref<2x10240x128xf32, #tpu.memory_space<vmem>>, vector<1x10000x128xf32>
    %get3A_3 = vector.shape_cast %get3A_2 : vector<1x10000x128xf32> to vector<10000x128xf32>
    %get3A_4 = arith.constant 1 : index
    %get3A_5 = arith.constant 0 : index
    %get3A_6 = arith.constant 0 : index
    %get3A_7 = vector.load %arg0[%get3A_4, %get3A_5, %get3A_6] : memref<2x10240x128xf32, #tpu.memory_space<vmem>>, vector<1x10000x128xf32>
    %get3A_8 = vector.shape_cast %get3A_7 : vector<1x10000x128xf32> to vector<10000x128xf32>
    %add3A = arith.addf %get3A_3, %get3A_8 : vector<10000x128xf32>
    %get3A_9 = arith.constant 0 : index
    %get3A_10 = arith.constant 0 : index
    %get3A_11 = arith.constant 0 : index
    %get3A_12 = vector.load %arg1[%get3A_9, %get3A_10, %get3A_11] : memref<2x10240x128xf32, #tpu.memory_space<vmem>>, vector<1x10000x128xf32>
    %get3A_13 = vector.shape_cast %get3A_12 : vector<1x10000x128xf32> to vector<10000x128xf32>
    %add3A_14 = arith.addf %add3A, %get3A_13 : vector<10000x128xf32>
    %get3A_15 = arith.constant 1 : index
    %get3A_16 = arith.constant 0 : index
    %get3A_17 = arith.constant 0 : index
    %get3A_18 = vector.load %arg1[%get3A_15, %get3A_16, %get3A_17] : memref<2x10240x128xf32, #tpu.memory_space<vmem>>, vector<1x10000x128xf32>
    %get3A_19 = vector.shape_cast %get3A_18 : vector<1x10000x128xf32> to vector<10000x128xf32>
    %add3A_20 = arith.addf %add3A_14, %get3A_19 : vector<10000x128xf32>
    %logistic3A = arith.negf %add3A_20 : vector<10000x128xf32>
    %logistic3A_21 = math.exp %logistic3A : vector<10000x128xf32>
    %logistic3A_22 = arith.constant 1.000000e+00 : f32
    %logistic3A_23 = vector.broadcast %logistic3A_22 : f32 to vector<10000x128xf32>
    %logistic3A_24 = arith.addf %logistic3A_23, %logistic3A_21 : vector<10000x128xf32>
    %logistic3A_25 = arith.divf %logistic3A_23, %logistic3A_24 : vector<10000x128xf32>
    %mul3A = arith.mulf %add3A_20, %logistic3A_25 : vector<10000x128xf32>
    %get3A_26 = arith.constant 0 : index
    %get3A_27 = arith.constant 0 : index
    %get3A_28 = vector.load %arg2[%get3A_26, %get3A_27] : memref<10000x128xf32, #tpu.memory_space<vmem>>, vector<10000x128xf32>
    %add3A_29 = arith.addf %mul3A, %get3A_28 : vector<10000x128xf32>
    %swap3A = arith.constant 0 : index
    %swap3A_30 = arith.constant 0 : index
    %swap3A_31 = vector.load %arg3[%swap3A, %swap3A_30] : memref<10000x128xf32, #tpu.memory_space<vmem>>, vector<10000x128xf32>
    tpu.vector_store %arg3[%swap3A, %swap3A_30], %add3A_29 {strides = array<i32>} : memref<10000x128xf32, #tpu.memory_space<vmem>>, vector<10000x128xf32>,
    return
  }
}

</mosaic_0001>

<sc_bundles>
// kernel: kernel.14.cloned.1.call-start
scs
__scs_entry_jumppad:
0x0: {  	(pc) =	sbr.rel $0x88, $3  }
0x1: {  	(tag) =	ssettag $0x0;
	lr =	simm.s32 $0x1  }
0x2: {  	[smem:$0x3F95] =	sst lr;
	_ =	strace $0xD0000000  }
0x3: {  	_ = 	snop  }
0x4: {  	_ = 	snop  }
0x5: {  	_ = 	snop  }
0x6: {  	_ = 	snop  }
0x7: {  	_ = 	snop  }
__scs_overlays_trampoline_lowered:
0x8: {  	[smem:$0x3FA4] =	sst s0  }
0x9: {  	[smem:$0x3FA5] =	sst s1  }
0xa: {  	[smem:$0x3FA6] =	sst s2  }
0xb: {  	[smem:$0x3FA7] =	sst s3  }
0xc: {  	[smem:$0x3FA8] =	sst s4  }
0xd: {  	[smem:$0x3FA9] =	sst s5  }
0xe: {  	[smem:$0x3FAA] =	sst s6  }
0xf: {  	[smem:$0x3FAB] =	sst s7  }
0x10: {  	[smem:$0x3FAC] =	sst s8  }
0x11: {  	[smem:$0x3FAD] =	sst s9;
	s0 =	simm.s32 @!p0 $0x0  }
0x12: {  	s1 =	sld [smem:$0x3F93];
	s0 =	simm.s32 @p0 $0x1  }
0x13: {  	[smem:$0x3FAE] =	sst s0;
	s0 =	simm.s32 @!p1 $0x0  }
0x14: {  	s2 =	sld [smem:$0x3F92];
	s0 =	simm.s32 @p1 $0x1  }
0x15: {  	[smem:$0x3FAF] =	sst s0;
	s0 =	simm.s32 @!p2 $0x0  }
0x16: {  	s3 =	sld [smem:$0x3FDB];
	s0 =	simm.s32 @p2 $0x1  }
0x17: {  	s4 =	simm.s32 $0x1BF5;
	[smem:$0x3FB1] =	sst s0  }
0x18: {  	s0 =	sld [smem:$0x3F94];
	_ =	swait.ge [sflag:s4], $0x0  }
0x19: {  	s7 =	sld [smem:$0x3F95]  }
0x1a: {  	s8 =	sadd.s32 $0xFFFFE003, lr  }
0x1b: {  	s9 =	sadd.s32 $0xFFFFFEF7, lr;
	s5 =	simm.s32 $0xFFFFFFFF;
	p2 =	slt.u32 s8, $0xFFFFF086  }
0x1c: {  	p1 =	slt.u32 s9, $0xF7A;
	s5 =	simm.s32 @!p2 $0x0  }
0x1d: {  	s5 =	simm.s32 @p1 $0x1;
	p0 =	seq.s32 s7, s2  }
0x1e: {  	s7 =	smul.u32 @!p0 $0xF7A, s2;
	p2 =	seq.s32 @!p0 s5, $0x0  }
0x1f: {  	s9 =	smul.u32 $0xF7A, s1;
	s8 =	simm.s32 @!p0 $0x1BF5;
	p2 =	por !p2, p0  }
0x20: {  	[sflag:s8] =	ssyncset.s32 @!p0 $0xFFFFF086;
	s6 =	sadd.s32 @!p0 s3, s7;
	s7 =	simm.s32 @!p0 $0x108  }
0x21: {  	s3 =	sadd.s32 s3, s9;
	s6 =	sadd.s32 @!p0 $0x88, s6;
	s7 =	simm.s32 @p2 $0x1082  }
0x22: {  	[simem:s7], [sflag:s8] =	dma.local @!p0 [hbm:s6], $0xF7A  }
0x23: {  	s9 =	sor.u32 $0xD0000000, s2;
	s6 =	simm.s32 $0x108;
	_ =	swait.ge @!p0 [sflag:s8], $0x0  }
0x24: {  	s3 =	sadd.s32 $0x88, s3;
	s6 =	simm.s32 @!p1 $0x1082;
	[sflag:s4] =	ssyncset.s32 $0xFFFFF086  }
0x25: {  	[simem:s6], [sflag:s4] =	dma.local [hbm:s3], $0xF7A  }
0x26: {  	[smem:$0x3F95] =	sst s1;
	(tag) =	ssettag s2;
	_ =	strace s9  }
0x27: {  	s1 =	sld [smem:$0x3FA5]  }
0x28: {  	s2 =	sld [smem:$0x3FA6]  }
0x29: {  	s4 =	sld [smem:$0x3FA8]  }
0x2a: {  	p0 =	seq.s32 s5, $0x0;
	s5 =	sld [smem:$0x3FA9]  }
0x2b: {  	s6 =	sld [smem:$0x3FAA]  }
0x2c: {  	s7 =	sld [smem:$0x3FAB]  }
0x2d: {  	s3 =	simm.s32 $0x108;
	s8 =	sld [smem:$0x3FAC]  }
0x2e: {  	s3 =	simm.s32 @!p0 $0x1082;
	s9 =	sld [smem:$0x3FAD]  }
0x2f: {  	lr =	sadd.s32 s0, s3;
	s0 =	sld [smem:$0x3FA4]  }
0x30: {  	s3 =	sld [smem:$0x3FA7]  }
0x31: {  	[smem:$0x3FB0] =	sst s10  }
0x32: {  	s10 =	sld [smem:$0x3FAE];
	_ =	sdelay $0x3  }
0x33: {  	p0 =	seq.s32 s10, $0x1;
	s10 =	sld [smem:$0x3FB0];
	_ =	sdelay $0x3  }
0x34: {  	[smem:$0x3FB0] =	sst s10  }
0x35: {  	s10 =	sld [smem:$0x3FAF];
	_ =	sdelay $0x3  }
0x36: {  	p1 =	seq.s32 s10, $0x1;
	s10 =	sld [smem:$0x3FB0];
	_ =	sdelay $0x3  }
0x37: {  	[smem:$0x3FB0] =	sst s10  }
0x38: {  	s10 =	sld [smem:$0x3FB1]  }
0x39: {  	_ = 	snop;
	(pc) =	sbr.ind lr, $3  }
0x3a: {  	_ = 	snop  }
0x3b: {  	_ = 	snop  }
0x3c: {  	p2 =	seq.s32 s10, $0x1;
	s10 =	sld [smem:$0x3FB0]  }
0x3d: {  	_ =	shalt  }
0x3e: {  	_ =	shalt  }
0x3f: {  	_ =	shalt  }
0x40: {  	_ =	shalt  }
0x41: {  	_ =	shalt  }
0x42: {  	_ =	shalt  }
0x43: {  	_ =	shalt  }
0x44: {  	_ =	shalt  }
0x45: {  	_ =	shalt  }
0x46: {  	_ =	shalt  }
0x47: {  	_ =	shalt  }
0x48: {  	_ =	shalt  }
0x49: {  	_ =	shalt  }
0x4a: {  	_ =	shalt  }
0x4b: {  	_ =	shalt  }
0x4c: {  	_ =	shalt  }
0x4d: {  	_ =	shalt  }
0x4e: {  	_ =	shalt  }
0x4f: {  	_ =	shalt  }
0x50: {  	_ =	shalt  }
0x51: {  	_ =	shalt  }
0x52: {  	_ =	shalt  }
0x53: {  	_ =	shalt  }
0x54: {  	_ =	shalt  }
0x55: {  	_ =	shalt  }
0x56: {  	_ =	shalt  }
0x57: {  	_ =	shalt  }
0x58: {  	_ =	shalt  }
0x59: {  	_ =	shalt  }
0x5a: {  	_ =	shalt  }
0x5b: {  	_ =	shalt  }
0x5c: {  	_ =	shalt  }
0x5d: {  	_ =	shalt  }
0x5e: {  	_ =	shalt  }
0x5f: {  	_ =	shalt  }
0x60: {  	_ =	shalt  }
0x61: {  	_ =	shalt  }
0x62: {  	_ =	shalt  }
0x63: {  	_ =	shalt  }
0x64: {  	_ =	shalt  }
0x65: {  	_ =	shalt  }
0x66: {  	_ =	shalt  }
0x67: {  	_ =	shalt  }
0x68: {  	_ =	shalt  }
0x69: {  	_ =	shalt  }
0x6a: {  	_ =	shalt  }
0x6b: {  	_ =	shalt  }
0x6c: {  	_ =	shalt  }
0x6d: {  	_ =	shalt  }
0x6e: {  	_ =	shalt  }
0x6f: {  	_ =	shalt  }
0x70: {  	_ =	shalt  }
0x71: {  	_ =	shalt  }
0x72: {  	_ =	shalt  }
0x73: {  	_ =	shalt  }
0x74: {  	_ =	shalt  }
0x75: {  	_ =	shalt  }
0x76: {  	_ =	shalt  }
0x77: {  	_ =	shalt  }
0x78: {  	_ =	shalt  }
0x79: {  	_ =	shalt  }
0x7a: {  	_ =	shalt  }
0x7b: {  	_ =	shalt  }
0x7c: {  	_ =	shalt  }
0x7d: {  	_ =	shalt  }
0x7e: {  	_ =	shalt  }
0x7f: {  	_ =	shalt  }
0x80: {  	_ =	shalt  }
0x81: {  	_ =	shalt  }
0x82: {  	_ =	shalt  }
0x83: {  	_ =	shalt  }
0x84: {  	_ =	shalt  }
0x85: {  	_ =	shalt  }
0x86: {  	_ =	shalt  }
0x87: {  	_ =	shalt  }
.Lfunc_end0:
.L_simem_size_0:
called_computation_lowered:
.L_overlay_start_0:
0x88: {  	s2 =	sld [smem:$0x3FD9]  }
0x89: {  	s3 =	sld [smem:$0x3FFE];
	_ =	sdelay $0x1  }
0x8a: {  	s1 =	srdreg.scid  }
0x8b: {  	s0 =	sand.u32 $0x1, s1  }
0x8c: {  	s17 =	sshll.u32 s0, $0xA;
	s2 =	sadd.s32 s3, s2  }
0x8d: {  	s2 =	sadd.s32 s2, s17  }
0x8e: {  	[smem:$0x3FBC] =	sst s2  }
0x8f: {  	_ = 	snop  }
0x90: {  	s18 =	sld [smem:$0x3FD0];
	(tm) =	ssettm $0x1  }
0x91: {  	s19 =	sld [smem:$0x3FFB];
	_ =	sdelay $0x3  }
0x92: {  	_ =	strace s19  }
0x93: {  	s2 =	sld [smem:$0x3FFC];
	_ =	sdelay $0x3  }
0x94: {  	_ =	strace s2  }
0x95: {  	s2 =	sld [smem:$0x3FFD];
	_ =	sdelay $0x3  }
0x96: {  	_ =	strace s2  }
0x97: {  	_ =	strace $0x8FFFFFFF  }
0x98: {  	s20 =	sld [smem:$0x3FDB];
	_ =	sdelay $0x1  }
0x99: {  	s4 =	simm.s32 $_scs_section_size  }
0x9a: {  	s5 =	simm.s32 $_size__tile_overlayer_lowered;
	s6 =	simm.s32 $_tile_overlayer_lowered  }
0x9b: {  	s7 =	simm.s32 $0x1BFF;
	s21 =	sshll.u32 s6, $0x1;
	s4 =	sadd.s32 s4, s20  }
0x9c: {  	s22 =	simm.s32 $0x0;
	s5 =	sshll.u32 s5, $0x1;
	s6 =	sadd.s32 s21, s4  }
0x9d: {  	[timem:s22], [sflag:s7] =	dma.local [hbm:s6], s5  }
0x9e: {  	_ =	swait.ge [sflag:s7], s5  }
0x9f: {  	s5 =	ssub.s32 $0x0, s5;
	[sflag:s7] =	ssyncset.done $0x0  }
0xa0: {  	[sflag:s7] =	ssyncadd.s32 s5;
	_ =	sdelay $0x1  }
0xa1: {  	s23 =	simm.s32 $0x1B8B  }
0xa2: {  	_ =	swait.ge [sflag:s23], $0x1  }
0xa3: {  	[sflag:s23] =	ssyncset.done $0x0  }
0xa4: {  	[sflag:s23] =	ssyncadd.s32 $0xFFFFFFFF  }
0xa5: {  	s5 =	sld [smem:$0x0]  }
0xa6: {  	s6 =	sand.u32 $0xFFFFFFFE, s1  }
0xa7: {  	p0 =	sne.s32 s1, s6  }
0xa8: {  	s6 =	sshll.u32 @p0 s6, $0xE  }
0xa9: {  	s6 =	sadd.s32 @p0 $0x11B8D, s6;
	s7 =	sshll.u32 @p0 s5, $0x11  }
0xaa: {  	s6 =	sor.u32 @p0 s7, s6  }
0xab: {  	[sflag:s6] =	ssyncadd.remote.s32 @p0 $0x1;
	_ =	sdelay $0x1  }
0xac: {  	s6 =	simm.s32 @p0 $0x1B8D  }
0xad: {  	_ =	swait.eq @p0 [sflag:s6], $0x1  }
0xae: {  	[sflag:s6] =	ssyncadd.s32 @p0 $0xFFFFFFFF  }
0xaf: {  	s7 =	sshll.u32 @!p0 s1, $0xE  }
0xb0: {  	s7 =	sor.u32 @!p0 $0x4000, s7;
	s6 =	simm.s32 @!p0 $0x1B8D  }
0xb1: {  	s5 =	sshll.u32 @!p0 s5, $0x11;
	s7 =	sadd.s32 @!p0 $0x11B8D, s7;
	_ =	swait.eq @!p0 [sflag:s6], $0x1  }
0xb2: {  	s5 =	sor.u32 @!p0 s5, s7;
	[sflag:s6] =	ssyncadd.s32 @!p0 $0xFFFFFFFF  }
0xb3: {  	s25 =	simm.s32 $0x1B8E;
	s24 =	sld [smem:$0x3FFE];
	[sflag:s5] =	ssyncadd.remote.s32 @!p0 $0x1  }
0xb4: {  	s26 =	simm.s32 $execute0_lowered;
	[smem:$0x3FD2] =	sst s25  }
0xb5: {  	s6 =	sshll.u32 s26, $0x1;
	_ =	strace $0x8000004F;
	[dreg:$0x1] =	wrdreg $0xFFFFFFFF  }
0xb6: {  	s28 =	simm.s32 $_size_execute0_lowered;
	s4 =	sadd.s32 s4, s6;
	[dreg:$0x0] =	wrdreg $0x0  }
0xb7: {  	s6 =	sshll.u32 s28, $0x1;
	[dreg:$0x2] =	wrdreg s4  }
0xb8: {  	[dreg:$0x3] =	wrdreg s6  }
0xb9: {  	[dreg:$0x4] =	wrdreg $0xC0  }
0xba: {  	_ =	task [dreg:s22], $0x5FFFF  }
0xbb: {  	[dreg:$0x1] =	wrdreg $0xFFFFFFFF  }
0xbc: {  	[dreg:$0x0] =	wrdreg $0x60  }
0xbd: {  	[dreg:$0x2] =	wrdreg s18  }
0xbe: {  	[dreg:$0x3] =	wrdreg s24  }
0xbf: {  	[dreg:$0x4] =	wrdreg $0x9  }
0xc0: {  	_ =	task.clear_ibuf [dreg:s22], $0x5FFFF;
	_ =	strace $0x9000004F  }
0xc1: {  	s29 =	simm.s32 $0x9;
	_ =	strace $0x80000051  }
0xc2: {  	_ =	swait.ge [sflag:s29], $0x1  }
0xc3: {  	[sflag:s29] =	ssyncadd.s32 $0xFFFFFFFF  }
0xc4: {  	_ =	strace $0x90000051  }
0xc5: {  	_ =	sfence  }
0xc6: {  	s30 =	sld [smem:$0x0];
	_ =	sdelay $0x2  }
0xc7: {  	s31 =	sshll.u32 s1, $0xD;
	s1 =	sshrl.u32 s1, $0x2  }
0xc8: {  	s4 =	sand.u32 $0x4000, s31;
	s1 =	sadd.s32 s1, s30  }
0xc9: {  	s0 =	sor.u32 s4, s0;
	s1 =	sshll.u32 s1, $0x11  }
0xca: {  	s0 =	sor.u32 s1, s0  }
0xcb: {  	s0 =	sadd.s32 $0x8F2B, s0  }
0xcc: {  	[sflag:s0] =	ssyncadd.remote.s32 $0x1  }
0xcd: {  	_ =	sfence.sel $0xFFFF  }
0xce: {  	[dreg:$0x0] =	wrdreg $0xFFFFFFFF;
	(pc) =	sbr.abs _section_cstart, $3  }
0xcf: {  	[dreg:$0x1] =	wrdreg $0xFFFFFFFF  }
0xd0: {  	_ =	task.clear_ibuf [dreg:s22], $0x2FFFF;
	_ =	strace $0x9FFFFFFF  }
0xd1: {  	(tm) =	ssettm $0x7FFFFFFF  }
tec
execute0_lowered:
.L_overlay_start_1:
0x0: {  	(tag) =	ssettag $0x1  }
0x1: {  	s1 =	rddreg [dreg:$0x0]  }
0x2: {  	s4 =	rddreg [dreg:$0x1]  }
0x3: {  	s0 =	rddreg [dreg:$0x2]  }
0x4: {  	s3 =	simm.s32 $0x0;
	s5 =	srdreg.scid;
	s2 =	stileid.u32  }
0x5: {  	s15 =	simm.s32 $0x4100;
	s16 =	simm.s32 $0x1;
	s17 =	simm.s32 $0x2  }
0x6: {  	[smem:$0x7FF] =	sst s3;
	s8 =	sand.u32 $0x1, s5;
	s9 =	sadd.s32 $0xC200, s4  }
0x7: {  	s6 =	sshll.u32 s2, $0x1;
	s10 =	sadd.s32 $0x3DF400, s4;
	s12 =	sshll.u32 s2, $0x5  }
0x8: {  	s13 =	sshll.u32 s2, $0xC;
	_ =	strace $0x80000050;
	s5 =	ssub.s32 $0x2, s8  }
0x9: {  	s6 =	sor.u32 s8, s6;
	s31 =	sshll.u32 s8, $0x4;
	s13 =	sadd.s32 s13, s10  }
0xa: {  	s14 =	sshll.u32 s8, $0xB;
	s26 =	sshrl.u32 s5, $0x1;
	s28 =	sshll.u32 s6, $0x4  }
0xb: {  	s18 =	sor.u32 $0x260, s6;
	s11 =	sshll.u32 s6, $0xB;
	s5 =	ssub.s32 s5, s26  }
0xc: {  	s4 =	sadd.s32 s9, s28;
	s7 =	sshll.u32 s18, $0x4;
	s29 =	sadd.s32 s11, s10  }
0xd: {  	s30 =	sshll.u32 s18, $0xB;
	s11 =	simm.s32 $0x3;
	p0 =	sgt.u32 s18, $0x270  }
0xe: {  	s18 =	simm.s32 $0x0;
	s5 =	smax.u32 s5, $0x1;
	s6 =	sadd.s32 s9, s7  }
0xf: {  	s7 =	sadd.s32 $0x120000, s29;
	s9 =	sadd.s32 s12, s9;
	s8 =	sadd.s32 s10, s30  }
0x10: {  	s12 =	sadd.s32 s31, s9;
	s9 =	sadd.s32 s14, s13;
	s13 =	simm.s32 $0x100  }
0x11: {  	s14 =	simm.s32 $0x4;
	s10 =	sadd.s32 $0x400, s12;
	s12 =	simm.s32 $0x80  }
.LBB2_1:
0x12: {  	[tilespmem:s3], [sflag:$0x3] =	stream.linear.gather [hbm4b:s4+s3], $0x80, $0x38;
	[tilespmem:$0x8100] =	vst v63  }
0x13: {  	_ =	swait.ge [sflag:s11], $0x80  }
0x14: {  	[sflag:s11] =	ssyncset.done $0x0  }
0x15: {  	[sflag:s11] =	ssyncadd.s32 $0xFFFFFF80  }
0x16: {  	[tilespmem:s13], [sflag:$0x1] =	stream.indirect.gather [hbm4b:s1+s12], $0x80, s3, s12, $0xb8;
	[tilespmem:$0x8100] =	vst v63  }
0x17: {  	s19 =	sadd.s32 $0xFFFFFE00, s10  }
0x18: {  	[tilespmem:s12], [sflag:$0x4] =	stream.linear.gather [hbm4b:s19+s3], $0x80, $0x38;
	[tilespmem:$0x8100] =	vst v63  }
0x19: {  	_ =	swait.ge [sflag:s14], $0x80  }
0x1a: {  	[sflag:s14] =	ssyncset.done $0x0  }
0x1b: {  	[sflag:s14] =	ssyncadd.s32 $0xFFFFFF80  }
0x1c: {  	[tilespmem:s15], [sflag:$0x2] =	stream.indirect.gather [hbm4b:s1+s12], $0x80, s12, s12, $0xb8;
	[tilespmem:$0x8100] =	vst v63  }
0x1d: {  	_ =	swait.ge [sflag:s16], $0x4000  }
0x1e: {  	[sflag:s16] =	ssyncset.done $0x0  }
0x1f: {  	s31 =	sadd.s32 $0x0, s9;
	[sflag:s16] =	ssyncadd.s32 $0xFFFFC000  }
0x20: {  	[hbm4b:s31+s3] =	stream.linear.scatter [tilespmem:s13], [sflag:$0x4], $0x4000, $0x38;
	[tilespmem:$0x8100] =	vst v63  }
0x21: {  	_ =	swait.ge [sflag:s14], $0x4000  }
0x22: {  	[sflag:s14] =	ssyncset.done $0x0  }
0x23: {  	[sflag:s14] =	ssyncadd.s32 $0xFFFFC000  }
0x24: {  	[tilespmem:s3], [sflag:$0x4] =	stream.linear.gather [hbm4b:s10+s3], $0x80, $0x38;
	[tilespmem:$0x8100] =	vst v63  }
0x25: {  	_ =	swait.ge [sflag:s14], $0x80  }
0x26: {  	[sflag:s14] =	ssyncset.done $0x0  }
0x27: {  	[sflag:s14] =	ssyncadd.s32 $0xFFFFFF80  }
0x28: {  	[tilespmem:s13], [sflag:$0x1] =	stream.indirect.gather [hbm4b:s1+s12], $0x80, s3, s12, $0xb8;
	[tilespmem:$0x8100] =	vst v63  }
0x29: {  	_ =	swait.ge [sflag:s17], $0x4000  }
0x2a: {  	[sflag:s17] =	ssyncset.done $0x0  }
0x2b: {  	s19 =	sadd.s32 $0x10000, s31;
	[sflag:s17] =	ssyncadd.s32 $0xFFFFC000  }
0x2c: {  	[hbm4b:s19+s3] =	stream.linear.scatter [tilespmem:s15], [sflag:$0x3], $0x4000, $0x38;
	[tilespmem:$0x8100] =	vst v63  }
0x2d: {  	s20 =	simm.s32 $0x20000;
	_ =	swait.ge [sflag:s11], $0x4000  }
0x2e: {  	s21 =	simm.s32 $0x40000;
	s19 =	sadd.s32 $0x400, s10;
	[sflag:s11] =	ssyncset.done $0x0  }
.LBB2_2:
0x2f: {  	p1 =	sne.s32 s21, $0x100000;
	s22 =	sadd.s32 $0xFFFFFE00, s19;
	[sflag:s11] =	ssyncadd.s32 $0xFFFFC000  }
0x30: {  	[tilespmem:s12], [sflag:$0x4] =	stream.linear.gather [hbm4b:s22+s3], $0x80, $0x38;
	[tilespmem:$0x8100] =	vst v63  }
0x31: {  	s22 =	smov.u32 s21;
	s21 =	sadd.s32 $0x20000, s21;
	_ =	swait.ge [sflag:s14], $0x80  }
0x32: {  	[sflag:s14] =	ssyncset.done $0x0  }
0x33: {  	[sflag:s14] =	ssyncadd.s32 $0xFFFFFF80  }
0x34: {  	[tilespmem:s15], [sflag:$0x2] =	stream.indirect.gather [hbm4b:s1+s12], $0x80, s12, s12, $0xb8;
	[tilespmem:$0x8100] =	vst v63  }
0x35: {  	_ =	swait.ge [sflag:s16], $0x4000  }
0x36: {  	[sflag:s16] =	ssyncset.done $0x0  }
0x37: {  	s23 =	sadd.s32 s20, s9;
	s20 =	smov.u32 s22;
	[sflag:s16] =	ssyncadd.s32 $0xFFFFC000  }
0x38: {  	[hbm4b:s23+s3] =	stream.linear.scatter [tilespmem:s13], [sflag:$0x4], $0x4000, $0x38;
	[tilespmem:$0x8100] =	vst v63  }
0x39: {  	_ =	swait.ge [sflag:s14], $0x4000  }
0x3a: {  	[sflag:s14] =	ssyncset.done $0x0  }
0x3b: {  	[sflag:s14] =	ssyncadd.s32 $0xFFFFC000  }
0x3c: {  	[tilespmem:s3], [sflag:$0x4] =	stream.linear.gather [hbm4b:s19+s3], $0x80, $0x38;
	[tilespmem:$0x8100] =	vst v63  }
0x3d: {  	_ =	swait.ge [sflag:s14], $0x80  }
0x3e: {  	[sflag:s14] =	ssyncset.done $0x0  }
0x3f: {  	[sflag:s14] =	ssyncadd.s32 $0xFFFFFF80  }
0x40: {  	[tilespmem:s13], [sflag:$0x1] =	stream.indirect.gather [hbm4b:s1+s12], $0x80, s3, s12, $0xb8;
	[tilespmem:$0x8100] =	vst v63  }
0x41: {  	_ =	swait.ge [sflag:s17], $0x4000  }
.Ltmp0:
0x42: {  	[sflag:s17] =	ssyncset.done $0x0;
	(pc) =	sbr.rel @p1 .LBB2_2-.Ltmp0, $4  }
0x43: {  	s22 =	sadd.s32 $0x10000, s23;
	[sflag:s17] =	ssyncadd.s32 $0xFFFFC000  }
0x44: {  	[hbm4b:s22+s3] =	stream.linear.scatter [tilespmem:s15], [sflag:$0x3], $0x4000, $0x38;
	[tilespmem:$0x8100] =	vst v63  }
0x45: {  	_ =	swait.ge [sflag:s11], $0x4000  }
0x46: {  	s19 =	sadd.s32 $0x400, s19;
	[sflag:s11] =	ssyncset.done $0x0  }
0x47: {  	s21 =	sadd.s32 $0xFFFFFE00, s19;
	[sflag:s11] =	ssyncadd.s32 $0xFFFFC000  }
0x48: {  	[tilespmem:s12], [sflag:$0x4] =	stream.linear.gather [hbm4b:s21+s3], $0x80, $0x38;
	[tilespmem:$0x8100] =	vst v63  }
0x49: {  	_ =	swait.ge [sflag:s14], $0x80  }
0x4a: {  	[sflag:s14] =	ssyncset.done $0x0  }
0x4b: {  	[sflag:s14] =	ssyncadd.s32 $0xFFFFFF80  }
0x4c: {  	[tilespmem:s15], [sflag:$0x2] =	stream.indirect.gather [hbm4b:s1+s12], $0x80, s12, s12, $0xb8;
	[tilespmem:$0x8100] =	vst v63  }
0x4d: {  	_ =	swait.ge [sflag:s16], $0x4000  }
0x4e: {  	[sflag:s16] =	ssyncset.done $0x0  }
0x4f: {  	s20 =	sadd.s32 s20, s9;
	[sflag:s16] =	ssyncadd.s32 $0xFFFFC000  }
0x50: {  	[hbm4b:s20+s3] =	stream.linear.scatter [tilespmem:s13], [sflag:$0x4], $0x4000, $0x38;
	[tilespmem:$0x8100] =	vst v63  }
0x51: {  	_ =	swait.ge [sflag:s14], $0x4000  }
0x52: {  	[sflag:s14] =	ssyncset.done $0x0  }
0x53: {  	[sflag:s14] =	ssyncadd.s32 $0xFFFFC000  }
0x54: {  	[tilespmem:s3], [sflag:$0x4] =	stream.linear.gather [hbm4b:s19+s3], $0x80, $0x38;
	[tilespmem:$0x8100] =	vst v63  }
0x55: {  	_ =	swait.ge [sflag:s14], $0x80  }
0x56: {  	[sflag:s14] =	ssyncset.done $0x0  }
0x57: {  	[sflag:s14] =	ssyncadd.s32 $0xFFFFFF80  }
0x58: {  	[tilespmem:s13], [sflag:$0x1] =	stream.indirect.gather [hbm4b:s1+s12], $0x80, s3, s12, $0xb8;
	[tilespmem:$0x8100] =	vst v63  }
0x59: {  	_ =	swait.ge [sflag:s17], $0x4000  }
0x5a: {  	[sflag:s17] =	ssyncset.done $0x0  }
0x5b: {  	s31 =	sadd.s32 $0x10000, s20;
	[sflag:s17] =	ssyncadd.s32 $0xFFFFC000  }
0x5c: {  	[hbm4b:s31+s3] =	stream.linear.scatter [tilespmem:s15], [sflag:$0x3], $0x4000, $0x38;
	[tilespmem:$0x8100] =	vst v63  }
0x5d: {  	_ =	swait.ge [sflag:s11], $0x4000  }
0x5e: {  	s21 =	simm.s32 @!p0 $0x4;
	[sflag:s11] =	ssyncset.done $0x0  }
0x5f: {  	s20 =	simm.s32 @!p0 $0x80;
	s19 =	simm.s32 @!p0 $0x0;
	[sflag:s11] =	ssyncadd.s32 $0xFFFFC000  }
0x60: {  	[tilespmem:s20], [sflag:$0x4] =	stream.linear.gather @!p0 [hbm4b:s6+s19], $0x80, $0x38;
	[tilespmem:$0x8100] =	vst v63  }
0x61: {  	_ =	swait.ge @!p0 [sflag:s21], $0x80  }
0x62: {  	[sflag:s21] =	ssyncset.done @!p0 $0x0  }
0x63: {  	[sflag:s21] =	ssyncadd.s32 @!p0 $0xFFFFFF80;
	s21 =	simm.s32 @!p0 $0x4100  }
0x64: {  	[tilespmem:s21], [sflag:$0x2] =	stream.indirect.gather @!p0 [hbm4b:s1+s20], $0x80, s20, s20, $0xb8;
	[tilespmem:$0x8100] =	vst v63  }
0x65: {  	_ =	swait.ge [sflag:s16], $0x4000  }
0x66: {  	[sflag:s16] =	ssyncset.done $0x0  }
0x67: {  	[sflag:s16] =	ssyncadd.s32 $0xFFFFC000  }
0x68: {  	[hbm4b:s7+s3] =	stream.linear.scatter [tilespmem:s13], [sflag:$0x4], $0x4000, $0x38;
	[tilespmem:$0x8100] =	vst v63  }
0x69: {  	_ =	swait.ge [sflag:s14], $0x4000  }
0x6a: {  	[sflag:s14] =	ssyncset.done $0x0  }
0x6b: {  	s20 =	simm.s32 @!p0 $0x2;
	[sflag:s14] =	ssyncadd.s32 $0xFFFFC000  }
0x6c: {  	_ =	swait.ge @!p0 [sflag:s20], $0x4000  }
0x6d: {  	s18 =	sadd.s32 $0x1, s18;
	[sflag:s20] =	ssyncset.done @!p0 $0x0  }
0x6e: {  	p1 =	sne.s32 s18, s5;
	[sflag:s20] =	ssyncadd.s32 @!p0 $0xFFFFC000  }
0x6f: {  	[hbm4b:s8+s19] =	stream.linear.scatter @!p0 [tilespmem:s21], [sflag:$0x3], $0x4000, $0x38;
	[tilespmem:$0x8100] =	vst v63  }
.Ltmp1:
0x70: {  	_ = 	snop;
	(pc) =	sbr.rel @p1 .LBB2_1-.Ltmp1, $4  }
0x71: {  	s19 =	simm.s32 @!p0 $0x3  }
0x72: {  	_ =	swait.ge @!p0 [sflag:s19], $0x4000  }
0x73: {  	[sflag:s19] =	ssyncset.done @!p0 $0x0  }
0x74: {  	[sflag:s19] =	ssyncadd.s32 @!p0 $0xFFFFC000  }
0x75: {  	_ =	sfence.sel $0x180000  }
0x76: {  	[bflag:$0x0] =	sbarrier.arrive $0xFFFF  }
0x77: {  	p0 =	sne.s32 s2, $0x0;
	_ =	strace $0x90000050  }
0x78: {  	s0 =	sadd.s32 @!p0 $0x100000, s0;
	[bflag:$0x2] =	sbarrier.arrive $0xFFFF  }
0x79: {  	[sflag:s0] =	ssyncadd.tile.s32 @!p0 $0x1;
	_ =	shalt  }
.Lfunc_end2:
_tile_overlayer_lowered:
.L_overlay_start_2:
0x7a: {  	(tag) =	ssettag $0x2  }
0x7b: {  	s0 =	rddreg [dreg:$0x0];
	s2 =	stileid.u32  }
0x7c: {  	s1 =	rddreg [dreg:$0x1];
	p0 =	sne.s32 s2, $0x0  }
0x7d: {  	s3 =	rddreg [dreg:$0x2];
	[bflag:$0x3] =	sbarrier.arrive $0xFFFF;
	s2 =	simm.s32 @!p0 $0x1C03  }
0x7e: {  	[timem:s3], [sflag:s2] =	dma.local @!p0 [hbm:s0], s1  }
0x7f: {  	s0 =	simm.s32 @!p0 $0x3  }
0x80: {  	_ =	swait.ge @!p0 [sflag:s0], s1  }
0x81: {  	s1 =	ssub.s32 @!p0 $0x0, s1;
	[sflag:s0] =	ssyncset.done @!p0 $0x0  }
0x82: {  	[sflag:s0] =	ssyncadd.s32 @!p0 s1  }
0x83: {  	[bflag:$0x3] =	sbarrier.arrive $0xFFFF  }
0x84: {  	_ =	shalt  }

// kernel: kernel.17.cloned.1.call-start
scs
__scs_entry_jumppad:
0x0: {  	(pc) =	sbr.rel $0x88, $3  }
0x1: {  	(tag) =	ssettag $0x0;
	lr =	simm.s32 $0x1  }
0x2: {  	[smem:$0x3F95] =	sst lr;
	_ =	strace $0xD0000000  }
0x3: {  	_ = 	snop  }
0x4: {  	_ = 	snop  }
0x5: {  	_ = 	snop  }
0x6: {  	_ = 	snop  }
0x7: {  	_ = 	snop  }
__scs_overlays_trampoline_lowered:
0x8: {  	[smem:$0x3FA4] =	sst s0  }
0x9: {  	[smem:$0x3FA5] =	sst s1  }
0xa: {  	[smem:$0x3FA6] =	sst s2  }
0xb: {  	[smem:$0x3FA7] =	sst s3  }
0xc: {  	[smem:$0x3FA8] =	sst s4  }
0xd: {  	[smem:$0x3FA9] =	sst s5  }
0xe: {  	[smem:$0x3FAA] =	sst s6  }
0xf: {  	[smem:$0x3FAB] =	sst s7  }
0x10: {  	[smem:$0x3FAC] =	sst s8  }
0x11: {  	[smem:$0x3FAD] =	sst s9;
	s0 =	simm.s32 @!p0 $0x0  }
0x12: {  	s1 =	sld [smem:$0x3F93];
	s0 =	simm.s32 @p0 $0x1  }
0x13: {  	[smem:$0x3FAE] =	sst s0;
	s0 =	simm.s32 @!p1 $0x0  }
0x14: {  	s2 =	sld [smem:$0x3F92];
	s0 =	simm.s32 @p1 $0x1  }
0x15: {  	[smem:$0x3FAF] =	sst s0;
	s0 =	simm.s32 @!p2 $0x0  }
0x16: {  	s3 =	sld [smem:$0x3FDB];
	s0 =	simm.s32 @p2 $0x1  }
0x17: {  	s4 =	simm.s32 $0x1BF5;
	[smem:$0x3FB1] =	sst s0  }
0x18: {  	s0 =	sld [smem:$0x3F94];
	_ =	swait.ge [sflag:s4], $0x0  }
0x19: {  	s7 =	sld [smem:$0x3F95]  }
0x1a: {  	s8 =	sadd.s32 $0xFFFFE003, lr  }
0x1b: {  	s9 =	sadd.s32 $0xFFFFFEF7, lr;
	s5 =	simm.s32 $0xFFFFFFFF;
	p2 =	slt.u32 s8, $0xFFFFF086  }
0x1c: {  	p1 =	slt.u32 s9, $0xF7A;
	s5 =	simm.s32 @!p2 $0x0  }
0x1d: {  	s5 =	simm.s32 @p1 $0x1;
	p0 =	seq.s32 s7, s2  }
0x1e: {  	s7 =	smul.u32 @!p0 $0xF7A, s2;
	p2 =	seq.s32 @!p0 s5, $0x0  }
0x1f: {  	s9 =	smul.u32 $0xF7A, s1;
	s8 =	simm.s32 @!p0 $0x1BF5;
	p2 =	por !p2, p0  }
0x20: {  	[sflag:s8] =	ssyncset.s32 @!p0 $0xFFFFF086;
	s6 =	sadd.s32 @!p0 s3, s7;
	s7 =	simm.s32 @!p0 $0x108  }
0x21: {  	s3 =	sadd.s32 s3, s9;
	s6 =	sadd.s32 @!p0 $0x88, s6;
	s7 =	simm.s32 @p2 $0x1082  }
0x22: {  	[simem:s7], [sflag:s8] =	dma.local @!p0 [hbm:s6], $0xF7A  }
0x23: {  	s9 =	sor.u32 $0xD0000000, s2;
	s6 =	simm.s32 $0x108;
	_ =	swait.ge @!p0 [sflag:s8], $0x0  }
0x24: {  	s3 =	sadd.s32 $0x88, s3;
	s6 =	simm.s32 @!p1 $0x1082;
	[sflag:s4] =	ssyncset.s32 $0xFFFFF086  }
0x25: {  	[simem:s6], [sflag:s4] =	dma.local [hbm:s3], $0xF7A  }
0x26: {  	[smem:$0x3F95] =	sst s1;
	(tag) =	ssettag s2;
	_ =	strace s9  }
0x27: {  	s1 =	sld [smem:$0x3FA5]  }
0x28: {  	s2 =	sld [smem:$0x3FA6]  }
0x29: {  	s4 =	sld [smem:$0x3FA8]  }
0x2a: {  	p0 =	seq.s32 s5, $0x0;
	s5 =	sld [smem:$0x3FA9]  }
0x2b: {  	s6 =	sld [smem:$0x3FAA]  }
0x2c: {  	s7 =	sld [smem:$0x3FAB]  }
0x2d: {  	s3 =	simm.s32 $0x108;
	s8 =	sld [smem:$0x3FAC]  }
0x2e: {  	s3 =	simm.s32 @!p0 $0x1082;
	s9 =	sld [smem:$0x3FAD]  }
0x2f: {  	lr =	sadd.s32 s0, s3;
	s0 =	sld [smem:$0x3FA4]  }
0x30: {  	s3 =	sld [smem:$0x3FA7]  }
0x31: {  	[smem:$0x3FB0] =	sst s10  }
0x32: {  	s10 =	sld [smem:$0x3FAE];
	_ =	sdelay $0x3  }
0x33: {  	p0 =	seq.s32 s10, $0x1;
	s10 =	sld [smem:$0x3FB0];
	_ =	sdelay $0x3  }
0x34: {  	[smem:$0x3FB0] =	sst s10  }
0x35: {  	s10 =	sld [smem:$0x3FAF];
	_ =	sdelay $0x3  }
0x36: {  	p1 =	seq.s32 s10, $0x1;
	s10 =	sld [smem:$0x3FB0];
	_ =	sdelay $0x3  }
0x37: {  	[smem:$0x3FB0] =	sst s10  }
0x38: {  	s10 =	sld [smem:$0x3FB1]  }
0x39: {  	_ = 	snop;
	(pc) =	sbr.ind lr, $3  }
0x3a: {  	_ = 	snop  }
0x3b: {  	_ = 	snop  }
0x3c: {  	p2 =	seq.s32 s10, $0x1;
	s10 =	sld [smem:$0x3FB0]  }
0x3d: {  	_ =	shalt  }
0x3e: {  	_ =	shalt  }
0x3f: {  	_ =	shalt  }
0x40: {  	_ =	shalt  }
0x41: {  	_ =	shalt  }
0x42: {  	_ =	shalt  }
0x43: {  	_ =	shalt  }
0x44: {  	_ =	shalt  }
0x45: {  	_ =	shalt  }
0x46: {  	_ =	shalt  }
0x47: {  	_ =	shalt  }
0x48: {  	_ =	shalt  }
0x49: {  	_ =	shalt  }
0x4a: {  	_ =	shalt  }
0x4b: {  	_ =	shalt  }
0x4c: {  	_ =	shalt  }
0x4d: {  	_ =	shalt  }
0x4e: {  	_ =	shalt  }
0x4f: {  	_ =	shalt  }
0x50: {  	_ =	shalt  }
0x51: {  	_ =	shalt  }
0x52: {  	_ =	shalt  }
0x53: {  	_ =	shalt  }
0x54: {  	_ =	shalt  }
0x55: {  	_ =	shalt  }
0x56: {  	_ =	shalt  }
0x57: {  	_ =	shalt  }
0x58: {  	_ =	shalt  }
0x59: {  	_ =	shalt  }
0x5a: {  	_ =	shalt  }
0x5b: {  	_ =	shalt  }
0x5c: {  	_ =	shalt  }
0x5d: {  	_ =	shalt  }
0x5e: {  	_ =	shalt  }
0x5f: {  	_ =	shalt  }
0x60: {  	_ =	shalt  }
0x61: {  	_ =	shalt  }
0x62: {  	_ =	shalt  }
0x63: {  	_ =	shalt  }
0x64: {  	_ =	shalt  }
0x65: {  	_ =	shalt  }
0x66: {  	_ =	shalt  }
0x67: {  	_ =	shalt  }
0x68: {  	_ =	shalt  }
0x69: {  	_ =	shalt  }
0x6a: {  	_ =	shalt  }
0x6b: {  	_ =	shalt  }
0x6c: {  	_ =	shalt  }
0x6d: {  	_ =	shalt  }
0x6e: {  	_ =	shalt  }
0x6f: {  	_ =	shalt  }
0x70: {  	_ =	shalt  }
0x71: {  	_ =	shalt  }
0x72: {  	_ =	shalt  }
0x73: {  	_ =	shalt  }
0x74: {  	_ =	shalt  }
0x75: {  	_ =	shalt  }
0x76: {  	_ =	shalt  }
0x77: {  	_ =	shalt  }
0x78: {  	_ =	shalt  }
0x79: {  	_ =	shalt  }
0x7a: {  	_ =	shalt  }
0x7b: {  	_ =	shalt  }
0x7c: {  	_ =	shalt  }
0x7d: {  	_ =	shalt  }
0x7e: {  	_ =	shalt  }
0x7f: {  	_ =	shalt  }
0x80: {  	_ =	shalt  }
0x81: {  	_ =	shalt  }
0x82: {  	_ =	shalt  }
0x83: {  	_ =	shalt  }
0x84: {  	_ =	shalt  }
0x85: {  	_ =	shalt  }
0x86: {  	_ =	shalt  }
0x87: {  	_ =	shalt  }
.Lfunc_end0:
.L_simem_size_0:
called_computation.1_lowered:
.L_overlay_start_0:
0x88: {  	s2 =	sld [smem:$0x3FD9]  }
0x89: {  	s3 =	sld [smem:$0x3FFE];
	_ =	sdelay $0x1  }
0x8a: {  	s1 =	srdreg.scid  }
0x8b: {  	s0 =	sand.u32 $0x1, s1  }
0x8c: {  	s17 =	sshll.u32 s0, $0xA;
	s2 =	sadd.s32 s3, s2  }
0x8d: {  	s2 =	sadd.s32 s2, s17  }
0x8e: {  	[smem:$0x3FBC] =	sst s2  }
0x8f: {  	_ = 	snop  }
0x90: {  	s18 =	sld [smem:$0x3FD0];
	(tm) =	ssettm $0x1  }
0x91: {  	s19 =	sld [smem:$0x3FFB];
	_ =	sdelay $0x3  }
0x92: {  	_ =	strace s19  }
0x93: {  	s2 =	sld [smem:$0x3FFC];
	_ =	sdelay $0x3  }
0x94: {  	_ =	strace s2  }
0x95: {  	s2 =	sld [smem:$0x3FFD];
	_ =	sdelay $0x3  }
0x96: {  	_ =	strace s2  }
0x97: {  	_ =	strace $0x8FFFFFFF  }
0x98: {  	s20 =	sld [smem:$0x3FDB];
	_ =	sdelay $0x1  }
0x99: {  	s4 =	simm.s32 $_scs_section_size  }
0x9a: {  	s5 =	simm.s32 $_size__tile_overlayer_lowered;
	s6 =	simm.s32 $_tile_overlayer_lowered  }
0x9b: {  	s7 =	simm.s32 $0x1BFF;
	s21 =	sshll.u32 s6, $0x1;
	s4 =	sadd.s32 s4, s20  }
0x9c: {  	s22 =	simm.s32 $0x0;
	s5 =	sshll.u32 s5, $0x1;
	s6 =	sadd.s32 s21, s4  }
0x9d: {  	[timem:s22], [sflag:s7] =	dma.local [hbm:s6], s5  }
0x9e: {  	_ =	swait.ge [sflag:s7], s5  }
0x9f: {  	s5 =	ssub.s32 $0x0, s5;
	[sflag:s7] =	ssyncset.done $0x0  }
0xa0: {  	[sflag:s7] =	ssyncadd.s32 s5;
	_ =	sdelay $0x1  }
0xa1: {  	s23 =	simm.s32 $0x1B8B  }
0xa2: {  	_ =	swait.ge [sflag:s23], $0x1  }
0xa3: {  	[sflag:s23] =	ssyncset.done $0x0  }
0xa4: {  	[sflag:s23] =	ssyncadd.s32 $0xFFFFFFFF  }
0xa5: {  	s5 =	sld [smem:$0x0]  }
0xa6: {  	s6 =	sand.u32 $0xFFFFFFFE, s1  }
0xa7: {  	p0 =	sne.s32 s1, s6  }
0xa8: {  	s6 =	sshll.u32 @p0 s6, $0xE  }
0xa9: {  	s6 =	sadd.s32 @p0 $0x11B8D, s6;
	s7 =	sshll.u32 @p0 s5, $0x11  }
0xaa: {  	s6 =	sor.u32 @p0 s7, s6  }
0xab: {  	[sflag:s6] =	ssyncadd.remote.s32 @p0 $0x1;
	_ =	sdelay $0x1  }
0xac: {  	s6 =	simm.s32 @p0 $0x1B8D  }
0xad: {  	_ =	swait.eq @p0 [sflag:s6], $0x1  }
0xae: {  	[sflag:s6] =	ssyncadd.s32 @p0 $0xFFFFFFFF  }
0xaf: {  	s7 =	sshll.u32 @!p0 s1, $0xE  }
0xb0: {  	s7 =	sor.u32 @!p0 $0x4000, s7;
	s6 =	simm.s32 @!p0 $0x1B8D  }
0xb1: {  	s5 =	sshll.u32 @!p0 s5, $0x11;
	s7 =	sadd.s32 @!p0 $0x11B8D, s7;
	_ =	swait.eq @!p0 [sflag:s6], $0x1  }
0xb2: {  	s5 =	sor.u32 @!p0 s5, s7;
	[sflag:s6] =	ssyncadd.s32 @!p0 $0xFFFFFFFF  }
0xb3: {  	s25 =	simm.s32 $0x1B8E;
	s24 =	sld [smem:$0x3FFE];
	[sflag:s5] =	ssyncadd.remote.s32 @!p0 $0x1  }
0xb4: {  	s26 =	simm.s32 $execute0_lowered;
	[smem:$0x3FD2] =	sst s25  }
0xb5: {  	s6 =	sshll.u32 s26, $0x1;
	_ =	strace $0x8000004C;
	[dreg:$0x1] =	wrdreg $0xFFFFFFFF  }
0xb6: {  	s28 =	simm.s32 $_size_execute0_lowered;
	s4 =	sadd.s32 s4, s6;
	[dreg:$0x0] =	wrdreg $0x0  }
0xb7: {  	s6 =	sshll.u32 s28, $0x1;
	[dreg:$0x2] =	wrdreg s4  }
0xb8: {  	[dreg:$0x3] =	wrdreg s6  }
0xb9: {  	[dreg:$0x4] =	wrdreg $0xC0  }
0xba: {  	_ =	task [dreg:s22], $0x5FFFF  }
0xbb: {  	[dreg:$0x1] =	wrdreg $0xFFFFFFFF  }
0xbc: {  	[dreg:$0x0] =	wrdreg $0x60  }
0xbd: {  	[dreg:$0x2] =	wrdreg s18  }
0xbe: {  	[dreg:$0x3] =	wrdreg s24  }
0xbf: {  	[dreg:$0x4] =	wrdreg $0xA  }
0xc0: {  	_ =	task.clear_ibuf [dreg:s22], $0x5FFFF;
	_ =	strace $0x9000004C  }
0xc1: {  	s29 =	simm.s32 $0xA;
	_ =	strace $0x8000004E  }
0xc2: {  	_ =	swait.ge [sflag:s29], $0x1  }
0xc3: {  	[sflag:s29] =	ssyncadd.s32 $0xFFFFFFFF  }
0xc4: {  	_ =	strace $0x9000004E  }
0xc5: {  	_ =	sfence  }
0xc6: {  	s30 =	sld [smem:$0x0];
	_ =	sdelay $0x2  }
0xc7: {  	s31 =	sshll.u32 s1, $0xD;
	s1 =	sshrl.u32 s1, $0x2  }
0xc8: {  	s4 =	sand.u32 $0x4000, s31;
	s1 =	sadd.s32 s1, s30  }
0xc9: {  	s0 =	sor.u32 s4, s0;
	s1 =	sshll.u32 s1, $0x11  }
0xca: {  	s0 =	sor.u32 s1, s0  }
0xcb: {  	s0 =	sadd.s32 $0x8F2B, s0  }
0xcc: {  	[sflag:s0] =	ssyncadd.remote.s32 $0x1  }
0xcd: {  	_ =	sfence.sel $0xFFFF  }
0xce: {  	[dreg:$0x0] =	wrdreg $0xFFFFFFFF;
	(pc) =	sbr.abs _section_cstart, $3  }
0xcf: {  	[dreg:$0x1] =	wrdreg $0xFFFFFFFF  }
0xd0: {  	_ =	task.clear_ibuf [dreg:s22], $0x2FFFF;
	_ =	strace $0x9FFFFFFF  }
0xd1: {  	(tm) =	ssettm $0x7FFFFFFF  }
tec
execute0_lowered:
.L_overlay_start_1:
0x0: {  	(tag) =	ssettag $0x1  }
0x1: {  	s1 =	rddreg [dreg:$0x0]  }
0x2: {  	s4 =	rddreg [dreg:$0x1]  }
0x3: {  	s0 =	rddreg [dreg:$0x2]  }
0x4: {  	s3 =	simm.s32 $0x0;
	s5 =	srdreg.scid;
	s2 =	stileid.u32  }
0x5: {  	s15 =	simm.s32 $0x4100;
	s16 =	simm.s32 $0x1;
	s17 =	simm.s32 $0x2  }
0x6: {  	[smem:$0x7FF] =	sst s3;
	s8 =	sand.u32 $0x1, s5;
	s9 =	sadd.s32 $0x9A00, s4  }
0x7: {  	s6 =	sshll.u32 s2, $0x1;
	s10 =	sadd.s32 $0x2A6C00, s4;
	s12 =	sshll.u32 s2, $0x5  }
0x8: {  	s13 =	sshll.u32 s2, $0xC;
	_ =	strace $0x8000004D;
	s5 =	ssub.s32 $0x2, s8  }
0x9: {  	s6 =	sor.u32 s8, s6;
	s31 =	sshll.u32 s8, $0x4;
	s13 =	sadd.s32 s13, s10  }
0xa: {  	s14 =	sshll.u32 s8, $0xB;
	s26 =	sshrl.u32 s5, $0x1;
	s28 =	sshll.u32 s6, $0x4  }
0xb: {  	s18 =	sor.u32 $0x260, s6;
	s11 =	sshll.u32 s6, $0xB;
	s5 =	ssub.s32 s5, s26  }
0xc: {  	s4 =	sadd.s32 s9, s28;
	s7 =	sshll.u32 s18, $0x4;
	s29 =	sadd.s32 s11, s10  }
0xd: {  	s30 =	sshll.u32 s18, $0xB;
	s11 =	simm.s32 $0x3;
	p0 =	sgt.u32 s18, $0x270  }
0xe: {  	s18 =	simm.s32 $0x0;
	s5 =	smax.u32 s5, $0x1;
	s6 =	sadd.s32 s9, s7  }
0xf: {  	s7 =	sadd.s32 $0x120000, s29;
	s9 =	sadd.s32 s12, s9;
	s8 =	sadd.s32 s10, s30  }
0x10: {  	s12 =	sadd.s32 s31, s9;
	s9 =	sadd.s32 s14, s13;
	s13 =	simm.s32 $0x100  }
0x11: {  	s14 =	simm.s32 $0x4;
	s10 =	sadd.s32 $0x400, s12;
	s12 =	simm.s32 $0x80  }
.LBB2_1:
0x12: {  	[tilespmem:s3], [sflag:$0x3] =	stream.linear.gather [hbm4b:s4+s3], $0x80, $0x38;
	[tilespmem:$0x8100] =	vst v63  }
0x13: {  	_ =	swait.ge [sflag:s11], $0x80  }
0x14: {  	[sflag:s11] =	ssyncset.done $0x0  }
0x15: {  	[sflag:s11] =	ssyncadd.s32 $0xFFFFFF80  }
0x16: {  	[tilespmem:s13], [sflag:$0x1] =	stream.indirect.gather [hbm4b:s1+s12], $0x80, s3, s12, $0xb8;
	[tilespmem:$0x8100] =	vst v63  }
0x17: {  	s19 =	sadd.s32 $0xFFFFFE00, s10  }
0x18: {  	[tilespmem:s12], [sflag:$0x4] =	stream.linear.gather [hbm4b:s19+s3], $0x80, $0x38;
	[tilespmem:$0x8100] =	vst v63  }
0x19: {  	_ =	swait.ge [sflag:s14], $0x80  }
0x1a: {  	[sflag:s14] =	ssyncset.done $0x0  }
0x1b: {  	[sflag:s14] =	ssyncadd.s32 $0xFFFFFF80  }
0x1c: {  	[tilespmem:s15], [sflag:$0x2] =	stream.indirect.gather [hbm4b:s1+s12], $0x80, s12, s12, $0xb8;
	[tilespmem:$0x8100] =	vst v63  }
0x1d: {  	_ =	swait.ge [sflag:s16], $0x4000  }
0x1e: {  	[sflag:s16] =	ssyncset.done $0x0  }
0x1f: {  	s31 =	sadd.s32 $0x0, s9;
	[sflag:s16] =	ssyncadd.s32 $0xFFFFC000  }
0x20: {  	[hbm4b:s31+s3] =	stream.linear.scatter [tilespmem:s13], [sflag:$0x4], $0x4000, $0x38;
	[tilespmem:$0x8100] =	vst v63  }
0x21: {  	_ =	swait.ge [sflag:s14], $0x4000  }
0x22: {  	[sflag:s14] =	ssyncset.done $0x0  }
0x23: {  	[sflag:s14] =	ssyncadd.s32 $0xFFFFC000  }
0x24: {  	[tilespmem:s3], [sflag:$0x4] =	stream.linear.gather [hbm4b:s10+s3], $0x80, $0x38;
	[tilespmem:$0x8100] =	vst v63  }
0x25: {  	_ =	swait.ge [sflag:s14], $0x80  }
0x26: {  	[sflag:s14] =	ssyncset.done $0x0  }
0x27: {  	[sflag:s14] =	ssyncadd.s32 $0xFFFFFF80  }
0x28: {  	[tilespmem:s13], [sflag:$0x1] =	stream.indirect.gather [hbm4b:s1+s12], $0x80, s3, s12, $0xb8;
	[tilespmem:$0x8100] =	vst v63  }
0x29: {  	_ =	swait.ge [sflag:s17], $0x4000  }
0x2a: {  	[sflag:s17] =	ssyncset.done $0x0  }
0x2b: {  	s19 =	sadd.s32 $0x10000, s31;
	[sflag:s17] =	ssyncadd.s32 $0xFFFFC000  }
0x2c: {  	[hbm4b:s19+s3] =	stream.linear.scatter [tilespmem:s15], [sflag:$0x3], $0x4000, $0x38;
	[tilespmem:$0x8100] =	vst v63  }
0x2d: {  	s20 =	simm.s32 $0x20000;
	_ =	swait.ge [sflag:s11], $0x4000  }
0x2e: {  	s21 =	simm.s32 $0x40000;
	s19 =	sadd.s32 $0x400, s10;
	[sflag:s11] =	ssyncset.done $0x0  }
.LBB2_2:
0x2f: {  	p1 =	sne.s32 s21, $0x100000;
	s22 =	sadd.s32 $0xFFFFFE00, s19;
	[sflag:s11] =	ssyncadd.s32 $0xFFFFC000  }
0x30: {  	[tilespmem:s12], [sflag:$0x4] =	stream.linear.gather [hbm4b:s22+s3], $0x80, $0x38;
	[tilespmem:$0x8100] =	vst v63  }
0x31: {  	s22 =	smov.u32 s21;
	s21 =	sadd.s32 $0x20000, s21;
	_ =	swait.ge [sflag:s14], $0x80  }
0x32: {  	[sflag:s14] =	ssyncset.done $0x0  }
0x33: {  	[sflag:s14] =	ssyncadd.s32 $0xFFFFFF80  }
0x34: {  	[tilespmem:s15], [sflag:$0x2] =	stream.indirect.gather [hbm4b:s1+s12], $0x80, s12, s12, $0xb8;
	[tilespmem:$0x8100] =	vst v63  }
0x35: {  	_ =	swait.ge [sflag:s16], $0x4000  }
0x36: {  	[sflag:s16] =	ssyncset.done $0x0  }
0x37: {  	s23 =	sadd.s32 s20, s9;
	s20 =	smov.u32 s22;
	[sflag:s16] =	ssyncadd.s32 $0xFFFFC000  }
0x38: {  	[hbm4b:s23+s3] =	stream.linear.scatter [tilespmem:s13], [sflag:$0x4], $0x4000, $0x38;
	[tilespmem:$0x8100] =	vst v63  }
0x39: {  	_ =	swait.ge [sflag:s14], $0x4000  }
0x3a: {  	[sflag:s14] =	ssyncset.done $0x0  }
0x3b: {  	[sflag:s14] =	ssyncadd.s32 $0xFFFFC000  }
0x3c: {  	[tilespmem:s3], [sflag:$0x4] =	stream.linear.gather [hbm4b:s19+s3], $0x80, $0x38;
	[tilespmem:$0x8100] =	vst v63  }
0x3d: {  	_ =	swait.ge [sflag:s14], $0x80  }
0x3e: {  	[sflag:s14] =	ssyncset.done $0x0  }
0x3f: {  	[sflag:s14] =	ssyncadd.s32 $0xFFFFFF80  }
0x40: {  	[tilespmem:s13], [sflag:$0x1] =	stream.indirect.gather [hbm4b:s1+s12], $0x80, s3, s12, $0xb8;
	[tilespmem:$0x8100] =	vst v63  }
0x41: {  	_ =	swait.ge [sflag:s17], $0x4000  }
.Ltmp0:
0x42: {  	[sflag:s17] =	ssyncset.done $0x0;
	(pc) =	sbr.rel @p1 .LBB2_2-.Ltmp0, $4  }
0x43: {  	s22 =	sadd.s32 $0x10000, s23;
	[sflag:s17] =	ssyncadd.s32 $0xFFFFC000  }
0x44: {  	[hbm4b:s22+s3] =	stream.linear.scatter [tilespmem:s15], [sflag:$0x3], $0x4000, $0x38;
	[tilespmem:$0x8100] =	vst v63  }
0x45: {  	_ =	swait.ge [sflag:s11], $0x4000  }
0x46: {  	s19 =	sadd.s32 $0x400, s19;
	[sflag:s11] =	ssyncset.done $0x0  }
0x47: {  	s21 =	sadd.s32 $0xFFFFFE00, s19;
	[sflag:s11] =	ssyncadd.s32 $0xFFFFC000  }
0x48: {  	[tilespmem:s12], [sflag:$0x4] =	stream.linear.gather [hbm4b:s21+s3], $0x80, $0x38;
	[tilespmem:$0x8100] =	vst v63  }
0x49: {  	_ =	swait.ge [sflag:s14], $0x80  }
0x4a: {  	[sflag:s14] =	ssyncset.done $0x0  }
0x4b: {  	[sflag:s14] =	ssyncadd.s32 $0xFFFFFF80  }
0x4c: {  	[tilespmem:s15], [sflag:$0x2] =	stream.indirect.gather [hbm4b:s1+s12], $0x80, s12, s12, $0xb8;
	[tilespmem:$0x8100] =	vst v63  }
0x4d: {  	_ =	swait.ge [sflag:s16], $0x4000  }
0x4e: {  	[sflag:s16] =	ssyncset.done $0x0  }
0x4f: {  	s20 =	sadd.s32 s20, s9;
	[sflag:s16] =	ssyncadd.s32 $0xFFFFC000  }
0x50: {  	[hbm4b:s20+s3] =	stream.linear.scatter [tilespmem:s13], [sflag:$0x4], $0x4000, $0x38;
	[tilespmem:$0x8100] =	vst v63  }
0x51: {  	_ =	swait.ge [sflag:s14], $0x4000  }
0x52: {  	[sflag:s14] =	ssyncset.done $0x0  }
0x53: {  	[sflag:s14] =	ssyncadd.s32 $0xFFFFC000  }
0x54: {  	[tilespmem:s3], [sflag:$0x4] =	stream.linear.gather [hbm4b:s19+s3], $0x80, $0x38;
	[tilespmem:$0x8100] =	vst v63  }
0x55: {  	_ =	swait.ge [sflag:s14], $0x80  }
0x56: {  	[sflag:s14] =	ssyncset.done $0x0  }
0x57: {  	[sflag:s14] =	ssyncadd.s32 $0xFFFFFF80  }
0x58: {  	[tilespmem:s13], [sflag:$0x1] =	stream.indirect.gather [hbm4b:s1+s12], $0x80, s3, s12, $0xb8;
	[tilespmem:$0x8100] =	vst v63  }
0x59: {  	_ =	swait.ge [sflag:s17], $0x4000  }
0x5a: {  	[sflag:s17] =	ssyncset.done $0x0  }
0x5b: {  	s31 =	sadd.s32 $0x10000, s20;
	[sflag:s17] =	ssyncadd.s32 $0xFFFFC000  }
0x5c: {  	[hbm4b:s31+s3] =	stream.linear.scatter [tilespmem:s15], [sflag:$0x3], $0x4000, $0x38;
	[tilespmem:$0x8100] =	vst v63  }
0x5d: {  	_ =	swait.ge [sflag:s11], $0x4000  }
0x5e: {  	s21 =	simm.s32 @!p0 $0x4;
	[sflag:s11] =	ssyncset.done $0x0  }
0x5f: {  	s20 =	simm.s32 @!p0 $0x80;
	s19 =	simm.s32 @!p0 $0x0;
	[sflag:s11] =	ssyncadd.s32 $0xFFFFC000  }
0x60: {  	[tilespmem:s20], [sflag:$0x4] =	stream.linear.gather @!p0 [hbm4b:s6+s19], $0x80, $0x38;
	[tilespmem:$0x8100] =	vst v63  }
0x61: {  	_ =	swait.ge @!p0 [sflag:s21], $0x80  }
0x62: {  	[sflag:s21] =	ssyncset.done @!p0 $0x0  }
0x63: {  	[sflag:s21] =	ssyncadd.s32 @!p0 $0xFFFFFF80;
	s21 =	simm.s32 @!p0 $0x4100  }
0x64: {  	[tilespmem:s21], [sflag:$0x2] =	stream.indirect.gather @!p0 [hbm4b:s1+s20], $0x80, s20, s20, $0xb8;
	[tilespmem:$0x8100] =	vst v63  }
0x65: {  	_ =	swait.ge [sflag:s16], $0x4000  }
0x66: {  	[sflag:s16] =	ssyncset.done $0x0  }
0x67: {  	[sflag:s16] =	ssyncadd.s32 $0xFFFFC000  }
0x68: {  	[hbm4b:s7+s3] =	stream.linear.scatter [tilespmem:s13], [sflag:$0x4], $0x4000, $0x38;
	[tilespmem:$0x8100] =	vst v63  }
0x69: {  	_ =	swait.ge [sflag:s14], $0x4000  }
0x6a: {  	[sflag:s14] =	ssyncset.done $0x0  }
0x6b: {  	s20 =	simm.s32 @!p0 $0x2;
	[sflag:s14] =	ssyncadd.s32 $0xFFFFC000  }
0x6c: {  	_ =	swait.ge @!p0 [sflag:s20], $0x4000  }
0x6d: {  	s18 =	sadd.s32 $0x1, s18;
	[sflag:s20] =	ssyncset.done @!p0 $0x0  }
0x6e: {  	p1 =	sne.s32 s18, s5;
	[sflag:s20] =	ssyncadd.s32 @!p0 $0xFFFFC000  }
0x6f: {  	[hbm4b:s8+s19] =	stream.linear.scatter @!p0 [tilespmem:s21], [sflag:$0x3], $0x4000, $0x38;
	[tilespmem:$0x8100] =	vst v63  }
.Ltmp1:
0x70: {  	_ = 	snop;
	(pc) =	sbr.rel @p1 .LBB2_1-.Ltmp1, $4  }
0x71: {  	s19 =	simm.s32 @!p0 $0x3  }
0x72: {  	_ =	swait.ge @!p0 [sflag:s19], $0x4000  }
0x73: {  	[sflag:s19] =	ssyncset.done @!p0 $0x0  }
0x74: {  	[sflag:s19] =	ssyncadd.s32 @!p0 $0xFFFFC000  }
0x75: {  	_ =	sfence.sel $0x180000  }
0x76: {  	[bflag:$0x0] =	sbarrier.arrive $0xFFFF  }
0x77: {  	p0 =	sne.s32 s2, $0x0;
	_ =	strace $0x9000004D  }
0x78: {  	s0 =	sadd.s32 @!p0 $0x100000, s0;
	[bflag:$0x2] =	sbarrier.arrive $0xFFFF  }
0x79: {  	[sflag:s0] =	ssyncadd.tile.s32 @!p0 $0x1;
	_ =	shalt  }
.Lfunc_end2:
_tile_overlayer_lowered:
.L_overlay_start_2:
0x7a: {  	(tag) =	ssettag $0x2  }
0x7b: {  	s0 =	rddreg [dreg:$0x0];
	s2 =	stileid.u32  }
0x7c: {  	s1 =	rddreg [dreg:$0x1];
	p0 =	sne.s32 s2, $0x0  }
0x7d: {  	s3 =	rddreg [dreg:$0x2];
	[bflag:$0x3] =	sbarrier.arrive $0xFFFF;
	s2 =	simm.s32 @!p0 $0x1C03  }
0x7e: {  	[timem:s3], [sflag:s2] =	dma.local @!p0 [hbm:s0], s1  }
0x7f: {  	s0 =	simm.s32 @!p0 $0x3  }
0x80: {  	_ =	swait.ge @!p0 [sflag:s0], s1  }
0x81: {  	s1 =	ssub.s32 @!p0 $0x0, s1;
	[sflag:s0] =	ssyncset.done @!p0 $0x0  }
0x82: {  	[sflag:s0] =	ssyncadd.s32 @!p0 s1  }
0x83: {  	[bflag:$0x3] =	sbarrier.arrive $0xFFFF  }
0x84: {  	_ =	shalt  }

// kernel: kernel.20.cloned.1.call-start
scs
__scs_entry_jumppad:
0x0: {  	(pc) =	sbr.rel $0x88, $3  }
0x1: {  	(tag) =	ssettag $0x0;
	lr =	simm.s32 $0x1  }
0x2: {  	[smem:$0x3F95] =	sst lr;
	_ =	strace $0xD0000000  }
0x3: {  	_ = 	snop  }
0x4: {  	_ = 	snop  }
0x5: {  	_ = 	snop  }
0x6: {  	_ = 	snop  }
0x7: {  	_ = 	snop  }
__scs_overlays_trampoline_lowered:
0x8: {  	[smem:$0x3FA4] =	sst s0  }
0x9: {  	[smem:$0x3FA5] =	sst s1  }
0xa: {  	[smem:$0x3FA6] =	sst s2  }
0xb: {  	[smem:$0x3FA7] =	sst s3  }
0xc: {  	[smem:$0x3FA8] =	sst s4  }
0xd: {  	[smem:$0x3FA9] =	sst s5  }
0xe: {  	[smem:$0x3FAA] =	sst s6  }
0xf: {  	[smem:$0x3FAB] =	sst s7  }
0x10: {  	[smem:$0x3FAC] =	sst s8  }
0x11: {  	[smem:$0x3FAD] =	sst s9;
	s0 =	simm.s32 @!p0 $0x0  }
0x12: {  	s1 =	sld [smem:$0x3F93];
	s0 =	simm.s32 @p0 $0x1  }
0x13: {  	[smem:$0x3FAE] =	sst s0;
	s0 =	simm.s32 @!p1 $0x0  }
0x14: {  	s2 =	sld [smem:$0x3F92];
	s0 =	simm.s32 @p1 $0x1  }
0x15: {  	[smem:$0x3FAF] =	sst s0;
	s0 =	simm.s32 @!p2 $0x0  }
0x16: {  	s3 =	sld [smem:$0x3FDB];
	s0 =	simm.s32 @p2 $0x1  }
0x17: {  	s4 =	simm.s32 $0x1BF5;
	[smem:$0x3FB1] =	sst s0  }
0x18: {  	s0 =	sld [smem:$0x3F94];
	_ =	swait.ge [sflag:s4], $0x0  }
0x19: {  	s7 =	sld [smem:$0x3F95]  }
0x1a: {  	s8 =	sadd.s32 $0xFFFFE003, lr  }
0x1b: {  	s9 =	sadd.s32 $0xFFFFFEF7, lr;
	s5 =	simm.s32 $0xFFFFFFFF;
	p2 =	slt.u32 s8, $0xFFFFF086  }
0x1c: {  	p1 =	slt.u32 s9, $0xF7A;
	s5 =	simm.s32 @!p2 $0x0  }
0x1d: {  	s5 =	simm.s32 @p1 $0x1;
	p0 =	seq.s32 s7, s2  }
0x1e: {  	s7 =	smul.u32 @!p0 $0xF7A, s2;
	p2 =	seq.s32 @!p0 s5, $0x0  }
0x1f: {  	s9 =	smul.u32 $0xF7A, s1;
	s8 =	simm.s32 @!p0 $0x1BF5;
	p2 =	por !p2, p0  }
0x20: {  	[sflag:s8] =	ssyncset.s32 @!p0 $0xFFFFF086;
	s6 =	sadd.s32 @!p0 s3, s7;
	s7 =	simm.s32 @!p0 $0x108  }
0x21: {  	s3 =	sadd.s32 s3, s9;
	s6 =	sadd.s32 @!p0 $0x88, s6;
	s7 =	simm.s32 @p2 $0x1082  }
0x22: {  	[simem:s7], [sflag:s8] =	dma.local @!p0 [hbm:s6], $0xF7A  }
0x23: {  	s9 =	sor.u32 $0xD0000000, s2;
	s6 =	simm.s32 $0x108;
	_ =	swait.ge @!p0 [sflag:s8], $0x0  }
0x24: {  	s3 =	sadd.s32 $0x88, s3;
	s6 =	simm.s32 @!p1 $0x1082;
	[sflag:s4] =	ssyncset.s32 $0xFFFFF086  }
0x25: {  	[simem:s6], [sflag:s4] =	dma.local [hbm:s3], $0xF7A  }
0x26: {  	[smem:$0x3F95] =	sst s1;
	(tag) =	ssettag s2;
	_ =	strace s9  }
0x27: {  	s1 =	sld [smem:$0x3FA5]  }
0x28: {  	s2 =	sld [smem:$0x3FA6]  }
0x29: {  	s4 =	sld [smem:$0x3FA8]  }
0x2a: {  	p0 =	seq.s32 s5, $0x0;
	s5 =	sld [smem:$0x3FA9]  }
0x2b: {  	s6 =	sld [smem:$0x3FAA]  }
0x2c: {  	s7 =	sld [smem:$0x3FAB]  }
0x2d: {  	s3 =	simm.s32 $0x108;
	s8 =	sld [smem:$0x3FAC]  }
0x2e: {  	s3 =	simm.s32 @!p0 $0x1082;
	s9 =	sld [smem:$0x3FAD]  }
0x2f: {  	lr =	sadd.s32 s0, s3;
	s0 =	sld [smem:$0x3FA4]  }
0x30: {  	s3 =	sld [smem:$0x3FA7]  }
0x31: {  	[smem:$0x3FB0] =	sst s10  }
0x32: {  	s10 =	sld [smem:$0x3FAE];
	_ =	sdelay $0x3  }
0x33: {  	p0 =	seq.s32 s10, $0x1;
	s10 =	sld [smem:$0x3FB0];
	_ =	sdelay $0x3  }
0x34: {  	[smem:$0x3FB0] =	sst s10  }
0x35: {  	s10 =	sld [smem:$0x3FAF];
	_ =	sdelay $0x3  }
0x36: {  	p1 =	seq.s32 s10, $0x1;
	s10 =	sld [smem:$0x3FB0];
	_ =	sdelay $0x3  }
0x37: {  	[smem:$0x3FB0] =	sst s10  }
0x38: {  	s10 =	sld [smem:$0x3FB1]  }
0x39: {  	_ = 	snop;
	(pc) =	sbr.ind lr, $3  }
0x3a: {  	_ = 	snop  }
0x3b: {  	_ = 	snop  }
0x3c: {  	p2 =	seq.s32 s10, $0x1;
	s10 =	sld [smem:$0x3FB0]  }
0x3d: {  	_ =	shalt  }
0x3e: {  	_ =	shalt  }
0x3f: {  	_ =	shalt  }
0x40: {  	_ =	shalt  }
0x41: {  	_ =	shalt  }
0x42: {  	_ =	shalt  }
0x43: {  	_ =	shalt  }
0x44: {  	_ =	shalt  }
0x45: {  	_ =	shalt  }
0x46: {  	_ =	shalt  }
0x47: {  	_ =	shalt  }
0x48: {  	_ =	shalt  }
0x49: {  	_ =	shalt  }
0x4a: {  	_ =	shalt  }
0x4b: {  	_ =	shalt  }
0x4c: {  	_ =	shalt  }
0x4d: {  	_ =	shalt  }
0x4e: {  	_ =	shalt  }
0x4f: {  	_ =	shalt  }
0x50: {  	_ =	shalt  }
0x51: {  	_ =	shalt  }
0x52: {  	_ =	shalt  }
0x53: {  	_ =	shalt  }
0x54: {  	_ =	shalt  }
0x55: {  	_ =	shalt  }
0x56: {  	_ =	shalt  }
0x57: {  	_ =	shalt  }
0x58: {  	_ =	shalt  }
0x59: {  	_ =	shalt  }
0x5a: {  	_ =	shalt  }
0x5b: {  	_ =	shalt  }
0x5c: {  	_ =	shalt  }
0x5d: {  	_ =	shalt  }
0x5e: {  	_ =	shalt  }
0x5f: {  	_ =	shalt  }
0x60: {  	_ =	shalt  }
0x61: {  	_ =	shalt  }
0x62: {  	_ =	shalt  }
0x63: {  	_ =	shalt  }
0x64: {  	_ =	shalt  }
0x65: {  	_ =	shalt  }
0x66: {  	_ =	shalt  }
0x67: {  	_ =	shalt  }
0x68: {  	_ =	shalt  }
0x69: {  	_ =	shalt  }
0x6a: {  	_ =	shalt  }
0x6b: {  	_ =	shalt  }
0x6c: {  	_ =	shalt  }
0x6d: {  	_ =	shalt  }
0x6e: {  	_ =	shalt  }
0x6f: {  	_ =	shalt  }
0x70: {  	_ =	shalt  }
0x71: {  	_ =	shalt  }
0x72: {  	_ =	shalt  }
0x73: {  	_ =	shalt  }
0x74: {  	_ =	shalt  }
0x75: {  	_ =	shalt  }
0x76: {  	_ =	shalt  }
0x77: {  	_ =	shalt  }
0x78: {  	_ =	shalt  }
0x79: {  	_ =	shalt  }
0x7a: {  	_ =	shalt  }
0x7b: {  	_ =	shalt  }
0x7c: {  	_ =	shalt  }
0x7d: {  	_ =	shalt  }
0x7e: {  	_ =	shalt  }
0x7f: {  	_ =	shalt  }
0x80: {  	_ =	shalt  }
0x81: {  	_ =	shalt  }
0x82: {  	_ =	shalt  }
0x83: {  	_ =	shalt  }
0x84: {  	_ =	shalt  }
0x85: {  	_ =	shalt  }
0x86: {  	_ =	shalt  }
0x87: {  	_ =	shalt  }
.Lfunc_end0:
.L_simem_size_0:
called_computation.2_lowered:
.L_overlay_start_0:
0x88: {  	s2 =	sld [smem:$0x3FD9]  }
0x89: {  	s3 =	sld [smem:$0x3FFE];
	_ =	sdelay $0x1  }
0x8a: {  	s1 =	srdreg.scid  }
0x8b: {  	s0 =	sand.u32 $0x1, s1  }
0x8c: {  	s17 =	sshll.u32 s0, $0xA;
	s2 =	sadd.s32 s3, s2  }
0x8d: {  	s2 =	sadd.s32 s2, s17  }
0x8e: {  	[smem:$0x3FBC] =	sst s2  }
0x8f: {  	_ = 	snop  }
0x90: {  	s18 =	sld [smem:$0x3FD0];
	(tm) =	ssettm $0x1  }
0x91: {  	s19 =	sld [smem:$0x3FFB];
	_ =	sdelay $0x3  }
0x92: {  	_ =	strace s19  }
0x93: {  	s2 =	sld [smem:$0x3FFC];
	_ =	sdelay $0x3  }
0x94: {  	_ =	strace s2  }
0x95: {  	s2 =	sld [smem:$0x3FFD];
	_ =	sdelay $0x3  }
0x96: {  	_ =	strace s2  }
0x97: {  	_ =	strace $0x8FFFFFFF  }
0x98: {  	s20 =	sld [smem:$0x3FDB];
	_ =	sdelay $0x1  }
0x99: {  	s4 =	simm.s32 $_scs_section_size  }
0x9a: {  	s5 =	simm.s32 $_size__tile_overlayer_lowered;
	s6 =	simm.s32 $_tile_overlayer_lowered  }
0x9b: {  	s7 =	simm.s32 $0x1BFF;
	s21 =	sshll.u32 s6, $0x1;
	s4 =	sadd.s32 s4, s20  }
0x9c: {  	s22 =	simm.s32 $0x0;
	s5 =	sshll.u32 s5, $0x1;
	s6 =	sadd.s32 s21, s4  }
0x9d: {  	[timem:s22], [sflag:s7] =	dma.local [hbm:s6], s5  }
0x9e: {  	_ =	swait.ge [sflag:s7], s5  }
0x9f: {  	s5 =	ssub.s32 $0x0, s5;
	[sflag:s7] =	ssyncset.done $0x0  }
0xa0: {  	[sflag:s7] =	ssyncadd.s32 s5;
	_ =	sdelay $0x1  }
0xa1: {  	s23 =	simm.s32 $0x1B8B  }
0xa2: {  	_ =	swait.ge [sflag:s23], $0x1  }
0xa3: {  	[sflag:s23] =	ssyncset.done $0x0  }
0xa4: {  	[sflag:s23] =	ssyncadd.s32 $0xFFFFFFFF  }
0xa5: {  	s5 =	sld [smem:$0x0]  }
0xa6: {  	s6 =	sand.u32 $0xFFFFFFFE, s1  }
0xa7: {  	p0 =	sne.s32 s1, s6  }
0xa8: {  	s6 =	sshll.u32 @p0 s6, $0xE  }
0xa9: {  	s6 =	sadd.s32 @p0 $0x11B8D, s6;
	s7 =	sshll.u32 @p0 s5, $0x11  }
0xaa: {  	s6 =	sor.u32 @p0 s7, s6  }
0xab: {  	[sflag:s6] =	ssyncadd.remote.s32 @p0 $0x1;
	_ =	sdelay $0x1  }
0xac: {  	s6 =	simm.s32 @p0 $0x1B8D  }
0xad: {  	_ =	swait.eq @p0 [sflag:s6], $0x1  }
0xae: {  	[sflag:s6] =	ssyncadd.s32 @p0 $0xFFFFFFFF  }
0xaf: {  	s7 =	sshll.u32 @!p0 s1, $0xE  }
0xb0: {  	s7 =	sor.u32 @!p0 $0x4000, s7;
	s6 =	simm.s32 @!p0 $0x1B8D  }
0xb1: {  	s5 =	sshll.u32 @!p0 s5, $0x11;
	s7 =	sadd.s32 @!p0 $0x11B8D, s7;
	_ =	swait.eq @!p0 [sflag:s6], $0x1  }
0xb2: {  	s5 =	sor.u32 @!p0 s5, s7;
	[sflag:s6] =	ssyncadd.s32 @!p0 $0xFFFFFFFF  }
0xb3: {  	s25 =	simm.s32 $0x1B8E;
	s24 =	sld [smem:$0x3FFE];
	[sflag:s5] =	ssyncadd.remote.s32 @!p0 $0x1  }
0xb4: {  	s26 =	simm.s32 $execute0_lowered;
	[smem:$0x3FD2] =	sst s25  }
0xb5: {  	s6 =	sshll.u32 s26, $0x1;
	_ =	strace $0x80000049;
	[dreg:$0x1] =	wrdreg $0xFFFFFFFF  }
0xb6: {  	s28 =	simm.s32 $_size_execute0_lowered;
	s4 =	sadd.s32 s4, s6;
	[dreg:$0x0] =	wrdreg $0x0  }
0xb7: {  	s6 =	sshll.u32 s28, $0x1;
	[dreg:$0x2] =	wrdreg s4  }
0xb8: {  	[dreg:$0x3] =	wrdreg s6  }
0xb9: {  	[dreg:$0x4] =	wrdreg $0xC0  }
0xba: {  	_ =	task [dreg:s22], $0x5FFFF  }
0xbb: {  	[dreg:$0x1] =	wrdreg $0xFFFFFFFF  }
0xbc: {  	[dreg:$0x0] =	wrdreg $0x60  }
0xbd: {  	[dreg:$0x2] =	wrdreg s18  }
0xbe: {  	[dreg:$0x3] =	wrdreg s24  }
0xbf: {  	[dreg:$0x4] =	wrdreg $0xB  }
0xc0: {  	_ =	task.clear_ibuf [dreg:s22], $0x5FFFF;
	_ =	strace $0x90000049  }
0xc1: {  	s29 =	simm.s32 $0xB;
	_ =	strace $0x8000004B  }
0xc2: {  	_ =	swait.ge [sflag:s29], $0x1  }
0xc3: {  	[sflag:s29] =	ssyncadd.s32 $0xFFFFFFFF  }
0xc4: {  	_ =	strace $0x9000004B  }
0xc5: {  	_ =	sfence  }
0xc6: {  	s30 =	sld [smem:$0x0];
	_ =	sdelay $0x2  }
0xc7: {  	s31 =	sshll.u32 s1, $0xD;
	s1 =	sshrl.u32 s1, $0x2  }
0xc8: {  	s4 =	sand.u32 $0x4000, s31;
	s1 =	sadd.s32 s1, s30  }
0xc9: {  	s0 =	sor.u32 s4, s0;
	s1 =	sshll.u32 s1, $0x11  }
0xca: {  	s0 =	sor.u32 s1, s0  }
0xcb: {  	s0 =	sadd.s32 $0x8F2B, s0  }
0xcc: {  	[sflag:s0] =	ssyncadd.remote.s32 $0x1  }
0xcd: {  	_ =	sfence.sel $0xFFFF  }
0xce: {  	[dreg:$0x0] =	wrdreg $0xFFFFFFFF;
	(pc) =	sbr.abs _section_cstart, $3  }
0xcf: {  	[dreg:$0x1] =	wrdreg $0xFFFFFFFF  }
0xd0: {  	_ =	task.clear_ibuf [dreg:s22], $0x2FFFF;
	_ =	strace $0x9FFFFFFF  }
0xd1: {  	(tm) =	ssettm $0x7FFFFFFF  }
tec
execute0_lowered:
.L_overlay_start_1:
0x0: {  	(tag) =	ssettag $0x1  }
0x1: {  	s1 =	rddreg [dreg:$0x0]  }
0x2: {  	s4 =	rddreg [dreg:$0x1]  }
0x3: {  	s0 =	rddreg [dreg:$0x2]  }
0x4: {  	s3 =	simm.s32 $0x0;
	s5 =	srdreg.scid;
	s2 =	stileid.u32  }
0x5: {  	s15 =	simm.s32 $0x4100;
	s16 =	simm.s32 $0x1;
	s17 =	simm.s32 $0x2  }
0x6: {  	[smem:$0x7FF] =	sst s3;
	s8 =	sand.u32 $0x1, s5;
	s9 =	sadd.s32 $0x7200, s4  }
0x7: {  	s6 =	sshll.u32 s2, $0x1;
	s10 =	sadd.s32 $0x16E400, s4;
	s12 =	sshll.u32 s2, $0x5  }
0x8: {  	s13 =	sshll.u32 s2, $0xC;
	_ =	strace $0x8000004A;
	s5 =	ssub.s32 $0x2, s8  }
0x9: {  	s6 =	sor.u32 s8, s6;
	s31 =	sshll.u32 s8, $0x4;
	s13 =	sadd.s32 s13, s10  }
0xa: {  	s14 =	sshll.u32 s8, $0xB;
	s26 =	sshrl.u32 s5, $0x1;
	s28 =	sshll.u32 s6, $0x4  }
0xb: {  	s18 =	sor.u32 $0x260, s6;
	s11 =	sshll.u32 s6, $0xB;
	s5 =	ssub.s32 s5, s26  }
0xc: {  	s4 =	sadd.s32 s9, s28;
	s7 =	sshll.u32 s18, $0x4;
	s29 =	sadd.s32 s11, s10  }
0xd: {  	s30 =	sshll.u32 s18, $0xB;
	s11 =	simm.s32 $0x3;
	p0 =	sgt.u32 s18, $0x270  }
0xe: {  	s18 =	simm.s32 $0x0;
	s5 =	smax.u32 s5, $0x1;
	s6 =	sadd.s32 s9, s7  }
0xf: {  	s7 =	sadd.s32 $0x120000, s29;
	s9 =	sadd.s32 s12, s9;
	s8 =	sadd.s32 s10, s30  }
0x10: {  	s12 =	sadd.s32 s31, s9;
	s9 =	sadd.s32 s14, s13;
	s13 =	simm.s32 $0x100  }
0x11: {  	s14 =	simm.s32 $0x4;
	s10 =	sadd.s32 $0x400, s12;
	s12 =	simm.s32 $0x80  }
.LBB2_1:
0x12: {  	[tilespmem:s3], [sflag:$0x3] =	stream.linear.gather [hbm4b:s4+s3], $0x80, $0x38;
	[tilespmem:$0x8100] =	vst v63  }
0x13: {  	_ =	swait.ge [sflag:s11], $0x80  }
0x14: {  	[sflag:s11] =	ssyncset.done $0x0  }
0x15: {  	[sflag:s11] =	ssyncadd.s32 $0xFFFFFF80  }
0x16: {  	[tilespmem:s13], [sflag:$0x1] =	stream.indirect.gather [hbm4b:s1+s12], $0x80, s3, s12, $0xb8;
	[tilespmem:$0x8100] =	vst v63  }
0x17: {  	s19 =	sadd.s32 $0xFFFFFE00, s10  }
0x18: {  	[tilespmem:s12], [sflag:$0x4] =	stream.linear.gather [hbm4b:s19+s3], $0x80, $0x38;
	[tilespmem:$0x8100] =	vst v63  }
0x19: {  	_ =	swait.ge [sflag:s14], $0x80  }
0x1a: {  	[sflag:s14] =	ssyncset.done $0x0  }
0x1b: {  	[sflag:s14] =	ssyncadd.s32 $0xFFFFFF80  }
0x1c: {  	[tilespmem:s15], [sflag:$0x2] =	stream.indirect.gather [hbm4b:s1+s12], $0x80, s12, s12, $0xb8;
	[tilespmem:$0x8100] =	vst v63  }
0x1d: {  	_ =	swait.ge [sflag:s16], $0x4000  }
0x1e: {  	[sflag:s16] =	ssyncset.done $0x0  }
0x1f: {  	s31 =	sadd.s32 $0x0, s9;
	[sflag:s16] =	ssyncadd.s32 $0xFFFFC000  }
0x20: {  	[hbm4b:s31+s3] =	stream.linear.scatter [tilespmem:s13], [sflag:$0x4], $0x4000, $0x38;
	[tilespmem:$0x8100] =	vst v63  }
0x21: {  	_ =	swait.ge [sflag:s14], $0x4000  }
0x22: {  	[sflag:s14] =	ssyncset.done $0x0  }
0x23: {  	[sflag:s14] =	ssyncadd.s32 $0xFFFFC000  }
0x24: {  	[tilespmem:s3], [sflag:$0x4] =	stream.linear.gather [hbm4b:s10+s3], $0x80, $0x38;
	[tilespmem:$0x8100] =	vst v63  }
0x25: {  	_ =	swait.ge [sflag:s14], $0x80  }
0x26: {  	[sflag:s14] =	ssyncset.done $0x0  }
0x27: {  	[sflag:s14] =	ssyncadd.s32 $0xFFFFFF80  }
0x28: {  	[tilespmem:s13], [sflag:$0x1] =	stream.indirect.gather [hbm4b:s1+s12], $0x80, s3, s12, $0xb8;
	[tilespmem:$0x8100] =	vst v63  }
0x29: {  	_ =	swait.ge [sflag:s17], $0x4000  }
0x2a: {  	[sflag:s17] =	ssyncset.done $0x0  }
0x2b: {  	s19 =	sadd.s32 $0x10000, s31;
	[sflag:s17] =	ssyncadd.s32 $0xFFFFC000  }
0x2c: {  	[hbm4b:s19+s3] =	stream.linear.scatter [tilespmem:s15], [sflag:$0x3], $0x4000, $0x38;
	[tilespmem:$0x8100] =	vst v63  }
0x2d: {  	s20 =	simm.s32 $0x20000;
	_ =	swait.ge [sflag:s11], $0x4000  }
0x2e: {  	s21 =	simm.s32 $0x40000;
	s19 =	sadd.s32 $0x400, s10;
	[sflag:s11] =	ssyncset.done $0x0  }
.LBB2_2:
0x2f: {  	p1 =	sne.s32 s21, $0x100000;
	s22 =	sadd.s32 $0xFFFFFE00, s19;
	[sflag:s11] =	ssyncadd.s32 $0xFFFFC000  }
0x30: {  	[tilespmem:s12], [sflag:$0x4] =	stream.linear.gather [hbm4b:s22+s3], $0x80, $0x38;
	[tilespmem:$0x8100] =	vst v63  }
0x31: {  	s22 =	smov.u32 s21;
	s21 =	sadd.s32 $0x20000, s21;
	_ =	swait.ge [sflag:s14], $0x80  }
0x32: {  	[sflag:s14] =	ssyncset.done $0x0  }
0x33: {  	[sflag:s14] =	ssyncadd.s32 $0xFFFFFF80  }
0x34: {  	[tilespmem:s15], [sflag:$0x2] =	stream.indirect.gather [hbm4b:s1+s12], $0x80, s12, s12, $0xb8;
	[tilespmem:$0x8100] =	vst v63  }
0x35: {  	_ =	swait.ge [sflag:s16], $0x4000  }
0x36: {  	[sflag:s16] =	ssyncset.done $0x0  }
0x37: {  	s23 =	sadd.s32 s20, s9;
	s20 =	smov.u32 s22;
	[sflag:s16] =	ssyncadd.s32 $0xFFFFC000  }
0x38: {  	[hbm4b:s23+s3] =	stream.linear.scatter [tilespmem:s13], [sflag:$0x4], $0x4000, $0x38;
	[tilespmem:$0x8100] =	vst v63  }
0x39: {  	_ =	swait.ge [sflag:s14], $0x4000  }
0x3a: {  	[sflag:s14] =	ssyncset.done $0x0  }
0x3b: {  	[sflag:s14] =	ssyncadd.s32 $0xFFFFC000  }
0x3c: {  	[tilespmem:s3], [sflag:$0x4] =	stream.linear.gather [hbm4b:s19+s3], $0x80, $0x38;
	[tilespmem:$0x8100] =	vst v63  }
0x3d: {  	_ =	swait.ge [sflag:s14], $0x80  }
0x3e: {  	[sflag:s14] =	ssyncset.done $0x0  }
0x3f: {  	[sflag:s14] =	ssyncadd.s32 $0xFFFFFF80  }
0x40: {  	[tilespmem:s13], [sflag:$0x1] =	stream.indirect.gather [hbm4b:s1+s12], $0x80, s3, s12, $0xb8;
	[tilespmem:$0x8100] =	vst v63  }
0x41: {  	_ =	swait.ge [sflag:s17], $0x4000  }
.Ltmp0:
0x42: {  	[sflag:s17] =	ssyncset.done $0x0;
	(pc) =	sbr.rel @p1 .LBB2_2-.Ltmp0, $4  }
0x43: {  	s22 =	sadd.s32 $0x10000, s23;
	[sflag:s17] =	ssyncadd.s32 $0xFFFFC000  }
0x44: {  	[hbm4b:s22+s3] =	stream.linear.scatter [tilespmem:s15], [sflag:$0x3], $0x4000, $0x38;
	[tilespmem:$0x8100] =	vst v63  }
0x45: {  	_ =	swait.ge [sflag:s11], $0x4000  }
0x46: {  	s19 =	sadd.s32 $0x400, s19;
	[sflag:s11] =	ssyncset.done $0x0  }
0x47: {  	s21 =	sadd.s32 $0xFFFFFE00, s19;
	[sflag:s11] =	ssyncadd.s32 $0xFFFFC000  }
0x48: {  	[tilespmem:s12], [sflag:$0x4] =	stream.linear.gather [hbm4b:s21+s3], $0x80, $0x38;
	[tilespmem:$0x8100] =	vst v63  }
0x49: {  	_ =	swait.ge [sflag:s14], $0x80  }
0x4a: {  	[sflag:s14] =	ssyncset.done $0x0  }
0x4b: {  	[sflag:s14] =	ssyncadd.s32 $0xFFFFFF80  }
0x4c: {  	[tilespmem:s15], [sflag:$0x2] =	stream.indirect.gather [hbm4b:s1+s12], $0x80, s12, s12, $0xb8;
	[tilespmem:$0x8100] =	vst v63  }
0x4d: {  	_ =	swait.ge [sflag:s16], $0x4000  }
0x4e: {  	[sflag:s16] =	ssyncset.done $0x0  }
0x4f: {  	s20 =	sadd.s32 s20, s9;
	[sflag:s16] =	ssyncadd.s32 $0xFFFFC000  }
0x50: {  	[hbm4b:s20+s3] =	stream.linear.scatter [tilespmem:s13], [sflag:$0x4], $0x4000, $0x38;
	[tilespmem:$0x8100] =	vst v63  }
0x51: {  	_ =	swait.ge [sflag:s14], $0x4000  }
0x52: {  	[sflag:s14] =	ssyncset.done $0x0  }
0x53: {  	[sflag:s14] =	ssyncadd.s32 $0xFFFFC000  }
0x54: {  	[tilespmem:s3], [sflag:$0x4] =	stream.linear.gather [hbm4b:s19+s3], $0x80, $0x38;
	[tilespmem:$0x8100] =	vst v63  }
0x55: {  	_ =	swait.ge [sflag:s14], $0x80  }
0x56: {  	[sflag:s14] =	ssyncset.done $0x0  }
0x57: {  	[sflag:s14] =	ssyncadd.s32 $0xFFFFFF80  }
0x58: {  	[tilespmem:s13], [sflag:$0x1] =	stream.indirect.gather [hbm4b:s1+s12], $0x80, s3, s12, $0xb8;
	[tilespmem:$0x8100] =	vst v63  }
0x59: {  	_ =	swait.ge [sflag:s17], $0x4000  }
0x5a: {  	[sflag:s17] =	ssyncset.done $0x0  }
0x5b: {  	s31 =	sadd.s32 $0x10000, s20;
	[sflag:s17] =	ssyncadd.s32 $0xFFFFC000  }
0x5c: {  	[hbm4b:s31+s3] =	stream.linear.scatter [tilespmem:s15], [sflag:$0x3], $0x4000, $0x38;
	[tilespmem:$0x8100] =	vst v63  }
0x5d: {  	_ =	swait.ge [sflag:s11], $0x4000  }
0x5e: {  	s21 =	simm.s32 @!p0 $0x4;
	[sflag:s11] =	ssyncset.done $0x0  }
0x5f: {  	s20 =	simm.s32 @!p0 $0x80;
	s19 =	simm.s32 @!p0 $0x0;
	[sflag:s11] =	ssyncadd.s32 $0xFFFFC000  }
0x60: {  	[tilespmem:s20], [sflag:$0x4] =	stream.linear.gather @!p0 [hbm4b:s6+s19], $0x80, $0x38;
	[tilespmem:$0x8100] =	vst v63  }
0x61: {  	_ =	swait.ge @!p0 [sflag:s21], $0x80  }
0x62: {  	[sflag:s21] =	ssyncset.done @!p0 $0x0  }
0x63: {  	[sflag:s21] =	ssyncadd.s32 @!p0 $0xFFFFFF80;
	s21 =	simm.s32 @!p0 $0x4100  }
0x64: {  	[tilespmem:s21], [sflag:$0x2] =	stream.indirect.gather @!p0 [hbm4b:s1+s20], $0x80, s20, s20, $0xb8;
	[tilespmem:$0x8100] =	vst v63  }
0x65: {  	_ =	swait.ge [sflag:s16], $0x4000  }
0x66: {  	[sflag:s16] =	ssyncset.done $0x0  }
0x67: {  	[sflag:s16] =	ssyncadd.s32 $0xFFFFC000  }
0x68: {  	[hbm4b:s7+s3] =	stream.linear.scatter [tilespmem:s13], [sflag:$0x4], $0x4000, $0x38;
	[tilespmem:$0x8100] =	vst v63  }
0x69: {  	_ =	swait.ge [sflag:s14], $0x4000  }
0x6a: {  	[sflag:s14] =	ssyncset.done $0x0  }
0x6b: {  	s20 =	simm.s32 @!p0 $0x2;
	[sflag:s14] =	ssyncadd.s32 $0xFFFFC000  }
0x6c: {  	_ =	swait.ge @!p0 [sflag:s20], $0x4000  }
0x6d: {  	s18 =	sadd.s32 $0x1, s18;
	[sflag:s20] =	ssyncset.done @!p0 $0x0  }
0x6e: {  	p1 =	sne.s32 s18, s5;
	[sflag:s20] =	ssyncadd.s32 @!p0 $0xFFFFC000  }
0x6f: {  	[hbm4b:s8+s19] =	stream.linear.scatter @!p0 [tilespmem:s21], [sflag:$0x3], $0x4000, $0x38;
	[tilespmem:$0x8100] =	vst v63  }
.Ltmp1:
0x70: {  	_ = 	snop;
	(pc) =	sbr.rel @p1 .LBB2_1-.Ltmp1, $4  }
0x71: {  	s19 =	simm.s32 @!p0 $0x3  }
0x72: {  	_ =	swait.ge @!p0 [sflag:s19], $0x4000  }
0x73: {  	[sflag:s19] =	ssyncset.done @!p0 $0x0  }
0x74: {  	[sflag:s19] =	ssyncadd.s32 @!p0 $0xFFFFC000  }
0x75: {  	_ =	sfence.sel $0x180000  }
0x76: {  	[bflag:$0x0] =	sbarrier.arrive $0xFFFF  }
0x77: {  	p0 =	sne.s32 s2, $0x0;
	_ =	strace $0x9000004A  }
0x78: {  	s0 =	sadd.s32 @!p0 $0x100000, s0;
	[bflag:$0x2] =	sbarrier.arrive $0xFFFF  }
0x79: {  	[sflag:s0] =	ssyncadd.tile.s32 @!p0 $0x1;
	_ =	shalt  }
.Lfunc_end2:
_tile_overlayer_lowered:
.L_overlay_start_2:
0x7a: {  	(tag) =	ssettag $0x2  }
0x7b: {  	s0 =	rddreg [dreg:$0x0];
	s2 =	stileid.u32  }
0x7c: {  	s1 =	rddreg [dreg:$0x1];
	p0 =	sne.s32 s2, $0x0  }
0x7d: {  	s3 =	rddreg [dreg:$0x2];
	[bflag:$0x3] =	sbarrier.arrive $0xFFFF;
	s2 =	simm.s32 @!p0 $0x1C03  }
0x7e: {  	[timem:s3], [sflag:s2] =	dma.local @!p0 [hbm:s0], s1  }
0x7f: {  	s0 =	simm.s32 @!p0 $0x3  }
0x80: {  	_ =	swait.ge @!p0 [sflag:s0], s1  }
0x81: {  	s1 =	ssub.s32 @!p0 $0x0, s1;
	[sflag:s0] =	ssyncset.done @!p0 $0x0  }
0x82: {  	[sflag:s0] =	ssyncadd.s32 @!p0 s1  }
0x83: {  	[bflag:$0x3] =	sbarrier.arrive $0xFFFF  }
0x84: {  	_ =	shalt  }

// kernel: kernel.23.cloned.1.call-start
scs
__scs_entry_jumppad:
0x0: {  	(pc) =	sbr.rel $0x88, $3  }
0x1: {  	(tag) =	ssettag $0x0;
	lr =	simm.s32 $0x1  }
0x2: {  	[smem:$0x3F95] =	sst lr;
	_ =	strace $0xD0000000  }
0x3: {  	_ = 	snop  }
0x4: {  	_ = 	snop  }
0x5: {  	_ = 	snop  }
0x6: {  	_ = 	snop  }
0x7: {  	_ = 	snop  }
__scs_overlays_trampoline_lowered:
0x8: {  	[smem:$0x3FA4] =	sst s0  }
0x9: {  	[smem:$0x3FA5] =	sst s1  }
0xa: {  	[smem:$0x3FA6] =	sst s2  }
0xb: {  	[smem:$0x3FA7] =	sst s3  }
0xc: {  	[smem:$0x3FA8] =	sst s4  }
0xd: {  	[smem:$0x3FA9] =	sst s5  }
0xe: {  	[smem:$0x3FAA] =	sst s6  }
0xf: {  	[smem:$0x3FAB] =	sst s7  }
0x10: {  	[smem:$0x3FAC] =	sst s8  }
0x11: {  	[smem:$0x3FAD] =	sst s9;
	s0 =	simm.s32 @!p0 $0x0  }
0x12: {  	s1 =	sld [smem:$0x3F93];
	s0 =	simm.s32 @p0 $0x1  }
0x13: {  	[smem:$0x3FAE] =	sst s0;
	s0 =	simm.s32 @!p1 $0x0  }
0x14: {  	s2 =	sld [smem:$0x3F92];
	s0 =	simm.s32 @p1 $0x1  }
0x15: {  	[smem:$0x3FAF] =	sst s0;
	s0 =	simm.s32 @!p2 $0x0  }
0x16: {  	s3 =	sld [smem:$0x3FDB];
	s0 =	simm.s32 @p2 $0x1  }
0x17: {  	s4 =	simm.s32 $0x1BF5;
	[smem:$0x3FB1] =	sst s0  }
0x18: {  	s0 =	sld [smem:$0x3F94];
	_ =	swait.ge [sflag:s4], $0x0  }
0x19: {  	s7 =	sld [smem:$0x3F95]  }
0x1a: {  	s8 =	sadd.s32 $0xFFFFE003, lr  }
0x1b: {  	s9 =	sadd.s32 $0xFFFFFEF7, lr;
	s5 =	simm.s32 $0xFFFFFFFF;
	p2 =	slt.u32 s8, $0xFFFFF086  }
0x1c: {  	p1 =	slt.u32 s9, $0xF7A;
	s5 =	simm.s32 @!p2 $0x0  }
0x1d: {  	s5 =	simm.s32 @p1 $0x1;
	p0 =	seq.s32 s7, s2  }
0x1e: {  	s7 =	smul.u32 @!p0 $0xF7A, s2;
	p2 =	seq.s32 @!p0 s5, $0x0  }
0x1f: {  	s9 =	smul.u32 $0xF7A, s1;
	s8 =	simm.s32 @!p0 $0x1BF5;
	p2 =	por !p2, p0  }
0x20: {  	[sflag:s8] =	ssyncset.s32 @!p0 $0xFFFFF086;
	s6 =	sadd.s32 @!p0 s3, s7;
	s7 =	simm.s32 @!p0 $0x108  }
0x21: {  	s3 =	sadd.s32 s3, s9;
	s6 =	sadd.s32 @!p0 $0x88, s6;
	s7 =	simm.s32 @p2 $0x1082  }
0x22: {  	[simem:s7], [sflag:s8] =	dma.local @!p0 [hbm:s6], $0xF7A  }
0x23: {  	s9 =	sor.u32 $0xD0000000, s2;
	s6 =	simm.s32 $0x108;
	_ =	swait.ge @!p0 [sflag:s8], $0x0  }
0x24: {  	s3 =	sadd.s32 $0x88, s3;
	s6 =	simm.s32 @!p1 $0x1082;
	[sflag:s4] =	ssyncset.s32 $0xFFFFF086  }
0x25: {  	[simem:s6], [sflag:s4] =	dma.local [hbm:s3], $0xF7A  }
0x26: {  	[smem:$0x3F95] =	sst s1;
	(tag) =	ssettag s2;
	_ =	strace s9  }
0x27: {  	s1 =	sld [smem:$0x3FA5]  }
0x28: {  	s2 =	sld [smem:$0x3FA6]  }
0x29: {  	s4 =	sld [smem:$0x3FA8]  }
0x2a: {  	p0 =	seq.s32 s5, $0x0;
	s5 =	sld [smem:$0x3FA9]  }
0x2b: {  	s6 =	sld [smem:$0x3FAA]  }
0x2c: {  	s7 =	sld [smem:$0x3FAB]  }
0x2d: {  	s3 =	simm.s32 $0x108;
	s8 =	sld [smem:$0x3FAC]  }
0x2e: {  	s3 =	simm.s32 @!p0 $0x1082;
	s9 =	sld [smem:$0x3FAD]  }
0x2f: {  	lr =	sadd.s32 s0, s3;
	s0 =	sld [smem:$0x3FA4]  }
0x30: {  	s3 =	sld [smem:$0x3FA7]  }
0x31: {  	[smem:$0x3FB0] =	sst s10  }
0x32: {  	s10 =	sld [smem:$0x3FAE];
	_ =	sdelay $0x3  }
0x33: {  	p0 =	seq.s32 s10, $0x1;
	s10 =	sld [smem:$0x3FB0];
	_ =	sdelay $0x3  }
0x34: {  	[smem:$0x3FB0] =	sst s10  }
0x35: {  	s10 =	sld [smem:$0x3FAF];
	_ =	sdelay $0x3  }
0x36: {  	p1 =	seq.s32 s10, $0x1;
	s10 =	sld [smem:$0x3FB0];
	_ =	sdelay $0x3  }
0x37: {  	[smem:$0x3FB0] =	sst s10  }
0x38: {  	s10 =	sld [smem:$0x3FB1]  }
0x39: {  	_ = 	snop;
	(pc) =	sbr.ind lr, $3  }
0x3a: {  	_ = 	snop  }
0x3b: {  	_ = 	snop  }
0x3c: {  	p2 =	seq.s32 s10, $0x1;
	s10 =	sld [smem:$0x3FB0]  }
0x3d: {  	_ =	shalt  }
0x3e: {  	_ =	shalt  }
0x3f: {  	_ =	shalt  }
0x40: {  	_ =	shalt  }
0x41: {  	_ =	shalt  }
0x42: {  	_ =	shalt  }
0x43: {  	_ =	shalt  }
0x44: {  	_ =	shalt  }
0x45: {  	_ =	shalt  }
0x46: {  	_ =	shalt  }
0x47: {  	_ =	shalt  }
0x48: {  	_ =	shalt  }
0x49: {  	_ =	shalt  }
0x4a: {  	_ =	shalt  }
0x4b: {  	_ =	shalt  }
0x4c: {  	_ =	shalt  }
0x4d: {  	_ =	shalt  }
0x4e: {  	_ =	shalt  }
0x4f: {  	_ =	shalt  }
0x50: {  	_ =	shalt  }
0x51: {  	_ =	shalt  }
0x52: {  	_ =	shalt  }
0x53: {  	_ =	shalt  }
0x54: {  	_ =	shalt  }
0x55: {  	_ =	shalt  }
0x56: {  	_ =	shalt  }
0x57: {  	_ =	shalt  }
0x58: {  	_ =	shalt  }
0x59: {  	_ =	shalt  }
0x5a: {  	_ =	shalt  }
0x5b: {  	_ =	shalt  }
0x5c: {  	_ =	shalt  }
0x5d: {  	_ =	shalt  }
0x5e: {  	_ =	shalt  }
0x5f: {  	_ =	shalt  }
0x60: {  	_ =	shalt  }
0x61: {  	_ =	shalt  }
0x62: {  	_ =	shalt  }
0x63: {  	_ =	shalt  }
0x64: {  	_ =	shalt  }
0x65: {  	_ =	shalt  }
0x66: {  	_ =	shalt  }
0x67: {  	_ =	shalt  }
0x68: {  	_ =	shalt  }
0x69: {  	_ =	shalt  }
0x6a: {  	_ =	shalt  }
0x6b: {  	_ =	shalt  }
0x6c: {  	_ =	shalt  }
0x6d: {  	_ =	shalt  }
0x6e: {  	_ =	shalt  }
0x6f: {  	_ =	shalt  }
0x70: {  	_ =	shalt  }
0x71: {  	_ =	shalt  }
0x72: {  	_ =	shalt  }
0x73: {  	_ =	shalt  }
0x74: {  	_ =	shalt  }
0x75: {  	_ =	shalt  }
0x76: {  	_ =	shalt  }
0x77: {  	_ =	shalt  }
0x78: {  	_ =	shalt  }
0x79: {  	_ =	shalt  }
0x7a: {  	_ =	shalt  }
0x7b: {  	_ =	shalt  }
0x7c: {  	_ =	shalt  }
0x7d: {  	_ =	shalt  }
0x7e: {  	_ =	shalt  }
0x7f: {  	_ =	shalt  }
0x80: {  	_ =	shalt  }
0x81: {  	_ =	shalt  }
0x82: {  	_ =	shalt  }
0x83: {  	_ =	shalt  }
0x84: {  	_ =	shalt  }
0x85: {  	_ =	shalt  }
0x86: {  	_ =	shalt  }
0x87: {  	_ =	shalt  }
.Lfunc_end0:
.L_simem_size_0:
called_computation.3_lowered:
.L_overlay_start_0:
0x88: {  	s2 =	sld [smem:$0x3FD9]  }
0x89: {  	s3 =	sld [smem:$0x3FFE];
	_ =	sdelay $0x1  }
0x8a: {  	s1 =	srdreg.scid  }
0x8b: {  	s0 =	sand.u32 $0x1, s1  }
0x8c: {  	s17 =	sshll.u32 s0, $0xA;
	s2 =	sadd.s32 s3, s2  }
0x8d: {  	s2 =	sadd.s32 s2, s17  }
0x8e: {  	[smem:$0x3FBC] =	sst s2  }
0x8f: {  	_ = 	snop  }
0x90: {  	s2 =	sld [smem:$0x3FD0];
	(tm) =	ssettm $0x1  }
0x91: {  	s18 =	sld [smem:$0x3FFB];
	_ =	sdelay $0x3  }
0x92: {  	_ =	strace s18  }
0x93: {  	s3 =	sld [smem:$0x3FFC];
	_ =	sdelay $0x3  }
0x94: {  	_ =	strace s3  }
0x95: {  	s3 =	sld [smem:$0x3FFD];
	_ =	sdelay $0x3  }
0x96: {  	_ =	strace s3  }
0x97: {  	_ =	strace $0x8FFFFFFF  }
0x98: {  	s19 =	sld [smem:$0x3FDB];
	_ =	sdelay $0x1  }
0x99: {  	s4 =	simm.s32 $_scs_section_size  }
0x9a: {  	s5 =	simm.s32 $_size__tile_overlayer_lowered;
	s6 =	simm.s32 $_tile_overlayer_lowered  }
0x9b: {  	s22 =	simm.s32 $0x1BFF;
	s21 =	sshll.u32 s6, $0x1;
	s3 =	sadd.s32 s4, s19  }
0x9c: {  	s7 =	simm.s32 $0x0;
	s20 =	sshll.u32 s5, $0x1;
	s5 =	sadd.s32 s21, s3  }
0x9d: {  	[timem:s7], [sflag:s22] =	dma.local [hbm:s5], s20  }
0x9e: {  	_ =	swait.ge [sflag:s22], s20  }
0x9f: {  	s4 =	ssub.s32 $0x0, s20;
	[sflag:s22] =	ssyncset.done $0x0  }
0xa0: {  	[sflag:s22] =	ssyncadd.s32 s4;
	_ =	sdelay $0x1  }
0xa1: {  	s23 =	simm.s32 $0x1B8B  }
0xa2: {  	_ =	swait.ge [sflag:s23], $0x1  }
0xa3: {  	[sflag:s23] =	ssyncset.done $0x0  }
0xa4: {  	s25 =	simm.s32 $0x1B8E;
	s24 =	sld [smem:$0x3FFE];
	[sflag:s23] =	ssyncadd.s32 $0xFFFFFFFF  }
0xa5: {  	s26 =	simm.s32 $execute0_lowered;
	[smem:$0x3FD2] =	sst s25  }
0xa6: {  	s5 =	sshll.u32 s26, $0x1;
	_ =	strace $0x80000046;
	[dreg:$0x1] =	wrdreg $0xFFFFFFFF  }
0xa7: {  	s28 =	simm.s32 $_size_execute0_lowered;
	s3 =	sadd.s32 s3, s5;
	[dreg:$0x0] =	wrdreg $0x0  }
0xa8: {  	s5 =	sshll.u32 s28, $0x1;
	[dreg:$0x2] =	wrdreg s3  }
0xa9: {  	[dreg:$0x3] =	wrdreg s5  }
0xaa: {  	[dreg:$0x4] =	wrdreg $0xC0  }
0xab: {  	_ =	task [dreg:s7], $0x5FFFF  }
0xac: {  	[dreg:$0x1] =	wrdreg $0xFFFFFFFF  }
0xad: {  	[dreg:$0x0] =	wrdreg $0x60  }
0xae: {  	[dreg:$0x2] =	wrdreg s2  }
0xaf: {  	[dreg:$0x3] =	wrdreg s24  }
0xb0: {  	[dreg:$0x4] =	wrdreg $0xC  }
0xb1: {  	_ =	task.clear_ibuf [dreg:s7], $0x5FFFF;
	_ =	strace $0x90000046  }
0xb2: {  	s29 =	simm.s32 $0xC;
	_ =	strace $0x80000048  }
0xb3: {  	_ =	swait.ge [sflag:s29], $0x1  }
0xb4: {  	[sflag:s29] =	ssyncadd.s32 $0xFFFFFFFF  }
0xb5: {  	_ =	strace $0x90000048  }
0xb6: {  	_ =	sfence  }
0xb7: {  	s30 =	sld [smem:$0x0];
	_ =	sdelay $0x2  }
0xb8: {  	s31 =	sshll.u32 s1, $0xD;
	s1 =	sshrl.u32 s1, $0x2  }
0xb9: {  	s3 =	sand.u32 $0x4000, s31;
	s1 =	sadd.s32 s1, s30  }
0xba: {  	s0 =	sor.u32 s3, s0;
	s1 =	sshll.u32 s1, $0x11  }
0xbb: {  	s0 =	sor.u32 s1, s0  }
0xbc: {  	s0 =	sadd.s32 $0x8F2B, s0  }
0xbd: {  	[sflag:s0] =	ssyncadd.remote.s32 $0x1  }
0xbe: {  	_ =	sfence.sel $0xFFFF  }
0xbf: {  	[dreg:$0x0] =	wrdreg $0xFFFFFFFF;
	(pc) =	sbr.abs _section_cstart, $3  }
0xc0: {  	[dreg:$0x1] =	wrdreg $0xFFFFFFFF  }
0xc1: {  	_ =	task.clear_ibuf [dreg:s7], $0x2FFFF;
	_ =	strace $0x9FFFFFFF  }
0xc2: {  	(tm) =	ssettm $0x7FFFFFFF  }
0xc3: {  	_ =	shalt  }
tec
execute0_lowered:
.L_overlay_start_1:
0x0: {  	(tag) =	ssettag $0x1  }
0x1: {  	s1 =	rddreg [dreg:$0x0]  }
0x2: {  	s4 =	rddreg [dreg:$0x1]  }
0x3: {  	s0 =	rddreg [dreg:$0x2]  }
0x4: {  	s3 =	simm.s32 $0x0;
	s5 =	srdreg.scid;
	s2 =	stileid.u32  }
0x5: {  	s15 =	simm.s32 $0x4100;
	s16 =	simm.s32 $0x1;
	s17 =	simm.s32 $0x2  }
0x6: {  	[smem:$0x7FF] =	sst s3;
	s8 =	sand.u32 $0x1, s5;
	s9 =	sadd.s32 $0x4A00, s4  }
0x7: {  	s6 =	sshll.u32 s2, $0x1;
	s10 =	sadd.s32 $0x35C00, s4;
	s12 =	sshll.u32 s2, $0x5  }
0x8: {  	s13 =	sshll.u32 s2, $0xC;
	_ =	strace $0x80000047;
	s5 =	ssub.s32 $0x2, s8  }
0x9: {  	s6 =	sor.u32 s8, s6;
	s31 =	sshll.u32 s8, $0x4;
	s13 =	sadd.s32 s13, s10  }
0xa: {  	s14 =	sshll.u32 s8, $0xB;
	s26 =	sshrl.u32 s5, $0x1;
	s28 =	sshll.u32 s6, $0x4  }
0xb: {  	s18 =	sor.u32 $0x260, s6;
	s11 =	sshll.u32 s6, $0xB;
	s5 =	ssub.s32 s5, s26  }
0xc: {  	s4 =	sadd.s32 s9, s28;
	s7 =	sshll.u32 s18, $0x4;
	s29 =	sadd.s32 s11, s10  }
0xd: {  	s30 =	sshll.u32 s18, $0xB;
	s11 =	simm.s32 $0x3;
	p0 =	sgt.u32 s18, $0x270  }
0xe: {  	s18 =	simm.s32 $0x0;
	s5 =	smax.u32 s5, $0x1;
	s6 =	sadd.s32 s9, s7  }
0xf: {  	s7 =	sadd.s32 $0x120000, s29;
	s9 =	sadd.s32 s12, s9;
	s8 =	sadd.s32 s10, s30  }
0x10: {  	s12 =	sadd.s32 s31, s9;
	s9 =	sadd.s32 s14, s13;
	s13 =	simm.s32 $0x100  }
0x11: {  	s14 =	simm.s32 $0x4;
	s10 =	sadd.s32 $0x400, s12;
	s12 =	simm.s32 $0x80  }
.LBB2_1:
0x12: {  	[tilespmem:s3], [sflag:$0x3] =	stream.linear.gather [hbm4b:s4+s3], $0x80, $0x38;
	[tilespmem:$0x8100] =	vst v63  }
0x13: {  	_ =	swait.ge [sflag:s11], $0x80  }
0x14: {  	[sflag:s11] =	ssyncset.done $0x0  }
0x15: {  	[sflag:s11] =	ssyncadd.s32 $0xFFFFFF80  }
0x16: {  	[tilespmem:s13], [sflag:$0x1] =	stream.indirect.gather [hbm4b:s1+s12], $0x80, s3, s12, $0xb8;
	[tilespmem:$0x8100] =	vst v63  }
0x17: {  	s19 =	sadd.s32 $0xFFFFFE00, s10  }
0x18: {  	[tilespmem:s12], [sflag:$0x4] =	stream.linear.gather [hbm4b:s19+s3], $0x80, $0x38;
	[tilespmem:$0x8100] =	vst v63  }
0x19: {  	_ =	swait.ge [sflag:s14], $0x80  }
0x1a: {  	[sflag:s14] =	ssyncset.done $0x0  }
0x1b: {  	[sflag:s14] =	ssyncadd.s32 $0xFFFFFF80  }
0x1c: {  	[tilespmem:s15], [sflag:$0x2] =	stream.indirect.gather [hbm4b:s1+s12], $0x80, s12, s12, $0xb8;
	[tilespmem:$0x8100] =	vst v63  }
0x1d: {  	_ =	swait.ge [sflag:s16], $0x4000  }
0x1e: {  	[sflag:s16] =	ssyncset.done $0x0  }
0x1f: {  	s31 =	sadd.s32 $0x0, s9;
	[sflag:s16] =	ssyncadd.s32 $0xFFFFC000  }
0x20: {  	[hbm4b:s31+s3] =	stream.linear.scatter [tilespmem:s13], [sflag:$0x4], $0x4000, $0x38;
	[tilespmem:$0x8100] =	vst v63  }
0x21: {  	_ =	swait.ge [sflag:s14], $0x4000  }
0x22: {  	[sflag:s14] =	ssyncset.done $0x0  }
0x23: {  	[sflag:s14] =	ssyncadd.s32 $0xFFFFC000  }
0x24: {  	[tilespmem:s3], [sflag:$0x4] =	stream.linear.gather [hbm4b:s10+s3], $0x80, $0x38;
	[tilespmem:$0x8100] =	vst v63  }
0x25: {  	_ =	swait.ge [sflag:s14], $0x80  }
0x26: {  	[sflag:s14] =	ssyncset.done $0x0  }
0x27: {  	[sflag:s14] =	ssyncadd.s32 $0xFFFFFF80  }
0x28: {  	[tilespmem:s13], [sflag:$0x1] =	stream.indirect.gather [hbm4b:s1+s12], $0x80, s3, s12, $0xb8;
	[tilespmem:$0x8100] =	vst v63  }
0x29: {  	_ =	swait.ge [sflag:s17], $0x4000  }
0x2a: {  	[sflag:s17] =	ssyncset.done $0x0  }
0x2b: {  	s19 =	sadd.s32 $0x10000, s31;
	[sflag:s17] =	ssyncadd.s32 $0xFFFFC000  }
0x2c: {  	[hbm4b:s19+s3] =	stream.linear.scatter [tilespmem:s15], [sflag:$0x3], $0x4000, $0x38;
	[tilespmem:$0x8100] =	vst v63  }
0x2d: {  	s20 =	simm.s32 $0x20000;
	_ =	swait.ge [sflag:s11], $0x4000  }
0x2e: {  	s21 =	simm.s32 $0x40000;
	s19 =	sadd.s32 $0x400, s10;
	[sflag:s11] =	ssyncset.done $0x0  }
.LBB2_2:
0x2f: {  	p1 =	sne.s32 s21, $0x100000;
	s22 =	sadd.s32 $0xFFFFFE00, s19;
	[sflag:s11] =	ssyncadd.s32 $0xFFFFC000  }
0x30: {  	[tilespmem:s12], [sflag:$0x4] =	stream.linear.gather [hbm4b:s22+s3], $0x80, $0x38;
	[tilespmem:$0x8100] =	vst v63  }
0x31: {  	s22 =	smov.u32 s21;
	s21 =	sadd.s32 $0x20000, s21;
	_ =	swait.ge [sflag:s14], $0x80  }
0x32: {  	[sflag:s14] =	ssyncset.done $0x0  }
0x33: {  	[sflag:s14] =	ssyncadd.s32 $0xFFFFFF80  }
0x34: {  	[tilespmem:s15], [sflag:$0x2] =	stream.indirect.gather [hbm4b:s1+s12], $0x80, s12, s12, $0xb8;
	[tilespmem:$0x8100] =	vst v63  }
0x35: {  	_ =	swait.ge [sflag:s16], $0x4000  }
0x36: {  	[sflag:s16] =	ssyncset.done $0x0  }
0x37: {  	s23 =	sadd.s32 s20, s9;
	s20 =	smov.u32 s22;
	[sflag:s16] =	ssyncadd.s32 $0xFFFFC000  }
0x38: {  	[hbm4b:s23+s3] =	stream.linear.scatter [tilespmem:s13], [sflag:$0x4], $0x4000, $0x38;
	[tilespmem:$0x8100] =	vst v63  }
0x39: {  	_ =	swait.ge [sflag:s14], $0x4000  }
0x3a: {  	[sflag:s14] =	ssyncset.done $0x0  }
0x3b: {  	[sflag:s14] =	ssyncadd.s32 $0xFFFFC000  }
0x3c: {  	[tilespmem:s3], [sflag:$0x4] =	stream.linear.gather [hbm4b:s19+s3], $0x80, $0x38;
	[tilespmem:$0x8100] =	vst v63  }
0x3d: {  	_ =	swait.ge [sflag:s14], $0x80  }
0x3e: {  	[sflag:s14] =	ssyncset.done $0x0  }
0x3f: {  	[sflag:s14] =	ssyncadd.s32 $0xFFFFFF80  }
0x40: {  	[tilespmem:s13], [sflag:$0x1] =	stream.indirect.gather [hbm4b:s1+s12], $0x80, s3, s12, $0xb8;
	[tilespmem:$0x8100] =	vst v63  }
0x41: {  	_ =	swait.ge [sflag:s17], $0x4000  }
.Ltmp0:
0x42: {  	[sflag:s17] =	ssyncset.done $0x0;
	(pc) =	sbr.rel @p1 .LBB2_2-.Ltmp0, $4  }
0x43: {  	s22 =	sadd.s32 $0x10000, s23;
	[sflag:s17] =	ssyncadd.s32 $0xFFFFC000  }
0x44: {  	[hbm4b:s22+s3] =	stream.linear.scatter [tilespmem:s15], [sflag:$0x3], $0x4000, $0x38;
	[tilespmem:$0x8100] =	vst v63  }
0x45: {  	_ =	swait.ge [sflag:s11], $0x4000  }
0x46: {  	s19 =	sadd.s32 $0x400, s19;
	[sflag:s11] =	ssyncset.done $0x0  }
0x47: {  	s21 =	sadd.s32 $0xFFFFFE00, s19;
	[sflag:s11] =	ssyncadd.s32 $0xFFFFC000  }
0x48: {  	[tilespmem:s12], [sflag:$0x4] =	stream.linear.gather [hbm4b:s21+s3], $0x80, $0x38;
	[tilespmem:$0x8100] =	vst v63  }
0x49: {  	_ =	swait.ge [sflag:s14], $0x80  }
0x4a: {  	[sflag:s14] =	ssyncset.done $0x0  }
0x4b: {  	[sflag:s14] =	ssyncadd.s32 $0xFFFFFF80  }
0x4c: {  	[tilespmem:s15], [sflag:$0x2] =	stream.indirect.gather [hbm4b:s1+s12], $0x80, s12, s12, $0xb8;
	[tilespmem:$0x8100] =	vst v63  }
0x4d: {  	_ =	swait.ge [sflag:s16], $0x4000  }
0x4e: {  	[sflag:s16] =	ssyncset.done $0x0  }
0x4f: {  	s20 =	sadd.s32 s20, s9;
	[sflag:s16] =	ssyncadd.s32 $0xFFFFC000  }
0x50: {  	[hbm4b:s20+s3] =	stream.linear.scatter [tilespmem:s13], [sflag:$0x4], $0x4000, $0x38;
	[tilespmem:$0x8100] =	vst v63  }
0x51: {  	_ =	swait.ge [sflag:s14], $0x4000  }
0x52: {  	[sflag:s14] =	ssyncset.done $0x0  }
0x53: {  	[sflag:s14] =	ssyncadd.s32 $0xFFFFC000  }
0x54: {  	[tilespmem:s3], [sflag:$0x4] =	stream.linear.gather [hbm4b:s19+s3], $0x80, $0x38;
	[tilespmem:$0x8100] =	vst v63  }
0x55: {  	_ =	swait.ge [sflag:s14], $0x80  }
0x56: {  	[sflag:s14] =	ssyncset.done $0x0  }
0x57: {  	[sflag:s14] =	ssyncadd.s32 $0xFFFFFF80  }
0x58: {  	[tilespmem:s13], [sflag:$0x1] =	stream.indirect.gather [hbm4b:s1+s12], $0x80, s3, s12, $0xb8;
	[tilespmem:$0x8100] =	vst v63  }
0x59: {  	_ =	swait.ge [sflag:s17], $0x4000  }
0x5a: {  	[sflag:s17] =	ssyncset.done $0x0  }
0x5b: {  	s31 =	sadd.s32 $0x10000, s20;
	[sflag:s17] =	ssyncadd.s32 $0xFFFFC000  }
0x5c: {  	[hbm4b:s31+s3] =	stream.linear.scatter [tilespmem:s15], [sflag:$0x3], $0x4000, $0x38;
	[tilespmem:$0x8100] =	vst v63  }
0x5d: {  	_ =	swait.ge [sflag:s11], $0x4000  }
0x5e: {  	s21 =	simm.s32 @!p0 $0x4;
	[sflag:s11] =	ssyncset.done $0x0  }
0x5f: {  	s20 =	simm.s32 @!p0 $0x80;
	s19 =	simm.s32 @!p0 $0x0;
	[sflag:s11] =	ssyncadd.s32 $0xFFFFC000  }
0x60: {  	[tilespmem:s20], [sflag:$0x4] =	stream.linear.gather @!p0 [hbm4b:s6+s19], $0x80, $0x38;
	[tilespmem:$0x8100] =	vst v63  }
0x61: {  	_ =	swait.ge @!p0 [sflag:s21], $0x80  }
0x62: {  	[sflag:s21] =	ssyncset.done @!p0 $0x0  }
0x63: {  	[sflag:s21] =	ssyncadd.s32 @!p0 $0xFFFFFF80;
	s21 =	simm.s32 @!p0 $0x4100  }
0x64: {  	[tilespmem:s21], [sflag:$0x2] =	stream.indirect.gather @!p0 [hbm4b:s1+s20], $0x80, s20, s20, $0xb8;
	[tilespmem:$0x8100] =	vst v63  }
0x65: {  	_ =	swait.ge [sflag:s16], $0x4000  }
0x66: {  	[sflag:s16] =	ssyncset.done $0x0  }
0x67: {  	[sflag:s16] =	ssyncadd.s32 $0xFFFFC000  }
0x68: {  	[hbm4b:s7+s3] =	stream.linear.scatter [tilespmem:s13], [sflag:$0x4], $0x4000, $0x38;
	[tilespmem:$0x8100] =	vst v63  }
0x69: {  	_ =	swait.ge [sflag:s14], $0x4000  }
0x6a: {  	[sflag:s14] =	ssyncset.done $0x0  }
0x6b: {  	s20 =	simm.s32 @!p0 $0x2;
	[sflag:s14] =	ssyncadd.s32 $0xFFFFC000  }
0x6c: {  	_ =	swait.ge @!p0 [sflag:s20], $0x4000  }
0x6d: {  	s18 =	sadd.s32 $0x1, s18;
	[sflag:s20] =	ssyncset.done @!p0 $0x0  }
0x6e: {  	p1 =	sne.s32 s18, s5;
	[sflag:s20] =	ssyncadd.s32 @!p0 $0xFFFFC000  }
0x6f: {  	[hbm4b:s8+s19] =	stream.linear.scatter @!p0 [tilespmem:s21], [sflag:$0x3], $0x4000, $0x38;
	[tilespmem:$0x8100] =	vst v63  }
.Ltmp1:
0x70: {  	_ = 	snop;
	(pc) =	sbr.rel @p1 .LBB2_1-.Ltmp1, $4  }
0x71: {  	s19 =	simm.s32 @!p0 $0x3  }
0x72: {  	_ =	swait.ge @!p0 [sflag:s19], $0x4000  }
0x73: {  	[sflag:s19] =	ssyncset.done @!p0 $0x0  }
0x74: {  	[sflag:s19] =	ssyncadd.s32 @!p0 $0xFFFFC000  }
0x75: {  	_ =	sfence.sel $0x180000  }
0x76: {  	[bflag:$0x0] =	sbarrier.arrive $0xFFFF  }
0x77: {  	p0 =	sne.s32 s2, $0x0;
	_ =	strace $0x90000047  }
0x78: {  	s0 =	sadd.s32 @!p0 $0x100000, s0;
	[bflag:$0x2] =	sbarrier.arrive $0xFFFF  }
0x79: {  	[sflag:s0] =	ssyncadd.tile.s32 @!p0 $0x1;
	_ =	shalt  }
.Lfunc_end2:
_tile_overlayer_lowered:
.L_overlay_start_2:
0x7a: {  	(tag) =	ssettag $0x2  }
0x7b: {  	s0 =	rddreg [dreg:$0x0];
	s2 =	stileid.u32  }
0x7c: {  	s1 =	rddreg [dreg:$0x1];
	p0 =	sne.s32 s2, $0x0  }
0x7d: {  	s3 =	rddreg [dreg:$0x2];
	[bflag:$0x3] =	sbarrier.arrive $0xFFFF;
	s2 =	simm.s32 @!p0 $0x1C03  }
0x7e: {  	[timem:s3], [sflag:s2] =	dma.local @!p0 [hbm:s0], s1  }
0x7f: {  	s0 =	simm.s32 @!p0 $0x3  }
0x80: {  	_ =	swait.ge @!p0 [sflag:s0], s1  }
0x81: {  	s1 =	ssub.s32 @!p0 $0x0, s1;
	[sflag:s0] =	ssyncset.done @!p0 $0x0  }
0x82: {  	[sflag:s0] =	ssyncadd.s32 @!p0 s1  }
0x83: {  	[bflag:$0x3] =	sbarrier.arrive $0xFFFF  }
0x84: {  	_ =	shalt  }

// kernel: kernel.26.cloned.1.call-start
scs
__scs_entry_jumppad:
0x0: {  	(pc) =	sbr.rel $0x88, $3  }
0x1: {  	(tag) =	ssettag $0x0;
	lr =	simm.s32 $0x1  }
0x2: {  	[smem:$0x3F95] =	sst lr;
	_ =	strace $0xD0000000  }
0x3: {  	_ = 	snop  }
0x4: {  	_ = 	snop  }
0x5: {  	_ = 	snop  }
0x6: {  	_ = 	snop  }
0x7: {  	_ = 	snop  }
__scs_overlays_trampoline_lowered:
0x8: {  	[smem:$0x3FA4] =	sst s0  }
0x9: {  	[smem:$0x3FA5] =	sst s1  }
0xa: {  	[smem:$0x3FA6] =	sst s2  }
0xb: {  	[smem:$0x3FA7] =	sst s3  }
0xc: {  	[smem:$0x3FA8] =	sst s4  }
0xd: {  	[smem:$0x3FA9] =	sst s5  }
0xe: {  	[smem:$0x3FAA] =	sst s6  }
0xf: {  	[smem:$0x3FAB] =	sst s7  }
0x10: {  	[smem:$0x3FAC] =	sst s8  }
0x11: {  	[smem:$0x3FAD] =	sst s9;
	s0 =	simm.s32 @!p0 $0x0  }
0x12: {  	s1 =	sld [smem:$0x3F93];
	s0 =	simm.s32 @p0 $0x1  }
0x13: {  	[smem:$0x3FAE] =	sst s0;
	s0 =	simm.s32 @!p1 $0x0  }
0x14: {  	s2 =	sld [smem:$0x3F92];
	s0 =	simm.s32 @p1 $0x1  }
0x15: {  	[smem:$0x3FAF] =	sst s0;
	s0 =	simm.s32 @!p2 $0x0  }
0x16: {  	s3 =	sld [smem:$0x3FDB];
	s0 =	simm.s32 @p2 $0x1  }
0x17: {  	s4 =	simm.s32 $0x1BF5;
	[smem:$0x3FB1] =	sst s0  }
0x18: {  	s0 =	sld [smem:$0x3F94];
	_ =	swait.ge [sflag:s4], $0x0  }
0x19: {  	s7 =	sld [smem:$0x3F95]  }
0x1a: {  	s8 =	sadd.s32 $0xFFFFE003, lr  }
0x1b: {  	s9 =	sadd.s32 $0xFFFFFEF7, lr;
	s5 =	simm.s32 $0xFFFFFFFF;
	p2 =	slt.u32 s8, $0xFFFFF086  }
0x1c: {  	p1 =	slt.u32 s9, $0xF7A;
	s5 =	simm.s32 @!p2 $0x0  }
0x1d: {  	s5 =	simm.s32 @p1 $0x1;
	p0 =	seq.s32 s7, s2  }
0x1e: {  	s7 =	smul.u32 @!p0 $0xF7A, s2;
	p2 =	seq.s32 @!p0 s5, $0x0  }
0x1f: {  	s9 =	smul.u32 $0xF7A, s1;
	s8 =	simm.s32 @!p0 $0x1BF5;
	p2 =	por !p2, p0  }
0x20: {  	[sflag:s8] =	ssyncset.s32 @!p0 $0xFFFFF086;
	s6 =	sadd.s32 @!p0 s3, s7;
	s7 =	simm.s32 @!p0 $0x108  }
0x21: {  	s3 =	sadd.s32 s3, s9;
	s6 =	sadd.s32 @!p0 $0x88, s6;
	s7 =	simm.s32 @p2 $0x1082  }
0x22: {  	[simem:s7], [sflag:s8] =	dma.local @!p0 [hbm:s6], $0xF7A  }
0x23: {  	s9 =	sor.u32 $0xD0000000, s2;
	s6 =	simm.s32 $0x108;
	_ =	swait.ge @!p0 [sflag:s8], $0x0  }
0x24: {  	s3 =	sadd.s32 $0x88, s3;
	s6 =	simm.s32 @!p1 $0x1082;
	[sflag:s4] =	ssyncset.s32 $0xFFFFF086  }
0x25: {  	[simem:s6], [sflag:s4] =	dma.local [hbm:s3], $0xF7A  }
0x26: {  	[smem:$0x3F95] =	sst s1;
	(tag) =	ssettag s2;
	_ =	strace s9  }
0x27: {  	s1 =	sld [smem:$0x3FA5]  }
0x28: {  	s2 =	sld [smem:$0x3FA6]  }
0x29: {  	s4 =	sld [smem:$0x3FA8]  }
0x2a: {  	p0 =	seq.s32 s5, $0x0;
	s5 =	sld [smem:$0x3FA9]  }
0x2b: {  	s6 =	sld [smem:$0x3FAA]  }
0x2c: {  	s7 =	sld [smem:$0x3FAB]  }
0x2d: {  	s3 =	simm.s32 $0x108;
	s8 =	sld [smem:$0x3FAC]  }
0x2e: {  	s3 =	simm.s32 @!p0 $0x1082;
	s9 =	sld [smem:$0x3FAD]  }
0x2f: {  	lr =	sadd.s32 s0, s3;
	s0 =	sld [smem:$0x3FA4]  }
0x30: {  	s3 =	sld [smem:$0x3FA7]  }
0x31: {  	[smem:$0x3FB0] =	sst s10  }
0x32: {  	s10 =	sld [smem:$0x3FAE];
	_ =	sdelay $0x3  }
0x33: {  	p0 =	seq.s32 s10, $0x1;
	s10 =	sld [smem:$0x3FB0];
	_ =	sdelay $0x3  }
0x34: {  	[smem:$0x3FB0] =	sst s10  }
0x35: {  	s10 =	sld [smem:$0x3FAF];
	_ =	sdelay $0x3  }
0x36: {  	p1 =	seq.s32 s10, $0x1;
	s10 =	sld [smem:$0x3FB0];
	_ =	sdelay $0x3  }
0x37: {  	[smem:$0x3FB0] =	sst s10  }
0x38: {  	s10 =	sld [smem:$0x3FB1]  }
0x39: {  	_ = 	snop;
	(pc) =	sbr.ind lr, $3  }
0x3a: {  	_ = 	snop  }
0x3b: {  	_ = 	snop  }
0x3c: {  	p2 =	seq.s32 s10, $0x1;
	s10 =	sld [smem:$0x3FB0]  }
0x3d: {  	_ =	shalt  }
0x3e: {  	_ =	shalt  }
0x3f: {  	_ =	shalt  }
0x40: {  	_ =	shalt  }
0x41: {  	_ =	shalt  }
0x42: {  	_ =	shalt  }
0x43: {  	_ =	shalt  }
0x44: {  	_ =	shalt  }
0x45: {  	_ =	shalt  }
0x46: {  	_ =	shalt  }
0x47: {  	_ =	shalt  }
0x48: {  	_ =	shalt  }
0x49: {  	_ =	shalt  }
0x4a: {  	_ =	shalt  }
0x4b: {  	_ =	shalt  }
0x4c: {  	_ =	shalt  }
0x4d: {  	_ =	shalt  }
0x4e: {  	_ =	shalt  }
0x4f: {  	_ =	shalt  }
0x50: {  	_ =	shalt  }
0x51: {  	_ =	shalt  }
0x52: {  	_ =	shalt  }
0x53: {  	_ =	shalt  }
0x54: {  	_ =	shalt  }
0x55: {  	_ =	shalt  }
0x56: {  	_ =	shalt  }
0x57: {  	_ =	shalt  }
0x58: {  	_ =	shalt  }
0x59: {  	_ =	shalt  }
0x5a: {  	_ =	shalt  }
0x5b: {  	_ =	shalt  }
0x5c: {  	_ =	shalt  }
0x5d: {  	_ =	shalt  }
0x5e: {  	_ =	shalt  }
0x5f: {  	_ =	shalt  }
0x60: {  	_ =	shalt  }
0x61: {  	_ =	shalt  }
0x62: {  	_ =	shalt  }
0x63: {  	_ =	shalt  }
0x64: {  	_ =	shalt  }
0x65: {  	_ =	shalt  }
0x66: {  	_ =	shalt  }
0x67: {  	_ =	shalt  }
0x68: {  	_ =	shalt  }
0x69: {  	_ =	shalt  }
0x6a: {  	_ =	shalt  }
0x6b: {  	_ =	shalt  }
0x6c: {  	_ =	shalt  }
0x6d: {  	_ =	shalt  }
0x6e: {  	_ =	shalt  }
0x6f: {  	_ =	shalt  }
0x70: {  	_ =	shalt  }
0x71: {  	_ =	shalt  }
0x72: {  	_ =	shalt  }
0x73: {  	_ =	shalt  }
0x74: {  	_ =	shalt  }
0x75: {  	_ =	shalt  }
0x76: {  	_ =	shalt  }
0x77: {  	_ =	shalt  }
0x78: {  	_ =	shalt  }
0x79: {  	_ =	shalt  }
0x7a: {  	_ =	shalt  }
0x7b: {  	_ =	shalt  }
0x7c: {  	_ =	shalt  }
0x7d: {  	_ =	shalt  }
0x7e: {  	_ =	shalt  }
0x7f: {  	_ =	shalt  }
0x80: {  	_ =	shalt  }
0x81: {  	_ =	shalt  }
0x82: {  	_ =	shalt  }
0x83: {  	_ =	shalt  }
0x84: {  	_ =	shalt  }
0x85: {  	_ =	shalt  }
0x86: {  	_ =	shalt  }
0x87: {  	_ =	shalt  }
.Lfunc_end0:
.L_simem_size_0:
called_computation.4_lowered:
.L_overlay_start_0:
0x88: {  	s2 =	sld [smem:$0x3FD9]  }
0x89: {  	s3 =	sld [smem:$0x3FFE];
	_ =	sdelay $0x1  }
0x8a: {  	s1 =	srdreg.scid  }
0x8b: {  	s0 =	sand.u32 $0x1, s1  }
0x8c: {  	s17 =	sshll.u32 s0, $0xA;
	s2 =	sadd.s32 s3, s2  }
0x8d: {  	s2 =	sadd.s32 s2, s17  }
0x8e: {  	[smem:$0x3FBC] =	sst s2  }
0x8f: {  	_ = 	snop  }
0x90: {  	(tm) =	ssettm $0x1  }
0x91: {  	s18 =	sld [smem:$0x3FFB];
	_ =	sdelay $0x3  }
0x92: {  	_ =	strace s18  }
0x93: {  	s2 =	sld [smem:$0x3FFC];
	_ =	sdelay $0x3  }
0x94: {  	_ =	strace s2  }
0x95: {  	s2 =	sld [smem:$0x3FFD];
	_ =	sdelay $0x3  }
0x96: {  	_ =	strace s2  }
0x97: {  	_ =	strace $0x8FFFFFFF  }
0x98: {  	s19 =	sld [smem:$0x3FDB];
	_ =	sdelay $0x1  }
0x99: {  	s20 =	simm.s32 $_scs_section_size  }
0x9a: {  	s4 =	simm.s32 $_size__tile_overlayer_lowered;
	s5 =	simm.s32 $_tile_overlayer_lowered  }
0x9b: {  	s6 =	simm.s32 $0x1BFF;
	s21 =	sshll.u32 s5, $0x1;
	s3 =	sadd.s32 s20, s19  }
0x9c: {  	s22 =	simm.s32 $0x0;
	s4 =	sshll.u32 s4, $0x1;
	s5 =	sadd.s32 s21, s3  }
0x9d: {  	[timem:s22], [sflag:s6] =	dma.local [hbm:s5], s4  }
0x9e: {  	_ =	swait.ge [sflag:s6], s4  }
0x9f: {  	s4 =	ssub.s32 $0x0, s4;
	[sflag:s6] =	ssyncset.done $0x0  }
0xa0: {  	[sflag:s6] =	ssyncadd.s32 s4;
	_ =	sdelay $0x1  }
0xa1: {  	s23 =	simm.s32 $0x1B8B  }
0xa2: {  	_ =	swait.ge [sflag:s23], $0x1  }
0xa3: {  	[sflag:s23] =	ssyncset.done $0x0  }
0xa4: {  	[sflag:s23] =	ssyncadd.s32 $0xFFFFFFFF  }
0xa5: {  	s4 =	sld [smem:$0x0]  }
0xa6: {  	s5 =	sand.u32 $0xFFFFFFFE, s1  }
0xa7: {  	p0 =	sne.s32 s1, s5  }
0xa8: {  	s5 =	sshll.u32 @p0 s5, $0xE  }
0xa9: {  	s5 =	sadd.s32 @p0 $0x11B8D, s5;
	s6 =	sshll.u32 @p0 s4, $0x11  }
0xaa: {  	s5 =	sor.u32 @p0 s6, s5  }
0xab: {  	[sflag:s5] =	ssyncadd.remote.s32 @p0 $0x1;
	_ =	sdelay $0x1  }
0xac: {  	s5 =	simm.s32 @p0 $0x1B8D  }
0xad: {  	_ =	swait.eq @p0 [sflag:s5], $0x1  }
0xae: {  	[sflag:s5] =	ssyncadd.s32 @p0 $0xFFFFFFFF  }
0xaf: {  	s6 =	sshll.u32 @!p0 s1, $0xE  }
0xb0: {  	s6 =	sor.u32 @!p0 $0x4000, s6;
	s5 =	simm.s32 @!p0 $0x1B8D  }
0xb1: {  	s4 =	sshll.u32 @!p0 s4, $0x11;
	s6 =	sadd.s32 @!p0 $0x11B8D, s6;
	_ =	swait.eq @!p0 [sflag:s5], $0x1  }
0xb2: {  	s4 =	sor.u32 @!p0 s4, s6;
	[sflag:s5] =	ssyncadd.s32 @!p0 $0xFFFFFFFF  }
0xb3: {  	s25 =	simm.s32 $0x1B8E;
	s24 =	sld [smem:$0x3FFE];
	[sflag:s4] =	ssyncadd.remote.s32 @!p0 $0x1  }
0xb4: {  	s26 =	simm.s32 $execute0_lowered;
	[smem:$0x3FD2] =	sst s25  }
0xb5: {  	s5 =	sshll.u32 s26, $0x1;
	_ =	strace $0x80000055;
	[dreg:$0x1] =	wrdreg $0xFFFFFFFF  }
0xb6: {  	s28 =	simm.s32 $_size_execute0_lowered;
	s3 =	sadd.s32 s3, s5;
	[dreg:$0x0] =	wrdreg $0x0  }
0xb7: {  	s5 =	sshll.u32 s28, $0x1;
	[dreg:$0x2] =	wrdreg s3  }
0xb8: {  	[dreg:$0x3] =	wrdreg s5  }
0xb9: {  	[dreg:$0x4] =	wrdreg $0xC0  }
0xba: {  	_ =	task [dreg:s22], $0x5FFFF  }
0xbb: {  	[dreg:$0x1] =	wrdreg $0xFFFFFFFF  }
0xbc: {  	[dreg:$0x0] =	wrdreg $0x60  }
0xbd: {  	[dreg:$0x2] =	wrdreg s24  }
0xbe: {  	[dreg:$0x3] =	wrdreg $0x81000  }
0xbf: {  	[dreg:$0x4] =	wrdreg $0x9  }
0xc0: {  	_ =	task.clear_ibuf [dreg:s22], $0x5FFFF;
	_ =	strace $0x90000055  }
0xc1: {  	s29 =	simm.s32 $0x9;
	_ =	strace $0x80000057  }
0xc2: {  	_ =	swait.ge [sflag:s29], $0x1  }
0xc3: {  	[sflag:s29] =	ssyncadd.s32 $0xFFFFFFFF  }
0xc4: {  	_ =	strace $0x90000057  }
0xc5: {  	_ =	sfence  }
0xc6: {  	s30 =	sld [smem:$0x0];
	_ =	sdelay $0x2  }
0xc7: {  	s31 =	sshll.u32 s1, $0xD;
	s1 =	sshrl.u32 s1, $0x2  }
0xc8: {  	s4 =	sand.u32 $0x4000, s31;
	s1 =	sadd.s32 s1, s30  }
0xc9: {  	s0 =	sor.u32 s4, s0;
	s1 =	sshll.u32 s1, $0x11  }
0xca: {  	s0 =	sor.u32 s1, s0  }
0xcb: {  	s0 =	sadd.s32 $0x8F2B, s0  }
0xcc: {  	[sflag:s0] =	ssyncadd.remote.s32 $0x1  }
0xcd: {  	_ =	sfence.sel $0xFFFF  }
0xce: {  	[dreg:$0x0] =	wrdreg $0xFFFFFFFF;
	(pc) =	sbr.abs _section_cstart, $3  }
0xcf: {  	[dreg:$0x1] =	wrdreg $0xFFFFFFFF  }
0xd0: {  	_ =	task.clear_ibuf [dreg:s22], $0x2FFFF;
	_ =	strace $0x9FFFFFFF  }
0xd1: {  	(tm) =	ssettm $0x7FFFFFFF  }
tec
execute0_lowered:
.L_overlay_start_1:
0x0: {  	(tag) =	ssettag $0x1  }
0x1: {  	s4 =	rddreg [dreg:$0x0]  }
0x2: {  	s1 =	rddreg [dreg:$0x1]  }
0x3: {  	s0 =	rddreg [dreg:$0x2]  }
0x4: {  	s2 =	simm.s32 $0x0;
	s3 =	srdreg.scid;
	s18 =	simm.s32 $0x80  }
0x5: {  	s19 =	simm.s32 $0x4100;
	s20 =	simm.s32 $0x1;
	s21 =	simm.s32 $0x3  }
0x6: {  	s22 =	simm.s32 $0x6;
	s23 =	simm.s32 $0x2;
	s24 =	simm.s32 $0x4  }
0x7: {  	s9 =	sand.u32 $0x1, s3;
	s12 =	sadd.s32 $0x1BE400, s4;
	s14 =	sadd.s32 $0x664200, s4  }
0x8: {  	s3 =	stileid.u32;
	s10 =	sadd.s32 $0x51F400, s4;
	s5 =	smul.u32 $0x140000, s9  }
0x9: {  	[smem:$0x7FF] =	sst s2;
	s13 =	sadd.s32 $0x51CC00, s4;
	s6 =	smul.u32 $0x14000, s3  }
0xa: {  	s25 =	simm.s32 $0x0;
	_ =	strace $0x80000056;
	s7 =	smul.u32 $0x50000, s3  }
0xb: {  	s31 =	ssub.s32 $0x2, s9;
	p0 =	seq.s32 s9, $0x0;
	s16 =	sshll.u32 s3, $0x4  }
0xc: {  	s17 =	sshll.u32 s3, $0xB;
	s8 =	sshrl.u32 s31, $0x1;
	s13 =	smov.u32 @p0 s10  }
0xd: {  	s14 =	smov.u32 @p0 s12;
	p0 =	sne.s32 s3, $0x0;
	s5 =	sadd.s32 s6, s5  }
0xe: {  	s7 =	sshrl.u32 s7, $0x2;
	s15 =	ssub.s32 s31, s8;
	s12 =	sadd.s32 s14, s17  }
0xf: {  	s14 =	sadd.s32 $0x138000, s14;
	s17 =	simm.s32 $0x5;
	s5 =	sshrl.u32 s5, $0x3  }
0x10: {  	s10 =	smax.u32 s15, $0x1;
	s11 =	sadd.s32 s5, s4;
	s4 =	sadd.s32 s7, s1  }
0x11: {  	s5 =	sadd.s32 $0x4000, s4;
	s6 =	sadd.s32 $0x8000, s4;
	s7 =	sadd.s32 $0xC000, s4  }
0x12: {  	s8 =	sadd.s32 $0x10000, s4;
	s9 =	sadd.s32 $0x2F6C00, s11;
	s11 =	sadd.s32 s13, s16  }
0x13: {  	v0 =	vimm.f32 $0.0e+00;
	s13 =	sadd.s32 $0x2700, s13;
	s16 =	simm.s32 $0x100;
	s15 =	sadd.s32 $0x200, s11  }
.LBB2_1:
0x14: {  	s26 =	simm.s32 $0x0;
	s28 =	simm.s32 $0x200  }
.LBB2_2:
0x15: {  	p1 =	sne.s32 s28, $0xFE00;
	[tilespmem:s26+$0x170] =	vst v0  }
0x16: {  	[tilespmem:s26+$0x100] =	vst v0  }
0x17: {  	[tilespmem:s26+$0x110] =	vst v0  }
.Ltmp0:
0x18: {  	[tilespmem:s26+$0x120] =	vst v0;
	(pc) =	sbr.rel @p1 .LBB2_2-.Ltmp0, $4  }
0x19: {  	[tilespmem:s26+$0x130] =	vst v0  }
0x1a: {  	[tilespmem:s26+$0x140] =	vst v0  }
0x1b: {  	[tilespmem:s26+$0x150] =	vst v0  }
0x1c: {  	[tilespmem:s26+$0x160] =	vst v0;
	s26 =	sshra.s32 s28, $0x2;
	s28 =	sadd.s32 $0x200, s28  }
0x1d: {  	[tilespmem:s26+$0x170] =	vst v0  }
0x1e: {  	[tilespmem:s26+$0x100] =	vst v0  }
0x1f: {  	[tilespmem:s26+$0x110] =	vst v0  }
0x20: {  	[tilespmem:s26+$0x120] =	vst v0  }
0x21: {  	[tilespmem:s26+$0x130] =	vst v0  }
0x22: {  	[tilespmem:s26+$0x140] =	vst v0  }
0x23: {  	[tilespmem:s26+$0x150] =	vst v0  }
0x24: {  	[tilespmem:s26+$0x160] =	vst v0  }
0x25: {  	[spmem:s4] =	stream.linear.scatter [tilespmem:s16], [sflag:$0x5], $0x4000, $0x38;
	[tilespmem:$0x1C100] =	vst v63  }
0x26: {  	_ =	swait.ge [sflag:s17], $0x4000  }
0x27: {  	[sflag:s17] =	ssyncset.done $0x0  }
0x28: {  	[sflag:s17] =	ssyncadd.s32 $0xFFFFC000  }
0x29: {  	[spmem:s5] =	stream.linear.scatter [tilespmem:s16], [sflag:$0x5], $0x4000, $0x38;
	[tilespmem:$0x1C100] =	vst v63  }
0x2a: {  	_ =	swait.ge [sflag:s17], $0x4000  }
0x2b: {  	[sflag:s17] =	ssyncset.done $0x0  }
0x2c: {  	[sflag:s17] =	ssyncadd.s32 $0xFFFFC000  }
0x2d: {  	[spmem:s6] =	stream.linear.scatter [tilespmem:s16], [sflag:$0x5], $0x4000, $0x38;
	[tilespmem:$0x1C100] =	vst v63  }
0x2e: {  	_ =	swait.ge [sflag:s17], $0x4000  }
0x2f: {  	[sflag:s17] =	ssyncset.done $0x0  }
0x30: {  	[sflag:s17] =	ssyncadd.s32 $0xFFFFC000  }
0x31: {  	[spmem:s7] =	stream.linear.scatter [tilespmem:s16], [sflag:$0x5], $0x4000, $0x38;
	[tilespmem:$0x1C100] =	vst v63  }
0x32: {  	_ =	swait.ge [sflag:s17], $0x4000  }
0x33: {  	[sflag:s17] =	ssyncset.done $0x0  }
0x34: {  	[sflag:s17] =	ssyncadd.s32 $0xFFFFC000  }
0x35: {  	[spmem:s8] =	stream.linear.scatter [tilespmem:s16], [sflag:$0x5], $0x4000, $0x38;
	[tilespmem:$0x1C100] =	vst v63  }
0x36: {  	_ =	swait.ge [sflag:s17], $0x4000  }
0x37: {  	[sflag:s17] =	ssyncset.done $0x0  }
0x38: {  	[sflag:s17] =	ssyncadd.s32 $0xFFFFC000  }
0x39: {  	s30 =	simm.s32 $0x0;
	[bflag:$0x0] =	sbarrier.arrive $0xFFFF  }
0x3a: {  	[tilespmem:s30], [sflag:$0x1] =	stream.linear.gather [hbm4b:s11+s30], $0x80, $0x38;
	[tilespmem:$0x1C100] =	vst v63  }
0x3b: {  	_ = 	snop  }
0x3c: {  	[tilespmem:s16], [sflag:$0x3] =	stream.linear.gather [hbm4b:s12+s30], $0x4000, $0x38;
	[tilespmem:$0x1C100] =	vst v63  }
0x3d: {  	s31 =	sadd.s32 $0xFFFFFF00, s15;
	s28 =	sadd.s32 $0x0, s12  }
0x3e: {  	[tilespmem:s18], [sflag:$0x2] =	stream.linear.gather [hbm4b:s31+s2], $0x80, $0x38;
	[tilespmem:$0x1C100] =	vst v63  }
0x3f: {  	s30 =	sadd.s32 $0x8000, s28  }
0x40: {  	[tilespmem:s19], [sflag:$0x4] =	stream.linear.gather [hbm4b:s30+s2], $0x4000, $0x38;
	[tilespmem:$0x1C100] =	vst v63  }
0x41: {  	_ =	swait.ge [sflag:s20], $0x80  }
0x42: {  	[sflag:s20] =	ssyncset.done $0x0  }
0x43: {  	[sflag:s20] =	ssyncadd.s32 $0xFFFFFF80  }
0x44: {  	_ =	swait.ge [sflag:s21], $0x4000  }
0x45: {  	[sflag:s21] =	ssyncset.done $0x0  }
0x46: {  	[sflag:s21] =	ssyncadd.s32 $0xFFFFC000  }
0x47: {  	[spmem:s1] =	stream.indirect.scatter.add.f32 [tilespmem:s16], [sflag:$0x6], $0x80, s2, s18, $0xb8;
	[tilespmem:$0x1C100] =	vst v63  }
0x48: {  	_ =	swait.ge [sflag:s22], $0x4000  }
0x49: {  	[sflag:s22] =	ssyncset.done $0x0  }
0x4a: {  	[sflag:s22] =	ssyncadd.s32 $0xFFFFC000  }
0x4b: {  	[tilespmem:s2], [sflag:$0x1] =	stream.linear.gather [hbm4b:s15+s2], $0x80, $0x38;
	[tilespmem:$0x1C100] =	vst v63  }
0x4c: {  	s31 =	sadd.s32 $0x10000, s28  }
0x4d: {  	[tilespmem:s16], [sflag:$0x3] =	stream.linear.gather [hbm4b:s31+s2], $0x4000, $0x38;
	[tilespmem:$0x1C100] =	vst v63  }
0x4e: {  	_ =	swait.ge [sflag:s23], $0x80  }
0x4f: {  	[sflag:s23] =	ssyncset.done $0x0  }
0x50: {  	[sflag:s23] =	ssyncadd.s32 $0xFFFFFF80  }
0x51: {  	_ =	swait.ge [sflag:s24], $0x4000  }
0x52: {  	[sflag:s24] =	ssyncset.done $0x0  }
0x53: {  	[sflag:s24] =	ssyncadd.s32 $0xFFFFC000  }
0x54: {  	[spmem:s1] =	stream.indirect.scatter.add.f32 [tilespmem:s19], [sflag:$0x5], $0x80, s18, s18, $0xb8;
	[tilespmem:$0x1C100] =	vst v63  }
0x55: {  	s29 =	simm.s32 $0x20000;
	_ =	swait.ge [sflag:s17], $0x4000  }
0x56: {  	s26 =	sadd.s32 $0x200, s15;
	s28 =	simm.s32 $0x10000;
	[sflag:s17] =	ssyncset.done $0x0  }
.LBB2_4:
0x57: {  	s30 =	sadd.s32 $0xFFFFFF00, s26  }
0x58: {  	s31 =	sadd.s32 s28, s12;
	[sflag:s17] =	ssyncadd.s32 $0xFFFFC000;
	s28 =	smov.u32 s29  }
0x59: {  	[tilespmem:s18], [sflag:$0x2] =	stream.linear.gather [hbm4b:s30+s2], $0x80, $0x38;
	[tilespmem:$0x1C100] =	vst v63  }
0x5a: {  	p1 =	sne.s32 s29, $0x120000;
	s29 =	sadd.s32 $0x10000, s29;
	s30 =	sadd.s32 $0x8000, s31  }
0x5b: {  	[tilespmem:s19], [sflag:$0x4] =	stream.linear.gather [hbm4b:s30+s2], $0x4000, $0x38;
	[tilespmem:$0x1C100] =	vst v63  }
0x5c: {  	_ =	swait.ge [sflag:s20], $0x80  }
0x5d: {  	[sflag:s20] =	ssyncset.done $0x0  }
0x5e: {  	[sflag:s20] =	ssyncadd.s32 $0xFFFFFF80  }
0x5f: {  	_ =	swait.ge [sflag:s21], $0x4000  }
0x60: {  	[sflag:s21] =	ssyncset.done $0x0  }
0x61: {  	[sflag:s21] =	ssyncadd.s32 $0xFFFFC000  }
0x62: {  	[spmem:s1] =	stream.indirect.scatter.add.f32 [tilespmem:s16], [sflag:$0x6], $0x80, s2, s18, $0xb8;
	[tilespmem:$0x1C100] =	vst v63  }
0x63: {  	_ =	swait.ge [sflag:s22], $0x4000  }
0x64: {  	[sflag:s22] =	ssyncset.done $0x0  }
0x65: {  	[sflag:s22] =	ssyncadd.s32 $0xFFFFC000  }
0x66: {  	[tilespmem:s2], [sflag:$0x1] =	stream.linear.gather [hbm4b:s26+s2], $0x80, $0x38;
	[tilespmem:$0x1C100] =	vst v63  }
0x67: {  	s30 =	sadd.s32 $0x10000, s31  }
0x68: {  	[tilespmem:s16], [sflag:$0x3] =	stream.linear.gather [hbm4b:s30+s2], $0x4000, $0x38;
	[tilespmem:$0x1C100] =	vst v63  }
0x69: {  	_ =	swait.ge [sflag:s23], $0x80  }
0x6a: {  	[sflag:s23] =	ssyncset.done $0x0  }
0x6b: {  	[sflag:s23] =	ssyncadd.s32 $0xFFFFFF80  }
0x6c: {  	_ =	swait.ge [sflag:s24], $0x4000  }
.Ltmp1:
0x6d: {  	[sflag:s24] =	ssyncset.done $0x0;
	(pc) =	sbr.rel @p1 .LBB2_4-.Ltmp1, $4  }
0x6e: {  	[sflag:s24] =	ssyncadd.s32 $0xFFFFC000  }
0x6f: {  	[spmem:s1] =	stream.indirect.scatter.add.f32 [tilespmem:s19], [sflag:$0x5], $0x80, s18, s18, $0xb8;
	[tilespmem:$0x1C100] =	vst v63  }
0x70: {  	_ =	swait.ge [sflag:s17], $0x4000  }
0x71: {  	s26 =	sadd.s32 $0x200, s26;
	[sflag:s17] =	ssyncset.done $0x0  }
0x72: {  	s29 =	sadd.s32 $0xFFFFFF00, s26;
	s28 =	sadd.s32 s28, s12;
	[sflag:s17] =	ssyncadd.s32 $0xFFFFC000  }
0x73: {  	[tilespmem:s18], [sflag:$0x2] =	stream.linear.gather [hbm4b:s29+s2], $0x80, $0x38;
	[tilespmem:$0x1C100] =	vst v63  }
0x74: {  	s31 =	sadd.s32 $0x8000, s28  }
0x75: {  	[tilespmem:s19], [sflag:$0x4] =	stream.linear.gather [hbm4b:s31+s2], $0x4000, $0x38;
	[tilespmem:$0x1C100] =	vst v63  }
0x76: {  	_ =	swait.ge [sflag:s20], $0x80  }
0x77: {  	[sflag:s20] =	ssyncset.done $0x0  }
0x78: {  	[sflag:s20] =	ssyncadd.s32 $0xFFFFFF80  }
0x79: {  	_ =	swait.ge [sflag:s21], $0x4000  }
0x7a: {  	[sflag:s21] =	ssyncset.done $0x0  }
0x7b: {  	[sflag:s21] =	ssyncadd.s32 $0xFFFFC000  }
0x7c: {  	[spmem:s1] =	stream.indirect.scatter.add.f32 [tilespmem:s16], [sflag:$0x6], $0x80, s2, s18, $0xb8;
	[tilespmem:$0x1C100] =	vst v63  }
0x7d: {  	_ =	swait.ge [sflag:s22], $0x4000  }
0x7e: {  	[sflag:s22] =	ssyncset.done $0x0  }
0x7f: {  	[sflag:s22] =	ssyncadd.s32 $0xFFFFC000  }
0x80: {  	[tilespmem:s2], [sflag:$0x1] =	stream.linear.gather [hbm4b:s26+s2], $0x80, $0x38;
	[tilespmem:$0x1C100] =	vst v63  }
0x81: {  	s29 =	sadd.s32 $0x10000, s28  }
0x82: {  	[tilespmem:s16], [sflag:$0x3] =	stream.linear.gather [hbm4b:s29+s2], $0x4000, $0x38;
	[tilespmem:$0x1C100] =	vst v63  }
0x83: {  	_ =	swait.ge [sflag:s23], $0x80  }
0x84: {  	[sflag:s23] =	ssyncset.done $0x0  }
0x85: {  	[sflag:s23] =	ssyncadd.s32 $0xFFFFFF80  }
0x86: {  	_ =	swait.ge [sflag:s24], $0x4000  }
0x87: {  	[sflag:s24] =	ssyncset.done $0x0  }
0x88: {  	[sflag:s24] =	ssyncadd.s32 $0xFFFFC000  }
0x89: {  	[spmem:s1] =	stream.indirect.scatter.add.f32 [tilespmem:s19], [sflag:$0x5], $0x80, s18, s18, $0xb8;
	[tilespmem:$0x1C100] =	vst v63  }
0x8a: {  	_ =	swait.ge [sflag:s17], $0x4000  }
0x8b: {  	[sflag:s17] =	ssyncset.done $0x0  }
0x8c: {  	s28 =	simm.s32 @!p0 $0x80;
	s26 =	simm.s32 @!p0 $0x0;
	[sflag:s17] =	ssyncadd.s32 $0xFFFFC000  }
0x8d: {  	[tilespmem:s28], [sflag:$0x2] =	stream.linear.gather @!p0 [hbm4b:s13+s26], $0x80, $0x38;
	[tilespmem:$0x1C100] =	vst v63  }
0x8e: {  	s29 =	simm.s32 @!p0 $0x4100  }
0x8f: {  	[tilespmem:s29], [sflag:$0x4] =	stream.linear.gather @!p0 [hbm4b:s14+s26], $0x4000, $0x38;
	[tilespmem:$0x1C100] =	vst v63  }
0x90: {  	_ =	swait.ge [sflag:s20], $0x80  }
0x91: {  	[sflag:s20] =	ssyncset.done $0x0  }
0x92: {  	[sflag:s20] =	ssyncadd.s32 $0xFFFFFF80  }
0x93: {  	_ =	swait.ge [sflag:s21], $0x4000  }
0x94: {  	[sflag:s21] =	ssyncset.done $0x0  }
0x95: {  	[sflag:s21] =	ssyncadd.s32 $0xFFFFC000  }
0x96: {  	[spmem:s1] =	stream.indirect.scatter.add.f32 [tilespmem:s16], [sflag:$0x6], $0x80, s2, s18, $0xb8;
	[tilespmem:$0x1C100] =	vst v63  }
0x97: {  	_ =	swait.ge [sflag:s22], $0x4000  }
0x98: {  	[sflag:s22] =	ssyncset.done $0x0  }
0x99: {  	s26 =	simm.s32 @!p0 $0x2;
	[sflag:s22] =	ssyncadd.s32 $0xFFFFC000  }
0x9a: {  	_ =	swait.ge @!p0 [sflag:s26], $0x80  }
0x9b: {  	[sflag:s26] =	ssyncset.done @!p0 $0x0  }
0x9c: {  	[sflag:s26] =	ssyncadd.s32 @!p0 $0xFFFFFF80;
	s26 =	simm.s32 @!p0 $0x4  }
0x9d: {  	_ =	swait.ge @!p0 [sflag:s26], $0x4000  }
0x9e: {  	[sflag:s26] =	ssyncset.done @!p0 $0x0  }
0x9f: {  	[sflag:s26] =	ssyncadd.s32 @!p0 $0xFFFFC000;
	s26 =	simm.s32 @!p0 $0x5  }
0xa0: {  	[spmem:s1] =	stream.indirect.scatter.add.f32 @!p0 [tilespmem:s29], [sflag:$0x5], $0x80, s28, s28, $0xb8;
	[tilespmem:$0x1C100] =	vst v63  }
0xa1: {  	_ =	swait.ge @!p0 [sflag:s26], $0x4000  }
0xa2: {  	s30 =	sshll.u32 s3, $0x6;
	s25 =	sadd.s32 $0x1, s25;
	[sflag:s26] =	ssyncset.done @!p0 $0x0  }
0xa3: {  	p1 =	sne.s32 s25, s10;
	s31 =	sshrl.u32 s4, $0x3;
	[sflag:s26] =	ssyncadd.s32 @!p0 $0xFFFFC000  }
.Ltmp2:
0xa4: {  	s26 =	sor.u32 $0x1C05, s30;
	[bflag:$0x0] =	sbarrier.arrive $0xFFFF;
	(pc) =	sbr.rel @p1 .LBB2_1-.Ltmp2, $4  }
0xa5: {  	[hbm:s9], [sflag:s26] =	dma.local [spmem:s31], $0x2800  }
0xa6: {  	_ =	swait.ge [sflag:s17], $0x2800  }
0xa7: {  	[sflag:s17] =	ssyncset.done $0x0  }
0xa8: {  	[sflag:s17] =	ssyncadd.s32 $0xFFFFD800  }
0xa9: {  	_ =	sfence.sel $0x180000  }
0xaa: {  	[bflag:$0x0] =	sbarrier.arrive $0xFFFF  }
0xab: {  	_ =	strace $0x90000056  }
0xac: {  	s0 =	sadd.s32 @!p0 $0x100000, s0;
	[bflag:$0x2] =	sbarrier.arrive $0xFFFF  }
0xad: {  	[sflag:s0] =	ssyncadd.tile.s32 @!p0 $0x1;
	_ =	shalt  }
.Lfunc_end2:
_tile_overlayer_lowered:
.L_overlay_start_2:
0xae: {  	(tag) =	ssettag $0x2  }
0xaf: {  	s0 =	rddreg [dreg:$0x0];
	s2 =	stileid.u32  }
0xb0: {  	s1 =	rddreg [dreg:$0x1];
	p0 =	sne.s32 s2, $0x0  }
0xb1: {  	s3 =	rddreg [dreg:$0x2];
	[bflag:$0x3] =	sbarrier.arrive $0xFFFF;
	s2 =	simm.s32 @!p0 $0x1C05  }
0xb2: {  	[timem:s3], [sflag:s2] =	dma.local @!p0 [hbm:s0], s1  }
0xb3: {  	s0 =	simm.s32 @!p0 $0x5  }
0xb4: {  	_ =	swait.ge @!p0 [sflag:s0], s1  }
0xb5: {  	s1 =	ssub.s32 @!p0 $0x0, s1;
	[sflag:s0] =	ssyncset.done @!p0 $0x0  }
0xb6: {  	[sflag:s0] =	ssyncadd.s32 @!p0 s1  }
0xb7: {  	[bflag:$0x3] =	sbarrier.arrive $0xFFFF  }
0xb8: {  	_ =	shalt  }

// kernel: kernel.29.cloned.1.call-start
scs
__scs_entry_jumppad:
0x0: {  	(pc) =	sbr.rel $0x88, $3  }
0x1: {  	(tag) =	ssettag $0x0;
	lr =	simm.s32 $0x1  }
0x2: {  	[smem:$0x3F95] =	sst lr;
	_ =	strace $0xD0000000  }
0x3: {  	_ = 	snop  }
0x4: {  	_ = 	snop  }
0x5: {  	_ = 	snop  }
0x6: {  	_ = 	snop  }
0x7: {  	_ = 	snop  }
__scs_overlays_trampoline_lowered:
0x8: {  	[smem:$0x3FA4] =	sst s0  }
0x9: {  	[smem:$0x3FA5] =	sst s1  }
0xa: {  	[smem:$0x3FA6] =	sst s2  }
0xb: {  	[smem:$0x3FA7] =	sst s3  }
0xc: {  	[smem:$0x3FA8] =	sst s4  }
0xd: {  	[smem:$0x3FA9] =	sst s5  }
0xe: {  	[smem:$0x3FAA] =	sst s6  }
0xf: {  	[smem:$0x3FAB] =	sst s7  }
0x10: {  	[smem:$0x3FAC] =	sst s8  }
0x11: {  	[smem:$0x3FAD] =	sst s9;
	s0 =	simm.s32 @!p0 $0x0  }
0x12: {  	s1 =	sld [smem:$0x3F93];
	s0 =	simm.s32 @p0 $0x1  }
0x13: {  	[smem:$0x3FAE] =	sst s0;
	s0 =	simm.s32 @!p1 $0x0  }
0x14: {  	s2 =	sld [smem:$0x3F92];
	s0 =	simm.s32 @p1 $0x1  }
0x15: {  	[smem:$0x3FAF] =	sst s0;
	s0 =	simm.s32 @!p2 $0x0  }
0x16: {  	s3 =	sld [smem:$0x3FDB];
	s0 =	simm.s32 @p2 $0x1  }
0x17: {  	s4 =	simm.s32 $0x1BF5;
	[smem:$0x3FB1] =	sst s0  }
0x18: {  	s0 =	sld [smem:$0x3F94];
	_ =	swait.ge [sflag:s4], $0x0  }
0x19: {  	s7 =	sld [smem:$0x3F95]  }
0x1a: {  	s8 =	sadd.s32 $0xFFFFE003, lr  }
0x1b: {  	s9 =	sadd.s32 $0xFFFFFEF7, lr;
	s5 =	simm.s32 $0xFFFFFFFF;
	p2 =	slt.u32 s8, $0xFFFFF086  }
0x1c: {  	p1 =	slt.u32 s9, $0xF7A;
	s5 =	simm.s32 @!p2 $0x0  }
0x1d: {  	s5 =	simm.s32 @p1 $0x1;
	p0 =	seq.s32 s7, s2  }
0x1e: {  	s7 =	smul.u32 @!p0 $0xF7A, s2;
	p2 =	seq.s32 @!p0 s5, $0x0  }
0x1f: {  	s9 =	smul.u32 $0xF7A, s1;
	s8 =	simm.s32 @!p0 $0x1BF5;
	p2 =	por !p2, p0  }
0x20: {  	[sflag:s8] =	ssyncset.s32 @!p0 $0xFFFFF086;
	s6 =	sadd.s32 @!p0 s3, s7;
	s7 =	simm.s32 @!p0 $0x108  }
0x21: {  	s3 =	sadd.s32 s3, s9;
	s6 =	sadd.s32 @!p0 $0x88, s6;
	s7 =	simm.s32 @p2 $0x1082  }
0x22: {  	[simem:s7], [sflag:s8] =	dma.local @!p0 [hbm:s6], $0xF7A  }
0x23: {  	s9 =	sor.u32 $0xD0000000, s2;
	s6 =	simm.s32 $0x108;
	_ =	swait.ge @!p0 [sflag:s8], $0x0  }
0x24: {  	s3 =	sadd.s32 $0x88, s3;
	s6 =	simm.s32 @!p1 $0x1082;
	[sflag:s4] =	ssyncset.s32 $0xFFFFF086  }
0x25: {  	[simem:s6], [sflag:s4] =	dma.local [hbm:s3], $0xF7A  }
0x26: {  	[smem:$0x3F95] =	sst s1;
	(tag) =	ssettag s2;
	_ =	strace s9  }
0x27: {  	s1 =	sld [smem:$0x3FA5]  }
0x28: {  	s2 =	sld [smem:$0x3FA6]  }
0x29: {  	s4 =	sld [smem:$0x3FA8]  }
0x2a: {  	p0 =	seq.s32 s5, $0x0;
	s5 =	sld [smem:$0x3FA9]  }
0x2b: {  	s6 =	sld [smem:$0x3FAA]  }
0x2c: {  	s7 =	sld [smem:$0x3FAB]  }
0x2d: {  	s3 =	simm.s32 $0x108;
	s8 =	sld [smem:$0x3FAC]  }
0x2e: {  	s3 =	simm.s32 @!p0 $0x1082;
	s9 =	sld [smem:$0x3FAD]  }
0x2f: {  	lr =	sadd.s32 s0, s3;
	s0 =	sld [smem:$0x3FA4]  }
0x30: {  	s3 =	sld [smem:$0x3FA7]  }
0x31: {  	[smem:$0x3FB0] =	sst s10  }
0x32: {  	s10 =	sld [smem:$0x3FAE];
	_ =	sdelay $0x3  }
0x33: {  	p0 =	seq.s32 s10, $0x1;
	s10 =	sld [smem:$0x3FB0];
	_ =	sdelay $0x3  }
0x34: {  	[smem:$0x3FB0] =	sst s10  }
0x35: {  	s10 =	sld [smem:$0x3FAF];
	_ =	sdelay $0x3  }
0x36: {  	p1 =	seq.s32 s10, $0x1;
	s10 =	sld [smem:$0x3FB0];
	_ =	sdelay $0x3  }
0x37: {  	[smem:$0x3FB0] =	sst s10  }
0x38: {  	s10 =	sld [smem:$0x3FB1]  }
0x39: {  	_ = 	snop;
	(pc) =	sbr.ind lr, $3  }
0x3a: {  	_ = 	snop  }
0x3b: {  	_ = 	snop  }
0x3c: {  	p2 =	seq.s32 s10, $0x1;
	s10 =	sld [smem:$0x3FB0]  }
0x3d: {  	_ =	shalt  }
0x3e: {  	_ =	shalt  }
0x3f: {  	_ =	shalt  }
0x40: {  	_ =	shalt  }
0x41: {  	_ =	shalt  }
0x42: {  	_ =	shalt  }
0x43: {  	_ =	shalt  }
0x44: {  	_ =	shalt  }
0x45: {  	_ =	shalt  }
0x46: {  	_ =	shalt  }
0x47: {  	_ =	shalt  }
0x48: {  	_ =	shalt  }
0x49: {  	_ =	shalt  }
0x4a: {  	_ =	shalt  }
0x4b: {  	_ =	shalt  }
0x4c: {  	_ =	shalt  }
0x4d: {  	_ =	shalt  }
0x4e: {  	_ =	shalt  }
0x4f: {  	_ =	shalt  }
0x50: {  	_ =	shalt  }
0x51: {  	_ =	shalt  }
0x52: {  	_ =	shalt  }
0x53: {  	_ =	shalt  }
0x54: {  	_ =	shalt  }
0x55: {  	_ =	shalt  }
0x56: {  	_ =	shalt  }
0x57: {  	_ =	shalt  }
0x58: {  	_ =	shalt  }
0x59: {  	_ =	shalt  }
0x5a: {  	_ =	shalt  }
0x5b: {  	_ =	shalt  }
0x5c: {  	_ =	shalt  }
0x5d: {  	_ =	shalt  }
0x5e: {  	_ =	shalt  }
0x5f: {  	_ =	shalt  }
0x60: {  	_ =	shalt  }
0x61: {  	_ =	shalt  }
0x62: {  	_ =	shalt  }
0x63: {  	_ =	shalt  }
0x64: {  	_ =	shalt  }
0x65: {  	_ =	shalt  }
0x66: {  	_ =	shalt  }
0x67: {  	_ =	shalt  }
0x68: {  	_ =	shalt  }
0x69: {  	_ =	shalt  }
0x6a: {  	_ =	shalt  }
0x6b: {  	_ =	shalt  }
0x6c: {  	_ =	shalt  }
0x6d: {  	_ =	shalt  }
0x6e: {  	_ =	shalt  }
0x6f: {  	_ =	shalt  }
0x70: {  	_ =	shalt  }
0x71: {  	_ =	shalt  }
0x72: {  	_ =	shalt  }
0x73: {  	_ =	shalt  }
0x74: {  	_ =	shalt  }
0x75: {  	_ =	shalt  }
0x76: {  	_ =	shalt  }
0x77: {  	_ =	shalt  }
0x78: {  	_ =	shalt  }
0x79: {  	_ =	shalt  }
0x7a: {  	_ =	shalt  }
0x7b: {  	_ =	shalt  }
0x7c: {  	_ =	shalt  }
0x7d: {  	_ =	shalt  }
0x7e: {  	_ =	shalt  }
0x7f: {  	_ =	shalt  }
0x80: {  	_ =	shalt  }
0x81: {  	_ =	shalt  }
0x82: {  	_ =	shalt  }
0x83: {  	_ =	shalt  }
0x84: {  	_ =	shalt  }
0x85: {  	_ =	shalt  }
0x86: {  	_ =	shalt  }
0x87: {  	_ =	shalt  }
.Lfunc_end0:
.L_simem_size_0:
called_computation.5_lowered:
.L_overlay_start_0:
0x88: {  	s2 =	sld [smem:$0x3FD9]  }
0x89: {  	s3 =	sld [smem:$0x3FFE];
	_ =	sdelay $0x1  }
0x8a: {  	s1 =	srdreg.scid  }
0x8b: {  	s0 =	sand.u32 $0x1, s1  }
0x8c: {  	s17 =	sshll.u32 s0, $0xA;
	s2 =	sadd.s32 s3, s2  }
0x8d: {  	s2 =	sadd.s32 s2, s17  }
0x8e: {  	[smem:$0x3FBC] =	sst s2  }
0x8f: {  	_ = 	snop  }
0x90: {  	(tm) =	ssettm $0x1  }
0x91: {  	s18 =	sld [smem:$0x3FFB];
	_ =	sdelay $0x3  }
0x92: {  	_ =	strace s18  }
0x93: {  	s2 =	sld [smem:$0x3FFC];
	_ =	sdelay $0x3  }
0x94: {  	_ =	strace s2  }
0x95: {  	s2 =	sld [smem:$0x3FFD];
	_ =	sdelay $0x3  }
0x96: {  	_ =	strace s2  }
0x97: {  	_ =	strace $0x8FFFFFFF  }
0x98: {  	s19 =	sld [smem:$0x3FDB];
	_ =	sdelay $0x1  }
0x99: {  	s20 =	simm.s32 $_scs_section_size  }
0x9a: {  	s4 =	simm.s32 $_size__tile_overlayer_lowered;
	s5 =	simm.s32 $_tile_overlayer_lowered  }
0x9b: {  	s6 =	simm.s32 $0x1BFF;
	s21 =	sshll.u32 s5, $0x1;
	s3 =	sadd.s32 s20, s19  }
0x9c: {  	s22 =	simm.s32 $0x0;
	s4 =	sshll.u32 s4, $0x1;
	s5 =	sadd.s32 s21, s3  }
0x9d: {  	[timem:s22], [sflag:s6] =	dma.local [hbm:s5], s4  }
0x9e: {  	_ =	swait.ge [sflag:s6], s4  }
0x9f: {  	s4 =	ssub.s32 $0x0, s4;
	[sflag:s6] =	ssyncset.done $0x0  }
0xa0: {  	[sflag:s6] =	ssyncadd.s32 s4;
	_ =	sdelay $0x1  }
0xa1: {  	s23 =	simm.s32 $0x1B8B  }
0xa2: {  	_ =	swait.ge [sflag:s23], $0x1  }
0xa3: {  	[sflag:s23] =	ssyncset.done $0x0  }
0xa4: {  	[sflag:s23] =	ssyncadd.s32 $0xFFFFFFFF  }
0xa5: {  	s4 =	sld [smem:$0x0]  }
0xa6: {  	s5 =	sand.u32 $0xFFFFFFFE, s1  }
0xa7: {  	p0 =	sne.s32 s1, s5  }
0xa8: {  	s5 =	sshll.u32 @p0 s5, $0xE  }
0xa9: {  	s5 =	sadd.s32 @p0 $0x11B8D, s5;
	s6 =	sshll.u32 @p0 s4, $0x11  }
0xaa: {  	s5 =	sor.u32 @p0 s6, s5  }
0xab: {  	[sflag:s5] =	ssyncadd.remote.s32 @p0 $0x1;
	_ =	sdelay $0x1  }
0xac: {  	s5 =	simm.s32 @p0 $0x1B8D  }
0xad: {  	_ =	swait.eq @p0 [sflag:s5], $0x1  }
0xae: {  	[sflag:s5] =	ssyncadd.s32 @p0 $0xFFFFFFFF  }
0xaf: {  	s6 =	sshll.u32 @!p0 s1, $0xE  }
0xb0: {  	s6 =	sor.u32 @!p0 $0x4000, s6;
	s5 =	simm.s32 @!p0 $0x1B8D  }
0xb1: {  	s4 =	sshll.u32 @!p0 s4, $0x11;
	s6 =	sadd.s32 @!p0 $0x11B8D, s6;
	_ =	swait.eq @!p0 [sflag:s5], $0x1  }
0xb2: {  	s4 =	sor.u32 @!p0 s4, s6;
	[sflag:s5] =	ssyncadd.s32 @!p0 $0xFFFFFFFF  }
0xb3: {  	s25 =	simm.s32 $0x1B8E;
	s24 =	sld [smem:$0x3FFE];
	[sflag:s4] =	ssyncadd.remote.s32 @!p0 $0x1  }
0xb4: {  	s26 =	simm.s32 $execute0_lowered;
	[smem:$0x3FD2] =	sst s25  }
0xb5: {  	s5 =	sshll.u32 s26, $0x1;
	_ =	strace $0x80000052;
	[dreg:$0x1] =	wrdreg $0xFFFFFFFF  }
0xb6: {  	s28 =	simm.s32 $_size_execute0_lowered;
	s3 =	sadd.s32 s3, s5;
	[dreg:$0x0] =	wrdreg $0x0  }
0xb7: {  	s5 =	sshll.u32 s28, $0x1;
	[dreg:$0x2] =	wrdreg s3  }
0xb8: {  	[dreg:$0x3] =	wrdreg s5  }
0xb9: {  	[dreg:$0x4] =	wrdreg $0xC0  }
0xba: {  	_ =	task [dreg:s22], $0x5FFFF  }
0xbb: {  	[dreg:$0x1] =	wrdreg $0xFFFFFFFF  }
0xbc: {  	[dreg:$0x0] =	wrdreg $0x60  }
0xbd: {  	[dreg:$0x2] =	wrdreg s24  }
0xbe: {  	[dreg:$0x3] =	wrdreg $0x81000  }
0xbf: {  	[dreg:$0x4] =	wrdreg $0xB  }
0xc0: {  	_ =	task.clear_ibuf [dreg:s22], $0x5FFFF;
	_ =	strace $0x90000052  }
0xc1: {  	s29 =	simm.s32 $0xB;
	_ =	strace $0x80000054  }
0xc2: {  	_ =	swait.ge [sflag:s29], $0x1  }
0xc3: {  	[sflag:s29] =	ssyncadd.s32 $0xFFFFFFFF  }
0xc4: {  	_ =	strace $0x90000054  }
0xc5: {  	_ =	sfence  }
0xc6: {  	s30 =	sld [smem:$0x0];
	_ =	sdelay $0x2  }
0xc7: {  	s31 =	sshll.u32 s1, $0xD;
	s1 =	sshrl.u32 s1, $0x2  }
0xc8: {  	s4 =	sand.u32 $0x4000, s31;
	s1 =	sadd.s32 s1, s30  }
0xc9: {  	s0 =	sor.u32 s4, s0;
	s1 =	sshll.u32 s1, $0x11  }
0xca: {  	s0 =	sor.u32 s1, s0  }
0xcb: {  	s0 =	sadd.s32 $0x8F2B, s0  }
0xcc: {  	[sflag:s0] =	ssyncadd.remote.s32 $0x1  }
0xcd: {  	_ =	sfence.sel $0xFFFF  }
0xce: {  	[dreg:$0x0] =	wrdreg $0xFFFFFFFF;
	(pc) =	sbr.abs _section_cstart, $3  }
0xcf: {  	[dreg:$0x1] =	wrdreg $0xFFFFFFFF  }
0xd0: {  	_ =	task.clear_ibuf [dreg:s22], $0x2FFFF;
	_ =	strace $0x9FFFFFFF  }
0xd1: {  	(tm) =	ssettm $0x7FFFFFFF  }
tec
execute0_lowered:
.L_overlay_start_1:
0x0: {  	(tag) =	ssettag $0x1  }
0x1: {  	s4 =	rddreg [dreg:$0x0]  }
0x2: {  	s1 =	rddreg [dreg:$0x1]  }
0x3: {  	s0 =	rddreg [dreg:$0x2]  }
0x4: {  	s2 =	simm.s32 $0x0;
	s3 =	srdreg.scid;
	s18 =	simm.s32 $0x80  }
0x5: {  	s19 =	simm.s32 $0x4100;
	s20 =	simm.s32 $0x1;
	s21 =	simm.s32 $0x3  }
0x6: {  	s22 =	simm.s32 $0x6;
	s23 =	simm.s32 $0x2;
	s24 =	simm.s32 $0x4  }
0x7: {  	s25 =	simm.s32 $0x0;
	s9 =	sand.u32 $0x1, s3;
	s14 =	sadd.s32 $0x52BA00, s4  }
0x8: {  	s3 =	stileid.u32;
	s10 =	sadd.s32 $0x51A400, s4;
	s5 =	smul.u32 $0x140000, s9  }
0x9: {  	[smem:$0x7FF] =	sst s2;
	s13 =	sadd.s32 $0x517C00, s4;
	s6 =	smul.u32 $0x14000, s3  }
0xa: {  	s12 =	sadd.s32 $0x35C00, s4;
	_ =	strace $0x80000053;
	s7 =	smul.u32 $0x50000, s3  }
0xb: {  	s31 =	ssub.s32 $0x2, s9;
	p0 =	seq.s32 s9, $0x0;
	s16 =	sshll.u32 s3, $0x4  }
0xc: {  	s17 =	sshll.u32 s3, $0xB;
	s8 =	sshrl.u32 s31, $0x1;
	s13 =	smov.u32 @p0 s10  }
0xd: {  	s14 =	smov.u32 @p0 s12;
	p0 =	sne.s32 s3, $0x0;
	s5 =	sadd.s32 s6, s5  }
0xe: {  	s7 =	sshrl.u32 s7, $0x2;
	s15 =	ssub.s32 s31, s8;
	s12 =	sadd.s32 s14, s17  }
0xf: {  	s14 =	sadd.s32 $0x138000, s14;
	s17 =	simm.s32 $0x5;
	s5 =	sshrl.u32 s5, $0x3  }
0x10: {  	s10 =	smax.u32 s15, $0x1;
	s11 =	sadd.s32 s5, s4;
	s4 =	sadd.s32 s7, s1  }
0x11: {  	s5 =	sadd.s32 $0x4000, s4;
	s6 =	sadd.s32 $0x8000, s4;
	s7 =	sadd.s32 $0xC000, s4  }
0x12: {  	s8 =	sadd.s32 $0x10000, s4;
	s9 =	sadd.s32 $0x16E400, s11;
	s11 =	sadd.s32 s13, s16  }
0x13: {  	v0 =	vimm.f32 $0.0e+00;
	s13 =	sadd.s32 $0x2700, s13;
	s16 =	simm.s32 $0x100;
	s15 =	sadd.s32 $0x200, s11  }
.LBB2_1:
0x14: {  	s26 =	simm.s32 $0x0;
	s28 =	simm.s32 $0x200  }
.LBB2_2:
0x15: {  	p1 =	sne.s32 s28, $0xFE00;
	[tilespmem:s26+$0x170] =	vst v0  }
0x16: {  	[tilespmem:s26+$0x100] =	vst v0  }
0x17: {  	[tilespmem:s26+$0x110] =	vst v0  }
.Ltmp0:
0x18: {  	[tilespmem:s26+$0x120] =	vst v0;
	(pc) =	sbr.rel @p1 .LBB2_2-.Ltmp0, $4  }
0x19: {  	[tilespmem:s26+$0x130] =	vst v0  }
0x1a: {  	[tilespmem:s26+$0x140] =	vst v0  }
0x1b: {  	[tilespmem:s26+$0x150] =	vst v0  }
0x1c: {  	[tilespmem:s26+$0x160] =	vst v0;
	s26 =	sshra.s32 s28, $0x2;
	s28 =	sadd.s32 $0x200, s28  }
0x1d: {  	[tilespmem:s26+$0x170] =	vst v0  }
0x1e: {  	[tilespmem:s26+$0x100] =	vst v0  }
0x1f: {  	[tilespmem:s26+$0x110] =	vst v0  }
0x20: {  	[tilespmem:s26+$0x120] =	vst v0  }
0x21: {  	[tilespmem:s26+$0x130] =	vst v0  }
0x22: {  	[tilespmem:s26+$0x140] =	vst v0  }
0x23: {  	[tilespmem:s26+$0x150] =	vst v0  }
0x24: {  	[tilespmem:s26+$0x160] =	vst v0  }
0x25: {  	[spmem:s4] =	stream.linear.scatter [tilespmem:s16], [sflag:$0x5], $0x4000, $0x38;
	[tilespmem:$0x1C100] =	vst v63  }
0x26: {  	_ =	swait.ge [sflag:s17], $0x4000  }
0x27: {  	[sflag:s17] =	ssyncset.done $0x0  }
0x28: {  	[sflag:s17] =	ssyncadd.s32 $0xFFFFC000  }
0x29: {  	[spmem:s5] =	stream.linear.scatter [tilespmem:s16], [sflag:$0x5], $0x4000, $0x38;
	[tilespmem:$0x1C100] =	vst v63  }
0x2a: {  	_ =	swait.ge [sflag:s17], $0x4000  }
0x2b: {  	[sflag:s17] =	ssyncset.done $0x0  }
0x2c: {  	[sflag:s17] =	ssyncadd.s32 $0xFFFFC000  }
0x2d: {  	[spmem:s6] =	stream.linear.scatter [tilespmem:s16], [sflag:$0x5], $0x4000, $0x38;
	[tilespmem:$0x1C100] =	vst v63  }
0x2e: {  	_ =	swait.ge [sflag:s17], $0x4000  }
0x2f: {  	[sflag:s17] =	ssyncset.done $0x0  }
0x30: {  	[sflag:s17] =	ssyncadd.s32 $0xFFFFC000  }
0x31: {  	[spmem:s7] =	stream.linear.scatter [tilespmem:s16], [sflag:$0x5], $0x4000, $0x38;
	[tilespmem:$0x1C100] =	vst v63  }
0x32: {  	_ =	swait.ge [sflag:s17], $0x4000  }
0x33: {  	[sflag:s17] =	ssyncset.done $0x0  }
0x34: {  	[sflag:s17] =	ssyncadd.s32 $0xFFFFC000  }
0x35: {  	[spmem:s8] =	stream.linear.scatter [tilespmem:s16], [sflag:$0x5], $0x4000, $0x38;
	[tilespmem:$0x1C100] =	vst v63  }
0x36: {  	_ =	swait.ge [sflag:s17], $0x4000  }
0x37: {  	[sflag:s17] =	ssyncset.done $0x0  }
0x38: {  	[sflag:s17] =	ssyncadd.s32 $0xFFFFC000  }
0x39: {  	s30 =	simm.s32 $0x0;
	[bflag:$0x0] =	sbarrier.arrive $0xFFFF  }
0x3a: {  	[tilespmem:s30], [sflag:$0x1] =	stream.linear.gather [hbm4b:s11+s30], $0x80, $0x38;
	[tilespmem:$0x1C100] =	vst v63  }
0x3b: {  	_ = 	snop  }
0x3c: {  	[tilespmem:s16], [sflag:$0x3] =	stream.linear.gather [hbm4b:s12+s30], $0x4000, $0x38;
	[tilespmem:$0x1C100] =	vst v63  }
0x3d: {  	s31 =	sadd.s32 $0xFFFFFF00, s15;
	s28 =	sadd.s32 $0x0, s12  }
0x3e: {  	[tilespmem:s18], [sflag:$0x2] =	stream.linear.gather [hbm4b:s31+s2], $0x80, $0x38;
	[tilespmem:$0x1C100] =	vst v63  }
0x3f: {  	s30 =	sadd.s32 $0x8000, s28  }
0x40: {  	[tilespmem:s19], [sflag:$0x4] =	stream.linear.gather [hbm4b:s30+s2], $0x4000, $0x38;
	[tilespmem:$0x1C100] =	vst v63  }
0x41: {  	_ =	swait.ge [sflag:s20], $0x80  }
0x42: {  	[sflag:s20] =	ssyncset.done $0x0  }
0x43: {  	[sflag:s20] =	ssyncadd.s32 $0xFFFFFF80  }
0x44: {  	_ =	swait.ge [sflag:s21], $0x4000  }
0x45: {  	[sflag:s21] =	ssyncset.done $0x0  }
0x46: {  	[sflag:s21] =	ssyncadd.s32 $0xFFFFC000  }
0x47: {  	[spmem:s1] =	stream.indirect.scatter.add.f32 [tilespmem:s16], [sflag:$0x6], $0x80, s2, s18, $0xb8;
	[tilespmem:$0x1C100] =	vst v63  }
0x48: {  	_ =	swait.ge [sflag:s22], $0x4000  }
0x49: {  	[sflag:s22] =	ssyncset.done $0x0  }
0x4a: {  	[sflag:s22] =	ssyncadd.s32 $0xFFFFC000  }
0x4b: {  	[tilespmem:s2], [sflag:$0x1] =	stream.linear.gather [hbm4b:s15+s2], $0x80, $0x38;
	[tilespmem:$0x1C100] =	vst v63  }
0x4c: {  	s31 =	sadd.s32 $0x10000, s28  }
0x4d: {  	[tilespmem:s16], [sflag:$0x3] =	stream.linear.gather [hbm4b:s31+s2], $0x4000, $0x38;
	[tilespmem:$0x1C100] =	vst v63  }
0x4e: {  	_ =	swait.ge [sflag:s23], $0x80  }
0x4f: {  	[sflag:s23] =	ssyncset.done $0x0  }
0x50: {  	[sflag:s23] =	ssyncadd.s32 $0xFFFFFF80  }
0x51: {  	_ =	swait.ge [sflag:s24], $0x4000  }
0x52: {  	[sflag:s24] =	ssyncset.done $0x0  }
0x53: {  	[sflag:s24] =	ssyncadd.s32 $0xFFFFC000  }
0x54: {  	[spmem:s1] =	stream.indirect.scatter.add.f32 [tilespmem:s19], [sflag:$0x5], $0x80, s18, s18, $0xb8;
	[tilespmem:$0x1C100] =	vst v63  }
0x55: {  	s29 =	simm.s32 $0x20000;
	_ =	swait.ge [sflag:s17], $0x4000  }
0x56: {  	s26 =	sadd.s32 $0x200, s15;
	s28 =	simm.s32 $0x10000;
	[sflag:s17] =	ssyncset.done $0x0  }
.LBB2_4:
0x57: {  	s30 =	sadd.s32 $0xFFFFFF00, s26  }
0x58: {  	s31 =	sadd.s32 s28, s12;
	[sflag:s17] =	ssyncadd.s32 $0xFFFFC000;
	s28 =	smov.u32 s29  }
0x59: {  	[tilespmem:s18], [sflag:$0x2] =	stream.linear.gather [hbm4b:s30+s2], $0x80, $0x38;
	[tilespmem:$0x1C100] =	vst v63  }
0x5a: {  	p1 =	sne.s32 s29, $0x120000;
	s29 =	sadd.s32 $0x10000, s29;
	s30 =	sadd.s32 $0x8000, s31  }
0x5b: {  	[tilespmem:s19], [sflag:$0x4] =	stream.linear.gather [hbm4b:s30+s2], $0x4000, $0x38;
	[tilespmem:$0x1C100] =	vst v63  }
0x5c: {  	_ =	swait.ge [sflag:s20], $0x80  }
0x5d: {  	[sflag:s20] =	ssyncset.done $0x0  }
0x5e: {  	[sflag:s20] =	ssyncadd.s32 $0xFFFFFF80  }
0x5f: {  	_ =	swait.ge [sflag:s21], $0x4000  }
0x60: {  	[sflag:s21] =	ssyncset.done $0x0  }
0x61: {  	[sflag:s21] =	ssyncadd.s32 $0xFFFFC000  }
0x62: {  	[spmem:s1] =	stream.indirect.scatter.add.f32 [tilespmem:s16], [sflag:$0x6], $0x80, s2, s18, $0xb8;
	[tilespmem:$0x1C100] =	vst v63  }
0x63: {  	_ =	swait.ge [sflag:s22], $0x4000  }
0x64: {  	[sflag:s22] =	ssyncset.done $0x0  }
0x65: {  	[sflag:s22] =	ssyncadd.s32 $0xFFFFC000  }
0x66: {  	[tilespmem:s2], [sflag:$0x1] =	stream.linear.gather [hbm4b:s26+s2], $0x80, $0x38;
	[tilespmem:$0x1C100] =	vst v63  }
0x67: {  	s30 =	sadd.s32 $0x10000, s31  }
0x68: {  	[tilespmem:s16], [sflag:$0x3] =	stream.linear.gather [hbm4b:s30+s2], $0x4000, $0x38;
	[tilespmem:$0x1C100] =	vst v63  }
0x69: {  	_ =	swait.ge [sflag:s23], $0x80  }
0x6a: {  	[sflag:s23] =	ssyncset.done $0x0  }
0x6b: {  	[sflag:s23] =	ssyncadd.s32 $0xFFFFFF80  }
0x6c: {  	_ =	swait.ge [sflag:s24], $0x4000  }
.Ltmp1:
0x6d: {  	[sflag:s24] =	ssyncset.done $0x0;
	(pc) =	sbr.rel @p1 .LBB2_4-.Ltmp1, $4  }
0x6e: {  	[sflag:s24] =	ssyncadd.s32 $0xFFFFC000  }
0x6f: {  	[spmem:s1] =	stream.indirect.scatter.add.f32 [tilespmem:s19], [sflag:$0x5], $0x80, s18, s18, $0xb8;
	[tilespmem:$0x1C100] =	vst v63  }
0x70: {  	_ =	swait.ge [sflag:s17], $0x4000  }
0x71: {  	s26 =	sadd.s32 $0x200, s26;
	[sflag:s17] =	ssyncset.done $0x0  }
0x72: {  	s29 =	sadd.s32 $0xFFFFFF00, s26;
	s28 =	sadd.s32 s28, s12;
	[sflag:s17] =	ssyncadd.s32 $0xFFFFC000  }
0x73: {  	[tilespmem:s18], [sflag:$0x2] =	stream.linear.gather [hbm4b:s29+s2], $0x80, $0x38;
	[tilespmem:$0x1C100] =	vst v63  }
0x74: {  	s31 =	sadd.s32 $0x8000, s28  }
0x75: {  	[tilespmem:s19], [sflag:$0x4] =	stream.linear.gather [hbm4b:s31+s2], $0x4000, $0x38;
	[tilespmem:$0x1C100] =	vst v63  }
0x76: {  	_ =	swait.ge [sflag:s20], $0x80  }
0x77: {  	[sflag:s20] =	ssyncset.done $0x0  }
0x78: {  	[sflag:s20] =	ssyncadd.s32 $0xFFFFFF80  }
0x79: {  	_ =	swait.ge [sflag:s21], $0x4000  }
0x7a: {  	[sflag:s21] =	ssyncset.done $0x0  }
0x7b: {  	[sflag:s21] =	ssyncadd.s32 $0xFFFFC000  }
0x7c: {  	[spmem:s1] =	stream.indirect.scatter.add.f32 [tilespmem:s16], [sflag:$0x6], $0x80, s2, s18, $0xb8;
	[tilespmem:$0x1C100] =	vst v63  }
0x7d: {  	_ =	swait.ge [sflag:s22], $0x4000  }
0x7e: {  	[sflag:s22] =	ssyncset.done $0x0  }
0x7f: {  	[sflag:s22] =	ssyncadd.s32 $0xFFFFC000  }
0x80: {  	[tilespmem:s2], [sflag:$0x1] =	stream.linear.gather [hbm4b:s26+s2], $0x80, $0x38;
	[tilespmem:$0x1C100] =	vst v63  }
0x81: {  	s29 =	sadd.s32 $0x10000, s28  }
0x82: {  	[tilespmem:s16], [sflag:$0x3] =	stream.linear.gather [hbm4b:s29+s2], $0x4000, $0x38;
	[tilespmem:$0x1C100] =	vst v63  }
0x83: {  	_ =	swait.ge [sflag:s23], $0x80  }
0x84: {  	[sflag:s23] =	ssyncset.done $0x0  }
0x85: {  	[sflag:s23] =	ssyncadd.s32 $0xFFFFFF80  }
0x86: {  	_ =	swait.ge [sflag:s24], $0x4000  }
0x87: {  	[sflag:s24] =	ssyncset.done $0x0  }
0x88: {  	[sflag:s24] =	ssyncadd.s32 $0xFFFFC000  }
0x89: {  	[spmem:s1] =	stream.indirect.scatter.add.f32 [tilespmem:s19], [sflag:$0x5], $0x80, s18, s18, $0xb8;
	[tilespmem:$0x1C100] =	vst v63  }
0x8a: {  	_ =	swait.ge [sflag:s17], $0x4000  }
0x8b: {  	[sflag:s17] =	ssyncset.done $0x0  }
0x8c: {  	s28 =	simm.s32 @!p0 $0x80;
	s26 =	simm.s32 @!p0 $0x0;
	[sflag:s17] =	ssyncadd.s32 $0xFFFFC000  }
0x8d: {  	[tilespmem:s28], [sflag:$0x2] =	stream.linear.gather @!p0 [hbm4b:s13+s26], $0x80, $0x38;
	[tilespmem:$0x1C100] =	vst v63  }
0x8e: {  	s29 =	simm.s32 @!p0 $0x4100  }
0x8f: {  	[tilespmem:s29], [sflag:$0x4] =	stream.linear.gather @!p0 [hbm4b:s14+s26], $0x4000, $0x38;
	[tilespmem:$0x1C100] =	vst v63  }
0x90: {  	_ =	swait.ge [sflag:s20], $0x80  }
0x91: {  	[sflag:s20] =	ssyncset.done $0x0  }
0x92: {  	[sflag:s20] =	ssyncadd.s32 $0xFFFFFF80  }
0x93: {  	_ =	swait.ge [sflag:s21], $0x4000  }
0x94: {  	[sflag:s21] =	ssyncset.done $0x0  }
0x95: {  	[sflag:s21] =	ssyncadd.s32 $0xFFFFC000  }
0x96: {  	[spmem:s1] =	stream.indirect.scatter.add.f32 [tilespmem:s16], [sflag:$0x6], $0x80, s2, s18, $0xb8;
	[tilespmem:$0x1C100] =	vst v63  }
0x97: {  	_ =	swait.ge [sflag:s22], $0x4000  }
0x98: {  	[sflag:s22] =	ssyncset.done $0x0  }
0x99: {  	s26 =	simm.s32 @!p0 $0x2;
	[sflag:s22] =	ssyncadd.s32 $0xFFFFC000  }
0x9a: {  	_ =	swait.ge @!p0 [sflag:s26], $0x80  }
0x9b: {  	[sflag:s26] =	ssyncset.done @!p0 $0x0  }
0x9c: {  	[sflag:s26] =	ssyncadd.s32 @!p0 $0xFFFFFF80;
	s26 =	simm.s32 @!p0 $0x4  }
0x9d: {  	_ =	swait.ge @!p0 [sflag:s26], $0x4000  }
0x9e: {  	[sflag:s26] =	ssyncset.done @!p0 $0x0  }
0x9f: {  	[sflag:s26] =	ssyncadd.s32 @!p0 $0xFFFFC000;
	s26 =	simm.s32 @!p0 $0x5  }
0xa0: {  	[spmem:s1] =	stream.indirect.scatter.add.f32 @!p0 [tilespmem:s29], [sflag:$0x5], $0x80, s28, s28, $0xb8;
	[tilespmem:$0x1C100] =	vst v63  }
0xa1: {  	_ =	swait.ge @!p0 [sflag:s26], $0x4000  }
0xa2: {  	s30 =	sshll.u32 s3, $0x6;
	s25 =	sadd.s32 $0x1, s25;
	[sflag:s26] =	ssyncset.done @!p0 $0x0  }
0xa3: {  	p1 =	sne.s32 s25, s10;
	s31 =	sshrl.u32 s4, $0x3;
	[sflag:s26] =	ssyncadd.s32 @!p0 $0xFFFFC000  }
.Ltmp2:
0xa4: {  	s26 =	sor.u32 $0x1C05, s30;
	[bflag:$0x0] =	sbarrier.arrive $0xFFFF;
	(pc) =	sbr.rel @p1 .LBB2_1-.Ltmp2, $4  }
0xa5: {  	[hbm:s9], [sflag:s26] =	dma.local [spmem:s31], $0x2800  }
0xa6: {  	_ =	swait.ge [sflag:s17], $0x2800  }
0xa7: {  	[sflag:s17] =	ssyncset.done $0x0  }
0xa8: {  	[sflag:s17] =	ssyncadd.s32 $0xFFFFD800  }
0xa9: {  	_ =	sfence.sel $0x180000  }
0xaa: {  	[bflag:$0x0] =	sbarrier.arrive $0xFFFF  }
0xab: {  	_ =	strace $0x90000053  }
0xac: {  	s0 =	sadd.s32 @!p0 $0x100000, s0;
	[bflag:$0x2] =	sbarrier.arrive $0xFFFF  }
0xad: {  	[sflag:s0] =	ssyncadd.tile.s32 @!p0 $0x1;
	_ =	shalt  }
.Lfunc_end2:
_tile_overlayer_lowered:
.L_overlay_start_2:
0xae: {  	(tag) =	ssettag $0x2  }
0xaf: {  	s0 =	rddreg [dreg:$0x0];
	s2 =	stileid.u32  }
0xb0: {  	s1 =	rddreg [dreg:$0x1];
	p0 =	sne.s32 s2, $0x0  }
0xb1: {  	s3 =	rddreg [dreg:$0x2];
	[bflag:$0x3] =	sbarrier.arrive $0xFFFF;
	s2 =	simm.s32 @!p0 $0x1C05  }
0xb2: {  	[timem:s3], [sflag:s2] =	dma.local @!p0 [hbm:s0], s1  }
0xb3: {  	s0 =	simm.s32 @!p0 $0x5  }
0xb4: {  	_ =	swait.ge @!p0 [sflag:s0], s1  }
0xb5: {  	s1 =	ssub.s32 @!p0 $0x0, s1;
	[sflag:s0] =	ssyncset.done @!p0 $0x0  }
0xb6: {  	[sflag:s0] =	ssyncadd.s32 @!p0 s1  }
0xb7: {  	[bflag:$0x3] =	sbarrier.arrive $0xFFFF  }
0xb8: {  	_ =	shalt  }

</sc_bundles>
